<compile_context>
chip_gen: v7x
topology: tpu7x:2x2x1
jax: 0.10.2.dev20260603
libtpu: 0.0.44.dev20260713+nightly
codegen_flags: <defaults>
</compile_context>

<pallas_src>
import functools

import numpy as np
import jax
import jax.numpy as jnp
from jax import lax
from jax.experimental import pallas as pl
from jax.experimental.pallas import tpu as pltpu
from jax.experimental.pallas import tpu_sc as plsc

VOCAB = 1000000
EMBED_DIM = 64
PAD_DIM = 128
SEQ = 200
BATCH = 4096
SCALE = 8.0

LANES = 16
NUM_WORKERS = 32
TOTAL_ROWS = BATCH * SEQ
ROWS_PER_WORKER = TOTAL_ROWS // NUM_WORKERS
C = 512
NUM_CHUNKS = ROWS_PER_WORKER // C
NBUF = 3
MAIN_CHUNKS = (NUM_CHUNKS // NBUF) * NBUF
PE_ROWS = 7
PACK_W = 2000


def _positional_encoder(seq_length, embed_dim):
    position = np.arange(seq_length, dtype=np.float32)[:, None]
    div_term = np.exp(
        np.arange(0, embed_dim, 2, dtype=np.float32)[None, :]
        * -(np.log(10000.0) / embed_dim))
    pe = np.zeros((seq_length, embed_dim), dtype=np.float32)
    pe[:, 0::2] = np.sin(position * div_term)
    pe[:, 1::2] = np.cos(position * div_term)
    return pe

_PE = _positional_encoder(SEQ, EMBED_DIM)


def _body(x_hbm, table_hbm, pe_hbm, out_hbm,
          idx_all, rows0, rows1, rows2, pe_v,
          gsem0, gsem1, gsem2, osem0, osem1, osem2):
    wid = lax.axis_index("s") * 2 + lax.axis_index("c")
    base = wid * ROWS_PER_WORKER
    p0 = base // BATCH
    rows = (rows0, rows1, rows2)
    gsem = (gsem0, gsem1, gsem2)
    osem = (osem0, osem1, osem2)

    pltpu.sync_copy(x_hbm.at[pl.ds(base, ROWS_PER_WORKER)], idx_all)
    pltpu.sync_copy(pe_hbm.at[pl.ds(p0, PE_ROWS)], pe_v)

    def idx_of(c):
        return idx_all.at[pl.ds(c * C, C)]

    for par in range(NBUF):
        pltpu.async_copy(table_hbm.at[idx_of(par)], rows[par], gsem[par])

    def do_chunk(c, par, prefetch):
        rows_c = rows[par]
        pltpu.make_async_copy(
            table_hbm.at[idx_of(c)], rows_c, gsem[par]).wait()

        g = base + c * C
        prel = g // BATCH - p0
        pe_regs = [pe_v[prel, pl.ds(jj * LANES, LANES)]
                   for jj in range(EMBED_DIM // LANES)]

        def b_body(b, _):
            for jj in range(EMBED_DIM // LANES):
                sl = pl.ds(jj * LANES, LANES)
                rows_c[b, sl] = rows_c[b, sl] * SCALE + pe_regs[jj]
            return ()

        lax.fori_loop(0, C, b_body, (), unroll=8)

        pltpu.async_copy(
            rows_c,
            out_hbm.at[pl.ds(g, C), pl.ds(0, EMBED_DIM)], osem[par])

        if prefetch:
            pprev = (par - 1) % NBUF

            @pl.when((c >= 1) & (c + 2 < NUM_CHUNKS))
            def _():
                pltpu.make_async_copy(
                    rows[pprev],
                    out_hbm.at[pl.ds(0, C), pl.ds(0, EMBED_DIM)],
                    osem[pprev]).wait()
                pltpu.async_copy(
                    table_hbm.at[idx_of(c + 2)], rows[pprev], gsem[pprev])

    def iter_body(i, _):
        for par in range(NBUF):
            do_chunk(i * NBUF + par, par, True)
        return ()

    lax.fori_loop(0, MAIN_CHUNKS // NBUF, iter_body, (), unroll=False)

    for c in range(MAIN_CHUNKS, NUM_CHUNKS):
        do_chunk(c, c % NBUF, False)
    for par in range(NBUF):
        pltpu.make_async_copy(
            rows[par],
            out_hbm.at[pl.ds(0, C), pl.ds(0, EMBED_DIM)],
            osem[par]).wait()


@functools.partial(jax.jit, donate_argnums=())
def kernel(x, table):
    x_flat = jnp.swapaxes(x, 0, 1).reshape(-1)
    t2d = table

    mesh = plsc.VectorSubcoreMesh(core_axis_name="c", subcore_axis_name="s")
    run = pl.kernel(
        _body,
        mesh=mesh,
        out_type=jax.ShapeDtypeStruct((TOTAL_ROWS, PAD_DIM), jnp.float32),
        scratch_types=[
            pltpu.VMEM((ROWS_PER_WORKER,), jnp.int32),
            pltpu.VMEM((C, EMBED_DIM), jnp.float32),
            pltpu.VMEM((C, EMBED_DIM), jnp.float32),
            pltpu.VMEM((C, EMBED_DIM), jnp.float32),
            pltpu.VMEM((PE_ROWS, EMBED_DIM), jnp.float32),
            pltpu.SemaphoreType.DMA,
            pltpu.SemaphoreType.DMA,
            pltpu.SemaphoreType.DMA,
            pltpu.SemaphoreType.DMA,
            pltpu.SemaphoreType.DMA,
            pltpu.SemaphoreType.DMA,
        ],
        compiler_params=pltpu.CompilerParams(use_tc_tiling_on_sc=False),
    )
    out128 = run(x_flat, t2d, jnp.asarray(_PE))
    out_sm = out128[:, :EMBED_DIM]
    return out_sm.reshape(SEQ, BATCH, EMBED_DIM).transpose(1, 0, 2)

# --- scband reference (transcript-rebuilt; emitter-appended) ---
"""Pipeline reference for scband-embedding-layer-custom-74208444940645 (READ-ONLY COPY).

The authoritative reference and input builder live on the scoring server;
editing this copy changes nothing except your own understanding.
"""

import jax, jax.numpy as jnp
import numpy as np

VOCAB = 1000000
EMBED_DIM = 64
MAX_LEN = 200
BATCH = 4096
SEQ = 200

def positional_encoder(seq_length, embed_dim):
    position = np.arange(seq_length, dtype=np.float32)[:, None]
    div_term = np.exp(np.arange(0, embed_dim, 2, dtype=np.float32)[None, :] * -(np.log(10000.0) / embed_dim))
    pe = np.zeros((seq_length, embed_dim), dtype=np.float32)
    pe[:, 0::2] = np.sin(position * div_term)
    pe[:, 1::2] = np.cos(position * div_term)
    return jnp.asarray(pe, dtype=jnp.float32)

POS_ENC = positional_encoder(MAX_LEN, EMBED_DIM)

def setup_inputs(seed: int = 0) -> dict:
    key = jax.random.key(seed)
    k1, k2 = jax.random.split(key)
    x = jax.random.randint(k1, (BATCH, SEQ), 0, VOCAB, dtype=jnp.int32)
    # embedding table, initializer='normal' -> N(0, 0.02)
    table = jax.random.normal(k2, (VOCAB, EMBED_DIM), dtype=jnp.float32) * 0.02
    return {"x": x, "table": table}

def reference(x, table):
    # token embedding lookup
    token_embedding = jnp.take(table, x, axis=0)
    # scale by sqrt(embed_dim)
    token_embedding = token_embedding * jnp.sqrt(jnp.float32(EMBED_DIM))
    # add positional encoding for first seq_len positions
    seq_len = x.shape[1]
    token_embedding = token_embedding + POS_ENC[None, :seq_len, :]
    # mask_zero defaults to False; dropout is identity in inference mode
    return token_embedding

if __name__ == "__main__":
    import jax
    _d = setup_inputs()
    print(jax.jit(kernel)(*tuple(_d.values())))

</pallas_src>

<mosaic_0001>
#map = affine_map<(d0, d1) -> (0)>
#map1 = affine_map<(d0, d1) -> (0, 0)>
module attributes {stable_mosaic.version = 14 : i64} {
  func.func @_body(%arg0: i32, %arg1: i32, %arg2: memref<819200xi32, #tpu.memory_space<hbm>>, %arg3: memref<1000000x64xf32, #tpu.memory_space<hbm>>, %arg4: memref<200x64xf32, #tpu.memory_space<hbm>>, %arg5: memref<819200x128xf32, #tpu.memory_space<hbm>>, %arg6: memref<25600xi32, #tpu.memory_space<vmem>>, %arg7: memref<512x64xf32, #tpu.memory_space<vmem>>, %arg8: memref<512x64xf32, #tpu.memory_space<vmem>>, %arg9: memref<512x64xf32, #tpu.memory_space<vmem>>, %arg10: memref<7x64xf32, #tpu.memory_space<vmem>>, %arg11: memref<!tpu.dma_semaphore, #tpu.memory_space<semaphore_mem>>, %arg12: memref<!tpu.dma_semaphore, #tpu.memory_space<semaphore_mem>>, %arg13: memref<!tpu.dma_semaphore, #tpu.memory_space<semaphore_mem>>, %arg14: memref<!tpu.dma_semaphore, #tpu.memory_space<semaphore_mem>>, %arg15: memref<!tpu.dma_semaphore, #tpu.memory_space<semaphore_mem>>, %arg16: memref<!tpu.dma_semaphore, #tpu.memory_space<semaphore_mem>>) attributes {dimension_semantics = [#tpu.dimension_semantics<core_parallel>, #tpu.dimension_semantics<subcore_parallel>], iteration_bounds = array<i64: 2, 16>, scalar_prefetch = 0 : i64, scratch_operands = 11 : i64, tpu.core_type = #tpu.core_type<sc_vector_subcore>, window_params = [{transform_indices = #map}, {transform_indices = #map1}, {transform_indices = #map1}, {transform_indices = #map1}]} {
    %mul3A = arith.constant 2 : i32
    %mul3A_0 = arith.muli %arg1, %mul3A : i32
    %add3A = arith.addi %mul3A_0, %arg0 : i32
    %mul3A_1 = arith.constant 25600 : i32
    %mul3A_2 = arith.muli %add3A, %mul3A_1 : i32
    %jit3A = arith.constant 4096 : i32
    %div3A = arith.divsi %mul3A_2, %jit3A : i32
    %sign3A = arith.constant 0 : i32
    %sign3A_3 = arith.cmpi sgt, %mul3A_2, %sign3A : i32
    %sign3A_4 = arith.extui %sign3A_3 : i1 to i32
    %sign3A_5 = arith.constant 0 : i32
    %sign3A_6 = arith.cmpi slt, %mul3A_2, %sign3A_5 : i32
    %sign3A_7 = arith.extui %sign3A_6 : i1 to i32
    %sign3A_8 = arith.subi %sign3A_4, %sign3A_7 : i32
    %sign3A_9 = arith.constant 0 : i32
    %sign3A_10 = arith.cmpi sgt, %jit3A, %sign3A_9 : i32
    %sign3A_11 = arith.extui %sign3A_10 : i1 to i32
    %sign3A_12 = arith.constant 0 : i32
    %sign3A_13 = arith.cmpi slt, %jit3A, %sign3A_12 : i32
    %sign3A_14 = arith.extui %sign3A_13 : i1 to i32
    %sign3A_15 = arith.subi %sign3A_11, %sign3A_14 : i32
    %ne3A = arith.cmpi ne, %sign3A_8, %sign3A_15 : i32
    %rem3A = arith.remsi %mul3A_2, %jit3A : i32
    %ne3A_16 = arith.constant 0 : i32
    %ne3A_17 = arith.cmpi ne, %rem3A, %ne3A_16 : i32
    %and3A = arith.andi %ne3A, %ne3A_17 : i1
    %sub3A = arith.constant 1 : i32
    %sub3A_18 = arith.subi %div3A, %sub3A : i32
    %select_n3A = arith.select %and3A, %sub3A_18, %div3A : i32
    "tpu.region"() ({
      %run_scoped3A = tpu.sem_alloc : memref<!tpu.dma_semaphore, #tpu.memory_space<semaphore_mem>>
      %dma_start3A_167 = tpu.memref_slice %arg2[%mul3A_2] : memref<819200xi32, #tpu.memory_space<hbm>> -> memref<25600xi32, #tpu.memory_space<hbm>>
      %dma_start3A_168 = tpu.memref_slice %arg2[%mul3A_2] : memref<819200xi32, #tpu.memory_space<hbm>> -> memref<25600xi32, #tpu.memory_space<hbm>>
      tpu.enqueue_dma source(%dma_start3A_168 : memref<25600xi32, #tpu.memory_space<hbm>>) target(%arg6 : memref<25600xi32, #tpu.memory_space<vmem>>) target_semaphore(%run_scoped3A : memref<!tpu.dma_semaphore, #tpu.memory_space<semaphore_mem>>)
      %dma_wait3A_169 = tpu.memref_slice %arg2[%mul3A_2] : memref<819200xi32, #tpu.memory_space<hbm>> -> memref<25600xi32, #tpu.memory_space<hbm>>
      %dma_wait3A_170 = tpu.memref_slice %arg2[%mul3A_2] : memref<819200xi32, #tpu.memory_space<hbm>> -> memref<25600xi32, #tpu.memory_space<hbm>>
      tpu.wait_dma2 semaphore(%run_scoped3A : memref<!tpu.dma_semaphore, #tpu.memory_space<semaphore_mem>>) src(%dma_wait3A_170 : memref<25600xi32, #tpu.memory_space<hbm>>) dst(%arg6 : memref<25600xi32, #tpu.memory_space<vmem>>)
      tpu.yield
    }) : () -> ()
    "tpu.region"() ({
      %run_scoped3A = tpu.sem_alloc : memref<!tpu.dma_semaphore, #tpu.memory_space<semaphore_mem>>
      %dma_start3A_167 = arith.constant 0 : i32
      %dma_start3A_168 = tpu.memref_slice %arg4[%select_n3A, %dma_start3A_167] : memref<200x64xf32, #tpu.memory_space<hbm>> -> memref<7x64xf32, #tpu.memory_space<hbm>>
      %dma_start3A_169 = arith.constant 0 : i32
      %dma_start3A_170 = tpu.memref_slice %arg4[%select_n3A, %dma_start3A_169] : memref<200x64xf32, #tpu.memory_space<hbm>> -> memref<7x64xf32, #tpu.memory_space<hbm>>
      tpu.enqueue_dma source(%dma_start3A_170 : memref<7x64xf32, #tpu.memory_space<hbm>>) target(%arg10 : memref<7x64xf32, #tpu.memory_space<vmem>>) target_semaphore(%run_scoped3A : memref<!tpu.dma_semaphore, #tpu.memory_space<semaphore_mem>>)
      %dma_wait3A_171 = arith.constant 0 : i32
      %dma_wait3A_172 = tpu.memref_slice %arg4[%select_n3A, %dma_wait3A_171] : memref<200x64xf32, #tpu.memory_space<hbm>> -> memref<7x64xf32, #tpu.memory_space<hbm>>
      %dma_wait3A_173 = arith.constant 0 : i32
      %dma_wait3A_174 = tpu.memref_slice %arg4[%select_n3A, %dma_wait3A_173] : memref<200x64xf32, #tpu.memory_space<hbm>> -> memref<7x64xf32, #tpu.memory_space<hbm>>
      tpu.wait_dma2 semaphore(%run_scoped3A : memref<!tpu.dma_semaphore, #tpu.memory_space<semaphore_mem>>) src(%dma_wait3A_174 : memref<7x64xf32, #tpu.memory_space<hbm>>) dst(%arg10 : memref<7x64xf32, #tpu.memory_space<vmem>>)
      tpu.yield
    }) : () -> ()
    %dma_start3A = arith.constant 0 : i32
    %dma_start3A_19 = tpu.memref_slice %arg6[%dma_start3A] : memref<25600xi32, #tpu.memory_space<vmem>> -> memref<512xi32, #tpu.memory_space<vmem>>
    %dma_start3A_20 = arith.constant 0 : i32
    %dma_start3A_21 = arith.constant 0 : i32
    %dma_start3A_22 = tpu.memref_slice %arg3[%dma_start3A_20, %dma_start3A_21] : memref<1000000x64xf32, #tpu.memory_space<hbm>> -> memref<1000000x64xf32, #tpu.memory_space<hbm>>
    tpu.enqueue_indirect_dma source(%dma_start3A_22 : memref<1000000x64xf32, #tpu.memory_space<hbm>>) target(%arg7 : memref<512x64xf32, #tpu.memory_space<vmem>>) offsets(%dma_start3A_19 : memref<512xi32, #tpu.memory_space<vmem>>) semaphore(%arg11 : memref<!tpu.dma_semaphore, #tpu.memory_space<semaphore_mem>>)
    %dma_start3A_23 = arith.constant 512 : i32
    %dma_start3A_24 = tpu.memref_slice %arg6[%dma_start3A_23] : memref<25600xi32, #tpu.memory_space<vmem>> -> memref<512xi32, #tpu.memory_space<vmem>>
    %dma_start3A_25 = arith.constant 0 : i32
    %dma_start3A_26 = arith.constant 0 : i32
    %dma_start3A_27 = tpu.memref_slice %arg3[%dma_start3A_25, %dma_start3A_26] : memref<1000000x64xf32, #tpu.memory_space<hbm>> -> memref<1000000x64xf32, #tpu.memory_space<hbm>>
    tpu.enqueue_indirect_dma source(%dma_start3A_27 : memref<1000000x64xf32, #tpu.memory_space<hbm>>) target(%arg8 : memref<512x64xf32, #tpu.memory_space<vmem>>) offsets(%dma_start3A_24 : memref<512xi32, #tpu.memory_space<vmem>>) semaphore(%arg12 : memref<!tpu.dma_semaphore, #tpu.memory_space<semaphore_mem>>)
    %dma_start3A_28 = arith.constant 1024 : i32
    %dma_start3A_29 = tpu.memref_slice %arg6[%dma_start3A_28] : memref<25600xi32, #tpu.memory_space<vmem>> -> memref<512xi32, #tpu.memory_space<vmem>>
    %dma_start3A_30 = arith.constant 0 : i32
    %dma_start3A_31 = arith.constant 0 : i32
    %dma_start3A_32 = tpu.memref_slice %arg3[%dma_start3A_30, %dma_start3A_31] : memref<1000000x64xf32, #tpu.memory_space<hbm>> -> memref<1000000x64xf32, #tpu.memory_space<hbm>>
    tpu.enqueue_indirect_dma source(%dma_start3A_32 : memref<1000000x64xf32, #tpu.memory_space<hbm>>) target(%arg9 : memref<512x64xf32, #tpu.memory_space<vmem>>) offsets(%dma_start3A_29 : memref<512xi32, #tpu.memory_space<vmem>>) semaphore(%arg13 : memref<!tpu.dma_semaphore, #tpu.memory_space<semaphore_mem>>)
    %scan3A = arith.constant 0 : i32
    %scan3A_33 = arith.constant 16 : i32
    %scan3A_34 = arith.addi %scan3A, %scan3A_33 : i32
    %scan3A_35 = arith.constant 1 : i32
    scf.for %scan3A_167 = %scan3A to %scan3A_34 step %scan3A_35  : i32 {
      %mul3A_168 = arith.constant 3 : i32
      %mul3A_169 = arith.muli %scan3A_167, %mul3A_168 : i32
      %add3A_170 = arith.constant 0 : i32
      %add3A_171 = arith.addi %mul3A_169, %add3A_170 : i32
      %mul3A_172 = arith.constant 512 : i32
      %mul3A_173 = arith.muli %add3A_171, %mul3A_172 : i32
      %dma_wait3A_174 = tpu.memref_slice %arg6[%mul3A_173] : memref<25600xi32, #tpu.memory_space<vmem>> -> memref<512xi32, #tpu.memory_space<vmem>>
      %dma_wait3A_175 = arith.constant 0 : i32
      %dma_wait3A_176 = arith.constant 0 : i32
      %dma_wait3A_177 = tpu.memref_slice %arg3[%dma_wait3A_175, %dma_wait3A_176] : memref<1000000x64xf32, #tpu.memory_space<hbm>> -> memref<1000000x64xf32, #tpu.memory_space<hbm>>
      tpu.wait_indirect_dma semaphore(%arg11 : memref<!tpu.dma_semaphore, #tpu.memory_space<semaphore_mem>>) src(%dma_wait3A_177 : memref<1000000x64xf32, #tpu.memory_space<hbm>>) dst(%arg7 : memref<512x64xf32, #tpu.memory_space<vmem>>)
      %mul3A_178 = arith.constant 512 : i32
      %mul3A_179 = arith.muli %add3A_171, %mul3A_178 : i32
      %add3A_180 = arith.addi %mul3A_2, %mul3A_179 : i32
      %jit3A_181 = arith.constant 4096 : i32
      %div3A_182 = arith.divsi %add3A_180, %jit3A_181 : i32
      %sign3A_183 = arith.constant 0 : i32
      %sign3A_184 = arith.cmpi sgt, %add3A_180, %sign3A_183 : i32
      %sign3A_185 = arith.extui %sign3A_184 : i1 to i32
      %sign3A_186 = arith.constant 0 : i32
      %sign3A_187 = arith.cmpi slt, %add3A_180, %sign3A_186 : i32
      %sign3A_188 = arith.extui %sign3A_187 : i1 to i32
      %sign3A_189 = arith.subi %sign3A_185, %sign3A_188 : i32
      %sign3A_190 = arith.constant 0 : i32
      %sign3A_191 = arith.cmpi sgt, %jit3A_181, %sign3A_190 : i32
      %sign3A_192 = arith.extui %sign3A_191 : i1 to i32
      %sign3A_193 = arith.constant 0 : i32
      %sign3A_194 = arith.cmpi slt, %jit3A_181, %sign3A_193 : i32
      %sign3A_195 = arith.extui %sign3A_194 : i1 to i32
      %sign3A_196 = arith.subi %sign3A_192, %sign3A_195 : i32
      %ne3A_197 = arith.cmpi ne, %sign3A_189, %sign3A_196 : i32
      %rem3A_198 = arith.remsi %add3A_180, %jit3A_181 : i32
      %ne3A_199 = arith.constant 0 : i32
      %ne3A_200 = arith.cmpi ne, %rem3A_198, %ne3A_199 : i32
      %and3A_201 = arith.andi %ne3A_197, %ne3A_200 : i1
      %sub3A_202 = arith.constant 1 : i32
      %sub3A_203 = arith.subi %div3A_182, %sub3A_202 : i32
      %select_n3A_204 = arith.select %and3A_201, %sub3A_203, %div3A_182 : i32
      %sub3A_205 = arith.subi %select_n3A_204, %select_n3A : i32
      %get3A_206 = arith.index_cast %sub3A_205 : i32 to index
      %get3A_207 = arith.constant 0 : index
      %get3A_208 = tpu.vector_load %arg10[%get3A_206, %get3A_207] {strides = array<i32>} : memref<7x64xf32, #tpu.memory_space<vmem>>, vector<1x16xf32>,
      %get3A_209 = vector.shape_cast %get3A_208 : vector<1x16xf32> to vector<16xf32>
      %get3A_210 = arith.index_cast %sub3A_205 : i32 to index
      %get3A_211 = arith.constant 16 : index
      %get3A_212 = tpu.vector_load %arg10[%get3A_210, %get3A_211] {strides = array<i32>} : memref<7x64xf32, #tpu.memory_space<vmem>>, vector<1x16xf32>,
      %get3A_213 = vector.shape_cast %get3A_212 : vector<1x16xf32> to vector<16xf32>
      %get3A_214 = arith.index_cast %sub3A_205 : i32 to index
      %get3A_215 = arith.constant 32 : index
      %get3A_216 = tpu.vector_load %arg10[%get3A_214, %get3A_215] {strides = array<i32>} : memref<7x64xf32, #tpu.memory_space<vmem>>, vector<1x16xf32>,
      %get3A_217 = vector.shape_cast %get3A_216 : vector<1x16xf32> to vector<16xf32>
      %get3A_218 = arith.index_cast %sub3A_205 : i32 to index
      %get3A_219 = arith.constant 48 : index
      %get3A_220 = tpu.vector_load %arg10[%get3A_218, %get3A_219] {strides = array<i32>} : memref<7x64xf32, #tpu.memory_space<vmem>>, vector<1x16xf32>,
      %get3A_221 = vector.shape_cast %get3A_220 : vector<1x16xf32> to vector<16xf32>
      %scan3A_222 = arith.constant 0 : i32
      %scan3A_223 = arith.constant 512 : i32
      %scan3A_224 = arith.addi %scan3A_222, %scan3A_223 : i32
      %scan3A_225 = arith.constant 8 : i32
      scf.for %scan3A_383 = %scan3A_222 to %scan3A_224 step %scan3A_225  : i32 {
        %get3A_384 = arith.index_cast %scan3A_383 : i32 to index
        %get3A_385 = arith.constant 0 : index
        %get3A_386 = tpu.vector_load %arg7[%get3A_384, %get3A_385] {strides = array<i32>} : memref<512x64xf32, #tpu.memory_space<vmem>>, vector<1x16xf32>,
        %get3A_387 = vector.shape_cast %get3A_386 : vector<1x16xf32> to vector<16xf32>
        %mul3A_388 = arith.constant 8.000000e+00 : f32
        %mul3A_389 = vector.broadcast %mul3A_388 : f32 to vector<16xf32>
        %mul3A_390 = arith.mulf %get3A_387, %mul3A_389 : vector<16xf32>
        %add3A_391 = arith.addf %mul3A_390, %get3A_209 : vector<16xf32>
        %swap3A = arith.index_cast %scan3A_383 : i32 to index
        %swap3A_392 = arith.constant 0 : index
        %swap3A_393 = tpu.vector_load %arg7[%swap3A, %swap3A_392] {strides = array<i32>} : memref<512x64xf32, #tpu.memory_space<vmem>>, vector<1x16xf32>,
        %swap3A_394 = vector.shape_cast %swap3A_393 : vector<1x16xf32> to vector<16xf32>
        %swap3A_395 = vector.shape_cast %add3A_391 : vector<16xf32> to vector<1x16xf32>
        tpu.vector_store %arg7[%swap3A, %swap3A_392], %swap3A_395 {strides = array<i32>} : memref<512x64xf32, #tpu.memory_space<vmem>>, vector<1x16xf32>,
        %get3A_396 = arith.index_cast %scan3A_383 : i32 to index
        %get3A_397 = arith.constant 16 : index
        %get3A_398 = tpu.vector_load %arg7[%get3A_396, %get3A_397] {strides = array<i32>} : memref<512x64xf32, #tpu.memory_space<vmem>>, vector<1x16xf32>,
        %get3A_399 = vector.shape_cast %get3A_398 : vector<1x16xf32> to vector<16xf32>
        %mul3A_400 = arith.constant 8.000000e+00 : f32
        %mul3A_401 = vector.broadcast %mul3A_400 : f32 to vector<16xf32>
        %mul3A_402 = arith.mulf %get3A_399, %mul3A_401 : vector<16xf32>
        %add3A_403 = arith.addf %mul3A_402, %get3A_213 : vector<16xf32>
        %swap3A_404 = arith.index_cast %scan3A_383 : i32 to index
        %swap3A_405 = arith.constant 16 : index
        %swap3A_406 = tpu.vector_load %arg7[%swap3A_404, %swap3A_405] {strides = array<i32>} : memref<512x64xf32, #tpu.memory_space<vmem>>, vector<1x16xf32>,
        %swap3A_407 = vector.shape_cast %swap3A_406 : vector<1x16xf32> to vector<16xf32>
        %swap3A_408 = vector.shape_cast %add3A_403 : vector<16xf32> to vector<1x16xf32>
        tpu.vector_store %arg7[%swap3A_404, %swap3A_405], %swap3A_408 {strides = array<i32>} : memref<512x64xf32, #tpu.memory_space<vmem>>, vector<1x16xf32>,
        %get3A_409 = arith.index_cast %scan3A_383 : i32 to index
        %get3A_410 = arith.constant 32 : index
        %get3A_411 = tpu.vector_load %arg7[%get3A_409, %get3A_410] {strides = array<i32>} : memref<512x64xf32, #tpu.memory_space<vmem>>, vector<1x16xf32>,
        %get3A_412 = vector.shape_cast %get3A_411 : vector<1x16xf32> to vector<16xf32>
        %mul3A_413 = arith.constant 8.000000e+00 : f32
        %mul3A_414 = vector.broadcast %mul3A_413 : f32 to vector<16xf32>
        %mul3A_415 = arith.mulf %get3A_412, %mul3A_414 : vector<16xf32>
        %add3A_416 = arith.addf %mul3A_415, %get3A_217 : vector<16xf32>
        %swap3A_417 = arith.index_cast %scan3A_383 : i32 to index
        %swap3A_418 = arith.constant 32 : index
        %swap3A_419 = tpu.vector_load %arg7[%swap3A_417, %swap3A_418] {strides = array<i32>} : memref<512x64xf32, #tpu.memory_space<vmem>>, vector<1x16xf32>,
        %swap3A_420 = vector.shape_cast %swap3A_419 : vector<1x16xf32> to vector<16xf32>
        %swap3A_421 = vector.shape_cast %add3A_416 : vector<16xf32> to vector<1x16xf32>
        tpu.vector_store %arg7[%swap3A_417, %swap3A_418], %swap3A_421 {strides = array<i32>} : memref<512x64xf32, #tpu.memory_space<vmem>>, vector<1x16xf32>,
        %get3A_422 = arith.index_cast %scan3A_383 : i32 to index
        %get3A_423 = arith.constant 48 : index
        %get3A_424 = tpu.vector_load %arg7[%get3A_422, %get3A_423] {strides = array<i32>} : memref<512x64xf32, #tpu.memory_space<vmem>>, vector<1x16xf32>,
        %get3A_425 = vector.shape_cast %get3A_424 : vector<1x16xf32> to vector<16xf32>
        %mul3A_426 = arith.constant 8.000000e+00 : f32
        %mul3A_427 = vector.broadcast %mul3A_426 : f32 to vector<16xf32>
        %mul3A_428 = arith.mulf %get3A_425, %mul3A_427 : vector<16xf32>
        %add3A_429 = arith.addf %mul3A_428, %get3A_221 : vector<16xf32>
        %swap3A_430 = arith.index_cast %scan3A_383 : i32 to index
        %swap3A_431 = arith.constant 48 : index
        %swap3A_432 = tpu.vector_load %arg7[%swap3A_430, %swap3A_431] {strides = array<i32>} : memref<512x64xf32, #tpu.memory_space<vmem>>, vector<1x16xf32>,
        %swap3A_433 = vector.shape_cast %swap3A_432 : vector<1x16xf32> to vector<16xf32>
        %swap3A_434 = vector.shape_cast %add3A_429 : vector<16xf32> to vector<1x16xf32>
        tpu.vector_store %arg7[%swap3A_430, %swap3A_431], %swap3A_434 {strides = array<i32>} : memref<512x64xf32, #tpu.memory_space<vmem>>, vector<1x16xf32>,
        %scan3A_435 = arith.constant 1 : i32
        %scan3A_436 = arith.addi %scan3A_383, %scan3A_435 : i32
        %get3A_437 = arith.index_cast %scan3A_436 : i32 to index
        %get3A_438 = arith.constant 0 : index
        %get3A_439 = tpu.vector_load %arg7[%get3A_437, %get3A_438] {strides = array<i32>} : memref<512x64xf32, #tpu.memory_space<vmem>>, vector<1x16xf32>,
        %get3A_440 = vector.shape_cast %get3A_439 : vector<1x16xf32> to vector<16xf32>
        %mul3A_441 = arith.constant 8.000000e+00 : f32
        %mul3A_442 = vector.broadcast %mul3A_441 : f32 to vector<16xf32>
        %mul3A_443 = arith.mulf %get3A_440, %mul3A_442 : vector<16xf32>
        %add3A_444 = arith.addf %mul3A_443, %get3A_209 : vector<16xf32>
        %swap3A_445 = arith.index_cast %scan3A_436 : i32 to index
        %swap3A_446 = arith.constant 0 : index
        %swap3A_447 = tpu.vector_load %arg7[%swap3A_445, %swap3A_446] {strides = array<i32>} : memref<512x64xf32, #tpu.memory_space<vmem>>, vector<1x16xf32>,
        %swap3A_448 = vector.shape_cast %swap3A_447 : vector<1x16xf32> to vector<16xf32>
        %swap3A_449 = vector.shape_cast %add3A_444 : vector<16xf32> to vector<1x16xf32>
        tpu.vector_store %arg7[%swap3A_445, %swap3A_446], %swap3A_449 {strides = array<i32>} : memref<512x64xf32, #tpu.memory_space<vmem>>, vector<1x16xf32>,
        %get3A_450 = arith.index_cast %scan3A_436 : i32 to index
        %get3A_451 = arith.constant 16 : index
        %get3A_452 = tpu.vector_load %arg7[%get3A_450, %get3A_451] {strides = array<i32>} : memref<512x64xf32, #tpu.memory_space<vmem>>, vector<1x16xf32>,
        %get3A_453 = vector.shape_cast %get3A_452 : vector<1x16xf32> to vector<16xf32>
        %mul3A_454 = arith.constant 8.000000e+00 : f32
        %mul3A_455 = vector.broadcast %mul3A_454 : f32 to vector<16xf32>
        %mul3A_456 = arith.mulf %get3A_453, %mul3A_455 : vector<16xf32>
        %add3A_457 = arith.addf %mul3A_456, %get3A_213 : vector<16xf32>
        %swap3A_458 = arith.index_cast %scan3A_436 : i32 to index
        %swap3A_459 = arith.constant 16 : index
        %swap3A_460 = tpu.vector_load %arg7[%swap3A_458, %swap3A_459] {strides = array<i32>} : memref<512x64xf32, #tpu.memory_space<vmem>>, vector<1x16xf32>,
        %swap3A_461 = vector.shape_cast %swap3A_460 : vector<1x16xf32> to vector<16xf32>
        %swap3A_462 = vector.shape_cast %add3A_457 : vector<16xf32> to vector<1x16xf32>
        tpu.vector_store %arg7[%swap3A_458, %swap3A_459], %swap3A_462 {strides = array<i32>} : memref<512x64xf32, #tpu.memory_space<vmem>>, vector<1x16xf32>,
        %get3A_463 = arith.index_cast %scan3A_436 : i32 to index
        %get3A_464 = arith.constant 32 : index
        %get3A_465 = tpu.vector_load %arg7[%get3A_463, %get3A_464] {strides = array<i32>} : memref<512x64xf32, #tpu.memory_space<vmem>>, vector<1x16xf32>,
        %get3A_466 = vector.shape_cast %get3A_465 : vector<1x16xf32> to vector<16xf32>
        %mul3A_467 = arith.constant 8.000000e+00 : f32
        %mul3A_468 = vector.broadcast %mul3A_467 : f32 to vector<16xf32>
        %mul3A_469 = arith.mulf %get3A_466, %mul3A_468 : vector<16xf32>
        %add3A_470 = arith.addf %mul3A_469, %get3A_217 : vector<16xf32>
        %swap3A_471 = arith.index_cast %scan3A_436 : i32 to index
        %swap3A_472 = arith.constant 32 : index
        %swap3A_473 = tpu.vector_load %arg7[%swap3A_471, %swap3A_472] {strides = array<i32>} : memref<512x64xf32, #tpu.memory_space<vmem>>, vector<1x16xf32>,
        %swap3A_474 = vector.shape_cast %swap3A_473 : vector<1x16xf32> to vector<16xf32>
        %swap3A_475 = vector.shape_cast %add3A_470 : vector<16xf32> to vector<1x16xf32>
        tpu.vector_store %arg7[%swap3A_471, %swap3A_472], %swap3A_475 {strides = array<i32>} : memref<512x64xf32, #tpu.memory_space<vmem>>, vector<1x16xf32>,
        %get3A_476 = arith.index_cast %scan3A_436 : i32 to index
        %get3A_477 = arith.constant 48 : index
        %get3A_478 = tpu.vector_load %arg7[%get3A_476, %get3A_477] {strides = array<i32>} : memref<512x64xf32, #tpu.memory_space<vmem>>, vector<1x16xf32>,
        %get3A_479 = vector.shape_cast %get3A_478 : vector<1x16xf32> to vector<16xf32>
        %mul3A_480 = arith.constant 8.000000e+00 : f32
        %mul3A_481 = vector.broadcast %mul3A_480 : f32 to vector<16xf32>
        %mul3A_482 = arith.mulf %get3A_479, %mul3A_481 : vector<16xf32>
        %add3A_483 = arith.addf %mul3A_482, %get3A_221 : vector<16xf32>
        %swap3A_484 = arith.index_cast %scan3A_436 : i32 to index
        %swap3A_485 = arith.constant 48 : index
        %swap3A_486 = tpu.vector_load %arg7[%swap3A_484, %swap3A_485] {strides = array<i32>} : memref<512x64xf32, #tpu.memory_space<vmem>>, vector<1x16xf32>,
        %swap3A_487 = vector.shape_cast %swap3A_486 : vector<1x16xf32> to vector<16xf32>
        %swap3A_488 = vector.shape_cast %add3A_483 : vector<16xf32> to vector<1x16xf32>
        tpu.vector_store %arg7[%swap3A_484, %swap3A_485], %swap3A_488 {strides = array<i32>} : memref<512x64xf32, #tpu.memory_space<vmem>>, vector<1x16xf32>,
        %scan3A_489 = arith.constant 2 : i32
        %scan3A_490 = arith.addi %scan3A_383, %scan3A_489 : i32
        %get3A_491 = arith.index_cast %scan3A_490 : i32 to index
        %get3A_492 = arith.constant 0 : index
        %get3A_493 = tpu.vector_load %arg7[%get3A_491, %get3A_492] {strides = array<i32>} : memref<512x64xf32, #tpu.memory_space<vmem>>, vector<1x16xf32>,
        %get3A_494 = vector.shape_cast %get3A_493 : vector<1x16xf32> to vector<16xf32>
        %mul3A_495 = arith.constant 8.000000e+00 : f32
        %mul3A_496 = vector.broadcast %mul3A_495 : f32 to vector<16xf32>
        %mul3A_497 = arith.mulf %get3A_494, %mul3A_496 : vector<16xf32>
        %add3A_498 = arith.addf %mul3A_497, %get3A_209 : vector<16xf32>
        %swap3A_499 = arith.index_cast %scan3A_490 : i32 to index
        %swap3A_500 = arith.constant 0 : index
        %swap3A_501 = tpu.vector_load %arg7[%swap3A_499, %swap3A_500] {strides = array<i32>} : memref<512x64xf32, #tpu.memory_space<vmem>>, vector<1x16xf32>,
        %swap3A_502 = vector.shape_cast %swap3A_501 : vector<1x16xf32> to vector<16xf32>
        %swap3A_503 = vector.shape_cast %add3A_498 : vector<16xf32> to vector<1x16xf32>
        tpu.vector_store %arg7[%swap3A_499, %swap3A_500], %swap3A_503 {strides = array<i32>} : memref<512x64xf32, #tpu.memory_space<vmem>>, vector<1x16xf32>,
        %get3A_504 = arith.index_cast %scan3A_490 : i32 to index
        %get3A_505 = arith.constant 16 : index
        %get3A_506 = tpu.vector_load %arg7[%get3A_504, %get3A_505] {strides = array<i32>} : memref<512x64xf32, #tpu.memory_space<vmem>>, vector<1x16xf32>,
        %get3A_507 = vector.shape_cast %get3A_506 : vector<1x16xf32> to vector<16xf32>
        %mul3A_508 = arith.constant 8.000000e+00 : f32
        %mul3A_509 = vector.broadcast %mul3A_508 : f32 to vector<16xf32>
        %mul3A_510 = arith.mulf %get3A_507, %mul3A_509 : vector<16xf32>
        %add3A_511 = arith.addf %mul3A_510, %get3A_213 : vector<16xf32>
        %swap3A_512 = arith.index_cast %scan3A_490 : i32 to index
        %swap3A_513 = arith.constant 16 : index
        %swap3A_514 = tpu.vector_load %arg7[%swap3A_512, %swap3A_513] {strides = array<i32>} : memref<512x64xf32, #tpu.memory_space<vmem>>, vector<1x16xf32>,
        %swap3A_515 = vector.shape_cast %swap3A_514 : vector<1x16xf32> to vector<16xf32>
        %swap3A_516 = vector.shape_cast %add3A_511 : vector<16xf32> to vector<1x16xf32>
        tpu.vector_store %arg7[%swap3A_512, %swap3A_513], %swap3A_516 {strides = array<i32>} : memref<512x64xf32, #tpu.memory_space<vmem>>, vector<1x16xf32>,
        %get3A_517 = arith.index_cast %scan3A_490 : i32 to index
        %get3A_518 = arith.constant 32 : index
        %get3A_519 = tpu.vector_load %arg7[%get3A_517, %get3A_518] {strides = array<i32>} : memref<512x64xf32, #tpu.memory_space<vmem>>, vector<1x16xf32>,
        %get3A_520 = vector.shape_cast %get3A_519 : vector<1x16xf32> to vector<16xf32>
        %mul3A_521 = arith.constant 8.000000e+00 : f32
        %mul3A_522 = vector.broadcast %mul3A_521 : f32 to vector<16xf32>
        %mul3A_523 = arith.mulf %get3A_520, %mul3A_522 : vector<16xf32>
        %add3A_524 = arith.addf %mul3A_523, %get3A_217 : vector<16xf32>
        %swap3A_525 = arith.index_cast %scan3A_490 : i32 to index
        %swap3A_526 = arith.constant 32 : index
        %swap3A_527 = tpu.vector_load %arg7[%swap3A_525, %swap3A_526] {strides = array<i32>} : memref<512x64xf32, #tpu.memory_space<vmem>>, vector<1x16xf32>,
        %swap3A_528 = vector.shape_cast %swap3A_527 : vector<1x16xf32> to vector<16xf32>
        %swap3A_529 = vector.shape_cast %add3A_524 : vector<16xf32> to vector<1x16xf32>
        tpu.vector_store %arg7[%swap3A_525, %swap3A_526], %swap3A_529 {strides = array<i32>} : memref<512x64xf32, #tpu.memory_space<vmem>>, vector<1x16xf32>,
        %get3A_530 = arith.index_cast %scan3A_490 : i32 to index
        %get3A_531 = arith.constant 48 : index
        %get3A_532 = tpu.vector_load %arg7[%get3A_530, %get3A_531] {strides = array<i32>} : memref<512x64xf32, #tpu.memory_space<vmem>>, vector<1x16xf32>,
        %get3A_533 = vector.shape_cast %get3A_532 : vector<1x16xf32> to vector<16xf32>
        %mul3A_534 = arith.constant 8.000000e+00 : f32
        %mul3A_535 = vector.broadcast %mul3A_534 : f32 to vector<16xf32>
        %mul3A_536 = arith.mulf %get3A_533, %mul3A_535 : vector<16xf32>
        %add3A_537 = arith.addf %mul3A_536, %get3A_221 : vector<16xf32>
        %swap3A_538 = arith.index_cast %scan3A_490 : i32 to index
        %swap3A_539 = arith.constant 48 : index
        %swap3A_540 = tpu.vector_load %arg7[%swap3A_538, %swap3A_539] {strides = array<i32>} : memref<512x64xf32, #tpu.memory_space<vmem>>, vector<1x16xf32>,
        %swap3A_541 = vector.shape_cast %swap3A_540 : vector<1x16xf32> to vector<16xf32>
        %swap3A_542 = vector.shape_cast %add3A_537 : vector<16xf32> to vector<1x16xf32>
        tpu.vector_store %arg7[%swap3A_538, %swap3A_539], %swap3A_542 {strides = array<i32>} : memref<512x64xf32, #tpu.memory_space<vmem>>, vector<1x16xf32>,
        %scan3A_543 = arith.constant 3 : i32
        %scan3A_544 = arith.addi %scan3A_383, %scan3A_543 : i32
        %get3A_545 = arith.index_cast %scan3A_544 : i32 to index
        %get3A_546 = arith.constant 0 : index
        %get3A_547 = tpu.vector_load %arg7[%get3A_545, %get3A_546] {strides = array<i32>} : memref<512x64xf32, #tpu.memory_space<vmem>>, vector<1x16xf32>,
        %get3A_548 = vector.shape_cast %get3A_547 : vector<1x16xf32> to vector<16xf32>
        %mul3A_549 = arith.constant 8.000000e+00 : f32
        %mul3A_550 = vector.broadcast %mul3A_549 : f32 to vector<16xf32>
        %mul3A_551 = arith.mulf %get3A_548, %mul3A_550 : vector<16xf32>
        %add3A_552 = arith.addf %mul3A_551, %get3A_209 : vector<16xf32>
        %swap3A_553 = arith.index_cast %scan3A_544 : i32 to index
        %swap3A_554 = arith.constant 0 : index
        %swap3A_555 = tpu.vector_load %arg7[%swap3A_553, %swap3A_554] {strides = array<i32>} : memref<512x64xf32, #tpu.memory_space<vmem>>, vector<1x16xf32>,
        %swap3A_556 = vector.shape_cast %swap3A_555 : vector<1x16xf32> to vector<16xf32>
        %swap3A_557 = vector.shape_cast %add3A_552 : vector<16xf32> to vector<1x16xf32>
        tpu.vector_store %arg7[%swap3A_553, %swap3A_554], %swap3A_557 {strides = array<i32>} : memref<512x64xf32, #tpu.memory_space<vmem>>, vector<1x16xf32>,
        %get3A_558 = arith.index_cast %scan3A_544 : i32 to index
        %get3A_559 = arith.constant 16 : index
        %get3A_560 = tpu.vector_load %arg7[%get3A_558, %get3A_559] {strides = array<i32>} : memref<512x64xf32, #tpu.memory_space<vmem>>, vector<1x16xf32>,
        %get3A_561 = vector.shape_cast %get3A_560 : vector<1x16xf32> to vector<16xf32>
        %mul3A_562 = arith.constant 8.000000e+00 : f32
        %mul3A_563 = vector.broadcast %mul3A_562 : f32 to vector<16xf32>
        %mul3A_564 = arith.mulf %get3A_561, %mul3A_563 : vector<16xf32>
        %add3A_565 = arith.addf %mul3A_564, %get3A_213 : vector<16xf32>
        %swap3A_566 = arith.index_cast %scan3A_544 : i32 to index
        %swap3A_567 = arith.constant 16 : index
        %swap3A_568 = tpu.vector_load %arg7[%swap3A_566, %swap3A_567] {strides = array<i32>} : memref<512x64xf32, #tpu.memory_space<vmem>>, vector<1x16xf32>,
        %swap3A_569 = vector.shape_cast %swap3A_568 : vector<1x16xf32> to vector<16xf32>
        %swap3A_570 = vector.shape_cast %add3A_565 : vector<16xf32> to vector<1x16xf32>
        tpu.vector_store %arg7[%swap3A_566, %swap3A_567], %swap3A_570 {strides = array<i32>} : memref<512x64xf32, #tpu.memory_space<vmem>>, vector<1x16xf32>,
        %get3A_571 = arith.index_cast %scan3A_544 : i32 to index
        %get3A_572 = arith.constant 32 : index
        %get3A_573 = tpu.vector_load %arg7[%get3A_571, %get3A_572] {strides = array<i32>} : memref<512x64xf32, #tpu.memory_space<vmem>>, vector<1x16xf32>,
        %get3A_574 = vector.shape_cast %get3A_573 : vector<1x16xf32> to vector<16xf32>
        %mul3A_575 = arith.constant 8.000000e+00 : f32
        %mul3A_576 = vector.broadcast %mul3A_575 : f32 to vector<16xf32>
        %mul3A_577 = arith.mulf %get3A_574, %mul3A_576 : vector<16xf32>
        %add3A_578 = arith.addf %mul3A_577, %get3A_217 : vector<16xf32>
        %swap3A_579 = arith.index_cast %scan3A_544 : i32 to index
        %swap3A_580 = arith.constant 32 : index
        %swap3A_581 = tpu.vector_load %arg7[%swap3A_579, %swap3A_580] {strides = array<i32>} : memref<512x64xf32, #tpu.memory_space<vmem>>, vector<1x16xf32>,
        %swap3A_582 = vector.shape_cast %swap3A_581 : vector<1x16xf32> to vector<16xf32>
        %swap3A_583 = vector.shape_cast %add3A_578 : vector<16xf32> to vector<1x16xf32>
        tpu.vector_store %arg7[%swap3A_579, %swap3A_580], %swap3A_583 {strides = array<i32>} : memref<512x64xf32, #tpu.memory_space<vmem>>, vector<1x16xf32>,
        %get3A_584 = arith.index_cast %scan3A_544 : i32 to index
        %get3A_585 = arith.constant 48 : index
        %get3A_586 = tpu.vector_load %arg7[%get3A_584, %get3A_585] {strides = array<i32>} : memref<512x64xf32, #tpu.memory_space<vmem>>, vector<1x16xf32>,
        %get3A_587 = vector.shape_cast %get3A_586 : vector<1x16xf32> to vector<16xf32>
        %mul3A_588 = arith.constant 8.000000e+00 : f32
        %mul3A_589 = vector.broadcast %mul3A_588 : f32 to vector<16xf32>
        %mul3A_590 = arith.mulf %get3A_587, %mul3A_589 : vector<16xf32>
        %add3A_591 = arith.addf %mul3A_590, %get3A_221 : vector<16xf32>
        %swap3A_592 = arith.index_cast %scan3A_544 : i32 to index
        %swap3A_593 = arith.constant 48 : index
        %swap3A_594 = tpu.vector_load %arg7[%swap3A_592, %swap3A_593] {strides = array<i32>} : memref<512x64xf32, #tpu.memory_space<vmem>>, vector<1x16xf32>,
        %swap3A_595 = vector.shape_cast %swap3A_594 : vector<1x16xf32> to vector<16xf32>
        %swap3A_596 = vector.shape_cast %add3A_591 : vector<16xf32> to vector<1x16xf32>
        tpu.vector_store %arg7[%swap3A_592, %swap3A_593], %swap3A_596 {strides = array<i32>} : memref<512x64xf32, #tpu.memory_space<vmem>>, vector<1x16xf32>,
        %scan3A_597 = arith.constant 4 : i32
        %scan3A_598 = arith.addi %scan3A_383, %scan3A_597 : i32
        %get3A_599 = arith.index_cast %scan3A_598 : i32 to index
        %get3A_600 = arith.constant 0 : index
        %get3A_601 = tpu.vector_load %arg7[%get3A_599, %get3A_600] {strides = array<i32>} : memref<512x64xf32, #tpu.memory_space<vmem>>, vector<1x16xf32>,
        %get3A_602 = vector.shape_cast %get3A_601 : vector<1x16xf32> to vector<16xf32>
        %mul3A_603 = arith.constant 8.000000e+00 : f32
        %mul3A_604 = vector.broadcast %mul3A_603 : f32 to vector<16xf32>
        %mul3A_605 = arith.mulf %get3A_602, %mul3A_604 : vector<16xf32>
        %add3A_606 = arith.addf %mul3A_605, %get3A_209 : vector<16xf32>
        %swap3A_607 = arith.index_cast %scan3A_598 : i32 to index
        %swap3A_608 = arith.constant 0 : index
        %swap3A_609 = tpu.vector_load %arg7[%swap3A_607, %swap3A_608] {strides = array<i32>} : memref<512x64xf32, #tpu.memory_space<vmem>>, vector<1x16xf32>,
        %swap3A_610 = vector.shape_cast %swap3A_609 : vector<1x16xf32> to vector<16xf32>
        %swap3A_611 = vector.shape_cast %add3A_606 : vector<16xf32> to vector<1x16xf32>
        tpu.vector_store %arg7[%swap3A_607, %swap3A_608], %swap3A_611 {strides = array<i32>} : memref<512x64xf32, #tpu.memory_space<vmem>>, vector<1x16xf32>,
        %get3A_612 = arith.index_cast %scan3A_598 : i32 to index
        %get3A_613 = arith.constant 16 : index
        %get3A_614 = tpu.vector_load %arg7[%get3A_612, %get3A_613] {strides = array<i32>} : memref<512x64xf32, #tpu.memory_space<vmem>>, vector<1x16xf32>,
        %get3A_615 = vector.shape_cast %get3A_614 : vector<1x16xf32> to vector<16xf32>
        %mul3A_616 = arith.constant 8.000000e+00 : f32
        %mul3A_617 = vector.broadcast %mul3A_616 : f32 to vector<16xf32>
        %mul3A_618 = arith.mulf %get3A_615, %mul3A_617 : vector<16xf32>
        %add3A_619 = arith.addf %mul3A_618, %get3A_213 : vector<16xf32>
        %swap3A_620 = arith.index_cast %scan3A_598 : i32 to index
        %swap3A_621 = arith.constant 16 : index
        %swap3A_622 = tpu.vector_load %arg7[%swap3A_620, %swap3A_621] {strides = array<i32>} : memref<512x64xf32, #tpu.memory_space<vmem>>, vector<1x16xf32>,
        %swap3A_623 = vector.shape_cast %swap3A_622 : vector<1x16xf32> to vector<16xf32>
        %swap3A_624 = vector.shape_cast %add3A_619 : vector<16xf32> to vector<1x16xf32>
        tpu.vector_store %arg7[%swap3A_620, %swap3A_621], %swap3A_624 {strides = array<i32>} : memref<512x64xf32, #tpu.memory_space<vmem>>, vector<1x16xf32>,
        %get3A_625 = arith.index_cast %scan3A_598 : i32 to index
        %get3A_626 = arith.constant 32 : index
        %get3A_627 = tpu.vector_load %arg7[%get3A_625, %get3A_626] {strides = array<i32>} : memref<512x64xf32, #tpu.memory_space<vmem>>, vector<1x16xf32>,
        %get3A_628 = vector.shape_cast %get3A_627 : vector<1x16xf32> to vector<16xf32>
        %mul3A_629 = arith.constant 8.000000e+00 : f32
        %mul3A_630 = vector.broadcast %mul3A_629 : f32 to vector<16xf32>
        %mul3A_631 = arith.mulf %get3A_628, %mul3A_630 : vector<16xf32>
        %add3A_632 = arith.addf %mul3A_631, %get3A_217 : vector<16xf32>
        %swap3A_633 = arith.index_cast %scan3A_598 : i32 to index
        %swap3A_634 = arith.constant 32 : index
        %swap3A_635 = tpu.vector_load %arg7[%swap3A_633, %swap3A_634] {strides = array<i32>} : memref<512x64xf32, #tpu.memory_space<vmem>>, vector<1x16xf32>,
        %swap3A_636 = vector.shape_cast %swap3A_635 : vector<1x16xf32> to vector<16xf32>
        %swap3A_637 = vector.shape_cast %add3A_632 : vector<16xf32> to vector<1x16xf32>
        tpu.vector_store %arg7[%swap3A_633, %swap3A_634], %swap3A_637 {strides = array<i32>} : memref<512x64xf32, #tpu.memory_space<vmem>>, vector<1x16xf32>,
        %get3A_638 = arith.index_cast %scan3A_598 : i32 to index
        %get3A_639 = arith.constant 48 : index
        %get3A_640 = tpu.vector_load %arg7[%get3A_638, %get3A_639] {strides = array<i32>} : memref<512x64xf32, #tpu.memory_space<vmem>>, vector<1x16xf32>,
        %get3A_641 = vector.shape_cast %get3A_640 : vector<1x16xf32> to vector<16xf32>
        %mul3A_642 = arith.constant 8.000000e+00 : f32
        %mul3A_643 = vector.broadcast %mul3A_642 : f32 to vector<16xf32>
        %mul3A_644 = arith.mulf %get3A_641, %mul3A_643 : vector<16xf32>
        %add3A_645 = arith.addf %mul3A_644, %get3A_221 : vector<16xf32>
        %swap3A_646 = arith.index_cast %scan3A_598 : i32 to index
        %swap3A_647 = arith.constant 48 : index
        %swap3A_648 = tpu.vector_load %arg7[%swap3A_646, %swap3A_647] {strides = array<i32>} : memref<512x64xf32, #tpu.memory_space<vmem>>, vector<1x16xf32>,
        %swap3A_649 = vector.shape_cast %swap3A_648 : vector<1x16xf32> to vector<16xf32>
        %swap3A_650 = vector.shape_cast %add3A_645 : vector<16xf32> to vector<1x16xf32>
        tpu.vector_store %arg7[%swap3A_646, %swap3A_647], %swap3A_650 {strides = array<i32>} : memref<512x64xf32, #tpu.memory_space<vmem>>, vector<1x16xf32>,
        %scan3A_651 = arith.constant 5 : i32
        %scan3A_652 = arith.addi %scan3A_383, %scan3A_651 : i32
        %get3A_653 = arith.index_cast %scan3A_652 : i32 to index
        %get3A_654 = arith.constant 0 : index
        %get3A_655 = tpu.vector_load %arg7[%get3A_653, %get3A_654] {strides = array<i32>} : memref<512x64xf32, #tpu.memory_space<vmem>>, vector<1x16xf32>,
        %get3A_656 = vector.shape_cast %get3A_655 : vector<1x16xf32> to vector<16xf32>
        %mul3A_657 = arith.constant 8.000000e+00 : f32
        %mul3A_658 = vector.broadcast %mul3A_657 : f32 to vector<16xf32>
        %mul3A_659 = arith.mulf %get3A_656, %mul3A_658 : vector<16xf32>
        %add3A_660 = arith.addf %mul3A_659, %get3A_209 : vector<16xf32>
        %swap3A_661 = arith.index_cast %scan3A_652 : i32 to index
        %swap3A_662 = arith.constant 0 : index
        %swap3A_663 = tpu.vector_load %arg7[%swap3A_661, %swap3A_662] {strides = array<i32>} : memref<512x64xf32, #tpu.memory_space<vmem>>, vector<1x16xf32>,
        %swap3A_664 = vector.shape_cast %swap3A_663 : vector<1x16xf32> to vector<16xf32>
        %swap3A_665 = vector.shape_cast %add3A_660 : vector<16xf32> to vector<1x16xf32>
        tpu.vector_store %arg7[%swap3A_661, %swap3A_662], %swap3A_665 {strides = array<i32>} : memref<512x64xf32, #tpu.memory_space<vmem>>, vector<1x16xf32>,
        %get3A_666 = arith.index_cast %scan3A_652 : i32 to index
        %get3A_667 = arith.constant 16 : index
        %get3A_668 = tpu.vector_load %arg7[%get3A_666, %get3A_667] {strides = array<i32>} : memref<512x64xf32, #tpu.memory_space<vmem>>, vector<1x16xf32>,
        %get3A_669 = vector.shape_cast %get3A_668 : vector<1x16xf32> to vector<16xf32>
        %mul3A_670 = arith.constant 8.000000e+00 : f32
        %mul3A_671 = vector.broadcast %mul3A_670 : f32 to vector<16xf32>
        %mul3A_672 = arith.mulf %get3A_669, %mul3A_671 : vector<16xf32>
        %add3A_673 = arith.addf %mul3A_672, %get3A_213 : vector<16xf32>
        %swap3A_674 = arith.index_cast %scan3A_652 : i32 to index
        %swap3A_675 = arith.constant 16 : index
        %swap3A_676 = tpu.vector_load %arg7[%swap3A_674, %swap3A_675] {strides = array<i32>} : memref<512x64xf32, #tpu.memory_space<vmem>>, vector<1x16xf32>,
        %swap3A_677 = vector.shape_cast %swap3A_676 : vector<1x16xf32> to vector<16xf32>
        %swap3A_678 = vector.shape_cast %add3A_673 : vector<16xf32> to vector<1x16xf32>
        tpu.vector_store %arg7[%swap3A_674, %swap3A_675], %swap3A_678 {strides = array<i32>} : memref<512x64xf32, #tpu.memory_space<vmem>>, vector<1x16xf32>,
        %get3A_679 = arith.index_cast %scan3A_652 : i32 to index
        %get3A_680 = arith.constant 32 : index
        %get3A_681 = tpu.vector_load %arg7[%get3A_679, %get3A_680] {strides = array<i32>} : memref<512x64xf32, #tpu.memory_space<vmem>>, vector<1x16xf32>,
        %get3A_682 = vector.shape_cast %get3A_681 : vector<1x16xf32> to vector<16xf32>
        %mul3A_683 = arith.constant 8.000000e+00 : f32
        %mul3A_684 = vector.broadcast %mul3A_683 : f32 to vector<16xf32>
        %mul3A_685 = arith.mulf %get3A_682, %mul3A_684 : vector<16xf32>
        %add3A_686 = arith.addf %mul3A_685, %get3A_217 : vector<16xf32>
        %swap3A_687 = arith.index_cast %scan3A_652 : i32 to index
        %swap3A_688 = arith.constant 32 : index
        %swap3A_689 = tpu.vector_load %arg7[%swap3A_687, %swap3A_688] {strides = array<i32>} : memref<512x64xf32, #tpu.memory_space<vmem>>, vector<1x16xf32>,
        %swap3A_690 = vector.shape_cast %swap3A_689 : vector<1x16xf32> to vector<16xf32>
        %swap3A_691 = vector.shape_cast %add3A_686 : vector<16xf32> to vector<1x16xf32>
        tpu.vector_store %arg7[%swap3A_687, %swap3A_688], %swap3A_691 {strides = array<i32>} : memref<512x64xf32, #tpu.memory_space<vmem>>, vector<1x16xf32>,
        %get3A_692 = arith.index_cast %scan3A_652 : i32 to index
        %get3A_693 = arith.constant 48 : index
        %get3A_694 = tpu.vector_load %arg7[%get3A_692, %get3A_693] {strides = array<i32>} : memref<512x64xf32, #tpu.memory_space<vmem>>, vector<1x16xf32>,
        %get3A_695 = vector.shape_cast %get3A_694 : vector<1x16xf32> to vector<16xf32>
        %mul3A_696 = arith.constant 8.000000e+00 : f32
        %mul3A_697 = vector.broadcast %mul3A_696 : f32 to vector<16xf32>
        %mul3A_698 = arith.mulf %get3A_695, %mul3A_697 : vector<16xf32>
        %add3A_699 = arith.addf %mul3A_698, %get3A_221 : vector<16xf32>
        %swap3A_700 = arith.index_cast %scan3A_652 : i32 to index
        %swap3A_701 = arith.constant 48 : index
        %swap3A_702 = tpu.vector_load %arg7[%swap3A_700, %swap3A_701] {strides = array<i32>} : memref<512x64xf32, #tpu.memory_space<vmem>>, vector<1x16xf32>,
        %swap3A_703 = vector.shape_cast %swap3A_702 : vector<1x16xf32> to vector<16xf32>
        %swap3A_704 = vector.shape_cast %add3A_699 : vector<16xf32> to vector<1x16xf32>
        tpu.vector_store %arg7[%swap3A_700, %swap3A_701], %swap3A_704 {strides = array<i32>} : memref<512x64xf32, #tpu.memory_space<vmem>>, vector<1x16xf32>,
        %scan3A_705 = arith.constant 6 : i32
        %scan3A_706 = arith.addi %scan3A_383, %scan3A_705 : i32
        %get3A_707 = arith.index_cast %scan3A_706 : i32 to index
        %get3A_708 = arith.constant 0 : index
        %get3A_709 = tpu.vector_load %arg7[%get3A_707, %get3A_708] {strides = array<i32>} : memref<512x64xf32, #tpu.memory_space<vmem>>, vector<1x16xf32>,
        %get3A_710 = vector.shape_cast %get3A_709 : vector<1x16xf32> to vector<16xf32>
        %mul3A_711 = arith.constant 8.000000e+00 : f32
        %mul3A_712 = vector.broadcast %mul3A_711 : f32 to vector<16xf32>
        %mul3A_713 = arith.mulf %get3A_710, %mul3A_712 : vector<16xf32>
        %add3A_714 = arith.addf %mul3A_713, %get3A_209 : vector<16xf32>
        %swap3A_715 = arith.index_cast %scan3A_706 : i32 to index
        %swap3A_716 = arith.constant 0 : index
        %swap3A_717 = tpu.vector_load %arg7[%swap3A_715, %swap3A_716] {strides = array<i32>} : memref<512x64xf32, #tpu.memory_space<vmem>>, vector<1x16xf32>,
        %swap3A_718 = vector.shape_cast %swap3A_717 : vector<1x16xf32> to vector<16xf32>
        %swap3A_719 = vector.shape_cast %add3A_714 : vector<16xf32> to vector<1x16xf32>
        tpu.vector_store %arg7[%swap3A_715, %swap3A_716], %swap3A_719 {strides = array<i32>} : memref<512x64xf32, #tpu.memory_space<vmem>>, vector<1x16xf32>,
        %get3A_720 = arith.index_cast %scan3A_706 : i32 to index
        %get3A_721 = arith.constant 16 : index
        %get3A_722 = tpu.vector_load %arg7[%get3A_720, %get3A_721] {strides = array<i32>} : memref<512x64xf32, #tpu.memory_space<vmem>>, vector<1x16xf32>,
        %get3A_723 = vector.shape_cast %get3A_722 : vector<1x16xf32> to vector<16xf32>
        %mul3A_724 = arith.constant 8.000000e+00 : f32
        %mul3A_725 = vector.broadcast %mul3A_724 : f32 to vector<16xf32>
        %mul3A_726 = arith.mulf %get3A_723, %mul3A_725 : vector<16xf32>
        %add3A_727 = arith.addf %mul3A_726, %get3A_213 : vector<16xf32>
        %swap3A_728 = arith.index_cast %scan3A_706 : i32 to index
        %swap3A_729 = arith.constant 16 : index
        %swap3A_730 = tpu.vector_load %arg7[%swap3A_728, %swap3A_729] {strides = array<i32>} : memref<512x64xf32, #tpu.memory_space<vmem>>, vector<1x16xf32>,
        %swap3A_731 = vector.shape_cast %swap3A_730 : vector<1x16xf32> to vector<16xf32>
        %swap3A_732 = vector.shape_cast %add3A_727 : vector<16xf32> to vector<1x16xf32>
        tpu.vector_store %arg7[%swap3A_728, %swap3A_729], %swap3A_732 {strides = array<i32>} : memref<512x64xf32, #tpu.memory_space<vmem>>, vector<1x16xf32>,
        %get3A_733 = arith.index_cast %scan3A_706 : i32 to index
        %get3A_734 = arith.constant 32 : index
        %get3A_735 = tpu.vector_load %arg7[%get3A_733, %get3A_734] {strides = array<i32>} : memref<512x64xf32, #tpu.memory_space<vmem>>, vector<1x16xf32>,
        %get3A_736 = vector.shape_cast %get3A_735 : vector<1x16xf32> to vector<16xf32>
        %mul3A_737 = arith.constant 8.000000e+00 : f32
        %mul3A_738 = vector.broadcast %mul3A_737 : f32 to vector<16xf32>
        %mul3A_739 = arith.mulf %get3A_736, %mul3A_738 : vector<16xf32>
        %add3A_740 = arith.addf %mul3A_739, %get3A_217 : vector<16xf32>
        %swap3A_741 = arith.index_cast %scan3A_706 : i32 to index
        %swap3A_742 = arith.constant 32 : index
        %swap3A_743 = tpu.vector_load %arg7[%swap3A_741, %swap3A_742] {strides = array<i32>} : memref<512x64xf32, #tpu.memory_space<vmem>>, vector<1x16xf32>,
        %swap3A_744 = vector.shape_cast %swap3A_743 : vector<1x16xf32> to vector<16xf32>
        %swap3A_745 = vector.shape_cast %add3A_740 : vector<16xf32> to vector<1x16xf32>
        tpu.vector_store %arg7[%swap3A_741, %swap3A_742], %swap3A_745 {strides = array<i32>} : memref<512x64xf32, #tpu.memory_space<vmem>>, vector<1x16xf32>,
        %get3A_746 = arith.index_cast %scan3A_706 : i32 to index
        %get3A_747 = arith.constant 48 : index
        %get3A_748 = tpu.vector_load %arg7[%get3A_746, %get3A_747] {strides = array<i32>} : memref<512x64xf32, #tpu.memory_space<vmem>>, vector<1x16xf32>,
        %get3A_749 = vector.shape_cast %get3A_748 : vector<1x16xf32> to vector<16xf32>
        %mul3A_750 = arith.constant 8.000000e+00 : f32
        %mul3A_751 = vector.broadcast %mul3A_750 : f32 to vector<16xf32>
        %mul3A_752 = arith.mulf %get3A_749, %mul3A_751 : vector<16xf32>
        %add3A_753 = arith.addf %mul3A_752, %get3A_221 : vector<16xf32>
        %swap3A_754 = arith.index_cast %scan3A_706 : i32 to index
        %swap3A_755 = arith.constant 48 : index
        %swap3A_756 = tpu.vector_load %arg7[%swap3A_754, %swap3A_755] {strides = array<i32>} : memref<512x64xf32, #tpu.memory_space<vmem>>, vector<1x16xf32>,
        %swap3A_757 = vector.shape_cast %swap3A_756 : vector<1x16xf32> to vector<16xf32>
        %swap3A_758 = vector.shape_cast %add3A_753 : vector<16xf32> to vector<1x16xf32>
        tpu.vector_store %arg7[%swap3A_754, %swap3A_755], %swap3A_758 {strides = array<i32>} : memref<512x64xf32, #tpu.memory_space<vmem>>, vector<1x16xf32>,
        %scan3A_759 = arith.constant 7 : i32
        %scan3A_760 = arith.addi %scan3A_383, %scan3A_759 : i32
        %get3A_761 = arith.index_cast %scan3A_760 : i32 to index
        %get3A_762 = arith.constant 0 : index
        %get3A_763 = tpu.vector_load %arg7[%get3A_761, %get3A_762] {strides = array<i32>} : memref<512x64xf32, #tpu.memory_space<vmem>>, vector<1x16xf32>,
        %get3A_764 = vector.shape_cast %get3A_763 : vector<1x16xf32> to vector<16xf32>
        %mul3A_765 = arith.constant 8.000000e+00 : f32
        %mul3A_766 = vector.broadcast %mul3A_765 : f32 to vector<16xf32>
        %mul3A_767 = arith.mulf %get3A_764, %mul3A_766 : vector<16xf32>
        %add3A_768 = arith.addf %mul3A_767, %get3A_209 : vector<16xf32>
        %swap3A_769 = arith.index_cast %scan3A_760 : i32 to index
        %swap3A_770 = arith.constant 0 : index
        %swap3A_771 = tpu.vector_load %arg7[%swap3A_769, %swap3A_770] {strides = array<i32>} : memref<512x64xf32, #tpu.memory_space<vmem>>, vector<1x16xf32>,
        %swap3A_772 = vector.shape_cast %swap3A_771 : vector<1x16xf32> to vector<16xf32>
        %swap3A_773 = vector.shape_cast %add3A_768 : vector<16xf32> to vector<1x16xf32>
        tpu.vector_store %arg7[%swap3A_769, %swap3A_770], %swap3A_773 {strides = array<i32>} : memref<512x64xf32, #tpu.memory_space<vmem>>, vector<1x16xf32>,
        %get3A_774 = arith.index_cast %scan3A_760 : i32 to index
        %get3A_775 = arith.constant 16 : index
        %get3A_776 = tpu.vector_load %arg7[%get3A_774, %get3A_775] {strides = array<i32>} : memref<512x64xf32, #tpu.memory_space<vmem>>, vector<1x16xf32>,
        %get3A_777 = vector.shape_cast %get3A_776 : vector<1x16xf32> to vector<16xf32>
        %mul3A_778 = arith.constant 8.000000e+00 : f32
        %mul3A_779 = vector.broadcast %mul3A_778 : f32 to vector<16xf32>
        %mul3A_780 = arith.mulf %get3A_777, %mul3A_779 : vector<16xf32>
        %add3A_781 = arith.addf %mul3A_780, %get3A_213 : vector<16xf32>
        %swap3A_782 = arith.index_cast %scan3A_760 : i32 to index
        %swap3A_783 = arith.constant 16 : index
        %swap3A_784 = tpu.vector_load %arg7[%swap3A_782, %swap3A_783] {strides = array<i32>} : memref<512x64xf32, #tpu.memory_space<vmem>>, vector<1x16xf32>,
        %swap3A_785 = vector.shape_cast %swap3A_784 : vector<1x16xf32> to vector<16xf32>
        %swap3A_786 = vector.shape_cast %add3A_781 : vector<16xf32> to vector<1x16xf32>
        tpu.vector_store %arg7[%swap3A_782, %swap3A_783], %swap3A_786 {strides = array<i32>} : memref<512x64xf32, #tpu.memory_space<vmem>>, vector<1x16xf32>,
        %get3A_787 = arith.index_cast %scan3A_760 : i32 to index
        %get3A_788 = arith.constant 32 : index
        %get3A_789 = tpu.vector_load %arg7[%get3A_787, %get3A_788] {strides = array<i32>} : memref<512x64xf32, #tpu.memory_space<vmem>>, vector<1x16xf32>,
        %get3A_790 = vector.shape_cast %get3A_789 : vector<1x16xf32> to vector<16xf32>
        %mul3A_791 = arith.constant 8.000000e+00 : f32
        %mul3A_792 = vector.broadcast %mul3A_791 : f32 to vector<16xf32>
        %mul3A_793 = arith.mulf %get3A_790, %mul3A_792 : vector<16xf32>
        %add3A_794 = arith.addf %mul3A_793, %get3A_217 : vector<16xf32>
        %swap3A_795 = arith.index_cast %scan3A_760 : i32 to index
        %swap3A_796 = arith.constant 32 : index
        %swap3A_797 = tpu.vector_load %arg7[%swap3A_795, %swap3A_796] {strides = array<i32>} : memref<512x64xf32, #tpu.memory_space<vmem>>, vector<1x16xf32>,
        %swap3A_798 = vector.shape_cast %swap3A_797 : vector<1x16xf32> to vector<16xf32>
        %swap3A_799 = vector.shape_cast %add3A_794 : vector<16xf32> to vector<1x16xf32>
        tpu.vector_store %arg7[%swap3A_795, %swap3A_796], %swap3A_799 {strides = array<i32>} : memref<512x64xf32, #tpu.memory_space<vmem>>, vector<1x16xf32>,
        %get3A_800 = arith.index_cast %scan3A_760 : i32 to index
        %get3A_801 = arith.constant 48 : index
        %get3A_802 = tpu.vector_load %arg7[%get3A_800, %get3A_801] {strides = array<i32>} : memref<512x64xf32, #tpu.memory_space<vmem>>, vector<1x16xf32>,
        %get3A_803 = vector.shape_cast %get3A_802 : vector<1x16xf32> to vector<16xf32>
        %mul3A_804 = arith.constant 8.000000e+00 : f32
        %mul3A_805 = vector.broadcast %mul3A_804 : f32 to vector<16xf32>
        %mul3A_806 = arith.mulf %get3A_803, %mul3A_805 : vector<16xf32>
        %add3A_807 = arith.addf %mul3A_806, %get3A_221 : vector<16xf32>
        %swap3A_808 = arith.index_cast %scan3A_760 : i32 to index
        %swap3A_809 = arith.constant 48 : index
        %swap3A_810 = tpu.vector_load %arg7[%swap3A_808, %swap3A_809] {strides = array<i32>} : memref<512x64xf32, #tpu.memory_space<vmem>>, vector<1x16xf32>,
        %swap3A_811 = vector.shape_cast %swap3A_810 : vector<1x16xf32> to vector<16xf32>
        %swap3A_812 = vector.shape_cast %add3A_807 : vector<16xf32> to vector<1x16xf32>
        tpu.vector_store %arg7[%swap3A_808, %swap3A_809], %swap3A_812 {strides = array<i32>} : memref<512x64xf32, #tpu.memory_space<vmem>>, vector<1x16xf32>,
      }
      %scan3A_226 = arith.constant 512 : i32
      %dma_start3A_227 = arith.constant 0 : i32
      %dma_start3A_228 = tpu.memref_slice %arg5[%add3A_180, %dma_start3A_227] : memref<819200x128xf32, #tpu.memory_space<hbm>> -> memref<512x64xf32, #tpu.memory_space<hbm>>
      %dma_start3A_229 = arith.constant 0 : i32
      %dma_start3A_230 = tpu.memref_slice %arg5[%add3A_180, %dma_start3A_229] : memref<819200x128xf32, #tpu.memory_space<hbm>> -> memref<512x64xf32, #tpu.memory_space<hbm>>
      tpu.enqueue_dma source(%arg7 : memref<512x64xf32, #tpu.memory_space<vmem>>) target(%dma_start3A_230 : memref<512x64xf32, #tpu.memory_space<hbm>>) target_semaphore(%arg14 : memref<!tpu.dma_semaphore, #tpu.memory_space<semaphore_mem>>)
      %ge3A = arith.constant 1 : i32
      %ge3A_231 = arith.cmpi sge, %add3A_171, %ge3A : i32
      %add3A_232 = arith.constant 2 : i32
      %add3A_233 = arith.addi %add3A_171, %add3A_232 : i32
      %lt3A = arith.constant 50 : i32
      %lt3A_234 = arith.cmpi slt, %add3A_233, %lt3A : i32
      %and3A_235 = arith.andi %ge3A_231, %lt3A_234 : i1
      %convert_element_type3A = arith.extui %and3A_235 : i1 to i32
      %cond3A = arith.constant 0 : i32
      %cond3A_236 = arith.cmpi ne, %convert_element_type3A, %cond3A : i32
      scf.if %cond3A_236 {
        %dma_wait3A_383 = arith.constant 0 : i32
        %dma_wait3A_384 = arith.constant 0 : i32
        %dma_wait3A_385 = tpu.memref_slice %arg5[%dma_wait3A_383, %dma_wait3A_384] : memref<819200x128xf32, #tpu.memory_space<hbm>> -> memref<512x64xf32, #tpu.memory_space<hbm>>
        %dma_wait3A_386 = arith.constant 0 : i32
        %dma_wait3A_387 = arith.constant 0 : i32
        %dma_wait3A_388 = tpu.memref_slice %arg5[%dma_wait3A_386, %dma_wait3A_387] : memref<819200x128xf32, #tpu.memory_space<hbm>> -> memref<512x64xf32, #tpu.memory_space<hbm>>
        tpu.wait_dma2 semaphore(%arg16 : memref<!tpu.dma_semaphore, #tpu.memory_space<semaphore_mem>>) src(%arg9 : memref<512x64xf32, #tpu.memory_space<vmem>>) dst(%dma_wait3A_388 : memref<512x64xf32, #tpu.memory_space<hbm>>)
        %add3A_389 = arith.constant 2 : i32
        %add3A_390 = arith.addi %add3A_171, %add3A_389 : i32
        %mul3A_391 = arith.constant 512 : i32
        %mul3A_392 = arith.muli %add3A_390, %mul3A_391 : i32
        %dma_start3A_393 = tpu.memref_slice %arg6[%mul3A_392] : memref<25600xi32, #tpu.memory_space<vmem>> -> memref<512xi32, #tpu.memory_space<vmem>>
        %dma_start3A_394 = arith.constant 0 : i32
        %dma_start3A_395 = arith.constant 0 : i32
        %dma_start3A_396 = tpu.memref_slice %arg3[%dma_start3A_394, %dma_start3A_395] : memref<1000000x64xf32, #tpu.memory_space<hbm>> -> memref<1000000x64xf32, #tpu.memory_space<hbm>>
        tpu.enqueue_indirect_dma source(%dma_start3A_396 : memref<1000000x64xf32, #tpu.memory_space<hbm>>) target(%arg9 : memref<512x64xf32, #tpu.memory_space<vmem>>) offsets(%dma_start3A_393 : memref<512xi32, #tpu.memory_space<vmem>>) semaphore(%arg13 : memref<!tpu.dma_semaphore, #tpu.memory_space<semaphore_mem>>)
      } else {
      }
      %mul3A_237 = arith.constant 3 : i32
      %mul3A_238 = arith.muli %scan3A_167, %mul3A_237 : i32
      %add3A_239 = arith.constant 1 : i32
      %add3A_240 = arith.addi %mul3A_238, %add3A_239 : i32
      %mul3A_241 = arith.constant 512 : i32
      %mul3A_242 = arith.muli %add3A_240, %mul3A_241 : i32
      %dma_wait3A_243 = tpu.memref_slice %arg6[%mul3A_242] : memref<25600xi32, #tpu.memory_space<vmem>> -> memref<512xi32, #tpu.memory_space<vmem>>
      %dma_wait3A_244 = arith.constant 0 : i32
      %dma_wait3A_245 = arith.constant 0 : i32
      %dma_wait3A_246 = tpu.memref_slice %arg3[%dma_wait3A_244, %dma_wait3A_245] : memref<1000000x64xf32, #tpu.memory_space<hbm>> -> memref<1000000x64xf32, #tpu.memory_space<hbm>>
      tpu.wait_indirect_dma semaphore(%arg12 : memref<!tpu.dma_semaphore, #tpu.memory_space<semaphore_mem>>) src(%dma_wait3A_246 : memref<1000000x64xf32, #tpu.memory_space<hbm>>) dst(%arg8 : memref<512x64xf32, #tpu.memory_space<vmem>>)
      %mul3A_247 = arith.constant 512 : i32
      %mul3A_248 = arith.muli %add3A_240, %mul3A_247 : i32
      %add3A_249 = arith.addi %mul3A_2, %mul3A_248 : i32
      %jit3A_250 = arith.constant 4096 : i32
      %div3A_251 = arith.divsi %add3A_249, %jit3A_250 : i32
      %sign3A_252 = arith.constant 0 : i32
      %sign3A_253 = arith.cmpi sgt, %add3A_249, %sign3A_252 : i32
      %sign3A_254 = arith.extui %sign3A_253 : i1 to i32
      %sign3A_255 = arith.constant 0 : i32
      %sign3A_256 = arith.cmpi slt, %add3A_249, %sign3A_255 : i32
      %sign3A_257 = arith.extui %sign3A_256 : i1 to i32
      %sign3A_258 = arith.subi %sign3A_254, %sign3A_257 : i32
      %sign3A_259 = arith.constant 0 : i32
      %sign3A_260 = arith.cmpi sgt, %jit3A_250, %sign3A_259 : i32
      %sign3A_261 = arith.extui %sign3A_260 : i1 to i32
      %sign3A_262 = arith.constant 0 : i32
      %sign3A_263 = arith.cmpi slt, %jit3A_250, %sign3A_262 : i32
      %sign3A_264 = arith.extui %sign3A_263 : i1 to i32
      %sign3A_265 = arith.subi %sign3A_261, %sign3A_264 : i32
      %ne3A_266 = arith.cmpi ne, %sign3A_258, %sign3A_265 : i32
      %rem3A_267 = arith.remsi %add3A_249, %jit3A_250 : i32
      %ne3A_268 = arith.constant 0 : i32
      %ne3A_269 = arith.cmpi ne, %rem3A_267, %ne3A_268 : i32
      %and3A_270 = arith.andi %ne3A_266, %ne3A_269 : i1
      %sub3A_271 = arith.constant 1 : i32
      %sub3A_272 = arith.subi %div3A_251, %sub3A_271 : i32
      %select_n3A_273 = arith.select %and3A_270, %sub3A_272, %div3A_251 : i32
      %sub3A_274 = arith.subi %select_n3A_273, %select_n3A : i32
      %get3A_275 = arith.index_cast %sub3A_274 : i32 to index
      %get3A_276 = arith.constant 0 : index
      %get3A_277 = tpu.vector_load %arg10[%get3A_275, %get3A_276] {strides = array<i32>} : memref<7x64xf32, #tpu.memory_space<vmem>>, vector<1x16xf32>,
      %get3A_278 = vector.shape_cast %get3A_277 : vector<1x16xf32> to vector<16xf32>
      %get3A_279 = arith.index_cast %sub3A_274 : i32 to index
      %get3A_280 = arith.constant 16 : index
      %get3A_281 = tpu.vector_load %arg10[%get3A_279, %get3A_280] {strides = array<i32>} : memref<7x64xf32, #tpu.memory_space<vmem>>, vector<1x16xf32>,
      %get3A_282 = vector.shape_cast %get3A_281 : vector<1x16xf32> to vector<16xf32>
      %get3A_283 = arith.index_cast %sub3A_274 : i32 to index
      %get3A_284 = arith.constant 32 : index
      %get3A_285 = tpu.vector_load %arg10[%get3A_283, %get3A_284] {strides = array<i32>} : memref<7x64xf32, #tpu.memory_space<vmem>>, vector<1x16xf32>,
      %get3A_286 = vector.shape_cast %get3A_285 : vector<1x16xf32> to vector<16xf32>
      %get3A_287 = arith.index_cast %sub3A_274 : i32 to index
      %get3A_288 = arith.constant 48 : index
      %get3A_289 = tpu.vector_load %arg10[%get3A_287, %get3A_288] {strides = array<i32>} : memref<7x64xf32, #tpu.memory_space<vmem>>, vector<1x16xf32>,
      %get3A_290 = vector.shape_cast %get3A_289 : vector<1x16xf32> to vector<16xf32>
      %scan3A_291 = arith.constant 0 : i32
      %scan3A_292 = arith.constant 512 : i32
      %scan3A_293 = arith.addi %scan3A_291, %scan3A_292 : i32
      %scan3A_294 = arith.constant 8 : i32
      scf.for %scan3A_383 = %scan3A_291 to %scan3A_293 step %scan3A_294  : i32 {
        %get3A_384 = arith.index_cast %scan3A_383 : i32 to index
        %get3A_385 = arith.constant 0 : index
        %get3A_386 = tpu.vector_load %arg8[%get3A_384, %get3A_385] {strides = array<i32>} : memref<512x64xf32, #tpu.memory_space<vmem>>, vector<1x16xf32>,
        %get3A_387 = vector.shape_cast %get3A_386 : vector<1x16xf32> to vector<16xf32>
        %mul3A_388 = arith.constant 8.000000e+00 : f32
        %mul3A_389 = vector.broadcast %mul3A_388 : f32 to vector<16xf32>
        %mul3A_390 = arith.mulf %get3A_387, %mul3A_389 : vector<16xf32>
        %add3A_391 = arith.addf %mul3A_390, %get3A_278 : vector<16xf32>
        %swap3A = arith.index_cast %scan3A_383 : i32 to index
        %swap3A_392 = arith.constant 0 : index
        %swap3A_393 = tpu.vector_load %arg8[%swap3A, %swap3A_392] {strides = array<i32>} : memref<512x64xf32, #tpu.memory_space<vmem>>, vector<1x16xf32>,
        %swap3A_394 = vector.shape_cast %swap3A_393 : vector<1x16xf32> to vector<16xf32>
        %swap3A_395 = vector.shape_cast %add3A_391 : vector<16xf32> to vector<1x16xf32>
        tpu.vector_store %arg8[%swap3A, %swap3A_392], %swap3A_395 {strides = array<i32>} : memref<512x64xf32, #tpu.memory_space<vmem>>, vector<1x16xf32>,
        %get3A_396 = arith.index_cast %scan3A_383 : i32 to index
        %get3A_397 = arith.constant 16 : index
        %get3A_398 = tpu.vector_load %arg8[%get3A_396, %get3A_397] {strides = array<i32>} : memref<512x64xf32, #tpu.memory_space<vmem>>, vector<1x16xf32>,
        %get3A_399 = vector.shape_cast %get3A_398 : vector<1x16xf32> to vector<16xf32>
        %mul3A_400 = arith.constant 8.000000e+00 : f32
        %mul3A_401 = vector.broadcast %mul3A_400 : f32 to vector<16xf32>
        %mul3A_402 = arith.mulf %get3A_399, %mul3A_401 : vector<16xf32>
        %add3A_403 = arith.addf %mul3A_402, %get3A_282 : vector<16xf32>
        %swap3A_404 = arith.index_cast %scan3A_383 : i32 to index
        %swap3A_405 = arith.constant 16 : index
        %swap3A_406 = tpu.vector_load %arg8[%swap3A_404, %swap3A_405] {strides = array<i32>} : memref<512x64xf32, #tpu.memory_space<vmem>>, vector<1x16xf32>,
        %swap3A_407 = vector.shape_cast %swap3A_406 : vector<1x16xf32> to vector<16xf32>
        %swap3A_408 = vector.shape_cast %add3A_403 : vector<16xf32> to vector<1x16xf32>
        tpu.vector_store %arg8[%swap3A_404, %swap3A_405], %swap3A_408 {strides = array<i32>} : memref<512x64xf32, #tpu.memory_space<vmem>>, vector<1x16xf32>,
        %get3A_409 = arith.index_cast %scan3A_383 : i32 to index
        %get3A_410 = arith.constant 32 : index
        %get3A_411 = tpu.vector_load %arg8[%get3A_409, %get3A_410] {strides = array<i32>} : memref<512x64xf32, #tpu.memory_space<vmem>>, vector<1x16xf32>,
        %get3A_412 = vector.shape_cast %get3A_411 : vector<1x16xf32> to vector<16xf32>
        %mul3A_413 = arith.constant 8.000000e+00 : f32
        %mul3A_414 = vector.broadcast %mul3A_413 : f32 to vector<16xf32>
        %mul3A_415 = arith.mulf %get3A_412, %mul3A_414 : vector<16xf32>
        %add3A_416 = arith.addf %mul3A_415, %get3A_286 : vector<16xf32>
        %swap3A_417 = arith.index_cast %scan3A_383 : i32 to index
        %swap3A_418 = arith.constant 32 : index
        %swap3A_419 = tpu.vector_load %arg8[%swap3A_417, %swap3A_418] {strides = array<i32>} : memref<512x64xf32, #tpu.memory_space<vmem>>, vector<1x16xf32>,
        %swap3A_420 = vector.shape_cast %swap3A_419 : vector<1x16xf32> to vector<16xf32>
        %swap3A_421 = vector.shape_cast %add3A_416 : vector<16xf32> to vector<1x16xf32>
        tpu.vector_store %arg8[%swap3A_417, %swap3A_418], %swap3A_421 {strides = array<i32>} : memref<512x64xf32, #tpu.memory_space<vmem>>, vector<1x16xf32>,
        %get3A_422 = arith.index_cast %scan3A_383 : i32 to index
        %get3A_423 = arith.constant 48 : index
        %get3A_424 = tpu.vector_load %arg8[%get3A_422, %get3A_423] {strides = array<i32>} : memref<512x64xf32, #tpu.memory_space<vmem>>, vector<1x16xf32>,
        %get3A_425 = vector.shape_cast %get3A_424 : vector<1x16xf32> to vector<16xf32>
        %mul3A_426 = arith.constant 8.000000e+00 : f32
        %mul3A_427 = vector.broadcast %mul3A_426 : f32 to vector<16xf32>
        %mul3A_428 = arith.mulf %get3A_425, %mul3A_427 : vector<16xf32>
        %add3A_429 = arith.addf %mul3A_428, %get3A_290 : vector<16xf32>
        %swap3A_430 = arith.index_cast %scan3A_383 : i32 to index
        %swap3A_431 = arith.constant 48 : index
        %swap3A_432 = tpu.vector_load %arg8[%swap3A_430, %swap3A_431] {strides = array<i32>} : memref<512x64xf32, #tpu.memory_space<vmem>>, vector<1x16xf32>,
        %swap3A_433 = vector.shape_cast %swap3A_432 : vector<1x16xf32> to vector<16xf32>
        %swap3A_434 = vector.shape_cast %add3A_429 : vector<16xf32> to vector<1x16xf32>
        tpu.vector_store %arg8[%swap3A_430, %swap3A_431], %swap3A_434 {strides = array<i32>} : memref<512x64xf32, #tpu.memory_space<vmem>>, vector<1x16xf32>,
        %scan3A_435 = arith.constant 1 : i32
        %scan3A_436 = arith.addi %scan3A_383, %scan3A_435 : i32
        %get3A_437 = arith.index_cast %scan3A_436 : i32 to index
        %get3A_438 = arith.constant 0 : index
        %get3A_439 = tpu.vector_load %arg8[%get3A_437, %get3A_438] {strides = array<i32>} : memref<512x64xf32, #tpu.memory_space<vmem>>, vector<1x16xf32>,
        %get3A_440 = vector.shape_cast %get3A_439 : vector<1x16xf32> to vector<16xf32>
        %mul3A_441 = arith.constant 8.000000e+00 : f32
        %mul3A_442 = vector.broadcast %mul3A_441 : f32 to vector<16xf32>
        %mul3A_443 = arith.mulf %get3A_440, %mul3A_442 : vector<16xf32>
        %add3A_444 = arith.addf %mul3A_443, %get3A_278 : vector<16xf32>
        %swap3A_445 = arith.index_cast %scan3A_436 : i32 to index
        %swap3A_446 = arith.constant 0 : index
        %swap3A_447 = tpu.vector_load %arg8[%swap3A_445, %swap3A_446] {strides = array<i32>} : memref<512x64xf32, #tpu.memory_space<vmem>>, vector<1x16xf32>,
        %swap3A_448 = vector.shape_cast %swap3A_447 : vector<1x16xf32> to vector<16xf32>
        %swap3A_449 = vector.shape_cast %add3A_444 : vector<16xf32> to vector<1x16xf32>
        tpu.vector_store %arg8[%swap3A_445, %swap3A_446], %swap3A_449 {strides = array<i32>} : memref<512x64xf32, #tpu.memory_space<vmem>>, vector<1x16xf32>,
        %get3A_450 = arith.index_cast %scan3A_436 : i32 to index
        %get3A_451 = arith.constant 16 : index
        %get3A_452 = tpu.vector_load %arg8[%get3A_450, %get3A_451] {strides = array<i32>} : memref<512x64xf32, #tpu.memory_space<vmem>>, vector<1x16xf32>,
        %get3A_453 = vector.shape_cast %get3A_452 : vector<1x16xf32> to vector<16xf32>
        %mul3A_454 = arith.constant 8.000000e+00 : f32
        %mul3A_455 = vector.broadcast %mul3A_454 : f32 to vector<16xf32>
        %mul3A_456 = arith.mulf %get3A_453, %mul3A_455 : vector<16xf32>
        %add3A_457 = arith.addf %mul3A_456, %get3A_282 : vector<16xf32>
        %swap3A_458 = arith.index_cast %scan3A_436 : i32 to index
        %swap3A_459 = arith.constant 16 : index
        %swap3A_460 = tpu.vector_load %arg8[%swap3A_458, %swap3A_459] {strides = array<i32>} : memref<512x64xf32, #tpu.memory_space<vmem>>, vector<1x16xf32>,
        %swap3A_461 = vector.shape_cast %swap3A_460 : vector<1x16xf32> to vector<16xf32>
        %swap3A_462 = vector.shape_cast %add3A_457 : vector<16xf32> to vector<1x16xf32>
        tpu.vector_store %arg8[%swap3A_458, %swap3A_459], %swap3A_462 {strides = array<i32>} : memref<512x64xf32, #tpu.memory_space<vmem>>, vector<1x16xf32>,
        %get3A_463 = arith.index_cast %scan3A_436 : i32 to index
        %get3A_464 = arith.constant 32 : index
        %get3A_465 = tpu.vector_load %arg8[%get3A_463, %get3A_464] {strides = array<i32>} : memref<512x64xf32, #tpu.memory_space<vmem>>, vector<1x16xf32>,
        %get3A_466 = vector.shape_cast %get3A_465 : vector<1x16xf32> to vector<16xf32>
        %mul3A_467 = arith.constant 8.000000e+00 : f32
        %mul3A_468 = vector.broadcast %mul3A_467 : f32 to vector<16xf32>
        %mul3A_469 = arith.mulf %get3A_466, %mul3A_468 : vector<16xf32>
        %add3A_470 = arith.addf %mul3A_469, %get3A_286 : vector<16xf32>
        %swap3A_471 = arith.index_cast %scan3A_436 : i32 to index
        %swap3A_472 = arith.constant 32 : index
        %swap3A_473 = tpu.vector_load %arg8[%swap3A_471, %swap3A_472] {strides = array<i32>} : memref<512x64xf32, #tpu.memory_space<vmem>>, vector<1x16xf32>,
        %swap3A_474 = vector.shape_cast %swap3A_473 : vector<1x16xf32> to vector<16xf32>
        %swap3A_475 = vector.shape_cast %add3A_470 : vector<16xf32> to vector<1x16xf32>
        tpu.vector_store %arg8[%swap3A_471, %swap3A_472], %swap3A_475 {strides = array<i32>} : memref<512x64xf32, #tpu.memory_space<vmem>>, vector<1x16xf32>,
        %get3A_476 = arith.index_cast %scan3A_436 : i32 to index
        %get3A_477 = arith.constant 48 : index
        %get3A_478 = tpu.vector_load %arg8[%get3A_476, %get3A_477] {strides = array<i32>} : memref<512x64xf32, #tpu.memory_space<vmem>>, vector<1x16xf32>,
        %get3A_479 = vector.shape_cast %get3A_478 : vector<1x16xf32> to vector<16xf32>
        %mul3A_480 = arith.constant 8.000000e+00 : f32
        %mul3A_481 = vector.broadcast %mul3A_480 : f32 to vector<16xf32>
        %mul3A_482 = arith.mulf %get3A_479, %mul3A_481 : vector<16xf32>
        %add3A_483 = arith.addf %mul3A_482, %get3A_290 : vector<16xf32>
        %swap3A_484 = arith.index_cast %scan3A_436 : i32 to index
        %swap3A_485 = arith.constant 48 : index
        %swap3A_486 = tpu.vector_load %arg8[%swap3A_484, %swap3A_485] {strides = array<i32>} : memref<512x64xf32, #tpu.memory_space<vmem>>, vector<1x16xf32>,
        %swap3A_487 = vector.shape_cast %swap3A_486 : vector<1x16xf32> to vector<16xf32>
        %swap3A_488 = vector.shape_cast %add3A_483 : vector<16xf32> to vector<1x16xf32>
        tpu.vector_store %arg8[%swap3A_484, %swap3A_485], %swap3A_488 {strides = array<i32>} : memref<512x64xf32, #tpu.memory_space<vmem>>, vector<1x16xf32>,
        %scan3A_489 = arith.constant 2 : i32
        %scan3A_490 = arith.addi %scan3A_383, %scan3A_489 : i32
        %get3A_491 = arith.index_cast %scan3A_490 : i32 to index
        %get3A_492 = arith.constant 0 : index
        %get3A_493 = tpu.vector_load %arg8[%get3A_491, %get3A_492] {strides = array<i32>} : memref<512x64xf32, #tpu.memory_space<vmem>>, vector<1x16xf32>,
        %get3A_494 = vector.shape_cast %get3A_493 : vector<1x16xf32> to vector<16xf32>
        %mul3A_495 = arith.constant 8.000000e+00 : f32
        %mul3A_496 = vector.broadcast %mul3A_495 : f32 to vector<16xf32>
        %mul3A_497 = arith.mulf %get3A_494, %mul3A_496 : vector<16xf32>
        %add3A_498 = arith.addf %mul3A_497, %get3A_278 : vector<16xf32>
        %swap3A_499 = arith.index_cast %scan3A_490 : i32 to index
        %swap3A_500 = arith.constant 0 : index
        %swap3A_501 = tpu.vector_load %arg8[%swap3A_499, %swap3A_500] {strides = array<i32>} : memref<512x64xf32, #tpu.memory_space<vmem>>, vector<1x16xf32>,
        %swap3A_502 = vector.shape_cast %swap3A_501 : vector<1x16xf32> to vector<16xf32>
        %swap3A_503 = vector.shape_cast %add3A_498 : vector<16xf32> to vector<1x16xf32>
        tpu.vector_store %arg8[%swap3A_499, %swap3A_500], %swap3A_503 {strides = array<i32>} : memref<512x64xf32, #tpu.memory_space<vmem>>, vector<1x16xf32>,
        %get3A_504 = arith.index_cast %scan3A_490 : i32 to index
        %get3A_505 = arith.constant 16 : index
        %get3A_506 = tpu.vector_load %arg8[%get3A_504, %get3A_505] {strides = array<i32>} : memref<512x64xf32, #tpu.memory_space<vmem>>, vector<1x16xf32>,
        %get3A_507 = vector.shape_cast %get3A_506 : vector<1x16xf32> to vector<16xf32>
        %mul3A_508 = arith.constant 8.000000e+00 : f32
        %mul3A_509 = vector.broadcast %mul3A_508 : f32 to vector<16xf32>
        %mul3A_510 = arith.mulf %get3A_507, %mul3A_509 : vector<16xf32>
        %add3A_511 = arith.addf %mul3A_510, %get3A_282 : vector<16xf32>
        %swap3A_512 = arith.index_cast %scan3A_490 : i32 to index
        %swap3A_513 = arith.constant 16 : index
        %swap3A_514 = tpu.vector_load %arg8[%swap3A_512, %swap3A_513] {strides = array<i32>} : memref<512x64xf32, #tpu.memory_space<vmem>>, vector<1x16xf32>,
        %swap3A_515 = vector.shape_cast %swap3A_514 : vector<1x16xf32> to vector<16xf32>
        %swap3A_516 = vector.shape_cast %add3A_511 : vector<16xf32> to vector<1x16xf32>
        tpu.vector_store %arg8[%swap3A_512, %swap3A_513], %swap3A_516 {strides = array<i32>} : memref<512x64xf32, #tpu.memory_space<vmem>>, vector<1x16xf32>,
        %get3A_517 = arith.index_cast %scan3A_490 : i32 to index
        %get3A_518 = arith.constant 32 : index
        %get3A_519 = tpu.vector_load %arg8[%get3A_517, %get3A_518] {strides = array<i32>} : memref<512x64xf32, #tpu.memory_space<vmem>>, vector<1x16xf32>,
        %get3A_520 = vector.shape_cast %get3A_519 : vector<1x16xf32> to vector<16xf32>
        %mul3A_521 = arith.constant 8.000000e+00 : f32
        %mul3A_522 = vector.broadcast %mul3A_521 : f32 to vector<16xf32>
        %mul3A_523 = arith.mulf %get3A_520, %mul3A_522 : vector<16xf32>
        %add3A_524 = arith.addf %mul3A_523, %get3A_286 : vector<16xf32>
        %swap3A_525 = arith.index_cast %scan3A_490 : i32 to index
        %swap3A_526 = arith.constant 32 : index
        %swap3A_527 = tpu.vector_load %arg8[%swap3A_525, %swap3A_526] {strides = array<i32>} : memref<512x64xf32, #tpu.memory_space<vmem>>, vector<1x16xf32>,
        %swap3A_528 = vector.shape_cast %swap3A_527 : vector<1x16xf32> to vector<16xf32>
        %swap3A_529 = vector.shape_cast %add3A_524 : vector<16xf32> to vector<1x16xf32>
        tpu.vector_store %arg8[%swap3A_525, %swap3A_526], %swap3A_529 {strides = array<i32>} : memref<512x64xf32, #tpu.memory_space<vmem>>, vector<1x16xf32>,
        %get3A_530 = arith.index_cast %scan3A_490 : i32 to index
        %get3A_531 = arith.constant 48 : index
        %get3A_532 = tpu.vector_load %arg8[%get3A_530, %get3A_531] {strides = array<i32>} : memref<512x64xf32, #tpu.memory_space<vmem>>, vector<1x16xf32>,
        %get3A_533 = vector.shape_cast %get3A_532 : vector<1x16xf32> to vector<16xf32>
        %mul3A_534 = arith.constant 8.000000e+00 : f32
        %mul3A_535 = vector.broadcast %mul3A_534 : f32 to vector<16xf32>
        %mul3A_536 = arith.mulf %get3A_533, %mul3A_535 : vector<16xf32>
        %add3A_537 = arith.addf %mul3A_536, %get3A_290 : vector<16xf32>
        %swap3A_538 = arith.index_cast %scan3A_490 : i32 to index
        %swap3A_539 = arith.constant 48 : index
        %swap3A_540 = tpu.vector_load %arg8[%swap3A_538, %swap3A_539] {strides = array<i32>} : memref<512x64xf32, #tpu.memory_space<vmem>>, vector<1x16xf32>,
        %swap3A_541 = vector.shape_cast %swap3A_540 : vector<1x16xf32> to vector<16xf32>
        %swap3A_542 = vector.shape_cast %add3A_537 : vector<16xf32> to vector<1x16xf32>
        tpu.vector_store %arg8[%swap3A_538, %swap3A_539], %swap3A_542 {strides = array<i32>} : memref<512x64xf32, #tpu.memory_space<vmem>>, vector<1x16xf32>,
        %scan3A_543 = arith.constant 3 : i32
        %scan3A_544 = arith.addi %scan3A_383, %scan3A_543 : i32
        %get3A_545 = arith.index_cast %scan3A_544 : i32 to index
        %get3A_546 = arith.constant 0 : index
        %get3A_547 = tpu.vector_load %arg8[%get3A_545, %get3A_546] {strides = array<i32>} : memref<512x64xf32, #tpu.memory_space<vmem>>, vector<1x16xf32>,
        %get3A_548 = vector.shape_cast %get3A_547 : vector<1x16xf32> to vector<16xf32>
        %mul3A_549 = arith.constant 8.000000e+00 : f32
        %mul3A_550 = vector.broadcast %mul3A_549 : f32 to vector<16xf32>
        %mul3A_551 = arith.mulf %get3A_548, %mul3A_550 : vector<16xf32>
        %add3A_552 = arith.addf %mul3A_551, %get3A_278 : vector<16xf32>
        %swap3A_553 = arith.index_cast %scan3A_544 : i32 to index
        %swap3A_554 = arith.constant 0 : index
        %swap3A_555 = tpu.vector_load %arg8[%swap3A_553, %swap3A_554] {strides = array<i32>} : memref<512x64xf32, #tpu.memory_space<vmem>>, vector<1x16xf32>,
        %swap3A_556 = vector.shape_cast %swap3A_555 : vector<1x16xf32> to vector<16xf32>
        %swap3A_557 = vector.shape_cast %add3A_552 : vector<16xf32> to vector<1x16xf32>
        tpu.vector_store %arg8[%swap3A_553, %swap3A_554], %swap3A_557 {strides = array<i32>} : memref<512x64xf32, #tpu.memory_space<vmem>>, vector<1x16xf32>,
        %get3A_558 = arith.index_cast %scan3A_544 : i32 to index
        %get3A_559 = arith.constant 16 : index
        %get3A_560 = tpu.vector_load %arg8[%get3A_558, %get3A_559] {strides = array<i32>} : memref<512x64xf32, #tpu.memory_space<vmem>>, vector<1x16xf32>,
        %get3A_561 = vector.shape_cast %get3A_560 : vector<1x16xf32> to vector<16xf32>
        %mul3A_562 = arith.constant 8.000000e+00 : f32
        %mul3A_563 = vector.broadcast %mul3A_562 : f32 to vector<16xf32>
        %mul3A_564 = arith.mulf %get3A_561, %mul3A_563 : vector<16xf32>
        %add3A_565 = arith.addf %mul3A_564, %get3A_282 : vector<16xf32>
        %swap3A_566 = arith.index_cast %scan3A_544 : i32 to index
        %swap3A_567 = arith.constant 16 : index
        %swap3A_568 = tpu.vector_load %arg8[%swap3A_566, %swap3A_567] {strides = array<i32>} : memref<512x64xf32, #tpu.memory_space<vmem>>, vector<1x16xf32>,
        %swap3A_569 = vector.shape_cast %swap3A_568 : vector<1x16xf32> to vector<16xf32>
        %swap3A_570 = vector.shape_cast %add3A_565 : vector<16xf32> to vector<1x16xf32>
        tpu.vector_store %arg8[%swap3A_566, %swap3A_567], %swap3A_570 {strides = array<i32>} : memref<512x64xf32, #tpu.memory_space<vmem>>, vector<1x16xf32>,
        %get3A_571 = arith.index_cast %scan3A_544 : i32 to index
        %get3A_572 = arith.constant 32 : index
        %get3A_573 = tpu.vector_load %arg8[%get3A_571, %get3A_572] {strides = array<i32>} : memref<512x64xf32, #tpu.memory_space<vmem>>, vector<1x16xf32>,
        %get3A_574 = vector.shape_cast %get3A_573 : vector<1x16xf32> to vector<16xf32>
        %mul3A_575 = arith.constant 8.000000e+00 : f32
        %mul3A_576 = vector.broadcast %mul3A_575 : f32 to vector<16xf32>
        %mul3A_577 = arith.mulf %get3A_574, %mul3A_576 : vector<16xf32>
        %add3A_578 = arith.addf %mul3A_577, %get3A_286 : vector<16xf32>
        %swap3A_579 = arith.index_cast %scan3A_544 : i32 to index
        %swap3A_580 = arith.constant 32 : index
        %swap3A_581 = tpu.vector_load %arg8[%swap3A_579, %swap3A_580] {strides = array<i32>} : memref<512x64xf32, #tpu.memory_space<vmem>>, vector<1x16xf32>,
        %swap3A_582 = vector.shape_cast %swap3A_581 : vector<1x16xf32> to vector<16xf32>
        %swap3A_583 = vector.shape_cast %add3A_578 : vector<16xf32> to vector<1x16xf32>
        tpu.vector_store %arg8[%swap3A_579, %swap3A_580], %swap3A_583 {strides = array<i32>} : memref<512x64xf32, #tpu.memory_space<vmem>>, vector<1x16xf32>,
        %get3A_584 = arith.index_cast %scan3A_544 : i32 to index
        %get3A_585 = arith.constant 48 : index
        %get3A_586 = tpu.vector_load %arg8[%get3A_584, %get3A_585] {strides = array<i32>} : memref<512x64xf32, #tpu.memory_space<vmem>>, vector<1x16xf32>,
        %get3A_587 = vector.shape_cast %get3A_586 : vector<1x16xf32> to vector<16xf32>
        %mul3A_588 = arith.constant 8.000000e+00 : f32
        %mul3A_589 = vector.broadcast %mul3A_588 : f32 to vector<16xf32>
        %mul3A_590 = arith.mulf %get3A_587, %mul3A_589 : vector<16xf32>
        %add3A_591 = arith.addf %mul3A_590, %get3A_290 : vector<16xf32>
        %swap3A_592 = arith.index_cast %scan3A_544 : i32 to index
        %swap3A_593 = arith.constant 48 : index
        %swap3A_594 = tpu.vector_load %arg8[%swap3A_592, %swap3A_593] {strides = array<i32>} : memref<512x64xf32, #tpu.memory_space<vmem>>, vector<1x16xf32>,
        %swap3A_595 = vector.shape_cast %swap3A_594 : vector<1x16xf32> to vector<16xf32>
        %swap3A_596 = vector.shape_cast %add3A_591 : vector<16xf32> to vector<1x16xf32>
        tpu.vector_store %arg8[%swap3A_592, %swap3A_593], %swap3A_596 {strides = array<i32>} : memref<512x64xf32, #tpu.memory_space<vmem>>, vector<1x16xf32>,
        %scan3A_597 = arith.constant 4 : i32
        %scan3A_598 = arith.addi %scan3A_383, %scan3A_597 : i32
        %get3A_599 = arith.index_cast %scan3A_598 : i32 to index
        %get3A_600 = arith.constant 0 : index
        %get3A_601 = tpu.vector_load %arg8[%get3A_599, %get3A_600] {strides = array<i32>} : memref<512x64xf32, #tpu.memory_space<vmem>>, vector<1x16xf32>,
        %get3A_602 = vector.shape_cast %get3A_601 : vector<1x16xf32> to vector<16xf32>
        %mul3A_603 = arith.constant 8.000000e+00 : f32
        %mul3A_604 = vector.broadcast %mul3A_603 : f32 to vector<16xf32>
        %mul3A_605 = arith.mulf %get3A_602, %mul3A_604 : vector<16xf32>
        %add3A_606 = arith.addf %mul3A_605, %get3A_278 : vector<16xf32>
        %swap3A_607 = arith.index_cast %scan3A_598 : i32 to index
        %swap3A_608 = arith.constant 0 : index
        %swap3A_609 = tpu.vector_load %arg8[%swap3A_607, %swap3A_608] {strides = array<i32>} : memref<512x64xf32, #tpu.memory_space<vmem>>, vector<1x16xf32>,
        %swap3A_610 = vector.shape_cast %swap3A_609 : vector<1x16xf32> to vector<16xf32>
        %swap3A_611 = vector.shape_cast %add3A_606 : vector<16xf32> to vector<1x16xf32>
        tpu.vector_store %arg8[%swap3A_607, %swap3A_608], %swap3A_611 {strides = array<i32>} : memref<512x64xf32, #tpu.memory_space<vmem>>, vector<1x16xf32>,
        %get3A_612 = arith.index_cast %scan3A_598 : i32 to index
        %get3A_613 = arith.constant 16 : index
        %get3A_614 = tpu.vector_load %arg8[%get3A_612, %get3A_613] {strides = array<i32>} : memref<512x64xf32, #tpu.memory_space<vmem>>, vector<1x16xf32>,
        %get3A_615 = vector.shape_cast %get3A_614 : vector<1x16xf32> to vector<16xf32>
        %mul3A_616 = arith.constant 8.000000e+00 : f32
        %mul3A_617 = vector.broadcast %mul3A_616 : f32 to vector<16xf32>
        %mul3A_618 = arith.mulf %get3A_615, %mul3A_617 : vector<16xf32>
        %add3A_619 = arith.addf %mul3A_618, %get3A_282 : vector<16xf32>
        %swap3A_620 = arith.index_cast %scan3A_598 : i32 to index
        %swap3A_621 = arith.constant 16 : index
        %swap3A_622 = tpu.vector_load %arg8[%swap3A_620, %swap3A_621] {strides = array<i32>} : memref<512x64xf32, #tpu.memory_space<vmem>>, vector<1x16xf32>,
        %swap3A_623 = vector.shape_cast %swap3A_622 : vector<1x16xf32> to vector<16xf32>
        %swap3A_624 = vector.shape_cast %add3A_619 : vector<16xf32> to vector<1x16xf32>
        tpu.vector_store %arg8[%swap3A_620, %swap3A_621], %swap3A_624 {strides = array<i32>} : memref<512x64xf32, #tpu.memory_space<vmem>>, vector<1x16xf32>,
        %get3A_625 = arith.index_cast %scan3A_598 : i32 to index
        %get3A_626 = arith.constant 32 : index
        %get3A_627 = tpu.vector_load %arg8[%get3A_625, %get3A_626] {strides = array<i32>} : memref<512x64xf32, #tpu.memory_space<vmem>>, vector<1x16xf32>,
        %get3A_628 = vector.shape_cast %get3A_627 : vector<1x16xf32> to vector<16xf32>
        %mul3A_629 = arith.constant 8.000000e+00 : f32
        %mul3A_630 = vector.broadcast %mul3A_629 : f32 to vector<16xf32>
        %mul3A_631 = arith.mulf %get3A_628, %mul3A_630 : vector<16xf32>
        %add3A_632 = arith.addf %mul3A_631, %get3A_286 : vector<16xf32>
        %swap3A_633 = arith.index_cast %scan3A_598 : i32 to index
        %swap3A_634 = arith.constant 32 : index
        %swap3A_635 = tpu.vector_load %arg8[%swap3A_633, %swap3A_634] {strides = array<i32>} : memref<512x64xf32, #tpu.memory_space<vmem>>, vector<1x16xf32>,
        %swap3A_636 = vector.shape_cast %swap3A_635 : vector<1x16xf32> to vector<16xf32>
        %swap3A_637 = vector.shape_cast %add3A_632 : vector<16xf32> to vector<1x16xf32>
        tpu.vector_store %arg8[%swap3A_633, %swap3A_634], %swap3A_637 {strides = array<i32>} : memref<512x64xf32, #tpu.memory_space<vmem>>, vector<1x16xf32>,
        %get3A_638 = arith.index_cast %scan3A_598 : i32 to index
        %get3A_639 = arith.constant 48 : index
        %get3A_640 = tpu.vector_load %arg8[%get3A_638, %get3A_639] {strides = array<i32>} : memref<512x64xf32, #tpu.memory_space<vmem>>, vector<1x16xf32>,
        %get3A_641 = vector.shape_cast %get3A_640 : vector<1x16xf32> to vector<16xf32>
        %mul3A_642 = arith.constant 8.000000e+00 : f32
        %mul3A_643 = vector.broadcast %mul3A_642 : f32 to vector<16xf32>
        %mul3A_644 = arith.mulf %get3A_641, %mul3A_643 : vector<16xf32>
        %add3A_645 = arith.addf %mul3A_644, %get3A_290 : vector<16xf32>
        %swap3A_646 = arith.index_cast %scan3A_598 : i32 to index
        %swap3A_647 = arith.constant 48 : index
        %swap3A_648 = tpu.vector_load %arg8[%swap3A_646, %swap3A_647] {strides = array<i32>} : memref<512x64xf32, #tpu.memory_space<vmem>>, vector<1x16xf32>,
        %swap3A_649 = vector.shape_cast %swap3A_648 : vector<1x16xf32> to vector<16xf32>
        %swap3A_650 = vector.shape_cast %add3A_645 : vector<16xf32> to vector<1x16xf32>
        tpu.vector_store %arg8[%swap3A_646, %swap3A_647], %swap3A_650 {strides = array<i32>} : memref<512x64xf32, #tpu.memory_space<vmem>>, vector<1x16xf32>,
        %scan3A_651 = arith.constant 5 : i32
        %scan3A_652 = arith.addi %scan3A_383, %scan3A_651 : i32
        %get3A_653 = arith.index_cast %scan3A_652 : i32 to index
        %get3A_654 = arith.constant 0 : index
        %get3A_655 = tpu.vector_load %arg8[%get3A_653, %get3A_654] {strides = array<i32>} : memref<512x64xf32, #tpu.memory_space<vmem>>, vector<1x16xf32>,
        %get3A_656 = vector.shape_cast %get3A_655 : vector<1x16xf32> to vector<16xf32>
        %mul3A_657 = arith.constant 8.000000e+00 : f32
        %mul3A_658 = vector.broadcast %mul3A_657 : f32 to vector<16xf32>
        %mul3A_659 = arith.mulf %get3A_656, %mul3A_658 : vector<16xf32>
        %add3A_660 = arith.addf %mul3A_659, %get3A_278 : vector<16xf32>
        %swap3A_661 = arith.index_cast %scan3A_652 : i32 to index
        %swap3A_662 = arith.constant 0 : index
        %swap3A_663 = tpu.vector_load %arg8[%swap3A_661, %swap3A_662] {strides = array<i32>} : memref<512x64xf32, #tpu.memory_space<vmem>>, vector<1x16xf32>,
        %swap3A_664 = vector.shape_cast %swap3A_663 : vector<1x16xf32> to vector<16xf32>
        %swap3A_665 = vector.shape_cast %add3A_660 : vector<16xf32> to vector<1x16xf32>
        tpu.vector_store %arg8[%swap3A_661, %swap3A_662], %swap3A_665 {strides = array<i32>} : memref<512x64xf32, #tpu.memory_space<vmem>>, vector<1x16xf32>,
        %get3A_666 = arith.index_cast %scan3A_652 : i32 to index
        %get3A_667 = arith.constant 16 : index
        %get3A_668 = tpu.vector_load %arg8[%get3A_666, %get3A_667] {strides = array<i32>} : memref<512x64xf32, #tpu.memory_space<vmem>>, vector<1x16xf32>,
        %get3A_669 = vector.shape_cast %get3A_668 : vector<1x16xf32> to vector<16xf32>
        %mul3A_670 = arith.constant 8.000000e+00 : f32
        %mul3A_671 = vector.broadcast %mul3A_670 : f32 to vector<16xf32>
        %mul3A_672 = arith.mulf %get3A_669, %mul3A_671 : vector<16xf32>
        %add3A_673 = arith.addf %mul3A_672, %get3A_282 : vector<16xf32>
        %swap3A_674 = arith.index_cast %scan3A_652 : i32 to index
        %swap3A_675 = arith.constant 16 : index
        %swap3A_676 = tpu.vector_load %arg8[%swap3A_674, %swap3A_675] {strides = array<i32>} : memref<512x64xf32, #tpu.memory_space<vmem>>, vector<1x16xf32>,
        %swap3A_677 = vector.shape_cast %swap3A_676 : vector<1x16xf32> to vector<16xf32>
        %swap3A_678 = vector.shape_cast %add3A_673 : vector<16xf32> to vector<1x16xf32>
        tpu.vector_store %arg8[%swap3A_674, %swap3A_675], %swap3A_678 {strides = array<i32>} : memref<512x64xf32, #tpu.memory_space<vmem>>, vector<1x16xf32>,
        %get3A_679 = arith.index_cast %scan3A_652 : i32 to index
        %get3A_680 = arith.constant 32 : index
        %get3A_681 = tpu.vector_load %arg8[%get3A_679, %get3A_680] {strides = array<i32>} : memref<512x64xf32, #tpu.memory_space<vmem>>, vector<1x16xf32>,
        %get3A_682 = vector.shape_cast %get3A_681 : vector<1x16xf32> to vector<16xf32>
        %mul3A_683 = arith.constant 8.000000e+00 : f32
        %mul3A_684 = vector.broadcast %mul3A_683 : f32 to vector<16xf32>
        %mul3A_685 = arith.mulf %get3A_682, %mul3A_684 : vector<16xf32>
        %add3A_686 = arith.addf %mul3A_685, %get3A_286 : vector<16xf32>
        %swap3A_687 = arith.index_cast %scan3A_652 : i32 to index
        %swap3A_688 = arith.constant 32 : index
        %swap3A_689 = tpu.vector_load %arg8[%swap3A_687, %swap3A_688] {strides = array<i32>} : memref<512x64xf32, #tpu.memory_space<vmem>>, vector<1x16xf32>,
        %swap3A_690 = vector.shape_cast %swap3A_689 : vector<1x16xf32> to vector<16xf32>
        %swap3A_691 = vector.shape_cast %add3A_686 : vector<16xf32> to vector<1x16xf32>
        tpu.vector_store %arg8[%swap3A_687, %swap3A_688], %swap3A_691 {strides = array<i32>} : memref<512x64xf32, #tpu.memory_space<vmem>>, vector<1x16xf32>,
        %get3A_692 = arith.index_cast %scan3A_652 : i32 to index
        %get3A_693 = arith.constant 48 : index
        %get3A_694 = tpu.vector_load %arg8[%get3A_692, %get3A_693] {strides = array<i32>} : memref<512x64xf32, #tpu.memory_space<vmem>>, vector<1x16xf32>,
        %get3A_695 = vector.shape_cast %get3A_694 : vector<1x16xf32> to vector<16xf32>
        %mul3A_696 = arith.constant 8.000000e+00 : f32
        %mul3A_697 = vector.broadcast %mul3A_696 : f32 to vector<16xf32>
        %mul3A_698 = arith.mulf %get3A_695, %mul3A_697 : vector<16xf32>
        %add3A_699 = arith.addf %mul3A_698, %get3A_290 : vector<16xf32>
        %swap3A_700 = arith.index_cast %scan3A_652 : i32 to index
        %swap3A_701 = arith.constant 48 : index
        %swap3A_702 = tpu.vector_load %arg8[%swap3A_700, %swap3A_701] {strides = array<i32>} : memref<512x64xf32, #tpu.memory_space<vmem>>, vector<1x16xf32>,
        %swap3A_703 = vector.shape_cast %swap3A_702 : vector<1x16xf32> to vector<16xf32>
        %swap3A_704 = vector.shape_cast %add3A_699 : vector<16xf32> to vector<1x16xf32>
        tpu.vector_store %arg8[%swap3A_700, %swap3A_701], %swap3A_704 {strides = array<i32>} : memref<512x64xf32, #tpu.memory_space<vmem>>, vector<1x16xf32>,
        %scan3A_705 = arith.constant 6 : i32
        %scan3A_706 = arith.addi %scan3A_383, %scan3A_705 : i32
        %get3A_707 = arith.index_cast %scan3A_706 : i32 to index
        %get3A_708 = arith.constant 0 : index
        %get3A_709 = tpu.vector_load %arg8[%get3A_707, %get3A_708] {strides = array<i32>} : memref<512x64xf32, #tpu.memory_space<vmem>>, vector<1x16xf32>,
        %get3A_710 = vector.shape_cast %get3A_709 : vector<1x16xf32> to vector<16xf32>
        %mul3A_711 = arith.constant 8.000000e+00 : f32
        %mul3A_712 = vector.broadcast %mul3A_711 : f32 to vector<16xf32>
        %mul3A_713 = arith.mulf %get3A_710, %mul3A_712 : vector<16xf32>
        %add3A_714 = arith.addf %mul3A_713, %get3A_278 : vector<16xf32>
        %swap3A_715 = arith.index_cast %scan3A_706 : i32 to index
        %swap3A_716 = arith.constant 0 : index
        %swap3A_717 = tpu.vector_load %arg8[%swap3A_715, %swap3A_716] {strides = array<i32>} : memref<512x64xf32, #tpu.memory_space<vmem>>, vector<1x16xf32>,
        %swap3A_718 = vector.shape_cast %swap3A_717 : vector<1x16xf32> to vector<16xf32>
        %swap3A_719 = vector.shape_cast %add3A_714 : vector<16xf32> to vector<1x16xf32>
        tpu.vector_store %arg8[%swap3A_715, %swap3A_716], %swap3A_719 {strides = array<i32>} : memref<512x64xf32, #tpu.memory_space<vmem>>, vector<1x16xf32>,
        %get3A_720 = arith.index_cast %scan3A_706 : i32 to index
        %get3A_721 = arith.constant 16 : index
        %get3A_722 = tpu.vector_load %arg8[%get3A_720, %get3A_721] {strides = array<i32>} : memref<512x64xf32, #tpu.memory_space<vmem>>, vector<1x16xf32>,
        %get3A_723 = vector.shape_cast %get3A_722 : vector<1x16xf32> to vector<16xf32>
        %mul3A_724 = arith.constant 8.000000e+00 : f32
        %mul3A_725 = vector.broadcast %mul3A_724 : f32 to vector<16xf32>
        %mul3A_726 = arith.mulf %get3A_723, %mul3A_725 : vector<16xf32>
        %add3A_727 = arith.addf %mul3A_726, %get3A_282 : vector<16xf32>
        %swap3A_728 = arith.index_cast %scan3A_706 : i32 to index
        %swap3A_729 = arith.constant 16 : index
        %swap3A_730 = tpu.vector_load %arg8[%swap3A_728, %swap3A_729] {strides = array<i32>} : memref<512x64xf32, #tpu.memory_space<vmem>>, vector<1x16xf32>,
        %swap3A_731 = vector.shape_cast %swap3A_730 : vector<1x16xf32> to vector<16xf32>
        %swap3A_732 = vector.shape_cast %add3A_727 : vector<16xf32> to vector<1x16xf32>
        tpu.vector_store %arg8[%swap3A_728, %swap3A_729], %swap3A_732 {strides = array<i32>} : memref<512x64xf32, #tpu.memory_space<vmem>>, vector<1x16xf32>,
        %get3A_733 = arith.index_cast %scan3A_706 : i32 to index
        %get3A_734 = arith.constant 32 : index
        %get3A_735 = tpu.vector_load %arg8[%get3A_733, %get3A_734] {strides = array<i32>} : memref<512x64xf32, #tpu.memory_space<vmem>>, vector<1x16xf32>,
        %get3A_736 = vector.shape_cast %get3A_735 : vector<1x16xf32> to vector<16xf32>
        %mul3A_737 = arith.constant 8.000000e+00 : f32
        %mul3A_738 = vector.broadcast %mul3A_737 : f32 to vector<16xf32>
        %mul3A_739 = arith.mulf %get3A_736, %mul3A_738 : vector<16xf32>
        %add3A_740 = arith.addf %mul3A_739, %get3A_286 : vector<16xf32>
        %swap3A_741 = arith.index_cast %scan3A_706 : i32 to index
        %swap3A_742 = arith.constant 32 : index
        %swap3A_743 = tpu.vector_load %arg8[%swap3A_741, %swap3A_742] {strides = array<i32>} : memref<512x64xf32, #tpu.memory_space<vmem>>, vector<1x16xf32>,
        %swap3A_744 = vector.shape_cast %swap3A_743 : vector<1x16xf32> to vector<16xf32>
        %swap3A_745 = vector.shape_cast %add3A_740 : vector<16xf32> to vector<1x16xf32>
        tpu.vector_store %arg8[%swap3A_741, %swap3A_742], %swap3A_745 {strides = array<i32>} : memref<512x64xf32, #tpu.memory_space<vmem>>, vector<1x16xf32>,
        %get3A_746 = arith.index_cast %scan3A_706 : i32 to index
        %get3A_747 = arith.constant 48 : index
        %get3A_748 = tpu.vector_load %arg8[%get3A_746, %get3A_747] {strides = array<i32>} : memref<512x64xf32, #tpu.memory_space<vmem>>, vector<1x16xf32>,
        %get3A_749 = vector.shape_cast %get3A_748 : vector<1x16xf32> to vector<16xf32>
        %mul3A_750 = arith.constant 8.000000e+00 : f32
        %mul3A_751 = vector.broadcast %mul3A_750 : f32 to vector<16xf32>
        %mul3A_752 = arith.mulf %get3A_749, %mul3A_751 : vector<16xf32>
        %add3A_753 = arith.addf %mul3A_752, %get3A_290 : vector<16xf32>
        %swap3A_754 = arith.index_cast %scan3A_706 : i32 to index
        %swap3A_755 = arith.constant 48 : index
        %swap3A_756 = tpu.vector_load %arg8[%swap3A_754, %swap3A_755] {strides = array<i32>} : memref<512x64xf32, #tpu.memory_space<vmem>>, vector<1x16xf32>,
        %swap3A_757 = vector.shape_cast %swap3A_756 : vector<1x16xf32> to vector<16xf32>
        %swap3A_758 = vector.shape_cast %add3A_753 : vector<16xf32> to vector<1x16xf32>
        tpu.vector_store %arg8[%swap3A_754, %swap3A_755], %swap3A_758 {strides = array<i32>} : memref<512x64xf32, #tpu.memory_space<vmem>>, vector<1x16xf32>,
        %scan3A_759 = arith.constant 7 : i32
        %scan3A_760 = arith.addi %scan3A_383, %scan3A_759 : i32
        %get3A_761 = arith.index_cast %scan3A_760 : i32 to index
        %get3A_762 = arith.constant 0 : index
        %get3A_763 = tpu.vector_load %arg8[%get3A_761, %get3A_762] {strides = array<i32>} : memref<512x64xf32, #tpu.memory_space<vmem>>, vector<1x16xf32>,
        %get3A_764 = vector.shape_cast %get3A_763 : vector<1x16xf32> to vector<16xf32>
        %mul3A_765 = arith.constant 8.000000e+00 : f32
        %mul3A_766 = vector.broadcast %mul3A_765 : f32 to vector<16xf32>
        %mul3A_767 = arith.mulf %get3A_764, %mul3A_766 : vector<16xf32>
        %add3A_768 = arith.addf %mul3A_767, %get3A_278 : vector<16xf32>
        %swap3A_769 = arith.index_cast %scan3A_760 : i32 to index
        %swap3A_770 = arith.constant 0 : index
        %swap3A_771 = tpu.vector_load %arg8[%swap3A_769, %swap3A_770] {strides = array<i32>} : memref<512x64xf32, #tpu.memory_space<vmem>>, vector<1x16xf32>,
        %swap3A_772 = vector.shape_cast %swap3A_771 : vector<1x16xf32> to vector<16xf32>
        %swap3A_773 = vector.shape_cast %add3A_768 : vector<16xf32> to vector<1x16xf32>
        tpu.vector_store %arg8[%swap3A_769, %swap3A_770], %swap3A_773 {strides = array<i32>} : memref<512x64xf32, #tpu.memory_space<vmem>>, vector<1x16xf32>,
        %get3A_774 = arith.index_cast %scan3A_760 : i32 to index
        %get3A_775 = arith.constant 16 : index
        %get3A_776 = tpu.vector_load %arg8[%get3A_774, %get3A_775] {strides = array<i32>} : memref<512x64xf32, #tpu.memory_space<vmem>>, vector<1x16xf32>,
        %get3A_777 = vector.shape_cast %get3A_776 : vector<1x16xf32> to vector<16xf32>
        %mul3A_778 = arith.constant 8.000000e+00 : f32
        %mul3A_779 = vector.broadcast %mul3A_778 : f32 to vector<16xf32>
        %mul3A_780 = arith.mulf %get3A_777, %mul3A_779 : vector<16xf32>
        %add3A_781 = arith.addf %mul3A_780, %get3A_282 : vector<16xf32>
        %swap3A_782 = arith.index_cast %scan3A_760 : i32 to index
        %swap3A_783 = arith.constant 16 : index
        %swap3A_784 = tpu.vector_load %arg8[%swap3A_782, %swap3A_783] {strides = array<i32>} : memref<512x64xf32, #tpu.memory_space<vmem>>, vector<1x16xf32>,
        %swap3A_785 = vector.shape_cast %swap3A_784 : vector<1x16xf32> to vector<16xf32>
        %swap3A_786 = vector.shape_cast %add3A_781 : vector<16xf32> to vector<1x16xf32>
        tpu.vector_store %arg8[%swap3A_782, %swap3A_783], %swap3A_786 {strides = array<i32>} : memref<512x64xf32, #tpu.memory_space<vmem>>, vector<1x16xf32>,
        %get3A_787 = arith.index_cast %scan3A_760 : i32 to index
        %get3A_788 = arith.constant 32 : index
        %get3A_789 = tpu.vector_load %arg8[%get3A_787, %get3A_788] {strides = array<i32>} : memref<512x64xf32, #tpu.memory_space<vmem>>, vector<1x16xf32>,
        %get3A_790 = vector.shape_cast %get3A_789 : vector<1x16xf32> to vector<16xf32>
        %mul3A_791 = arith.constant 8.000000e+00 : f32
        %mul3A_792 = vector.broadcast %mul3A_791 : f32 to vector<16xf32>
        %mul3A_793 = arith.mulf %get3A_790, %mul3A_792 : vector<16xf32>
        %add3A_794 = arith.addf %mul3A_793, %get3A_286 : vector<16xf32>
        %swap3A_795 = arith.index_cast %scan3A_760 : i32 to index
        %swap3A_796 = arith.constant 32 : index
        %swap3A_797 = tpu.vector_load %arg8[%swap3A_795, %swap3A_796] {strides = array<i32>} : memref<512x64xf32, #tpu.memory_space<vmem>>, vector<1x16xf32>,
        %swap3A_798 = vector.shape_cast %swap3A_797 : vector<1x16xf32> to vector<16xf32>
        %swap3A_799 = vector.shape_cast %add3A_794 : vector<16xf32> to vector<1x16xf32>
        tpu.vector_store %arg8[%swap3A_795, %swap3A_796], %swap3A_799 {strides = array<i32>} : memref<512x64xf32, #tpu.memory_space<vmem>>, vector<1x16xf32>,
        %get3A_800 = arith.index_cast %scan3A_760 : i32 to index
        %get3A_801 = arith.constant 48 : index
        %get3A_802 = tpu.vector_load %arg8[%get3A_800, %get3A_801] {strides = array<i32>} : memref<512x64xf32, #tpu.memory_space<vmem>>, vector<1x16xf32>,
        %get3A_803 = vector.shape_cast %get3A_802 : vector<1x16xf32> to vector<16xf32>
        %mul3A_804 = arith.constant 8.000000e+00 : f32
        %mul3A_805 = vector.broadcast %mul3A_804 : f32 to vector<16xf32>
        %mul3A_806 = arith.mulf %get3A_803, %mul3A_805 : vector<16xf32>
        %add3A_807 = arith.addf %mul3A_806, %get3A_290 : vector<16xf32>
        %swap3A_808 = arith.index_cast %scan3A_760 : i32 to index
        %swap3A_809 = arith.constant 48 : index
        %swap3A_810 = tpu.vector_load %arg8[%swap3A_808, %swap3A_809] {strides = array<i32>} : memref<512x64xf32, #tpu.memory_space<vmem>>, vector<1x16xf32>,
        %swap3A_811 = vector.shape_cast %swap3A_810 : vector<1x16xf32> to vector<16xf32>
        %swap3A_812 = vector.shape_cast %add3A_807 : vector<16xf32> to vector<1x16xf32>
        tpu.vector_store %arg8[%swap3A_808, %swap3A_809], %swap3A_812 {strides = array<i32>} : memref<512x64xf32, #tpu.memory_space<vmem>>, vector<1x16xf32>,
      }
      %scan3A_295 = arith.constant 512 : i32
      %dma_start3A_296 = arith.constant 0 : i32
      %dma_start3A_297 = tpu.memref_slice %arg5[%add3A_249, %dma_start3A_296] : memref<819200x128xf32, #tpu.memory_space<hbm>> -> memref<512x64xf32, #tpu.memory_space<hbm>>
      %dma_start3A_298 = arith.constant 0 : i32
      %dma_start3A_299 = tpu.memref_slice %arg5[%add3A_249, %dma_start3A_298] : memref<819200x128xf32, #tpu.memory_space<hbm>> -> memref<512x64xf32, #tpu.memory_space<hbm>>
      tpu.enqueue_dma source(%arg8 : memref<512x64xf32, #tpu.memory_space<vmem>>) target(%dma_start3A_299 : memref<512x64xf32, #tpu.memory_space<hbm>>) target_semaphore(%arg15 : memref<!tpu.dma_semaphore, #tpu.memory_space<semaphore_mem>>)
      %ge3A_300 = arith.constant 1 : i32
      %ge3A_301 = arith.cmpi sge, %add3A_240, %ge3A_300 : i32
      %add3A_302 = arith.constant 2 : i32
      %add3A_303 = arith.addi %add3A_240, %add3A_302 : i32
      %lt3A_304 = arith.constant 50 : i32
      %lt3A_305 = arith.cmpi slt, %add3A_303, %lt3A_304 : i32
      %and3A_306 = arith.andi %ge3A_301, %lt3A_305 : i1
      %convert_element_type3A_307 = arith.extui %and3A_306 : i1 to i32
      %cond3A_308 = arith.constant 0 : i32
      %cond3A_309 = arith.cmpi ne, %convert_element_type3A_307, %cond3A_308 : i32
      scf.if %cond3A_309 {
        %dma_wait3A_383 = arith.constant 0 : i32
        %dma_wait3A_384 = arith.constant 0 : i32
        %dma_wait3A_385 = tpu.memref_slice %arg5[%dma_wait3A_383, %dma_wait3A_384] : memref<819200x128xf32, #tpu.memory_space<hbm>> -> memref<512x64xf32, #tpu.memory_space<hbm>>
        %dma_wait3A_386 = arith.constant 0 : i32
        %dma_wait3A_387 = arith.constant 0 : i32
        %dma_wait3A_388 = tpu.memref_slice %arg5[%dma_wait3A_386, %dma_wait3A_387] : memref<819200x128xf32, #tpu.memory_space<hbm>> -> memref<512x64xf32, #tpu.memory_space<hbm>>
        tpu.wait_dma2 semaphore(%arg14 : memref<!tpu.dma_semaphore, #tpu.memory_space<semaphore_mem>>) src(%arg7 : memref<512x64xf32, #tpu.memory_space<vmem>>) dst(%dma_wait3A_388 : memref<512x64xf32, #tpu.memory_space<hbm>>)
        %add3A_389 = arith.constant 2 : i32
        %add3A_390 = arith.addi %add3A_240, %add3A_389 : i32
        %mul3A_391 = arith.constant 512 : i32
        %mul3A_392 = arith.muli %add3A_390, %mul3A_391 : i32
        %dma_start3A_393 = tpu.memref_slice %arg6[%mul3A_392] : memref<25600xi32, #tpu.memory_space<vmem>> -> memref<512xi32, #tpu.memory_space<vmem>>
        %dma_start3A_394 = arith.constant 0 : i32
        %dma_start3A_395 = arith.constant 0 : i32
        %dma_start3A_396 = tpu.memref_slice %arg3[%dma_start3A_394, %dma_start3A_395] : memref<1000000x64xf32, #tpu.memory_space<hbm>> -> memref<1000000x64xf32, #tpu.memory_space<hbm>>
        tpu.enqueue_indirect_dma source(%dma_start3A_396 : memref<1000000x64xf32, #tpu.memory_space<hbm>>) target(%arg7 : memref<512x64xf32, #tpu.memory_space<vmem>>) offsets(%dma_start3A_393 : memref<512xi32, #tpu.memory_space<vmem>>) semaphore(%arg11 : memref<!tpu.dma_semaphore, #tpu.memory_space<semaphore_mem>>)
      } else {
      }
      %mul3A_310 = arith.constant 3 : i32
      %mul3A_311 = arith.muli %scan3A_167, %mul3A_310 : i32
      %add3A_312 = arith.constant 2 : i32
      %add3A_313 = arith.addi %mul3A_311, %add3A_312 : i32
      %mul3A_314 = arith.constant 512 : i32
      %mul3A_315 = arith.muli %add3A_313, %mul3A_314 : i32
      %dma_wait3A_316 = tpu.memref_slice %arg6[%mul3A_315] : memref<25600xi32, #tpu.memory_space<vmem>> -> memref<512xi32, #tpu.memory_space<vmem>>
      %dma_wait3A_317 = arith.constant 0 : i32
      %dma_wait3A_318 = arith.constant 0 : i32
      %dma_wait3A_319 = tpu.memref_slice %arg3[%dma_wait3A_317, %dma_wait3A_318] : memref<1000000x64xf32, #tpu.memory_space<hbm>> -> memref<1000000x64xf32, #tpu.memory_space<hbm>>
      tpu.wait_indirect_dma semaphore(%arg13 : memref<!tpu.dma_semaphore, #tpu.memory_space<semaphore_mem>>) src(%dma_wait3A_319 : memref<1000000x64xf32, #tpu.memory_space<hbm>>) dst(%arg9 : memref<512x64xf32, #tpu.memory_space<vmem>>)
      %mul3A_320 = arith.constant 512 : i32
      %mul3A_321 = arith.muli %add3A_313, %mul3A_320 : i32
      %add3A_322 = arith.addi %mul3A_2, %mul3A_321 : i32
      %jit3A_323 = arith.constant 4096 : i32
      %div3A_324 = arith.divsi %add3A_322, %jit3A_323 : i32
      %sign3A_325 = arith.constant 0 : i32
      %sign3A_326 = arith.cmpi sgt, %add3A_322, %sign3A_325 : i32
      %sign3A_327 = arith.extui %sign3A_326 : i1 to i32
      %sign3A_328 = arith.constant 0 : i32
      %sign3A_329 = arith.cmpi slt, %add3A_322, %sign3A_328 : i32
      %sign3A_330 = arith.extui %sign3A_329 : i1 to i32
      %sign3A_331 = arith.subi %sign3A_327, %sign3A_330 : i32
      %sign3A_332 = arith.constant 0 : i32
      %sign3A_333 = arith.cmpi sgt, %jit3A_323, %sign3A_332 : i32
      %sign3A_334 = arith.extui %sign3A_333 : i1 to i32
      %sign3A_335 = arith.constant 0 : i32
      %sign3A_336 = arith.cmpi slt, %jit3A_323, %sign3A_335 : i32
      %sign3A_337 = arith.extui %sign3A_336 : i1 to i32
      %sign3A_338 = arith.subi %sign3A_334, %sign3A_337 : i32
      %ne3A_339 = arith.cmpi ne, %sign3A_331, %sign3A_338 : i32
      %rem3A_340 = arith.remsi %add3A_322, %jit3A_323 : i32
      %ne3A_341 = arith.constant 0 : i32
      %ne3A_342 = arith.cmpi ne, %rem3A_340, %ne3A_341 : i32
      %and3A_343 = arith.andi %ne3A_339, %ne3A_342 : i1
      %sub3A_344 = arith.constant 1 : i32
      %sub3A_345 = arith.subi %div3A_324, %sub3A_344 : i32
      %select_n3A_346 = arith.select %and3A_343, %sub3A_345, %div3A_324 : i32
      %sub3A_347 = arith.subi %select_n3A_346, %select_n3A : i32
      %get3A_348 = arith.index_cast %sub3A_347 : i32 to index
      %get3A_349 = arith.constant 0 : index
      %get3A_350 = tpu.vector_load %arg10[%get3A_348, %get3A_349] {strides = array<i32>} : memref<7x64xf32, #tpu.memory_space<vmem>>, vector<1x16xf32>,
      %get3A_351 = vector.shape_cast %get3A_350 : vector<1x16xf32> to vector<16xf32>
      %get3A_352 = arith.index_cast %sub3A_347 : i32 to index
      %get3A_353 = arith.constant 16 : index
      %get3A_354 = tpu.vector_load %arg10[%get3A_352, %get3A_353] {strides = array<i32>} : memref<7x64xf32, #tpu.memory_space<vmem>>, vector<1x16xf32>,
      %get3A_355 = vector.shape_cast %get3A_354 : vector<1x16xf32> to vector<16xf32>
      %get3A_356 = arith.index_cast %sub3A_347 : i32 to index
      %get3A_357 = arith.constant 32 : index
      %get3A_358 = tpu.vector_load %arg10[%get3A_356, %get3A_357] {strides = array<i32>} : memref<7x64xf32, #tpu.memory_space<vmem>>, vector<1x16xf32>,
      %get3A_359 = vector.shape_cast %get3A_358 : vector<1x16xf32> to vector<16xf32>
      %get3A_360 = arith.index_cast %sub3A_347 : i32 to index
      %get3A_361 = arith.constant 48 : index
      %get3A_362 = tpu.vector_load %arg10[%get3A_360, %get3A_361] {strides = array<i32>} : memref<7x64xf32, #tpu.memory_space<vmem>>, vector<1x16xf32>,
      %get3A_363 = vector.shape_cast %get3A_362 : vector<1x16xf32> to vector<16xf32>
      %scan3A_364 = arith.constant 0 : i32
      %scan3A_365 = arith.constant 512 : i32
      %scan3A_366 = arith.addi %scan3A_364, %scan3A_365 : i32
      %scan3A_367 = arith.constant 8 : i32
      scf.for %scan3A_383 = %scan3A_364 to %scan3A_366 step %scan3A_367  : i32 {
        %get3A_384 = arith.index_cast %scan3A_383 : i32 to index
        %get3A_385 = arith.constant 0 : index
        %get3A_386 = tpu.vector_load %arg9[%get3A_384, %get3A_385] {strides = array<i32>} : memref<512x64xf32, #tpu.memory_space<vmem>>, vector<1x16xf32>,
        %get3A_387 = vector.shape_cast %get3A_386 : vector<1x16xf32> to vector<16xf32>
        %mul3A_388 = arith.constant 8.000000e+00 : f32
        %mul3A_389 = vector.broadcast %mul3A_388 : f32 to vector<16xf32>
        %mul3A_390 = arith.mulf %get3A_387, %mul3A_389 : vector<16xf32>
        %add3A_391 = arith.addf %mul3A_390, %get3A_351 : vector<16xf32>
        %swap3A = arith.index_cast %scan3A_383 : i32 to index
        %swap3A_392 = arith.constant 0 : index
        %swap3A_393 = tpu.vector_load %arg9[%swap3A, %swap3A_392] {strides = array<i32>} : memref<512x64xf32, #tpu.memory_space<vmem>>, vector<1x16xf32>,
        %swap3A_394 = vector.shape_cast %swap3A_393 : vector<1x16xf32> to vector<16xf32>
        %swap3A_395 = vector.shape_cast %add3A_391 : vector<16xf32> to vector<1x16xf32>
        tpu.vector_store %arg9[%swap3A, %swap3A_392], %swap3A_395 {strides = array<i32>} : memref<512x64xf32, #tpu.memory_space<vmem>>, vector<1x16xf32>,
        %get3A_396 = arith.index_cast %scan3A_383 : i32 to index
        %get3A_397 = arith.constant 16 : index
        %get3A_398 = tpu.vector_load %arg9[%get3A_396, %get3A_397] {strides = array<i32>} : memref<512x64xf32, #tpu.memory_space<vmem>>, vector<1x16xf32>,
        %get3A_399 = vector.shape_cast %get3A_398 : vector<1x16xf32> to vector<16xf32>
        %mul3A_400 = arith.constant 8.000000e+00 : f32
        %mul3A_401 = vector.broadcast %mul3A_400 : f32 to vector<16xf32>
        %mul3A_402 = arith.mulf %get3A_399, %mul3A_401 : vector<16xf32>
        %add3A_403 = arith.addf %mul3A_402, %get3A_355 : vector<16xf32>
        %swap3A_404 = arith.index_cast %scan3A_383 : i32 to index
        %swap3A_405 = arith.constant 16 : index
        %swap3A_406 = tpu.vector_load %arg9[%swap3A_404, %swap3A_405] {strides = array<i32>} : memref<512x64xf32, #tpu.memory_space<vmem>>, vector<1x16xf32>,
        %swap3A_407 = vector.shape_cast %swap3A_406 : vector<1x16xf32> to vector<16xf32>
        %swap3A_408 = vector.shape_cast %add3A_403 : vector<16xf32> to vector<1x16xf32>
        tpu.vector_store %arg9[%swap3A_404, %swap3A_405], %swap3A_408 {strides = array<i32>} : memref<512x64xf32, #tpu.memory_space<vmem>>, vector<1x16xf32>,
        %get3A_409 = arith.index_cast %scan3A_383 : i32 to index
        %get3A_410 = arith.constant 32 : index
        %get3A_411 = tpu.vector_load %arg9[%get3A_409, %get3A_410] {strides = array<i32>} : memref<512x64xf32, #tpu.memory_space<vmem>>, vector<1x16xf32>,
        %get3A_412 = vector.shape_cast %get3A_411 : vector<1x16xf32> to vector<16xf32>
        %mul3A_413 = arith.constant 8.000000e+00 : f32
        %mul3A_414 = vector.broadcast %mul3A_413 : f32 to vector<16xf32>
        %mul3A_415 = arith.mulf %get3A_412, %mul3A_414 : vector<16xf32>
        %add3A_416 = arith.addf %mul3A_415, %get3A_359 : vector<16xf32>
        %swap3A_417 = arith.index_cast %scan3A_383 : i32 to index
        %swap3A_418 = arith.constant 32 : index
        %swap3A_419 = tpu.vector_load %arg9[%swap3A_417, %swap3A_418] {strides = array<i32>} : memref<512x64xf32, #tpu.memory_space<vmem>>, vector<1x16xf32>,
        %swap3A_420 = vector.shape_cast %swap3A_419 : vector<1x16xf32> to vector<16xf32>
        %swap3A_421 = vector.shape_cast %add3A_416 : vector<16xf32> to vector<1x16xf32>
        tpu.vector_store %arg9[%swap3A_417, %swap3A_418], %swap3A_421 {strides = array<i32>} : memref<512x64xf32, #tpu.memory_space<vmem>>, vector<1x16xf32>,
        %get3A_422 = arith.index_cast %scan3A_383 : i32 to index
        %get3A_423 = arith.constant 48 : index
        %get3A_424 = tpu.vector_load %arg9[%get3A_422, %get3A_423] {strides = array<i32>} : memref<512x64xf32, #tpu.memory_space<vmem>>, vector<1x16xf32>,
        %get3A_425 = vector.shape_cast %get3A_424 : vector<1x16xf32> to vector<16xf32>
        %mul3A_426 = arith.constant 8.000000e+00 : f32
        %mul3A_427 = vector.broadcast %mul3A_426 : f32 to vector<16xf32>
        %mul3A_428 = arith.mulf %get3A_425, %mul3A_427 : vector<16xf32>
        %add3A_429 = arith.addf %mul3A_428, %get3A_363 : vector<16xf32>
        %swap3A_430 = arith.index_cast %scan3A_383 : i32 to index
        %swap3A_431 = arith.constant 48 : index
        %swap3A_432 = tpu.vector_load %arg9[%swap3A_430, %swap3A_431] {strides = array<i32>} : memref<512x64xf32, #tpu.memory_space<vmem>>, vector<1x16xf32>,
        %swap3A_433 = vector.shape_cast %swap3A_432 : vector<1x16xf32> to vector<16xf32>
        %swap3A_434 = vector.shape_cast %add3A_429 : vector<16xf32> to vector<1x16xf32>
        tpu.vector_store %arg9[%swap3A_430, %swap3A_431], %swap3A_434 {strides = array<i32>} : memref<512x64xf32, #tpu.memory_space<vmem>>, vector<1x16xf32>,
        %scan3A_435 = arith.constant 1 : i32
        %scan3A_436 = arith.addi %scan3A_383, %scan3A_435 : i32
        %get3A_437 = arith.index_cast %scan3A_436 : i32 to index
        %get3A_438 = arith.constant 0 : index
        %get3A_439 = tpu.vector_load %arg9[%get3A_437, %get3A_438] {strides = array<i32>} : memref<512x64xf32, #tpu.memory_space<vmem>>, vector<1x16xf32>,
        %get3A_440 = vector.shape_cast %get3A_439 : vector<1x16xf32> to vector<16xf32>
        %mul3A_441 = arith.constant 8.000000e+00 : f32
        %mul3A_442 = vector.broadcast %mul3A_441 : f32 to vector<16xf32>
        %mul3A_443 = arith.mulf %get3A_440, %mul3A_442 : vector<16xf32>
        %add3A_444 = arith.addf %mul3A_443, %get3A_351 : vector<16xf32>
        %swap3A_445 = arith.index_cast %scan3A_436 : i32 to index
        %swap3A_446 = arith.constant 0 : index
        %swap3A_447 = tpu.vector_load %arg9[%swap3A_445, %swap3A_446] {strides = array<i32>} : memref<512x64xf32, #tpu.memory_space<vmem>>, vector<1x16xf32>,
        %swap3A_448 = vector.shape_cast %swap3A_447 : vector<1x16xf32> to vector<16xf32>
        %swap3A_449 = vector.shape_cast %add3A_444 : vector<16xf32> to vector<1x16xf32>
        tpu.vector_store %arg9[%swap3A_445, %swap3A_446], %swap3A_449 {strides = array<i32>} : memref<512x64xf32, #tpu.memory_space<vmem>>, vector<1x16xf32>,
        %get3A_450 = arith.index_cast %scan3A_436 : i32 to index
        %get3A_451 = arith.constant 16 : index
        %get3A_452 = tpu.vector_load %arg9[%get3A_450, %get3A_451] {strides = array<i32>} : memref<512x64xf32, #tpu.memory_space<vmem>>, vector<1x16xf32>,
        %get3A_453 = vector.shape_cast %get3A_452 : vector<1x16xf32> to vector<16xf32>
        %mul3A_454 = arith.constant 8.000000e+00 : f32
        %mul3A_455 = vector.broadcast %mul3A_454 : f32 to vector<16xf32>
        %mul3A_456 = arith.mulf %get3A_453, %mul3A_455 : vector<16xf32>
        %add3A_457 = arith.addf %mul3A_456, %get3A_355 : vector<16xf32>
        %swap3A_458 = arith.index_cast %scan3A_436 : i32 to index
        %swap3A_459 = arith.constant 16 : index
        %swap3A_460 = tpu.vector_load %arg9[%swap3A_458, %swap3A_459] {strides = array<i32>} : memref<512x64xf32, #tpu.memory_space<vmem>>, vector<1x16xf32>,
        %swap3A_461 = vector.shape_cast %swap3A_460 : vector<1x16xf32> to vector<16xf32>
        %swap3A_462 = vector.shape_cast %add3A_457 : vector<16xf32> to vector<1x16xf32>
        tpu.vector_store %arg9[%swap3A_458, %swap3A_459], %swap3A_462 {strides = array<i32>} : memref<512x64xf32, #tpu.memory_space<vmem>>, vector<1x16xf32>,
        %get3A_463 = arith.index_cast %scan3A_436 : i32 to index
        %get3A_464 = arith.constant 32 : index
        %get3A_465 = tpu.vector_load %arg9[%get3A_463, %get3A_464] {strides = array<i32>} : memref<512x64xf32, #tpu.memory_space<vmem>>, vector<1x16xf32>,
        %get3A_466 = vector.shape_cast %get3A_465 : vector<1x16xf32> to vector<16xf32>
        %mul3A_467 = arith.constant 8.000000e+00 : f32
        %mul3A_468 = vector.broadcast %mul3A_467 : f32 to vector<16xf32>
        %mul3A_469 = arith.mulf %get3A_466, %mul3A_468 : vector<16xf32>
        %add3A_470 = arith.addf %mul3A_469, %get3A_359 : vector<16xf32>
        %swap3A_471 = arith.index_cast %scan3A_436 : i32 to index
        %swap3A_472 = arith.constant 32 : index
        %swap3A_473 = tpu.vector_load %arg9[%swap3A_471, %swap3A_472] {strides = array<i32>} : memref<512x64xf32, #tpu.memory_space<vmem>>, vector<1x16xf32>,
        %swap3A_474 = vector.shape_cast %swap3A_473 : vector<1x16xf32> to vector<16xf32>
        %swap3A_475 = vector.shape_cast %add3A_470 : vector<16xf32> to vector<1x16xf32>
        tpu.vector_store %arg9[%swap3A_471, %swap3A_472], %swap3A_475 {strides = array<i32>} : memref<512x64xf32, #tpu.memory_space<vmem>>, vector<1x16xf32>,
        %get3A_476 = arith.index_cast %scan3A_436 : i32 to index
        %get3A_477 = arith.constant 48 : index
        %get3A_478 = tpu.vector_load %arg9[%get3A_476, %get3A_477] {strides = array<i32>} : memref<512x64xf32, #tpu.memory_space<vmem>>, vector<1x16xf32>,
        %get3A_479 = vector.shape_cast %get3A_478 : vector<1x16xf32> to vector<16xf32>
        %mul3A_480 = arith.constant 8.000000e+00 : f32
        %mul3A_481 = vector.broadcast %mul3A_480 : f32 to vector<16xf32>
        %mul3A_482 = arith.mulf %get3A_479, %mul3A_481 : vector<16xf32>
        %add3A_483 = arith.addf %mul3A_482, %get3A_363 : vector<16xf32>
        %swap3A_484 = arith.index_cast %scan3A_436 : i32 to index
        %swap3A_485 = arith.constant 48 : index
        %swap3A_486 = tpu.vector_load %arg9[%swap3A_484, %swap3A_485] {strides = array<i32>} : memref<512x64xf32, #tpu.memory_space<vmem>>, vector<1x16xf32>,
        %swap3A_487 = vector.shape_cast %swap3A_486 : vector<1x16xf32> to vector<16xf32>
        %swap3A_488 = vector.shape_cast %add3A_483 : vector<16xf32> to vector<1x16xf32>
        tpu.vector_store %arg9[%swap3A_484, %swap3A_485], %swap3A_488 {strides = array<i32>} : memref<512x64xf32, #tpu.memory_space<vmem>>, vector<1x16xf32>,
        %scan3A_489 = arith.constant 2 : i32
        %scan3A_490 = arith.addi %scan3A_383, %scan3A_489 : i32
        %get3A_491 = arith.index_cast %scan3A_490 : i32 to index
        %get3A_492 = arith.constant 0 : index
        %get3A_493 = tpu.vector_load %arg9[%get3A_491, %get3A_492] {strides = array<i32>} : memref<512x64xf32, #tpu.memory_space<vmem>>, vector<1x16xf32>,
        %get3A_494 = vector.shape_cast %get3A_493 : vector<1x16xf32> to vector<16xf32>
        %mul3A_495 = arith.constant 8.000000e+00 : f32
        %mul3A_496 = vector.broadcast %mul3A_495 : f32 to vector<16xf32>
        %mul3A_497 = arith.mulf %get3A_494, %mul3A_496 : vector<16xf32>
        %add3A_498 = arith.addf %mul3A_497, %get3A_351 : vector<16xf32>
        %swap3A_499 = arith.index_cast %scan3A_490 : i32 to index
        %swap3A_500 = arith.constant 0 : index
        %swap3A_501 = tpu.vector_load %arg9[%swap3A_499, %swap3A_500] {strides = array<i32>} : memref<512x64xf32, #tpu.memory_space<vmem>>, vector<1x16xf32>,
        %swap3A_502 = vector.shape_cast %swap3A_501 : vector<1x16xf32> to vector<16xf32>
        %swap3A_503 = vector.shape_cast %add3A_498 : vector<16xf32> to vector<1x16xf32>
        tpu.vector_store %arg9[%swap3A_499, %swap3A_500], %swap3A_503 {strides = array<i32>} : memref<512x64xf32, #tpu.memory_space<vmem>>, vector<1x16xf32>,
        %get3A_504 = arith.index_cast %scan3A_490 : i32 to index
        %get3A_505 = arith.constant 16 : index
        %get3A_506 = tpu.vector_load %arg9[%get3A_504, %get3A_505] {strides = array<i32>} : memref<512x64xf32, #tpu.memory_space<vmem>>, vector<1x16xf32>,
        %get3A_507 = vector.shape_cast %get3A_506 : vector<1x16xf32> to vector<16xf32>
        %mul3A_508 = arith.constant 8.000000e+00 : f32
        %mul3A_509 = vector.broadcast %mul3A_508 : f32 to vector<16xf32>
        %mul3A_510 = arith.mulf %get3A_507, %mul3A_509 : vector<16xf32>
        %add3A_511 = arith.addf %mul3A_510, %get3A_355 : vector<16xf32>
        %swap3A_512 = arith.index_cast %scan3A_490 : i32 to index
        %swap3A_513 = arith.constant 16 : index
        %swap3A_514 = tpu.vector_load %arg9[%swap3A_512, %swap3A_513] {strides = array<i32>} : memref<512x64xf32, #tpu.memory_space<vmem>>, vector<1x16xf32>,
        %swap3A_515 = vector.shape_cast %swap3A_514 : vector<1x16xf32> to vector<16xf32>
        %swap3A_516 = vector.shape_cast %add3A_511 : vector<16xf32> to vector<1x16xf32>
        tpu.vector_store %arg9[%swap3A_512, %swap3A_513], %swap3A_516 {strides = array<i32>} : memref<512x64xf32, #tpu.memory_space<vmem>>, vector<1x16xf32>,
        %get3A_517 = arith.index_cast %scan3A_490 : i32 to index
        %get3A_518 = arith.constant 32 : index
        %get3A_519 = tpu.vector_load %arg9[%get3A_517, %get3A_518] {strides = array<i32>} : memref<512x64xf32, #tpu.memory_space<vmem>>, vector<1x16xf32>,
        %get3A_520 = vector.shape_cast %get3A_519 : vector<1x16xf32> to vector<16xf32>
        %mul3A_521 = arith.constant 8.000000e+00 : f32
        %mul3A_522 = vector.broadcast %mul3A_521 : f32 to vector<16xf32>
        %mul3A_523 = arith.mulf %get3A_520, %mul3A_522 : vector<16xf32>
        %add3A_524 = arith.addf %mul3A_523, %get3A_359 : vector<16xf32>
        %swap3A_525 = arith.index_cast %scan3A_490 : i32 to index
        %swap3A_526 = arith.constant 32 : index
        %swap3A_527 = tpu.vector_load %arg9[%swap3A_525, %swap3A_526] {strides = array<i32>} : memref<512x64xf32, #tpu.memory_space<vmem>>, vector<1x16xf32>,
        %swap3A_528 = vector.shape_cast %swap3A_527 : vector<1x16xf32> to vector<16xf32>
        %swap3A_529 = vector.shape_cast %add3A_524 : vector<16xf32> to vector<1x16xf32>
        tpu.vector_store %arg9[%swap3A_525, %swap3A_526], %swap3A_529 {strides = array<i32>} : memref<512x64xf32, #tpu.memory_space<vmem>>, vector<1x16xf32>,
        %get3A_530 = arith.index_cast %scan3A_490 : i32 to index
        %get3A_531 = arith.constant 48 : index
        %get3A_532 = tpu.vector_load %arg9[%get3A_530, %get3A_531] {strides = array<i32>} : memref<512x64xf32, #tpu.memory_space<vmem>>, vector<1x16xf32>,
        %get3A_533 = vector.shape_cast %get3A_532 : vector<1x16xf32> to vector<16xf32>
        %mul3A_534 = arith.constant 8.000000e+00 : f32
        %mul3A_535 = vector.broadcast %mul3A_534 : f32 to vector<16xf32>
        %mul3A_536 = arith.mulf %get3A_533, %mul3A_535 : vector<16xf32>
        %add3A_537 = arith.addf %mul3A_536, %get3A_363 : vector<16xf32>
        %swap3A_538 = arith.index_cast %scan3A_490 : i32 to index
        %swap3A_539 = arith.constant 48 : index
        %swap3A_540 = tpu.vector_load %arg9[%swap3A_538, %swap3A_539] {strides = array<i32>} : memref<512x64xf32, #tpu.memory_space<vmem>>, vector<1x16xf32>,
        %swap3A_541 = vector.shape_cast %swap3A_540 : vector<1x16xf32> to vector<16xf32>
        %swap3A_542 = vector.shape_cast %add3A_537 : vector<16xf32> to vector<1x16xf32>
        tpu.vector_store %arg9[%swap3A_538, %swap3A_539], %swap3A_542 {strides = array<i32>} : memref<512x64xf32, #tpu.memory_space<vmem>>, vector<1x16xf32>,
        %scan3A_543 = arith.constant 3 : i32
        %scan3A_544 = arith.addi %scan3A_383, %scan3A_543 : i32
        %get3A_545 = arith.index_cast %scan3A_544 : i32 to index
        %get3A_546 = arith.constant 0 : index
        %get3A_547 = tpu.vector_load %arg9[%get3A_545, %get3A_546] {strides = array<i32>} : memref<512x64xf32, #tpu.memory_space<vmem>>, vector<1x16xf32>,
        %get3A_548 = vector.shape_cast %get3A_547 : vector<1x16xf32> to vector<16xf32>
        %mul3A_549 = arith.constant 8.000000e+00 : f32
        %mul3A_550 = vector.broadcast %mul3A_549 : f32 to vector<16xf32>
        %mul3A_551 = arith.mulf %get3A_548, %mul3A_550 : vector<16xf32>
        %add3A_552 = arith.addf %mul3A_551, %get3A_351 : vector<16xf32>
        %swap3A_553 = arith.index_cast %scan3A_544 : i32 to index
        %swap3A_554 = arith.constant 0 : index
        %swap3A_555 = tpu.vector_load %arg9[%swap3A_553, %swap3A_554] {strides = array<i32>} : memref<512x64xf32, #tpu.memory_space<vmem>>, vector<1x16xf32>,
        %swap3A_556 = vector.shape_cast %swap3A_555 : vector<1x16xf32> to vector<16xf32>
        %swap3A_557 = vector.shape_cast %add3A_552 : vector<16xf32> to vector<1x16xf32>
        tpu.vector_store %arg9[%swap3A_553, %swap3A_554], %swap3A_557 {strides = array<i32>} : memref<512x64xf32, #tpu.memory_space<vmem>>, vector<1x16xf32>,
        %get3A_558 = arith.index_cast %scan3A_544 : i32 to index
        %get3A_559 = arith.constant 16 : index
        %get3A_560 = tpu.vector_load %arg9[%get3A_558, %get3A_559] {strides = array<i32>} : memref<512x64xf32, #tpu.memory_space<vmem>>, vector<1x16xf32>,
        %get3A_561 = vector.shape_cast %get3A_560 : vector<1x16xf32> to vector<16xf32>
        %mul3A_562 = arith.constant 8.000000e+00 : f32
        %mul3A_563 = vector.broadcast %mul3A_562 : f32 to vector<16xf32>
        %mul3A_564 = arith.mulf %get3A_561, %mul3A_563 : vector<16xf32>
        %add3A_565 = arith.addf %mul3A_564, %get3A_355 : vector<16xf32>
        %swap3A_566 = arith.index_cast %scan3A_544 : i32 to index
        %swap3A_567 = arith.constant 16 : index
        %swap3A_568 = tpu.vector_load %arg9[%swap3A_566, %swap3A_567] {strides = array<i32>} : memref<512x64xf32, #tpu.memory_space<vmem>>, vector<1x16xf32>,
        %swap3A_569 = vector.shape_cast %swap3A_568 : vector<1x16xf32> to vector<16xf32>
        %swap3A_570 = vector.shape_cast %add3A_565 : vector<16xf32> to vector<1x16xf32>
        tpu.vector_store %arg9[%swap3A_566, %swap3A_567], %swap3A_570 {strides = array<i32>} : memref<512x64xf32, #tpu.memory_space<vmem>>, vector<1x16xf32>,
        %get3A_571 = arith.index_cast %scan3A_544 : i32 to index
        %get3A_572 = arith.constant 32 : index
        %get3A_573 = tpu.vector_load %arg9[%get3A_571, %get3A_572] {strides = array<i32>} : memref<512x64xf32, #tpu.memory_space<vmem>>, vector<1x16xf32>,
        %get3A_574 = vector.shape_cast %get3A_573 : vector<1x16xf32> to vector<16xf32>
        %mul3A_575 = arith.constant 8.000000e+00 : f32
        %mul3A_576 = vector.broadcast %mul3A_575 : f32 to vector<16xf32>
        %mul3A_577 = arith.mulf %get3A_574, %mul3A_576 : vector<16xf32>
        %add3A_578 = arith.addf %mul3A_577, %get3A_359 : vector<16xf32>
        %swap3A_579 = arith.index_cast %scan3A_544 : i32 to index
        %swap3A_580 = arith.constant 32 : index
        %swap3A_581 = tpu.vector_load %arg9[%swap3A_579, %swap3A_580] {strides = array<i32>} : memref<512x64xf32, #tpu.memory_space<vmem>>, vector<1x16xf32>,
        %swap3A_582 = vector.shape_cast %swap3A_581 : vector<1x16xf32> to vector<16xf32>
        %swap3A_583 = vector.shape_cast %add3A_578 : vector<16xf32> to vector<1x16xf32>
        tpu.vector_store %arg9[%swap3A_579, %swap3A_580], %swap3A_583 {strides = array<i32>} : memref<512x64xf32, #tpu.memory_space<vmem>>, vector<1x16xf32>,
        %get3A_584 = arith.index_cast %scan3A_544 : i32 to index
        %get3A_585 = arith.constant 48 : index
        %get3A_586 = tpu.vector_load %arg9[%get3A_584, %get3A_585] {strides = array<i32>} : memref<512x64xf32, #tpu.memory_space<vmem>>, vector<1x16xf32>,
        %get3A_587 = vector.shape_cast %get3A_586 : vector<1x16xf32> to vector<16xf32>
        %mul3A_588 = arith.constant 8.000000e+00 : f32
        %mul3A_589 = vector.broadcast %mul3A_588 : f32 to vector<16xf32>
        %mul3A_590 = arith.mulf %get3A_587, %mul3A_589 : vector<16xf32>
        %add3A_591 = arith.addf %mul3A_590, %get3A_363 : vector<16xf32>
        %swap3A_592 = arith.index_cast %scan3A_544 : i32 to index
        %swap3A_593 = arith.constant 48 : index
        %swap3A_594 = tpu.vector_load %arg9[%swap3A_592, %swap3A_593] {strides = array<i32>} : memref<512x64xf32, #tpu.memory_space<vmem>>, vector<1x16xf32>,
        %swap3A_595 = vector.shape_cast %swap3A_594 : vector<1x16xf32> to vector<16xf32>
        %swap3A_596 = vector.shape_cast %add3A_591 : vector<16xf32> to vector<1x16xf32>
        tpu.vector_store %arg9[%swap3A_592, %swap3A_593], %swap3A_596 {strides = array<i32>} : memref<512x64xf32, #tpu.memory_space<vmem>>, vector<1x16xf32>,
        %scan3A_597 = arith.constant 4 : i32
        %scan3A_598 = arith.addi %scan3A_383, %scan3A_597 : i32
        %get3A_599 = arith.index_cast %scan3A_598 : i32 to index
        %get3A_600 = arith.constant 0 : index
        %get3A_601 = tpu.vector_load %arg9[%get3A_599, %get3A_600] {strides = array<i32>} : memref<512x64xf32, #tpu.memory_space<vmem>>, vector<1x16xf32>,
        %get3A_602 = vector.shape_cast %get3A_601 : vector<1x16xf32> to vector<16xf32>
        %mul3A_603 = arith.constant 8.000000e+00 : f32
        %mul3A_604 = vector.broadcast %mul3A_603 : f32 to vector<16xf32>
        %mul3A_605 = arith.mulf %get3A_602, %mul3A_604 : vector<16xf32>
        %add3A_606 = arith.addf %mul3A_605, %get3A_351 : vector<16xf32>
        %swap3A_607 = arith.index_cast %scan3A_598 : i32 to index
        %swap3A_608 = arith.constant 0 : index
        %swap3A_609 = tpu.vector_load %arg9[%swap3A_607, %swap3A_608] {strides = array<i32>} : memref<512x64xf32, #tpu.memory_space<vmem>>, vector<1x16xf32>,
        %swap3A_610 = vector.shape_cast %swap3A_609 : vector<1x16xf32> to vector<16xf32>
        %swap3A_611 = vector.shape_cast %add3A_606 : vector<16xf32> to vector<1x16xf32>
        tpu.vector_store %arg9[%swap3A_607, %swap3A_608], %swap3A_611 {strides = array<i32>} : memref<512x64xf32, #tpu.memory_space<vmem>>, vector<1x16xf32>,
        %get3A_612 = arith.index_cast %scan3A_598 : i32 to index
        %get3A_613 = arith.constant 16 : index
        %get3A_614 = tpu.vector_load %arg9[%get3A_612, %get3A_613] {strides = array<i32>} : memref<512x64xf32, #tpu.memory_space<vmem>>, vector<1x16xf32>,
        %get3A_615 = vector.shape_cast %get3A_614 : vector<1x16xf32> to vector<16xf32>
        %mul3A_616 = arith.constant 8.000000e+00 : f32
        %mul3A_617 = vector.broadcast %mul3A_616 : f32 to vector<16xf32>
        %mul3A_618 = arith.mulf %get3A_615, %mul3A_617 : vector<16xf32>
        %add3A_619 = arith.addf %mul3A_618, %get3A_355 : vector<16xf32>
        %swap3A_620 = arith.index_cast %scan3A_598 : i32 to index
        %swap3A_621 = arith.constant 16 : index
        %swap3A_622 = tpu.vector_load %arg9[%swap3A_620, %swap3A_621] {strides = array<i32>} : memref<512x64xf32, #tpu.memory_space<vmem>>, vector<1x16xf32>,
        %swap3A_623 = vector.shape_cast %swap3A_622 : vector<1x16xf32> to vector<16xf32>
        %swap3A_624 = vector.shape_cast %add3A_619 : vector<16xf32> to vector<1x16xf32>
        tpu.vector_store %arg9[%swap3A_620, %swap3A_621], %swap3A_624 {strides = array<i32>} : memref<512x64xf32, #tpu.memory_space<vmem>>, vector<1x16xf32>,
        %get3A_625 = arith.index_cast %scan3A_598 : i32 to index
        %get3A_626 = arith.constant 32 : index
        %get3A_627 = tpu.vector_load %arg9[%get3A_625, %get3A_626] {strides = array<i32>} : memref<512x64xf32, #tpu.memory_space<vmem>>, vector<1x16xf32>,
        %get3A_628 = vector.shape_cast %get3A_627 : vector<1x16xf32> to vector<16xf32>
        %mul3A_629 = arith.constant 8.000000e+00 : f32
        %mul3A_630 = vector.broadcast %mul3A_629 : f32 to vector<16xf32>
        %mul3A_631 = arith.mulf %get3A_628, %mul3A_630 : vector<16xf32>
        %add3A_632 = arith.addf %mul3A_631, %get3A_359 : vector<16xf32>
        %swap3A_633 = arith.index_cast %scan3A_598 : i32 to index
        %swap3A_634 = arith.constant 32 : index
        %swap3A_635 = tpu.vector_load %arg9[%swap3A_633, %swap3A_634] {strides = array<i32>} : memref<512x64xf32, #tpu.memory_space<vmem>>, vector<1x16xf32>,
        %swap3A_636 = vector.shape_cast %swap3A_635 : vector<1x16xf32> to vector<16xf32>
        %swap3A_637 = vector.shape_cast %add3A_632 : vector<16xf32> to vector<1x16xf32>
        tpu.vector_store %arg9[%swap3A_633, %swap3A_634], %swap3A_637 {strides = array<i32>} : memref<512x64xf32, #tpu.memory_space<vmem>>, vector<1x16xf32>,
        %get3A_638 = arith.index_cast %scan3A_598 : i32 to index
        %get3A_639 = arith.constant 48 : index
        %get3A_640 = tpu.vector_load %arg9[%get3A_638, %get3A_639] {strides = array<i32>} : memref<512x64xf32, #tpu.memory_space<vmem>>, vector<1x16xf32>,
        %get3A_641 = vector.shape_cast %get3A_640 : vector<1x16xf32> to vector<16xf32>
        %mul3A_642 = arith.constant 8.000000e+00 : f32
        %mul3A_643 = vector.broadcast %mul3A_642 : f32 to vector<16xf32>
        %mul3A_644 = arith.mulf %get3A_641, %mul3A_643 : vector<16xf32>
        %add3A_645 = arith.addf %mul3A_644, %get3A_363 : vector<16xf32>
        %swap3A_646 = arith.index_cast %scan3A_598 : i32 to index
        %swap3A_647 = arith.constant 48 : index
        %swap3A_648 = tpu.vector_load %arg9[%swap3A_646, %swap3A_647] {strides = array<i32>} : memref<512x64xf32, #tpu.memory_space<vmem>>, vector<1x16xf32>,
        %swap3A_649 = vector.shape_cast %swap3A_648 : vector<1x16xf32> to vector<16xf32>
        %swap3A_650 = vector.shape_cast %add3A_645 : vector<16xf32> to vector<1x16xf32>
        tpu.vector_store %arg9[%swap3A_646, %swap3A_647], %swap3A_650 {strides = array<i32>} : memref<512x64xf32, #tpu.memory_space<vmem>>, vector<1x16xf32>,
        %scan3A_651 = arith.constant 5 : i32
        %scan3A_652 = arith.addi %scan3A_383, %scan3A_651 : i32
        %get3A_653 = arith.index_cast %scan3A_652 : i32 to index
        %get3A_654 = arith.constant 0 : index
        %get3A_655 = tpu.vector_load %arg9[%get3A_653, %get3A_654] {strides = array<i32>} : memref<512x64xf32, #tpu.memory_space<vmem>>, vector<1x16xf32>,
        %get3A_656 = vector.shape_cast %get3A_655 : vector<1x16xf32> to vector<16xf32>
        %mul3A_657 = arith.constant 8.000000e+00 : f32
        %mul3A_658 = vector.broadcast %mul3A_657 : f32 to vector<16xf32>
        %mul3A_659 = arith.mulf %get3A_656, %mul3A_658 : vector<16xf32>
        %add3A_660 = arith.addf %mul3A_659, %get3A_351 : vector<16xf32>
        %swap3A_661 = arith.index_cast %scan3A_652 : i32 to index
        %swap3A_662 = arith.constant 0 : index
        %swap3A_663 = tpu.vector_load %arg9[%swap3A_661, %swap3A_662] {strides = array<i32>} : memref<512x64xf32, #tpu.memory_space<vmem>>, vector<1x16xf32>,
        %swap3A_664 = vector.shape_cast %swap3A_663 : vector<1x16xf32> to vector<16xf32>
        %swap3A_665 = vector.shape_cast %add3A_660 : vector<16xf32> to vector<1x16xf32>
        tpu.vector_store %arg9[%swap3A_661, %swap3A_662], %swap3A_665 {strides = array<i32>} : memref<512x64xf32, #tpu.memory_space<vmem>>, vector<1x16xf32>,
        %get3A_666 = arith.index_cast %scan3A_652 : i32 to index
        %get3A_667 = arith.constant 16 : index
        %get3A_668 = tpu.vector_load %arg9[%get3A_666, %get3A_667] {strides = array<i32>} : memref<512x64xf32, #tpu.memory_space<vmem>>, vector<1x16xf32>,
        %get3A_669 = vector.shape_cast %get3A_668 : vector<1x16xf32> to vector<16xf32>
        %mul3A_670 = arith.constant 8.000000e+00 : f32
        %mul3A_671 = vector.broadcast %mul3A_670 : f32 to vector<16xf32>
        %mul3A_672 = arith.mulf %get3A_669, %mul3A_671 : vector<16xf32>
        %add3A_673 = arith.addf %mul3A_672, %get3A_355 : vector<16xf32>
        %swap3A_674 = arith.index_cast %scan3A_652 : i32 to index
        %swap3A_675 = arith.constant 16 : index
        %swap3A_676 = tpu.vector_load %arg9[%swap3A_674, %swap3A_675] {strides = array<i32>} : memref<512x64xf32, #tpu.memory_space<vmem>>, vector<1x16xf32>,
        %swap3A_677 = vector.shape_cast %swap3A_676 : vector<1x16xf32> to vector<16xf32>
        %swap3A_678 = vector.shape_cast %add3A_673 : vector<16xf32> to vector<1x16xf32>
        tpu.vector_store %arg9[%swap3A_674, %swap3A_675], %swap3A_678 {strides = array<i32>} : memref<512x64xf32, #tpu.memory_space<vmem>>, vector<1x16xf32>,
        %get3A_679 = arith.index_cast %scan3A_652 : i32 to index
        %get3A_680 = arith.constant 32 : index
        %get3A_681 = tpu.vector_load %arg9[%get3A_679, %get3A_680] {strides = array<i32>} : memref<512x64xf32, #tpu.memory_space<vmem>>, vector<1x16xf32>,
        %get3A_682 = vector.shape_cast %get3A_681 : vector<1x16xf32> to vector<16xf32>
        %mul3A_683 = arith.constant 8.000000e+00 : f32
        %mul3A_684 = vector.broadcast %mul3A_683 : f32 to vector<16xf32>
        %mul3A_685 = arith.mulf %get3A_682, %mul3A_684 : vector<16xf32>
        %add3A_686 = arith.addf %mul3A_685, %get3A_359 : vector<16xf32>
        %swap3A_687 = arith.index_cast %scan3A_652 : i32 to index
        %swap3A_688 = arith.constant 32 : index
        %swap3A_689 = tpu.vector_load %arg9[%swap3A_687, %swap3A_688] {strides = array<i32>} : memref<512x64xf32, #tpu.memory_space<vmem>>, vector<1x16xf32>,
        %swap3A_690 = vector.shape_cast %swap3A_689 : vector<1x16xf32> to vector<16xf32>
        %swap3A_691 = vector.shape_cast %add3A_686 : vector<16xf32> to vector<1x16xf32>
        tpu.vector_store %arg9[%swap3A_687, %swap3A_688], %swap3A_691 {strides = array<i32>} : memref<512x64xf32, #tpu.memory_space<vmem>>, vector<1x16xf32>,
        %get3A_692 = arith.index_cast %scan3A_652 : i32 to index
        %get3A_693 = arith.constant 48 : index
        %get3A_694 = tpu.vector_load %arg9[%get3A_692, %get3A_693] {strides = array<i32>} : memref<512x64xf32, #tpu.memory_space<vmem>>, vector<1x16xf32>,
        %get3A_695 = vector.shape_cast %get3A_694 : vector<1x16xf32> to vector<16xf32>
        %mul3A_696 = arith.constant 8.000000e+00 : f32
        %mul3A_697 = vector.broadcast %mul3A_696 : f32 to vector<16xf32>
        %mul3A_698 = arith.mulf %get3A_695, %mul3A_697 : vector<16xf32>
        %add3A_699 = arith.addf %mul3A_698, %get3A_363 : vector<16xf32>
        %swap3A_700 = arith.index_cast %scan3A_652 : i32 to index
        %swap3A_701 = arith.constant 48 : index
        %swap3A_702 = tpu.vector_load %arg9[%swap3A_700, %swap3A_701] {strides = array<i32>} : memref<512x64xf32, #tpu.memory_space<vmem>>, vector<1x16xf32>,
        %swap3A_703 = vector.shape_cast %swap3A_702 : vector<1x16xf32> to vector<16xf32>
        %swap3A_704 = vector.shape_cast %add3A_699 : vector<16xf32> to vector<1x16xf32>
        tpu.vector_store %arg9[%swap3A_700, %swap3A_701], %swap3A_704 {strides = array<i32>} : memref<512x64xf32, #tpu.memory_space<vmem>>, vector<1x16xf32>,
        %scan3A_705 = arith.constant 6 : i32
        %scan3A_706 = arith.addi %scan3A_383, %scan3A_705 : i32
        %get3A_707 = arith.index_cast %scan3A_706 : i32 to index
        %get3A_708 = arith.constant 0 : index
        %get3A_709 = tpu.vector_load %arg9[%get3A_707, %get3A_708] {strides = array<i32>} : memref<512x64xf32, #tpu.memory_space<vmem>>, vector<1x16xf32>,
        %get3A_710 = vector.shape_cast %get3A_709 : vector<1x16xf32> to vector<16xf32>
        %mul3A_711 = arith.constant 8.000000e+00 : f32
        %mul3A_712 = vector.broadcast %mul3A_711 : f32 to vector<16xf32>
        %mul3A_713 = arith.mulf %get3A_710, %mul3A_712 : vector<16xf32>
        %add3A_714 = arith.addf %mul3A_713, %get3A_351 : vector<16xf32>
        %swap3A_715 = arith.index_cast %scan3A_706 : i32 to index
        %swap3A_716 = arith.constant 0 : index
        %swap3A_717 = tpu.vector_load %arg9[%swap3A_715, %swap3A_716] {strides = array<i32>} : memref<512x64xf32, #tpu.memory_space<vmem>>, vector<1x16xf32>,
        %swap3A_718 = vector.shape_cast %swap3A_717 : vector<1x16xf32> to vector<16xf32>
        %swap3A_719 = vector.shape_cast %add3A_714 : vector<16xf32> to vector<1x16xf32>
        tpu.vector_store %arg9[%swap3A_715, %swap3A_716], %swap3A_719 {strides = array<i32>} : memref<512x64xf32, #tpu.memory_space<vmem>>, vector<1x16xf32>,
        %get3A_720 = arith.index_cast %scan3A_706 : i32 to index
        %get3A_721 = arith.constant 16 : index
        %get3A_722 = tpu.vector_load %arg9[%get3A_720, %get3A_721] {strides = array<i32>} : memref<512x64xf32, #tpu.memory_space<vmem>>, vector<1x16xf32>,
        %get3A_723 = vector.shape_cast %get3A_722 : vector<1x16xf32> to vector<16xf32>
        %mul3A_724 = arith.constant 8.000000e+00 : f32
        %mul3A_725 = vector.broadcast %mul3A_724 : f32 to vector<16xf32>
        %mul3A_726 = arith.mulf %get3A_723, %mul3A_725 : vector<16xf32>
        %add3A_727 = arith.addf %mul3A_726, %get3A_355 : vector<16xf32>
        %swap3A_728 = arith.index_cast %scan3A_706 : i32 to index
        %swap3A_729 = arith.constant 16 : index
        %swap3A_730 = tpu.vector_load %arg9[%swap3A_728, %swap3A_729] {strides = array<i32>} : memref<512x64xf32, #tpu.memory_space<vmem>>, vector<1x16xf32>,
        %swap3A_731 = vector.shape_cast %swap3A_730 : vector<1x16xf32> to vector<16xf32>
        %swap3A_732 = vector.shape_cast %add3A_727 : vector<16xf32> to vector<1x16xf32>
        tpu.vector_store %arg9[%swap3A_728, %swap3A_729], %swap3A_732 {strides = array<i32>} : memref<512x64xf32, #tpu.memory_space<vmem>>, vector<1x16xf32>,
        %get3A_733 = arith.index_cast %scan3A_706 : i32 to index
        %get3A_734 = arith.constant 32 : index
        %get3A_735 = tpu.vector_load %arg9[%get3A_733, %get3A_734] {strides = array<i32>} : memref<512x64xf32, #tpu.memory_space<vmem>>, vector<1x16xf32>,
        %get3A_736 = vector.shape_cast %get3A_735 : vector<1x16xf32> to vector<16xf32>
        %mul3A_737 = arith.constant 8.000000e+00 : f32
        %mul3A_738 = vector.broadcast %mul3A_737 : f32 to vector<16xf32>
        %mul3A_739 = arith.mulf %get3A_736, %mul3A_738 : vector<16xf32>
        %add3A_740 = arith.addf %mul3A_739, %get3A_359 : vector<16xf32>
        %swap3A_741 = arith.index_cast %scan3A_706 : i32 to index
        %swap3A_742 = arith.constant 32 : index
        %swap3A_743 = tpu.vector_load %arg9[%swap3A_741, %swap3A_742] {strides = array<i32>} : memref<512x64xf32, #tpu.memory_space<vmem>>, vector<1x16xf32>,
        %swap3A_744 = vector.shape_cast %swap3A_743 : vector<1x16xf32> to vector<16xf32>
        %swap3A_745 = vector.shape_cast %add3A_740 : vector<16xf32> to vector<1x16xf32>
        tpu.vector_store %arg9[%swap3A_741, %swap3A_742], %swap3A_745 {strides = array<i32>} : memref<512x64xf32, #tpu.memory_space<vmem>>, vector<1x16xf32>,
        %get3A_746 = arith.index_cast %scan3A_706 : i32 to index
        %get3A_747 = arith.constant 48 : index
        %get3A_748 = tpu.vector_load %arg9[%get3A_746, %get3A_747] {strides = array<i32>} : memref<512x64xf32, #tpu.memory_space<vmem>>, vector<1x16xf32>,
        %get3A_749 = vector.shape_cast %get3A_748 : vector<1x16xf32> to vector<16xf32>
        %mul3A_750 = arith.constant 8.000000e+00 : f32
        %mul3A_751 = vector.broadcast %mul3A_750 : f32 to vector<16xf32>
        %mul3A_752 = arith.mulf %get3A_749, %mul3A_751 : vector<16xf32>
        %add3A_753 = arith.addf %mul3A_752, %get3A_363 : vector<16xf32>
        %swap3A_754 = arith.index_cast %scan3A_706 : i32 to index
        %swap3A_755 = arith.constant 48 : index
        %swap3A_756 = tpu.vector_load %arg9[%swap3A_754, %swap3A_755] {strides = array<i32>} : memref<512x64xf32, #tpu.memory_space<vmem>>, vector<1x16xf32>,
        %swap3A_757 = vector.shape_cast %swap3A_756 : vector<1x16xf32> to vector<16xf32>
        %swap3A_758 = vector.shape_cast %add3A_753 : vector<16xf32> to vector<1x16xf32>
        tpu.vector_store %arg9[%swap3A_754, %swap3A_755], %swap3A_758 {strides = array<i32>} : memref<512x64xf32, #tpu.memory_space<vmem>>, vector<1x16xf32>,
        %scan3A_759 = arith.constant 7 : i32
        %scan3A_760 = arith.addi %scan3A_383, %scan3A_759 : i32
        %get3A_761 = arith.index_cast %scan3A_760 : i32 to index
        %get3A_762 = arith.constant 0 : index
        %get3A_763 = tpu.vector_load %arg9[%get3A_761, %get3A_762] {strides = array<i32>} : memref<512x64xf32, #tpu.memory_space<vmem>>, vector<1x16xf32>,
        %get3A_764 = vector.shape_cast %get3A_763 : vector<1x16xf32> to vector<16xf32>
        %mul3A_765 = arith.constant 8.000000e+00 : f32
        %mul3A_766 = vector.broadcast %mul3A_765 : f32 to vector<16xf32>
        %mul3A_767 = arith.mulf %get3A_764, %mul3A_766 : vector<16xf32>
        %add3A_768 = arith.addf %mul3A_767, %get3A_351 : vector<16xf32>
        %swap3A_769 = arith.index_cast %scan3A_760 : i32 to index
        %swap3A_770 = arith.constant 0 : index
        %swap3A_771 = tpu.vector_load %arg9[%swap3A_769, %swap3A_770] {strides = array<i32>} : memref<512x64xf32, #tpu.memory_space<vmem>>, vector<1x16xf32>,
        %swap3A_772 = vector.shape_cast %swap3A_771 : vector<1x16xf32> to vector<16xf32>
        %swap3A_773 = vector.shape_cast %add3A_768 : vector<16xf32> to vector<1x16xf32>
        tpu.vector_store %arg9[%swap3A_769, %swap3A_770], %swap3A_773 {strides = array<i32>} : memref<512x64xf32, #tpu.memory_space<vmem>>, vector<1x16xf32>,
        %get3A_774 = arith.index_cast %scan3A_760 : i32 to index
        %get3A_775 = arith.constant 16 : index
        %get3A_776 = tpu.vector_load %arg9[%get3A_774, %get3A_775] {strides = array<i32>} : memref<512x64xf32, #tpu.memory_space<vmem>>, vector<1x16xf32>,
        %get3A_777 = vector.shape_cast %get3A_776 : vector<1x16xf32> to vector<16xf32>
        %mul3A_778 = arith.constant 8.000000e+00 : f32
        %mul3A_779 = vector.broadcast %mul3A_778 : f32 to vector<16xf32>
        %mul3A_780 = arith.mulf %get3A_777, %mul3A_779 : vector<16xf32>
        %add3A_781 = arith.addf %mul3A_780, %get3A_355 : vector<16xf32>
        %swap3A_782 = arith.index_cast %scan3A_760 : i32 to index
        %swap3A_783 = arith.constant 16 : index
        %swap3A_784 = tpu.vector_load %arg9[%swap3A_782, %swap3A_783] {strides = array<i32>} : memref<512x64xf32, #tpu.memory_space<vmem>>, vector<1x16xf32>,
        %swap3A_785 = vector.shape_cast %swap3A_784 : vector<1x16xf32> to vector<16xf32>
        %swap3A_786 = vector.shape_cast %add3A_781 : vector<16xf32> to vector<1x16xf32>
        tpu.vector_store %arg9[%swap3A_782, %swap3A_783], %swap3A_786 {strides = array<i32>} : memref<512x64xf32, #tpu.memory_space<vmem>>, vector<1x16xf32>,
        %get3A_787 = arith.index_cast %scan3A_760 : i32 to index
        %get3A_788 = arith.constant 32 : index
        %get3A_789 = tpu.vector_load %arg9[%get3A_787, %get3A_788] {strides = array<i32>} : memref<512x64xf32, #tpu.memory_space<vmem>>, vector<1x16xf32>,
        %get3A_790 = vector.shape_cast %get3A_789 : vector<1x16xf32> to vector<16xf32>
        %mul3A_791 = arith.constant 8.000000e+00 : f32
        %mul3A_792 = vector.broadcast %mul3A_791 : f32 to vector<16xf32>
        %mul3A_793 = arith.mulf %get3A_790, %mul3A_792 : vector<16xf32>
        %add3A_794 = arith.addf %mul3A_793, %get3A_359 : vector<16xf32>
        %swap3A_795 = arith.index_cast %scan3A_760 : i32 to index
        %swap3A_796 = arith.constant 32 : index
        %swap3A_797 = tpu.vector_load %arg9[%swap3A_795, %swap3A_796] {strides = array<i32>} : memref<512x64xf32, #tpu.memory_space<vmem>>, vector<1x16xf32>,
        %swap3A_798 = vector.shape_cast %swap3A_797 : vector<1x16xf32> to vector<16xf32>
        %swap3A_799 = vector.shape_cast %add3A_794 : vector<16xf32> to vector<1x16xf32>
        tpu.vector_store %arg9[%swap3A_795, %swap3A_796], %swap3A_799 {strides = array<i32>} : memref<512x64xf32, #tpu.memory_space<vmem>>, vector<1x16xf32>,
        %get3A_800 = arith.index_cast %scan3A_760 : i32 to index
        %get3A_801 = arith.constant 48 : index
        %get3A_802 = tpu.vector_load %arg9[%get3A_800, %get3A_801] {strides = array<i32>} : memref<512x64xf32, #tpu.memory_space<vmem>>, vector<1x16xf32>,
        %get3A_803 = vector.shape_cast %get3A_802 : vector<1x16xf32> to vector<16xf32>
        %mul3A_804 = arith.constant 8.000000e+00 : f32
        %mul3A_805 = vector.broadcast %mul3A_804 : f32 to vector<16xf32>
        %mul3A_806 = arith.mulf %get3A_803, %mul3A_805 : vector<16xf32>
        %add3A_807 = arith.addf %mul3A_806, %get3A_363 : vector<16xf32>
        %swap3A_808 = arith.index_cast %scan3A_760 : i32 to index
        %swap3A_809 = arith.constant 48 : index
        %swap3A_810 = tpu.vector_load %arg9[%swap3A_808, %swap3A_809] {strides = array<i32>} : memref<512x64xf32, #tpu.memory_space<vmem>>, vector<1x16xf32>,
        %swap3A_811 = vector.shape_cast %swap3A_810 : vector<1x16xf32> to vector<16xf32>
        %swap3A_812 = vector.shape_cast %add3A_807 : vector<16xf32> to vector<1x16xf32>
        tpu.vector_store %arg9[%swap3A_808, %swap3A_809], %swap3A_812 {strides = array<i32>} : memref<512x64xf32, #tpu.memory_space<vmem>>, vector<1x16xf32>,
      }
      %scan3A_368 = arith.constant 512 : i32
      %dma_start3A_369 = arith.constant 0 : i32
      %dma_start3A_370 = tpu.memref_slice %arg5[%add3A_322, %dma_start3A_369] : memref<819200x128xf32, #tpu.memory_space<hbm>> -> memref<512x64xf32, #tpu.memory_space<hbm>>
      %dma_start3A_371 = arith.constant 0 : i32
      %dma_start3A_372 = tpu.memref_slice %arg5[%add3A_322, %dma_start3A_371] : memref<819200x128xf32, #tpu.memory_space<hbm>> -> memref<512x64xf32, #tpu.memory_space<hbm>>
      tpu.enqueue_dma source(%arg9 : memref<512x64xf32, #tpu.memory_space<vmem>>) target(%dma_start3A_372 : memref<512x64xf32, #tpu.memory_space<hbm>>) target_semaphore(%arg16 : memref<!tpu.dma_semaphore, #tpu.memory_space<semaphore_mem>>)
      %ge3A_373 = arith.constant 1 : i32
      %ge3A_374 = arith.cmpi sge, %add3A_313, %ge3A_373 : i32
      %add3A_375 = arith.constant 2 : i32
      %add3A_376 = arith.addi %add3A_313, %add3A_375 : i32
      %lt3A_377 = arith.constant 50 : i32
      %lt3A_378 = arith.cmpi slt, %add3A_376, %lt3A_377 : i32
      %and3A_379 = arith.andi %ge3A_374, %lt3A_378 : i1
      %convert_element_type3A_380 = arith.extui %and3A_379 : i1 to i32
      %cond3A_381 = arith.constant 0 : i32
      %cond3A_382 = arith.cmpi ne, %convert_element_type3A_380, %cond3A_381 : i32
      scf.if %cond3A_382 {
        %dma_wait3A_383 = arith.constant 0 : i32
        %dma_wait3A_384 = arith.constant 0 : i32
        %dma_wait3A_385 = tpu.memref_slice %arg5[%dma_wait3A_383, %dma_wait3A_384] : memref<819200x128xf32, #tpu.memory_space<hbm>> -> memref<512x64xf32, #tpu.memory_space<hbm>>
        %dma_wait3A_386 = arith.constant 0 : i32
        %dma_wait3A_387 = arith.constant 0 : i32
        %dma_wait3A_388 = tpu.memref_slice %arg5[%dma_wait3A_386, %dma_wait3A_387] : memref<819200x128xf32, #tpu.memory_space<hbm>> -> memref<512x64xf32, #tpu.memory_space<hbm>>
        tpu.wait_dma2 semaphore(%arg15 : memref<!tpu.dma_semaphore, #tpu.memory_space<semaphore_mem>>) src(%arg8 : memref<512x64xf32, #tpu.memory_space<vmem>>) dst(%dma_wait3A_388 : memref<512x64xf32, #tpu.memory_space<hbm>>)
        %add3A_389 = arith.constant 2 : i32
        %add3A_390 = arith.addi %add3A_313, %add3A_389 : i32
        %mul3A_391 = arith.constant 512 : i32
        %mul3A_392 = arith.muli %add3A_390, %mul3A_391 : i32
        %dma_start3A_393 = tpu.memref_slice %arg6[%mul3A_392] : memref<25600xi32, #tpu.memory_space<vmem>> -> memref<512xi32, #tpu.memory_space<vmem>>
        %dma_start3A_394 = arith.constant 0 : i32
        %dma_start3A_395 = arith.constant 0 : i32
        %dma_start3A_396 = tpu.memref_slice %arg3[%dma_start3A_394, %dma_start3A_395] : memref<1000000x64xf32, #tpu.memory_space<hbm>> -> memref<1000000x64xf32, #tpu.memory_space<hbm>>
        tpu.enqueue_indirect_dma source(%dma_start3A_396 : memref<1000000x64xf32, #tpu.memory_space<hbm>>) target(%arg8 : memref<512x64xf32, #tpu.memory_space<vmem>>) offsets(%dma_start3A_393 : memref<512xi32, #tpu.memory_space<vmem>>) semaphore(%arg12 : memref<!tpu.dma_semaphore, #tpu.memory_space<semaphore_mem>>)
      } else {
      }
    }
    %scan3A_36 = arith.constant 16 : i32
    %dma_wait3A = arith.constant 24576 : i32
    %dma_wait3A_37 = tpu.memref_slice %arg6[%dma_wait3A] : memref<25600xi32, #tpu.memory_space<vmem>> -> memref<512xi32, #tpu.memory_space<vmem>>
    %dma_wait3A_38 = arith.constant 0 : i32
    %dma_wait3A_39 = arith.constant 0 : i32
    %dma_wait3A_40 = tpu.memref_slice %arg3[%dma_wait3A_38, %dma_wait3A_39] : memref<1000000x64xf32, #tpu.memory_space<hbm>> -> memref<1000000x64xf32, #tpu.memory_space<hbm>>
    tpu.wait_indirect_dma semaphore(%arg11 : memref<!tpu.dma_semaphore, #tpu.memory_space<semaphore_mem>>) src(%dma_wait3A_40 : memref<1000000x64xf32, #tpu.memory_space<hbm>>) dst(%arg7 : memref<512x64xf32, #tpu.memory_space<vmem>>)
    %add3A_41 = arith.constant 24576 : i32
    %add3A_42 = arith.addi %mul3A_2, %add3A_41 : i32
    %jit3A_43 = arith.constant 4096 : i32
    %div3A_44 = arith.divsi %add3A_42, %jit3A_43 : i32
    %sign3A_45 = arith.constant 0 : i32
    %sign3A_46 = arith.cmpi sgt, %add3A_42, %sign3A_45 : i32
    %sign3A_47 = arith.extui %sign3A_46 : i1 to i32
    %sign3A_48 = arith.constant 0 : i32
    %sign3A_49 = arith.cmpi slt, %add3A_42, %sign3A_48 : i32
    %sign3A_50 = arith.extui %sign3A_49 : i1 to i32
    %sign3A_51 = arith.subi %sign3A_47, %sign3A_50 : i32
    %sign3A_52 = arith.constant 0 : i32
    %sign3A_53 = arith.cmpi sgt, %jit3A_43, %sign3A_52 : i32
    %sign3A_54 = arith.extui %sign3A_53 : i1 to i32
    %sign3A_55 = arith.constant 0 : i32
    %sign3A_56 = arith.cmpi slt, %jit3A_43, %sign3A_55 : i32
    %sign3A_57 = arith.extui %sign3A_56 : i1 to i32
    %sign3A_58 = arith.subi %sign3A_54, %sign3A_57 : i32
    %ne3A_59 = arith.cmpi ne, %sign3A_51, %sign3A_58 : i32
    %rem3A_60 = arith.remsi %add3A_42, %jit3A_43 : i32
    %ne3A_61 = arith.constant 0 : i32
    %ne3A_62 = arith.cmpi ne, %rem3A_60, %ne3A_61 : i32
    %and3A_63 = arith.andi %ne3A_59, %ne3A_62 : i1
    %sub3A_64 = arith.constant 1 : i32
    %sub3A_65 = arith.subi %div3A_44, %sub3A_64 : i32
    %select_n3A_66 = arith.select %and3A_63, %sub3A_65, %div3A_44 : i32
    %sub3A_67 = arith.subi %select_n3A_66, %select_n3A : i32
    %get3A = arith.index_cast %sub3A_67 : i32 to index
    %get3A_68 = arith.constant 0 : index
    %get3A_69 = tpu.vector_load %arg10[%get3A, %get3A_68] {strides = array<i32>} : memref<7x64xf32, #tpu.memory_space<vmem>>, vector<1x16xf32>,
    %get3A_70 = vector.shape_cast %get3A_69 : vector<1x16xf32> to vector<16xf32>
    %get3A_71 = arith.index_cast %sub3A_67 : i32 to index
    %get3A_72 = arith.constant 16 : index
    %get3A_73 = tpu.vector_load %arg10[%get3A_71, %get3A_72] {strides = array<i32>} : memref<7x64xf32, #tpu.memory_space<vmem>>, vector<1x16xf32>,
    %get3A_74 = vector.shape_cast %get3A_73 : vector<1x16xf32> to vector<16xf32>
    %get3A_75 = arith.index_cast %sub3A_67 : i32 to index
    %get3A_76 = arith.constant 32 : index
    %get3A_77 = tpu.vector_load %arg10[%get3A_75, %get3A_76] {strides = array<i32>} : memref<7x64xf32, #tpu.memory_space<vmem>>, vector<1x16xf32>,
    %get3A_78 = vector.shape_cast %get3A_77 : vector<1x16xf32> to vector<16xf32>
    %get3A_79 = arith.index_cast %sub3A_67 : i32 to index
    %get3A_80 = arith.constant 48 : index
    %get3A_81 = tpu.vector_load %arg10[%get3A_79, %get3A_80] {strides = array<i32>} : memref<7x64xf32, #tpu.memory_space<vmem>>, vector<1x16xf32>,
    %get3A_82 = vector.shape_cast %get3A_81 : vector<1x16xf32> to vector<16xf32>
    %scan3A_83 = arith.constant 0 : i32
    %scan3A_84 = arith.constant 512 : i32
    %scan3A_85 = arith.addi %scan3A_83, %scan3A_84 : i32
    %scan3A_86 = arith.constant 8 : i32
    scf.for %scan3A_167 = %scan3A_83 to %scan3A_85 step %scan3A_86  : i32 {
      %get3A_168 = arith.index_cast %scan3A_167 : i32 to index
      %get3A_169 = arith.constant 0 : index
      %get3A_170 = tpu.vector_load %arg7[%get3A_168, %get3A_169] {strides = array<i32>} : memref<512x64xf32, #tpu.memory_space<vmem>>, vector<1x16xf32>,
      %get3A_171 = vector.shape_cast %get3A_170 : vector<1x16xf32> to vector<16xf32>
      %mul3A_172 = arith.constant 8.000000e+00 : f32
      %mul3A_173 = vector.broadcast %mul3A_172 : f32 to vector<16xf32>
      %mul3A_174 = arith.mulf %get3A_171, %mul3A_173 : vector<16xf32>
      %add3A_175 = arith.addf %mul3A_174, %get3A_70 : vector<16xf32>
      %swap3A = arith.index_cast %scan3A_167 : i32 to index
      %swap3A_176 = arith.constant 0 : index
      %swap3A_177 = tpu.vector_load %arg7[%swap3A, %swap3A_176] {strides = array<i32>} : memref<512x64xf32, #tpu.memory_space<vmem>>, vector<1x16xf32>,
      %swap3A_178 = vector.shape_cast %swap3A_177 : vector<1x16xf32> to vector<16xf32>
      %swap3A_179 = vector.shape_cast %add3A_175 : vector<16xf32> to vector<1x16xf32>
      tpu.vector_store %arg7[%swap3A, %swap3A_176], %swap3A_179 {strides = array<i32>} : memref<512x64xf32, #tpu.memory_space<vmem>>, vector<1x16xf32>,
      %get3A_180 = arith.index_cast %scan3A_167 : i32 to index
      %get3A_181 = arith.constant 16 : index
      %get3A_182 = tpu.vector_load %arg7[%get3A_180, %get3A_181] {strides = array<i32>} : memref<512x64xf32, #tpu.memory_space<vmem>>, vector<1x16xf32>,
      %get3A_183 = vector.shape_cast %get3A_182 : vector<1x16xf32> to vector<16xf32>
      %mul3A_184 = arith.constant 8.000000e+00 : f32
      %mul3A_185 = vector.broadcast %mul3A_184 : f32 to vector<16xf32>
      %mul3A_186 = arith.mulf %get3A_183, %mul3A_185 : vector<16xf32>
      %add3A_187 = arith.addf %mul3A_186, %get3A_74 : vector<16xf32>
      %swap3A_188 = arith.index_cast %scan3A_167 : i32 to index
      %swap3A_189 = arith.constant 16 : index
      %swap3A_190 = tpu.vector_load %arg7[%swap3A_188, %swap3A_189] {strides = array<i32>} : memref<512x64xf32, #tpu.memory_space<vmem>>, vector<1x16xf32>,
      %swap3A_191 = vector.shape_cast %swap3A_190 : vector<1x16xf32> to vector<16xf32>
      %swap3A_192 = vector.shape_cast %add3A_187 : vector<16xf32> to vector<1x16xf32>
      tpu.vector_store %arg7[%swap3A_188, %swap3A_189], %swap3A_192 {strides = array<i32>} : memref<512x64xf32, #tpu.memory_space<vmem>>, vector<1x16xf32>,
      %get3A_193 = arith.index_cast %scan3A_167 : i32 to index
      %get3A_194 = arith.constant 32 : index
      %get3A_195 = tpu.vector_load %arg7[%get3A_193, %get3A_194] {strides = array<i32>} : memref<512x64xf32, #tpu.memory_space<vmem>>, vector<1x16xf32>,
      %get3A_196 = vector.shape_cast %get3A_195 : vector<1x16xf32> to vector<16xf32>
      %mul3A_197 = arith.constant 8.000000e+00 : f32
      %mul3A_198 = vector.broadcast %mul3A_197 : f32 to vector<16xf32>
      %mul3A_199 = arith.mulf %get3A_196, %mul3A_198 : vector<16xf32>
      %add3A_200 = arith.addf %mul3A_199, %get3A_78 : vector<16xf32>
      %swap3A_201 = arith.index_cast %scan3A_167 : i32 to index
      %swap3A_202 = arith.constant 32 : index
      %swap3A_203 = tpu.vector_load %arg7[%swap3A_201, %swap3A_202] {strides = array<i32>} : memref<512x64xf32, #tpu.memory_space<vmem>>, vector<1x16xf32>,
      %swap3A_204 = vector.shape_cast %swap3A_203 : vector<1x16xf32> to vector<16xf32>
      %swap3A_205 = vector.shape_cast %add3A_200 : vector<16xf32> to vector<1x16xf32>
      tpu.vector_store %arg7[%swap3A_201, %swap3A_202], %swap3A_205 {strides = array<i32>} : memref<512x64xf32, #tpu.memory_space<vmem>>, vector<1x16xf32>,
      %get3A_206 = arith.index_cast %scan3A_167 : i32 to index
      %get3A_207 = arith.constant 48 : index
      %get3A_208 = tpu.vector_load %arg7[%get3A_206, %get3A_207] {strides = array<i32>} : memref<512x64xf32, #tpu.memory_space<vmem>>, vector<1x16xf32>,
      %get3A_209 = vector.shape_cast %get3A_208 : vector<1x16xf32> to vector<16xf32>
      %mul3A_210 = arith.constant 8.000000e+00 : f32
      %mul3A_211 = vector.broadcast %mul3A_210 : f32 to vector<16xf32>
      %mul3A_212 = arith.mulf %get3A_209, %mul3A_211 : vector<16xf32>
      %add3A_213 = arith.addf %mul3A_212, %get3A_82 : vector<16xf32>
      %swap3A_214 = arith.index_cast %scan3A_167 : i32 to index
      %swap3A_215 = arith.constant 48 : index
      %swap3A_216 = tpu.vector_load %arg7[%swap3A_214, %swap3A_215] {strides = array<i32>} : memref<512x64xf32, #tpu.memory_space<vmem>>, vector<1x16xf32>,
      %swap3A_217 = vector.shape_cast %swap3A_216 : vector<1x16xf32> to vector<16xf32>
      %swap3A_218 = vector.shape_cast %add3A_213 : vector<16xf32> to vector<1x16xf32>
      tpu.vector_store %arg7[%swap3A_214, %swap3A_215], %swap3A_218 {strides = array<i32>} : memref<512x64xf32, #tpu.memory_space<vmem>>, vector<1x16xf32>,
      %scan3A_219 = arith.constant 1 : i32
      %scan3A_220 = arith.addi %scan3A_167, %scan3A_219 : i32
      %get3A_221 = arith.index_cast %scan3A_220 : i32 to index
      %get3A_222 = arith.constant 0 : index
      %get3A_223 = tpu.vector_load %arg7[%get3A_221, %get3A_222] {strides = array<i32>} : memref<512x64xf32, #tpu.memory_space<vmem>>, vector<1x16xf32>,
      %get3A_224 = vector.shape_cast %get3A_223 : vector<1x16xf32> to vector<16xf32>
      %mul3A_225 = arith.constant 8.000000e+00 : f32
      %mul3A_226 = vector.broadcast %mul3A_225 : f32 to vector<16xf32>
      %mul3A_227 = arith.mulf %get3A_224, %mul3A_226 : vector<16xf32>
      %add3A_228 = arith.addf %mul3A_227, %get3A_70 : vector<16xf32>
      %swap3A_229 = arith.index_cast %scan3A_220 : i32 to index
      %swap3A_230 = arith.constant 0 : index
      %swap3A_231 = tpu.vector_load %arg7[%swap3A_229, %swap3A_230] {strides = array<i32>} : memref<512x64xf32, #tpu.memory_space<vmem>>, vector<1x16xf32>,
      %swap3A_232 = vector.shape_cast %swap3A_231 : vector<1x16xf32> to vector<16xf32>
      %swap3A_233 = vector.shape_cast %add3A_228 : vector<16xf32> to vector<1x16xf32>
      tpu.vector_store %arg7[%swap3A_229, %swap3A_230], %swap3A_233 {strides = array<i32>} : memref<512x64xf32, #tpu.memory_space<vmem>>, vector<1x16xf32>,
      %get3A_234 = arith.index_cast %scan3A_220 : i32 to index
      %get3A_235 = arith.constant 16 : index
      %get3A_236 = tpu.vector_load %arg7[%get3A_234, %get3A_235] {strides = array<i32>} : memref<512x64xf32, #tpu.memory_space<vmem>>, vector<1x16xf32>,
      %get3A_237 = vector.shape_cast %get3A_236 : vector<1x16xf32> to vector<16xf32>
      %mul3A_238 = arith.constant 8.000000e+00 : f32
      %mul3A_239 = vector.broadcast %mul3A_238 : f32 to vector<16xf32>
      %mul3A_240 = arith.mulf %get3A_237, %mul3A_239 : vector<16xf32>
      %add3A_241 = arith.addf %mul3A_240, %get3A_74 : vector<16xf32>
      %swap3A_242 = arith.index_cast %scan3A_220 : i32 to index
      %swap3A_243 = arith.constant 16 : index
      %swap3A_244 = tpu.vector_load %arg7[%swap3A_242, %swap3A_243] {strides = array<i32>} : memref<512x64xf32, #tpu.memory_space<vmem>>, vector<1x16xf32>,
      %swap3A_245 = vector.shape_cast %swap3A_244 : vector<1x16xf32> to vector<16xf32>
      %swap3A_246 = vector.shape_cast %add3A_241 : vector<16xf32> to vector<1x16xf32>
      tpu.vector_store %arg7[%swap3A_242, %swap3A_243], %swap3A_246 {strides = array<i32>} : memref<512x64xf32, #tpu.memory_space<vmem>>, vector<1x16xf32>,
      %get3A_247 = arith.index_cast %scan3A_220 : i32 to index
      %get3A_248 = arith.constant 32 : index
      %get3A_249 = tpu.vector_load %arg7[%get3A_247, %get3A_248] {strides = array<i32>} : memref<512x64xf32, #tpu.memory_space<vmem>>, vector<1x16xf32>,
      %get3A_250 = vector.shape_cast %get3A_249 : vector<1x16xf32> to vector<16xf32>
      %mul3A_251 = arith.constant 8.000000e+00 : f32
      %mul3A_252 = vector.broadcast %mul3A_251 : f32 to vector<16xf32>
      %mul3A_253 = arith.mulf %get3A_250, %mul3A_252 : vector<16xf32>
      %add3A_254 = arith.addf %mul3A_253, %get3A_78 : vector<16xf32>
      %swap3A_255 = arith.index_cast %scan3A_220 : i32 to index
      %swap3A_256 = arith.constant 32 : index
      %swap3A_257 = tpu.vector_load %arg7[%swap3A_255, %swap3A_256] {strides = array<i32>} : memref<512x64xf32, #tpu.memory_space<vmem>>, vector<1x16xf32>,
      %swap3A_258 = vector.shape_cast %swap3A_257 : vector<1x16xf32> to vector<16xf32>
      %swap3A_259 = vector.shape_cast %add3A_254 : vector<16xf32> to vector<1x16xf32>
      tpu.vector_store %arg7[%swap3A_255, %swap3A_256], %swap3A_259 {strides = array<i32>} : memref<512x64xf32, #tpu.memory_space<vmem>>, vector<1x16xf32>,
      %get3A_260 = arith.index_cast %scan3A_220 : i32 to index
      %get3A_261 = arith.constant 48 : index
      %get3A_262 = tpu.vector_load %arg7[%get3A_260, %get3A_261] {strides = array<i32>} : memref<512x64xf32, #tpu.memory_space<vmem>>, vector<1x16xf32>,
      %get3A_263 = vector.shape_cast %get3A_262 : vector<1x16xf32> to vector<16xf32>
      %mul3A_264 = arith.constant 8.000000e+00 : f32
      %mul3A_265 = vector.broadcast %mul3A_264 : f32 to vector<16xf32>
      %mul3A_266 = arith.mulf %get3A_263, %mul3A_265 : vector<16xf32>
      %add3A_267 = arith.addf %mul3A_266, %get3A_82 : vector<16xf32>
      %swap3A_268 = arith.index_cast %scan3A_220 : i32 to index
      %swap3A_269 = arith.constant 48 : index
      %swap3A_270 = tpu.vector_load %arg7[%swap3A_268, %swap3A_269] {strides = array<i32>} : memref<512x64xf32, #tpu.memory_space<vmem>>, vector<1x16xf32>,
      %swap3A_271 = vector.shape_cast %swap3A_270 : vector<1x16xf32> to vector<16xf32>
      %swap3A_272 = vector.shape_cast %add3A_267 : vector<16xf32> to vector<1x16xf32>
      tpu.vector_store %arg7[%swap3A_268, %swap3A_269], %swap3A_272 {strides = array<i32>} : memref<512x64xf32, #tpu.memory_space<vmem>>, vector<1x16xf32>,
      %scan3A_273 = arith.constant 2 : i32
      %scan3A_274 = arith.addi %scan3A_167, %scan3A_273 : i32
      %get3A_275 = arith.index_cast %scan3A_274 : i32 to index
      %get3A_276 = arith.constant 0 : index
      %get3A_277 = tpu.vector_load %arg7[%get3A_275, %get3A_276] {strides = array<i32>} : memref<512x64xf32, #tpu.memory_space<vmem>>, vector<1x16xf32>,
      %get3A_278 = vector.shape_cast %get3A_277 : vector<1x16xf32> to vector<16xf32>
      %mul3A_279 = arith.constant 8.000000e+00 : f32
      %mul3A_280 = vector.broadcast %mul3A_279 : f32 to vector<16xf32>
      %mul3A_281 = arith.mulf %get3A_278, %mul3A_280 : vector<16xf32>
      %add3A_282 = arith.addf %mul3A_281, %get3A_70 : vector<16xf32>
      %swap3A_283 = arith.index_cast %scan3A_274 : i32 to index
      %swap3A_284 = arith.constant 0 : index
      %swap3A_285 = tpu.vector_load %arg7[%swap3A_283, %swap3A_284] {strides = array<i32>} : memref<512x64xf32, #tpu.memory_space<vmem>>, vector<1x16xf32>,
      %swap3A_286 = vector.shape_cast %swap3A_285 : vector<1x16xf32> to vector<16xf32>
      %swap3A_287 = vector.shape_cast %add3A_282 : vector<16xf32> to vector<1x16xf32>
      tpu.vector_store %arg7[%swap3A_283, %swap3A_284], %swap3A_287 {strides = array<i32>} : memref<512x64xf32, #tpu.memory_space<vmem>>, vector<1x16xf32>,
      %get3A_288 = arith.index_cast %scan3A_274 : i32 to index
      %get3A_289 = arith.constant 16 : index
      %get3A_290 = tpu.vector_load %arg7[%get3A_288, %get3A_289] {strides = array<i32>} : memref<512x64xf32, #tpu.memory_space<vmem>>, vector<1x16xf32>,
      %get3A_291 = vector.shape_cast %get3A_290 : vector<1x16xf32> to vector<16xf32>
      %mul3A_292 = arith.constant 8.000000e+00 : f32
      %mul3A_293 = vector.broadcast %mul3A_292 : f32 to vector<16xf32>
      %mul3A_294 = arith.mulf %get3A_291, %mul3A_293 : vector<16xf32>
      %add3A_295 = arith.addf %mul3A_294, %get3A_74 : vector<16xf32>
      %swap3A_296 = arith.index_cast %scan3A_274 : i32 to index
      %swap3A_297 = arith.constant 16 : index
      %swap3A_298 = tpu.vector_load %arg7[%swap3A_296, %swap3A_297] {strides = array<i32>} : memref<512x64xf32, #tpu.memory_space<vmem>>, vector<1x16xf32>,
      %swap3A_299 = vector.shape_cast %swap3A_298 : vector<1x16xf32> to vector<16xf32>
      %swap3A_300 = vector.shape_cast %add3A_295 : vector<16xf32> to vector<1x16xf32>
      tpu.vector_store %arg7[%swap3A_296, %swap3A_297], %swap3A_300 {strides = array<i32>} : memref<512x64xf32, #tpu.memory_space<vmem>>, vector<1x16xf32>,
      %get3A_301 = arith.index_cast %scan3A_274 : i32 to index
      %get3A_302 = arith.constant 32 : index
      %get3A_303 = tpu.vector_load %arg7[%get3A_301, %get3A_302] {strides = array<i32>} : memref<512x64xf32, #tpu.memory_space<vmem>>, vector<1x16xf32>,
      %get3A_304 = vector.shape_cast %get3A_303 : vector<1x16xf32> to vector<16xf32>
      %mul3A_305 = arith.constant 8.000000e+00 : f32
      %mul3A_306 = vector.broadcast %mul3A_305 : f32 to vector<16xf32>
      %mul3A_307 = arith.mulf %get3A_304, %mul3A_306 : vector<16xf32>
      %add3A_308 = arith.addf %mul3A_307, %get3A_78 : vector<16xf32>
      %swap3A_309 = arith.index_cast %scan3A_274 : i32 to index
      %swap3A_310 = arith.constant 32 : index
      %swap3A_311 = tpu.vector_load %arg7[%swap3A_309, %swap3A_310] {strides = array<i32>} : memref<512x64xf32, #tpu.memory_space<vmem>>, vector<1x16xf32>,
      %swap3A_312 = vector.shape_cast %swap3A_311 : vector<1x16xf32> to vector<16xf32>
      %swap3A_313 = vector.shape_cast %add3A_308 : vector<16xf32> to vector<1x16xf32>
      tpu.vector_store %arg7[%swap3A_309, %swap3A_310], %swap3A_313 {strides = array<i32>} : memref<512x64xf32, #tpu.memory_space<vmem>>, vector<1x16xf32>,
      %get3A_314 = arith.index_cast %scan3A_274 : i32 to index
      %get3A_315 = arith.constant 48 : index
      %get3A_316 = tpu.vector_load %arg7[%get3A_314, %get3A_315] {strides = array<i32>} : memref<512x64xf32, #tpu.memory_space<vmem>>, vector<1x16xf32>,
      %get3A_317 = vector.shape_cast %get3A_316 : vector<1x16xf32> to vector<16xf32>
      %mul3A_318 = arith.constant 8.000000e+00 : f32
      %mul3A_319 = vector.broadcast %mul3A_318 : f32 to vector<16xf32>
      %mul3A_320 = arith.mulf %get3A_317, %mul3A_319 : vector<16xf32>
      %add3A_321 = arith.addf %mul3A_320, %get3A_82 : vector<16xf32>
      %swap3A_322 = arith.index_cast %scan3A_274 : i32 to index
      %swap3A_323 = arith.constant 48 : index
      %swap3A_324 = tpu.vector_load %arg7[%swap3A_322, %swap3A_323] {strides = array<i32>} : memref<512x64xf32, #tpu.memory_space<vmem>>, vector<1x16xf32>,
      %swap3A_325 = vector.shape_cast %swap3A_324 : vector<1x16xf32> to vector<16xf32>
      %swap3A_326 = vector.shape_cast %add3A_321 : vector<16xf32> to vector<1x16xf32>
      tpu.vector_store %arg7[%swap3A_322, %swap3A_323], %swap3A_326 {strides = array<i32>} : memref<512x64xf32, #tpu.memory_space<vmem>>, vector<1x16xf32>,
      %scan3A_327 = arith.constant 3 : i32
      %scan3A_328 = arith.addi %scan3A_167, %scan3A_327 : i32
      %get3A_329 = arith.index_cast %scan3A_328 : i32 to index
      %get3A_330 = arith.constant 0 : index
      %get3A_331 = tpu.vector_load %arg7[%get3A_329, %get3A_330] {strides = array<i32>} : memref<512x64xf32, #tpu.memory_space<vmem>>, vector<1x16xf32>,
      %get3A_332 = vector.shape_cast %get3A_331 : vector<1x16xf32> to vector<16xf32>
      %mul3A_333 = arith.constant 8.000000e+00 : f32
      %mul3A_334 = vector.broadcast %mul3A_333 : f32 to vector<16xf32>
      %mul3A_335 = arith.mulf %get3A_332, %mul3A_334 : vector<16xf32>
      %add3A_336 = arith.addf %mul3A_335, %get3A_70 : vector<16xf32>
      %swap3A_337 = arith.index_cast %scan3A_328 : i32 to index
      %swap3A_338 = arith.constant 0 : index
      %swap3A_339 = tpu.vector_load %arg7[%swap3A_337, %swap3A_338] {strides = array<i32>} : memref<512x64xf32, #tpu.memory_space<vmem>>, vector<1x16xf32>,
      %swap3A_340 = vector.shape_cast %swap3A_339 : vector<1x16xf32> to vector<16xf32>
      %swap3A_341 = vector.shape_cast %add3A_336 : vector<16xf32> to vector<1x16xf32>
      tpu.vector_store %arg7[%swap3A_337, %swap3A_338], %swap3A_341 {strides = array<i32>} : memref<512x64xf32, #tpu.memory_space<vmem>>, vector<1x16xf32>,
      %get3A_342 = arith.index_cast %scan3A_328 : i32 to index
      %get3A_343 = arith.constant 16 : index
      %get3A_344 = tpu.vector_load %arg7[%get3A_342, %get3A_343] {strides = array<i32>} : memref<512x64xf32, #tpu.memory_space<vmem>>, vector<1x16xf32>,
      %get3A_345 = vector.shape_cast %get3A_344 : vector<1x16xf32> to vector<16xf32>
      %mul3A_346 = arith.constant 8.000000e+00 : f32
      %mul3A_347 = vector.broadcast %mul3A_346 : f32 to vector<16xf32>
      %mul3A_348 = arith.mulf %get3A_345, %mul3A_347 : vector<16xf32>
      %add3A_349 = arith.addf %mul3A_348, %get3A_74 : vector<16xf32>
      %swap3A_350 = arith.index_cast %scan3A_328 : i32 to index
      %swap3A_351 = arith.constant 16 : index
      %swap3A_352 = tpu.vector_load %arg7[%swap3A_350, %swap3A_351] {strides = array<i32>} : memref<512x64xf32, #tpu.memory_space<vmem>>, vector<1x16xf32>,
      %swap3A_353 = vector.shape_cast %swap3A_352 : vector<1x16xf32> to vector<16xf32>
      %swap3A_354 = vector.shape_cast %add3A_349 : vector<16xf32> to vector<1x16xf32>
      tpu.vector_store %arg7[%swap3A_350, %swap3A_351], %swap3A_354 {strides = array<i32>} : memref<512x64xf32, #tpu.memory_space<vmem>>, vector<1x16xf32>,
      %get3A_355 = arith.index_cast %scan3A_328 : i32 to index
      %get3A_356 = arith.constant 32 : index
      %get3A_357 = tpu.vector_load %arg7[%get3A_355, %get3A_356] {strides = array<i32>} : memref<512x64xf32, #tpu.memory_space<vmem>>, vector<1x16xf32>,
      %get3A_358 = vector.shape_cast %get3A_357 : vector<1x16xf32> to vector<16xf32>
      %mul3A_359 = arith.constant 8.000000e+00 : f32
      %mul3A_360 = vector.broadcast %mul3A_359 : f32 to vector<16xf32>
      %mul3A_361 = arith.mulf %get3A_358, %mul3A_360 : vector<16xf32>
      %add3A_362 = arith.addf %mul3A_361, %get3A_78 : vector<16xf32>
      %swap3A_363 = arith.index_cast %scan3A_328 : i32 to index
      %swap3A_364 = arith.constant 32 : index
      %swap3A_365 = tpu.vector_load %arg7[%swap3A_363, %swap3A_364] {strides = array<i32>} : memref<512x64xf32, #tpu.memory_space<vmem>>, vector<1x16xf32>,
      %swap3A_366 = vector.shape_cast %swap3A_365 : vector<1x16xf32> to vector<16xf32>
      %swap3A_367 = vector.shape_cast %add3A_362 : vector<16xf32> to vector<1x16xf32>
      tpu.vector_store %arg7[%swap3A_363, %swap3A_364], %swap3A_367 {strides = array<i32>} : memref<512x64xf32, #tpu.memory_space<vmem>>, vector<1x16xf32>,
      %get3A_368 = arith.index_cast %scan3A_328 : i32 to index
      %get3A_369 = arith.constant 48 : index
      %get3A_370 = tpu.vector_load %arg7[%get3A_368, %get3A_369] {strides = array<i32>} : memref<512x64xf32, #tpu.memory_space<vmem>>, vector<1x16xf32>,
      %get3A_371 = vector.shape_cast %get3A_370 : vector<1x16xf32> to vector<16xf32>
      %mul3A_372 = arith.constant 8.000000e+00 : f32
      %mul3A_373 = vector.broadcast %mul3A_372 : f32 to vector<16xf32>
      %mul3A_374 = arith.mulf %get3A_371, %mul3A_373 : vector<16xf32>
      %add3A_375 = arith.addf %mul3A_374, %get3A_82 : vector<16xf32>
      %swap3A_376 = arith.index_cast %scan3A_328 : i32 to index
      %swap3A_377 = arith.constant 48 : index
      %swap3A_378 = tpu.vector_load %arg7[%swap3A_376, %swap3A_377] {strides = array<i32>} : memref<512x64xf32, #tpu.memory_space<vmem>>, vector<1x16xf32>,
      %swap3A_379 = vector.shape_cast %swap3A_378 : vector<1x16xf32> to vector<16xf32>
      %swap3A_380 = vector.shape_cast %add3A_375 : vector<16xf32> to vector<1x16xf32>
      tpu.vector_store %arg7[%swap3A_376, %swap3A_377], %swap3A_380 {strides = array<i32>} : memref<512x64xf32, #tpu.memory_space<vmem>>, vector<1x16xf32>,
      %scan3A_381 = arith.constant 4 : i32
      %scan3A_382 = arith.addi %scan3A_167, %scan3A_381 : i32
      %get3A_383 = arith.index_cast %scan3A_382 : i32 to index
      %get3A_384 = arith.constant 0 : index
      %get3A_385 = tpu.vector_load %arg7[%get3A_383, %get3A_384] {strides = array<i32>} : memref<512x64xf32, #tpu.memory_space<vmem>>, vector<1x16xf32>,
      %get3A_386 = vector.shape_cast %get3A_385 : vector<1x16xf32> to vector<16xf32>
      %mul3A_387 = arith.constant 8.000000e+00 : f32
      %mul3A_388 = vector.broadcast %mul3A_387 : f32 to vector<16xf32>
      %mul3A_389 = arith.mulf %get3A_386, %mul3A_388 : vector<16xf32>
      %add3A_390 = arith.addf %mul3A_389, %get3A_70 : vector<16xf32>
      %swap3A_391 = arith.index_cast %scan3A_382 : i32 to index
      %swap3A_392 = arith.constant 0 : index
      %swap3A_393 = tpu.vector_load %arg7[%swap3A_391, %swap3A_392] {strides = array<i32>} : memref<512x64xf32, #tpu.memory_space<vmem>>, vector<1x16xf32>,
      %swap3A_394 = vector.shape_cast %swap3A_393 : vector<1x16xf32> to vector<16xf32>
      %swap3A_395 = vector.shape_cast %add3A_390 : vector<16xf32> to vector<1x16xf32>
      tpu.vector_store %arg7[%swap3A_391, %swap3A_392], %swap3A_395 {strides = array<i32>} : memref<512x64xf32, #tpu.memory_space<vmem>>, vector<1x16xf32>,
      %get3A_396 = arith.index_cast %scan3A_382 : i32 to index
      %get3A_397 = arith.constant 16 : index
      %get3A_398 = tpu.vector_load %arg7[%get3A_396, %get3A_397] {strides = array<i32>} : memref<512x64xf32, #tpu.memory_space<vmem>>, vector<1x16xf32>,
      %get3A_399 = vector.shape_cast %get3A_398 : vector<1x16xf32> to vector<16xf32>
      %mul3A_400 = arith.constant 8.000000e+00 : f32
      %mul3A_401 = vector.broadcast %mul3A_400 : f32 to vector<16xf32>
      %mul3A_402 = arith.mulf %get3A_399, %mul3A_401 : vector<16xf32>
      %add3A_403 = arith.addf %mul3A_402, %get3A_74 : vector<16xf32>
      %swap3A_404 = arith.index_cast %scan3A_382 : i32 to index
      %swap3A_405 = arith.constant 16 : index
      %swap3A_406 = tpu.vector_load %arg7[%swap3A_404, %swap3A_405] {strides = array<i32>} : memref<512x64xf32, #tpu.memory_space<vmem>>, vector<1x16xf32>,
      %swap3A_407 = vector.shape_cast %swap3A_406 : vector<1x16xf32> to vector<16xf32>
      %swap3A_408 = vector.shape_cast %add3A_403 : vector<16xf32> to vector<1x16xf32>
      tpu.vector_store %arg7[%swap3A_404, %swap3A_405], %swap3A_408 {strides = array<i32>} : memref<512x64xf32, #tpu.memory_space<vmem>>, vector<1x16xf32>,
      %get3A_409 = arith.index_cast %scan3A_382 : i32 to index
      %get3A_410 = arith.constant 32 : index
      %get3A_411 = tpu.vector_load %arg7[%get3A_409, %get3A_410] {strides = array<i32>} : memref<512x64xf32, #tpu.memory_space<vmem>>, vector<1x16xf32>,
      %get3A_412 = vector.shape_cast %get3A_411 : vector<1x16xf32> to vector<16xf32>
      %mul3A_413 = arith.constant 8.000000e+00 : f32
      %mul3A_414 = vector.broadcast %mul3A_413 : f32 to vector<16xf32>
      %mul3A_415 = arith.mulf %get3A_412, %mul3A_414 : vector<16xf32>
      %add3A_416 = arith.addf %mul3A_415, %get3A_78 : vector<16xf32>
      %swap3A_417 = arith.index_cast %scan3A_382 : i32 to index
      %swap3A_418 = arith.constant 32 : index
      %swap3A_419 = tpu.vector_load %arg7[%swap3A_417, %swap3A_418] {strides = array<i32>} : memref<512x64xf32, #tpu.memory_space<vmem>>, vector<1x16xf32>,
      %swap3A_420 = vector.shape_cast %swap3A_419 : vector<1x16xf32> to vector<16xf32>
      %swap3A_421 = vector.shape_cast %add3A_416 : vector<16xf32> to vector<1x16xf32>
      tpu.vector_store %arg7[%swap3A_417, %swap3A_418], %swap3A_421 {strides = array<i32>} : memref<512x64xf32, #tpu.memory_space<vmem>>, vector<1x16xf32>,
      %get3A_422 = arith.index_cast %scan3A_382 : i32 to index
      %get3A_423 = arith.constant 48 : index
      %get3A_424 = tpu.vector_load %arg7[%get3A_422, %get3A_423] {strides = array<i32>} : memref<512x64xf32, #tpu.memory_space<vmem>>, vector<1x16xf32>,
      %get3A_425 = vector.shape_cast %get3A_424 : vector<1x16xf32> to vector<16xf32>
      %mul3A_426 = arith.constant 8.000000e+00 : f32
      %mul3A_427 = vector.broadcast %mul3A_426 : f32 to vector<16xf32>
      %mul3A_428 = arith.mulf %get3A_425, %mul3A_427 : vector<16xf32>
      %add3A_429 = arith.addf %mul3A_428, %get3A_82 : vector<16xf32>
      %swap3A_430 = arith.index_cast %scan3A_382 : i32 to index
      %swap3A_431 = arith.constant 48 : index
      %swap3A_432 = tpu.vector_load %arg7[%swap3A_430, %swap3A_431] {strides = array<i32>} : memref<512x64xf32, #tpu.memory_space<vmem>>, vector<1x16xf32>,
      %swap3A_433 = vector.shape_cast %swap3A_432 : vector<1x16xf32> to vector<16xf32>
      %swap3A_434 = vector.shape_cast %add3A_429 : vector<16xf32> to vector<1x16xf32>
      tpu.vector_store %arg7[%swap3A_430, %swap3A_431], %swap3A_434 {strides = array<i32>} : memref<512x64xf32, #tpu.memory_space<vmem>>, vector<1x16xf32>,
      %scan3A_435 = arith.constant 5 : i32
      %scan3A_436 = arith.addi %scan3A_167, %scan3A_435 : i32
      %get3A_437 = arith.index_cast %scan3A_436 : i32 to index
      %get3A_438 = arith.constant 0 : index
      %get3A_439 = tpu.vector_load %arg7[%get3A_437, %get3A_438] {strides = array<i32>} : memref<512x64xf32, #tpu.memory_space<vmem>>, vector<1x16xf32>,
      %get3A_440 = vector.shape_cast %get3A_439 : vector<1x16xf32> to vector<16xf32>
      %mul3A_441 = arith.constant 8.000000e+00 : f32
      %mul3A_442 = vector.broadcast %mul3A_441 : f32 to vector<16xf32>
      %mul3A_443 = arith.mulf %get3A_440, %mul3A_442 : vector<16xf32>
      %add3A_444 = arith.addf %mul3A_443, %get3A_70 : vector<16xf32>
      %swap3A_445 = arith.index_cast %scan3A_436 : i32 to index
      %swap3A_446 = arith.constant 0 : index
      %swap3A_447 = tpu.vector_load %arg7[%swap3A_445, %swap3A_446] {strides = array<i32>} : memref<512x64xf32, #tpu.memory_space<vmem>>, vector<1x16xf32>,
      %swap3A_448 = vector.shape_cast %swap3A_447 : vector<1x16xf32> to vector<16xf32>
      %swap3A_449 = vector.shape_cast %add3A_444 : vector<16xf32> to vector<1x16xf32>
      tpu.vector_store %arg7[%swap3A_445, %swap3A_446], %swap3A_449 {strides = array<i32>} : memref<512x64xf32, #tpu.memory_space<vmem>>, vector<1x16xf32>,
      %get3A_450 = arith.index_cast %scan3A_436 : i32 to index
      %get3A_451 = arith.constant 16 : index
      %get3A_452 = tpu.vector_load %arg7[%get3A_450, %get3A_451] {strides = array<i32>} : memref<512x64xf32, #tpu.memory_space<vmem>>, vector<1x16xf32>,
      %get3A_453 = vector.shape_cast %get3A_452 : vector<1x16xf32> to vector<16xf32>
      %mul3A_454 = arith.constant 8.000000e+00 : f32
      %mul3A_455 = vector.broadcast %mul3A_454 : f32 to vector<16xf32>
      %mul3A_456 = arith.mulf %get3A_453, %mul3A_455 : vector<16xf32>
      %add3A_457 = arith.addf %mul3A_456, %get3A_74 : vector<16xf32>
      %swap3A_458 = arith.index_cast %scan3A_436 : i32 to index
      %swap3A_459 = arith.constant 16 : index
      %swap3A_460 = tpu.vector_load %arg7[%swap3A_458, %swap3A_459] {strides = array<i32>} : memref<512x64xf32, #tpu.memory_space<vmem>>, vector<1x16xf32>,
      %swap3A_461 = vector.shape_cast %swap3A_460 : vector<1x16xf32> to vector<16xf32>
      %swap3A_462 = vector.shape_cast %add3A_457 : vector<16xf32> to vector<1x16xf32>
      tpu.vector_store %arg7[%swap3A_458, %swap3A_459], %swap3A_462 {strides = array<i32>} : memref<512x64xf32, #tpu.memory_space<vmem>>, vector<1x16xf32>,
      %get3A_463 = arith.index_cast %scan3A_436 : i32 to index
      %get3A_464 = arith.constant 32 : index
      %get3A_465 = tpu.vector_load %arg7[%get3A_463, %get3A_464] {strides = array<i32>} : memref<512x64xf32, #tpu.memory_space<vmem>>, vector<1x16xf32>,
      %get3A_466 = vector.shape_cast %get3A_465 : vector<1x16xf32> to vector<16xf32>
      %mul3A_467 = arith.constant 8.000000e+00 : f32
      %mul3A_468 = vector.broadcast %mul3A_467 : f32 to vector<16xf32>
      %mul3A_469 = arith.mulf %get3A_466, %mul3A_468 : vector<16xf32>
      %add3A_470 = arith.addf %mul3A_469, %get3A_78 : vector<16xf32>
      %swap3A_471 = arith.index_cast %scan3A_436 : i32 to index
      %swap3A_472 = arith.constant 32 : index
      %swap3A_473 = tpu.vector_load %arg7[%swap3A_471, %swap3A_472] {strides = array<i32>} : memref<512x64xf32, #tpu.memory_space<vmem>>, vector<1x16xf32>,
      %swap3A_474 = vector.shape_cast %swap3A_473 : vector<1x16xf32> to vector<16xf32>
      %swap3A_475 = vector.shape_cast %add3A_470 : vector<16xf32> to vector<1x16xf32>
      tpu.vector_store %arg7[%swap3A_471, %swap3A_472], %swap3A_475 {strides = array<i32>} : memref<512x64xf32, #tpu.memory_space<vmem>>, vector<1x16xf32>,
      %get3A_476 = arith.index_cast %scan3A_436 : i32 to index
      %get3A_477 = arith.constant 48 : index
      %get3A_478 = tpu.vector_load %arg7[%get3A_476, %get3A_477] {strides = array<i32>} : memref<512x64xf32, #tpu.memory_space<vmem>>, vector<1x16xf32>,
      %get3A_479 = vector.shape_cast %get3A_478 : vector<1x16xf32> to vector<16xf32>
      %mul3A_480 = arith.constant 8.000000e+00 : f32
      %mul3A_481 = vector.broadcast %mul3A_480 : f32 to vector<16xf32>
      %mul3A_482 = arith.mulf %get3A_479, %mul3A_481 : vector<16xf32>
      %add3A_483 = arith.addf %mul3A_482, %get3A_82 : vector<16xf32>
      %swap3A_484 = arith.index_cast %scan3A_436 : i32 to index
      %swap3A_485 = arith.constant 48 : index
      %swap3A_486 = tpu.vector_load %arg7[%swap3A_484, %swap3A_485] {strides = array<i32>} : memref<512x64xf32, #tpu.memory_space<vmem>>, vector<1x16xf32>,
      %swap3A_487 = vector.shape_cast %swap3A_486 : vector<1x16xf32> to vector<16xf32>
      %swap3A_488 = vector.shape_cast %add3A_483 : vector<16xf32> to vector<1x16xf32>
      tpu.vector_store %arg7[%swap3A_484, %swap3A_485], %swap3A_488 {strides = array<i32>} : memref<512x64xf32, #tpu.memory_space<vmem>>, vector<1x16xf32>,
      %scan3A_489 = arith.constant 6 : i32
      %scan3A_490 = arith.addi %scan3A_167, %scan3A_489 : i32
      %get3A_491 = arith.index_cast %scan3A_490 : i32 to index
      %get3A_492 = arith.constant 0 : index
      %get3A_493 = tpu.vector_load %arg7[%get3A_491, %get3A_492] {strides = array<i32>} : memref<512x64xf32, #tpu.memory_space<vmem>>, vector<1x16xf32>,
      %get3A_494 = vector.shape_cast %get3A_493 : vector<1x16xf32> to vector<16xf32>
      %mul3A_495 = arith.constant 8.000000e+00 : f32
      %mul3A_496 = vector.broadcast %mul3A_495 : f32 to vector<16xf32>
      %mul3A_497 = arith.mulf %get3A_494, %mul3A_496 : vector<16xf32>
      %add3A_498 = arith.addf %mul3A_497, %get3A_70 : vector<16xf32>
      %swap3A_499 = arith.index_cast %scan3A_490 : i32 to index
      %swap3A_500 = arith.constant 0 : index
      %swap3A_501 = tpu.vector_load %arg7[%swap3A_499, %swap3A_500] {strides = array<i32>} : memref<512x64xf32, #tpu.memory_space<vmem>>, vector<1x16xf32>,
      %swap3A_502 = vector.shape_cast %swap3A_501 : vector<1x16xf32> to vector<16xf32>
      %swap3A_503 = vector.shape_cast %add3A_498 : vector<16xf32> to vector<1x16xf32>
      tpu.vector_store %arg7[%swap3A_499, %swap3A_500], %swap3A_503 {strides = array<i32>} : memref<512x64xf32, #tpu.memory_space<vmem>>, vector<1x16xf32>,
      %get3A_504 = arith.index_cast %scan3A_490 : i32 to index
      %get3A_505 = arith.constant 16 : index
      %get3A_506 = tpu.vector_load %arg7[%get3A_504, %get3A_505] {strides = array<i32>} : memref<512x64xf32, #tpu.memory_space<vmem>>, vector<1x16xf32>,
      %get3A_507 = vector.shape_cast %get3A_506 : vector<1x16xf32> to vector<16xf32>
      %mul3A_508 = arith.constant 8.000000e+00 : f32
      %mul3A_509 = vector.broadcast %mul3A_508 : f32 to vector<16xf32>
      %mul3A_510 = arith.mulf %get3A_507, %mul3A_509 : vector<16xf32>
      %add3A_511 = arith.addf %mul3A_510, %get3A_74 : vector<16xf32>
      %swap3A_512 = arith.index_cast %scan3A_490 : i32 to index
      %swap3A_513 = arith.constant 16 : index
      %swap3A_514 = tpu.vector_load %arg7[%swap3A_512, %swap3A_513] {strides = array<i32>} : memref<512x64xf32, #tpu.memory_space<vmem>>, vector<1x16xf32>,
      %swap3A_515 = vector.shape_cast %swap3A_514 : vector<1x16xf32> to vector<16xf32>
      %swap3A_516 = vector.shape_cast %add3A_511 : vector<16xf32> to vector<1x16xf32>
      tpu.vector_store %arg7[%swap3A_512, %swap3A_513], %swap3A_516 {strides = array<i32>} : memref<512x64xf32, #tpu.memory_space<vmem>>, vector<1x16xf32>,
      %get3A_517 = arith.index_cast %scan3A_490 : i32 to index
      %get3A_518 = arith.constant 32 : index
      %get3A_519 = tpu.vector_load %arg7[%get3A_517, %get3A_518] {strides = array<i32>} : memref<512x64xf32, #tpu.memory_space<vmem>>, vector<1x16xf32>,
      %get3A_520 = vector.shape_cast %get3A_519 : vector<1x16xf32> to vector<16xf32>
      %mul3A_521 = arith.constant 8.000000e+00 : f32
      %mul3A_522 = vector.broadcast %mul3A_521 : f32 to vector<16xf32>
      %mul3A_523 = arith.mulf %get3A_520, %mul3A_522 : vector<16xf32>
      %add3A_524 = arith.addf %mul3A_523, %get3A_78 : vector<16xf32>
      %swap3A_525 = arith.index_cast %scan3A_490 : i32 to index
      %swap3A_526 = arith.constant 32 : index
      %swap3A_527 = tpu.vector_load %arg7[%swap3A_525, %swap3A_526] {strides = array<i32>} : memref<512x64xf32, #tpu.memory_space<vmem>>, vector<1x16xf32>,
      %swap3A_528 = vector.shape_cast %swap3A_527 : vector<1x16xf32> to vector<16xf32>
      %swap3A_529 = vector.shape_cast %add3A_524 : vector<16xf32> to vector<1x16xf32>
      tpu.vector_store %arg7[%swap3A_525, %swap3A_526], %swap3A_529 {strides = array<i32>} : memref<512x64xf32, #tpu.memory_space<vmem>>, vector<1x16xf32>,
      %get3A_530 = arith.index_cast %scan3A_490 : i32 to index
      %get3A_531 = arith.constant 48 : index
      %get3A_532 = tpu.vector_load %arg7[%get3A_530, %get3A_531] {strides = array<i32>} : memref<512x64xf32, #tpu.memory_space<vmem>>, vector<1x16xf32>,
      %get3A_533 = vector.shape_cast %get3A_532 : vector<1x16xf32> to vector<16xf32>
      %mul3A_534 = arith.constant 8.000000e+00 : f32
      %mul3A_535 = vector.broadcast %mul3A_534 : f32 to vector<16xf32>
      %mul3A_536 = arith.mulf %get3A_533, %mul3A_535 : vector<16xf32>
      %add3A_537 = arith.addf %mul3A_536, %get3A_82 : vector<16xf32>
      %swap3A_538 = arith.index_cast %scan3A_490 : i32 to index
      %swap3A_539 = arith.constant 48 : index
      %swap3A_540 = tpu.vector_load %arg7[%swap3A_538, %swap3A_539] {strides = array<i32>} : memref<512x64xf32, #tpu.memory_space<vmem>>, vector<1x16xf32>,
      %swap3A_541 = vector.shape_cast %swap3A_540 : vector<1x16xf32> to vector<16xf32>
      %swap3A_542 = vector.shape_cast %add3A_537 : vector<16xf32> to vector<1x16xf32>
      tpu.vector_store %arg7[%swap3A_538, %swap3A_539], %swap3A_542 {strides = array<i32>} : memref<512x64xf32, #tpu.memory_space<vmem>>, vector<1x16xf32>,
      %scan3A_543 = arith.constant 7 : i32
      %scan3A_544 = arith.addi %scan3A_167, %scan3A_543 : i32
      %get3A_545 = arith.index_cast %scan3A_544 : i32 to index
      %get3A_546 = arith.constant 0 : index
      %get3A_547 = tpu.vector_load %arg7[%get3A_545, %get3A_546] {strides = array<i32>} : memref<512x64xf32, #tpu.memory_space<vmem>>, vector<1x16xf32>,
      %get3A_548 = vector.shape_cast %get3A_547 : vector<1x16xf32> to vector<16xf32>
      %mul3A_549 = arith.constant 8.000000e+00 : f32
      %mul3A_550 = vector.broadcast %mul3A_549 : f32 to vector<16xf32>
      %mul3A_551 = arith.mulf %get3A_548, %mul3A_550 : vector<16xf32>
      %add3A_552 = arith.addf %mul3A_551, %get3A_70 : vector<16xf32>
      %swap3A_553 = arith.index_cast %scan3A_544 : i32 to index
      %swap3A_554 = arith.constant 0 : index
      %swap3A_555 = tpu.vector_load %arg7[%swap3A_553, %swap3A_554] {strides = array<i32>} : memref<512x64xf32, #tpu.memory_space<vmem>>, vector<1x16xf32>,
      %swap3A_556 = vector.shape_cast %swap3A_555 : vector<1x16xf32> to vector<16xf32>
      %swap3A_557 = vector.shape_cast %add3A_552 : vector<16xf32> to vector<1x16xf32>
      tpu.vector_store %arg7[%swap3A_553, %swap3A_554], %swap3A_557 {strides = array<i32>} : memref<512x64xf32, #tpu.memory_space<vmem>>, vector<1x16xf32>,
      %get3A_558 = arith.index_cast %scan3A_544 : i32 to index
      %get3A_559 = arith.constant 16 : index
      %get3A_560 = tpu.vector_load %arg7[%get3A_558, %get3A_559] {strides = array<i32>} : memref<512x64xf32, #tpu.memory_space<vmem>>, vector<1x16xf32>,
      %get3A_561 = vector.shape_cast %get3A_560 : vector<1x16xf32> to vector<16xf32>
      %mul3A_562 = arith.constant 8.000000e+00 : f32
      %mul3A_563 = vector.broadcast %mul3A_562 : f32 to vector<16xf32>
      %mul3A_564 = arith.mulf %get3A_561, %mul3A_563 : vector<16xf32>
      %add3A_565 = arith.addf %mul3A_564, %get3A_74 : vector<16xf32>
      %swap3A_566 = arith.index_cast %scan3A_544 : i32 to index
      %swap3A_567 = arith.constant 16 : index
      %swap3A_568 = tpu.vector_load %arg7[%swap3A_566, %swap3A_567] {strides = array<i32>} : memref<512x64xf32, #tpu.memory_space<vmem>>, vector<1x16xf32>,
      %swap3A_569 = vector.shape_cast %swap3A_568 : vector<1x16xf32> to vector<16xf32>
      %swap3A_570 = vector.shape_cast %add3A_565 : vector<16xf32> to vector<1x16xf32>
      tpu.vector_store %arg7[%swap3A_566, %swap3A_567], %swap3A_570 {strides = array<i32>} : memref<512x64xf32, #tpu.memory_space<vmem>>, vector<1x16xf32>,
      %get3A_571 = arith.index_cast %scan3A_544 : i32 to index
      %get3A_572 = arith.constant 32 : index
      %get3A_573 = tpu.vector_load %arg7[%get3A_571, %get3A_572] {strides = array<i32>} : memref<512x64xf32, #tpu.memory_space<vmem>>, vector<1x16xf32>,
      %get3A_574 = vector.shape_cast %get3A_573 : vector<1x16xf32> to vector<16xf32>
      %mul3A_575 = arith.constant 8.000000e+00 : f32
      %mul3A_576 = vector.broadcast %mul3A_575 : f32 to vector<16xf32>
      %mul3A_577 = arith.mulf %get3A_574, %mul3A_576 : vector<16xf32>
      %add3A_578 = arith.addf %mul3A_577, %get3A_78 : vector<16xf32>
      %swap3A_579 = arith.index_cast %scan3A_544 : i32 to index
      %swap3A_580 = arith.constant 32 : index
      %swap3A_581 = tpu.vector_load %arg7[%swap3A_579, %swap3A_580] {strides = array<i32>} : memref<512x64xf32, #tpu.memory_space<vmem>>, vector<1x16xf32>,
      %swap3A_582 = vector.shape_cast %swap3A_581 : vector<1x16xf32> to vector<16xf32>
      %swap3A_583 = vector.shape_cast %add3A_578 : vector<16xf32> to vector<1x16xf32>
      tpu.vector_store %arg7[%swap3A_579, %swap3A_580], %swap3A_583 {strides = array<i32>} : memref<512x64xf32, #tpu.memory_space<vmem>>, vector<1x16xf32>,
      %get3A_584 = arith.index_cast %scan3A_544 : i32 to index
      %get3A_585 = arith.constant 48 : index
      %get3A_586 = tpu.vector_load %arg7[%get3A_584, %get3A_585] {strides = array<i32>} : memref<512x64xf32, #tpu.memory_space<vmem>>, vector<1x16xf32>,
      %get3A_587 = vector.shape_cast %get3A_586 : vector<1x16xf32> to vector<16xf32>
      %mul3A_588 = arith.constant 8.000000e+00 : f32
      %mul3A_589 = vector.broadcast %mul3A_588 : f32 to vector<16xf32>
      %mul3A_590 = arith.mulf %get3A_587, %mul3A_589 : vector<16xf32>
      %add3A_591 = arith.addf %mul3A_590, %get3A_82 : vector<16xf32>
      %swap3A_592 = arith.index_cast %scan3A_544 : i32 to index
      %swap3A_593 = arith.constant 48 : index
      %swap3A_594 = tpu.vector_load %arg7[%swap3A_592, %swap3A_593] {strides = array<i32>} : memref<512x64xf32, #tpu.memory_space<vmem>>, vector<1x16xf32>,
      %swap3A_595 = vector.shape_cast %swap3A_594 : vector<1x16xf32> to vector<16xf32>
      %swap3A_596 = vector.shape_cast %add3A_591 : vector<16xf32> to vector<1x16xf32>
      tpu.vector_store %arg7[%swap3A_592, %swap3A_593], %swap3A_596 {strides = array<i32>} : memref<512x64xf32, #tpu.memory_space<vmem>>, vector<1x16xf32>,
    }
    %scan3A_87 = arith.constant 512 : i32
    %dma_start3A_88 = arith.constant 0 : i32
    %dma_start3A_89 = tpu.memref_slice %arg5[%add3A_42, %dma_start3A_88] : memref<819200x128xf32, #tpu.memory_space<hbm>> -> memref<512x64xf32, #tpu.memory_space<hbm>>
    %dma_start3A_90 = arith.constant 0 : i32
    %dma_start3A_91 = tpu.memref_slice %arg5[%add3A_42, %dma_start3A_90] : memref<819200x128xf32, #tpu.memory_space<hbm>> -> memref<512x64xf32, #tpu.memory_space<hbm>>
    tpu.enqueue_dma source(%arg7 : memref<512x64xf32, #tpu.memory_space<vmem>>) target(%dma_start3A_91 : memref<512x64xf32, #tpu.memory_space<hbm>>) target_semaphore(%arg14 : memref<!tpu.dma_semaphore, #tpu.memory_space<semaphore_mem>>)
    %dma_wait3A_92 = arith.constant 25088 : i32
    %dma_wait3A_93 = tpu.memref_slice %arg6[%dma_wait3A_92] : memref<25600xi32, #tpu.memory_space<vmem>> -> memref<512xi32, #tpu.memory_space<vmem>>
    %dma_wait3A_94 = arith.constant 0 : i32
    %dma_wait3A_95 = arith.constant 0 : i32
    %dma_wait3A_96 = tpu.memref_slice %arg3[%dma_wait3A_94, %dma_wait3A_95] : memref<1000000x64xf32, #tpu.memory_space<hbm>> -> memref<1000000x64xf32, #tpu.memory_space<hbm>>
    tpu.wait_indirect_dma semaphore(%arg12 : memref<!tpu.dma_semaphore, #tpu.memory_space<semaphore_mem>>) src(%dma_wait3A_96 : memref<1000000x64xf32, #tpu.memory_space<hbm>>) dst(%arg8 : memref<512x64xf32, #tpu.memory_space<vmem>>)
    %add3A_97 = arith.constant 25088 : i32
    %add3A_98 = arith.addi %mul3A_2, %add3A_97 : i32
    %jit3A_99 = arith.constant 4096 : i32
    %div3A_100 = arith.divsi %add3A_98, %jit3A_99 : i32
    %sign3A_101 = arith.constant 0 : i32
    %sign3A_102 = arith.cmpi sgt, %add3A_98, %sign3A_101 : i32
    %sign3A_103 = arith.extui %sign3A_102 : i1 to i32
    %sign3A_104 = arith.constant 0 : i32
    %sign3A_105 = arith.cmpi slt, %add3A_98, %sign3A_104 : i32
    %sign3A_106 = arith.extui %sign3A_105 : i1 to i32
    %sign3A_107 = arith.subi %sign3A_103, %sign3A_106 : i32
    %sign3A_108 = arith.constant 0 : i32
    %sign3A_109 = arith.cmpi sgt, %jit3A_99, %sign3A_108 : i32
    %sign3A_110 = arith.extui %sign3A_109 : i1 to i32
    %sign3A_111 = arith.constant 0 : i32
    %sign3A_112 = arith.cmpi slt, %jit3A_99, %sign3A_111 : i32
    %sign3A_113 = arith.extui %sign3A_112 : i1 to i32
    %sign3A_114 = arith.subi %sign3A_110, %sign3A_113 : i32
    %ne3A_115 = arith.cmpi ne, %sign3A_107, %sign3A_114 : i32
    %rem3A_116 = arith.remsi %add3A_98, %jit3A_99 : i32
    %ne3A_117 = arith.constant 0 : i32
    %ne3A_118 = arith.cmpi ne, %rem3A_116, %ne3A_117 : i32
    %and3A_119 = arith.andi %ne3A_115, %ne3A_118 : i1
    %sub3A_120 = arith.constant 1 : i32
    %sub3A_121 = arith.subi %div3A_100, %sub3A_120 : i32
    %select_n3A_122 = arith.select %and3A_119, %sub3A_121, %div3A_100 : i32
    %sub3A_123 = arith.subi %select_n3A_122, %select_n3A : i32
    %get3A_124 = arith.index_cast %sub3A_123 : i32 to index
    %get3A_125 = arith.constant 0 : index
    %get3A_126 = tpu.vector_load %arg10[%get3A_124, %get3A_125] {strides = array<i32>} : memref<7x64xf32, #tpu.memory_space<vmem>>, vector<1x16xf32>,
    %get3A_127 = vector.shape_cast %get3A_126 : vector<1x16xf32> to vector<16xf32>
    %get3A_128 = arith.index_cast %sub3A_123 : i32 to index
    %get3A_129 = arith.constant 16 : index
    %get3A_130 = tpu.vector_load %arg10[%get3A_128, %get3A_129] {strides = array<i32>} : memref<7x64xf32, #tpu.memory_space<vmem>>, vector<1x16xf32>,
    %get3A_131 = vector.shape_cast %get3A_130 : vector<1x16xf32> to vector<16xf32>
    %get3A_132 = arith.index_cast %sub3A_123 : i32 to index
    %get3A_133 = arith.constant 32 : index
    %get3A_134 = tpu.vector_load %arg10[%get3A_132, %get3A_133] {strides = array<i32>} : memref<7x64xf32, #tpu.memory_space<vmem>>, vector<1x16xf32>,
    %get3A_135 = vector.shape_cast %get3A_134 : vector<1x16xf32> to vector<16xf32>
    %get3A_136 = arith.index_cast %sub3A_123 : i32 to index
    %get3A_137 = arith.constant 48 : index
    %get3A_138 = tpu.vector_load %arg10[%get3A_136, %get3A_137] {strides = array<i32>} : memref<7x64xf32, #tpu.memory_space<vmem>>, vector<1x16xf32>,
    %get3A_139 = vector.shape_cast %get3A_138 : vector<1x16xf32> to vector<16xf32>
    %scan3A_140 = arith.constant 0 : i32
    %scan3A_141 = arith.constant 512 : i32
    %scan3A_142 = arith.addi %scan3A_140, %scan3A_141 : i32
    %scan3A_143 = arith.constant 8 : i32
    scf.for %scan3A_167 = %scan3A_140 to %scan3A_142 step %scan3A_143  : i32 {
      %get3A_168 = arith.index_cast %scan3A_167 : i32 to index
      %get3A_169 = arith.constant 0 : index
      %get3A_170 = tpu.vector_load %arg8[%get3A_168, %get3A_169] {strides = array<i32>} : memref<512x64xf32, #tpu.memory_space<vmem>>, vector<1x16xf32>,
      %get3A_171 = vector.shape_cast %get3A_170 : vector<1x16xf32> to vector<16xf32>
      %mul3A_172 = arith.constant 8.000000e+00 : f32
      %mul3A_173 = vector.broadcast %mul3A_172 : f32 to vector<16xf32>
      %mul3A_174 = arith.mulf %get3A_171, %mul3A_173 : vector<16xf32>
      %add3A_175 = arith.addf %mul3A_174, %get3A_127 : vector<16xf32>
      %swap3A = arith.index_cast %scan3A_167 : i32 to index
      %swap3A_176 = arith.constant 0 : index
      %swap3A_177 = tpu.vector_load %arg8[%swap3A, %swap3A_176] {strides = array<i32>} : memref<512x64xf32, #tpu.memory_space<vmem>>, vector<1x16xf32>,
      %swap3A_178 = vector.shape_cast %swap3A_177 : vector<1x16xf32> to vector<16xf32>
      %swap3A_179 = vector.shape_cast %add3A_175 : vector<16xf32> to vector<1x16xf32>
      tpu.vector_store %arg8[%swap3A, %swap3A_176], %swap3A_179 {strides = array<i32>} : memref<512x64xf32, #tpu.memory_space<vmem>>, vector<1x16xf32>,
      %get3A_180 = arith.index_cast %scan3A_167 : i32 to index
      %get3A_181 = arith.constant 16 : index
      %get3A_182 = tpu.vector_load %arg8[%get3A_180, %get3A_181] {strides = array<i32>} : memref<512x64xf32, #tpu.memory_space<vmem>>, vector<1x16xf32>,
      %get3A_183 = vector.shape_cast %get3A_182 : vector<1x16xf32> to vector<16xf32>
      %mul3A_184 = arith.constant 8.000000e+00 : f32
      %mul3A_185 = vector.broadcast %mul3A_184 : f32 to vector<16xf32>
      %mul3A_186 = arith.mulf %get3A_183, %mul3A_185 : vector<16xf32>
      %add3A_187 = arith.addf %mul3A_186, %get3A_131 : vector<16xf32>
      %swap3A_188 = arith.index_cast %scan3A_167 : i32 to index
      %swap3A_189 = arith.constant 16 : index
      %swap3A_190 = tpu.vector_load %arg8[%swap3A_188, %swap3A_189] {strides = array<i32>} : memref<512x64xf32, #tpu.memory_space<vmem>>, vector<1x16xf32>,
      %swap3A_191 = vector.shape_cast %swap3A_190 : vector<1x16xf32> to vector<16xf32>
      %swap3A_192 = vector.shape_cast %add3A_187 : vector<16xf32> to vector<1x16xf32>
      tpu.vector_store %arg8[%swap3A_188, %swap3A_189], %swap3A_192 {strides = array<i32>} : memref<512x64xf32, #tpu.memory_space<vmem>>, vector<1x16xf32>,
      %get3A_193 = arith.index_cast %scan3A_167 : i32 to index
      %get3A_194 = arith.constant 32 : index
      %get3A_195 = tpu.vector_load %arg8[%get3A_193, %get3A_194] {strides = array<i32>} : memref<512x64xf32, #tpu.memory_space<vmem>>, vector<1x16xf32>,
      %get3A_196 = vector.shape_cast %get3A_195 : vector<1x16xf32> to vector<16xf32>
      %mul3A_197 = arith.constant 8.000000e+00 : f32
      %mul3A_198 = vector.broadcast %mul3A_197 : f32 to vector<16xf32>
      %mul3A_199 = arith.mulf %get3A_196, %mul3A_198 : vector<16xf32>
      %add3A_200 = arith.addf %mul3A_199, %get3A_135 : vector<16xf32>
      %swap3A_201 = arith.index_cast %scan3A_167 : i32 to index
      %swap3A_202 = arith.constant 32 : index
      %swap3A_203 = tpu.vector_load %arg8[%swap3A_201, %swap3A_202] {strides = array<i32>} : memref<512x64xf32, #tpu.memory_space<vmem>>, vector<1x16xf32>,
      %swap3A_204 = vector.shape_cast %swap3A_203 : vector<1x16xf32> to vector<16xf32>
      %swap3A_205 = vector.shape_cast %add3A_200 : vector<16xf32> to vector<1x16xf32>
      tpu.vector_store %arg8[%swap3A_201, %swap3A_202], %swap3A_205 {strides = array<i32>} : memref<512x64xf32, #tpu.memory_space<vmem>>, vector<1x16xf32>,
      %get3A_206 = arith.index_cast %scan3A_167 : i32 to index
      %get3A_207 = arith.constant 48 : index
      %get3A_208 = tpu.vector_load %arg8[%get3A_206, %get3A_207] {strides = array<i32>} : memref<512x64xf32, #tpu.memory_space<vmem>>, vector<1x16xf32>,
      %get3A_209 = vector.shape_cast %get3A_208 : vector<1x16xf32> to vector<16xf32>
      %mul3A_210 = arith.constant 8.000000e+00 : f32
      %mul3A_211 = vector.broadcast %mul3A_210 : f32 to vector<16xf32>
      %mul3A_212 = arith.mulf %get3A_209, %mul3A_211 : vector<16xf32>
      %add3A_213 = arith.addf %mul3A_212, %get3A_139 : vector<16xf32>
      %swap3A_214 = arith.index_cast %scan3A_167 : i32 to index
      %swap3A_215 = arith.constant 48 : index
      %swap3A_216 = tpu.vector_load %arg8[%swap3A_214, %swap3A_215] {strides = array<i32>} : memref<512x64xf32, #tpu.memory_space<vmem>>, vector<1x16xf32>,
      %swap3A_217 = vector.shape_cast %swap3A_216 : vector<1x16xf32> to vector<16xf32>
      %swap3A_218 = vector.shape_cast %add3A_213 : vector<16xf32> to vector<1x16xf32>
      tpu.vector_store %arg8[%swap3A_214, %swap3A_215], %swap3A_218 {strides = array<i32>} : memref<512x64xf32, #tpu.memory_space<vmem>>, vector<1x16xf32>,
      %scan3A_219 = arith.constant 1 : i32
      %scan3A_220 = arith.addi %scan3A_167, %scan3A_219 : i32
      %get3A_221 = arith.index_cast %scan3A_220 : i32 to index
      %get3A_222 = arith.constant 0 : index
      %get3A_223 = tpu.vector_load %arg8[%get3A_221, %get3A_222] {strides = array<i32>} : memref<512x64xf32, #tpu.memory_space<vmem>>, vector<1x16xf32>,
      %get3A_224 = vector.shape_cast %get3A_223 : vector<1x16xf32> to vector<16xf32>
      %mul3A_225 = arith.constant 8.000000e+00 : f32
      %mul3A_226 = vector.broadcast %mul3A_225 : f32 to vector<16xf32>
      %mul3A_227 = arith.mulf %get3A_224, %mul3A_226 : vector<16xf32>
      %add3A_228 = arith.addf %mul3A_227, %get3A_127 : vector<16xf32>
      %swap3A_229 = arith.index_cast %scan3A_220 : i32 to index
      %swap3A_230 = arith.constant 0 : index
      %swap3A_231 = tpu.vector_load %arg8[%swap3A_229, %swap3A_230] {strides = array<i32>} : memref<512x64xf32, #tpu.memory_space<vmem>>, vector<1x16xf32>,
      %swap3A_232 = vector.shape_cast %swap3A_231 : vector<1x16xf32> to vector<16xf32>
      %swap3A_233 = vector.shape_cast %add3A_228 : vector<16xf32> to vector<1x16xf32>
      tpu.vector_store %arg8[%swap3A_229, %swap3A_230], %swap3A_233 {strides = array<i32>} : memref<512x64xf32, #tpu.memory_space<vmem>>, vector<1x16xf32>,
      %get3A_234 = arith.index_cast %scan3A_220 : i32 to index
      %get3A_235 = arith.constant 16 : index
      %get3A_236 = tpu.vector_load %arg8[%get3A_234, %get3A_235] {strides = array<i32>} : memref<512x64xf32, #tpu.memory_space<vmem>>, vector<1x16xf32>,
      %get3A_237 = vector.shape_cast %get3A_236 : vector<1x16xf32> to vector<16xf32>
      %mul3A_238 = arith.constant 8.000000e+00 : f32
      %mul3A_239 = vector.broadcast %mul3A_238 : f32 to vector<16xf32>
      %mul3A_240 = arith.mulf %get3A_237, %mul3A_239 : vector<16xf32>
      %add3A_241 = arith.addf %mul3A_240, %get3A_131 : vector<16xf32>
      %swap3A_242 = arith.index_cast %scan3A_220 : i32 to index
      %swap3A_243 = arith.constant 16 : index
      %swap3A_244 = tpu.vector_load %arg8[%swap3A_242, %swap3A_243] {strides = array<i32>} : memref<512x64xf32, #tpu.memory_space<vmem>>, vector<1x16xf32>,
      %swap3A_245 = vector.shape_cast %swap3A_244 : vector<1x16xf32> to vector<16xf32>
      %swap3A_246 = vector.shape_cast %add3A_241 : vector<16xf32> to vector<1x16xf32>
      tpu.vector_store %arg8[%swap3A_242, %swap3A_243], %swap3A_246 {strides = array<i32>} : memref<512x64xf32, #tpu.memory_space<vmem>>, vector<1x16xf32>,
      %get3A_247 = arith.index_cast %scan3A_220 : i32 to index
      %get3A_248 = arith.constant 32 : index
      %get3A_249 = tpu.vector_load %arg8[%get3A_247, %get3A_248] {strides = array<i32>} : memref<512x64xf32, #tpu.memory_space<vmem>>, vector<1x16xf32>,
      %get3A_250 = vector.shape_cast %get3A_249 : vector<1x16xf32> to vector<16xf32>
      %mul3A_251 = arith.constant 8.000000e+00 : f32
      %mul3A_252 = vector.broadcast %mul3A_251 : f32 to vector<16xf32>
      %mul3A_253 = arith.mulf %get3A_250, %mul3A_252 : vector<16xf32>
      %add3A_254 = arith.addf %mul3A_253, %get3A_135 : vector<16xf32>
      %swap3A_255 = arith.index_cast %scan3A_220 : i32 to index
      %swap3A_256 = arith.constant 32 : index
      %swap3A_257 = tpu.vector_load %arg8[%swap3A_255, %swap3A_256] {strides = array<i32>} : memref<512x64xf32, #tpu.memory_space<vmem>>, vector<1x16xf32>,
      %swap3A_258 = vector.shape_cast %swap3A_257 : vector<1x16xf32> to vector<16xf32>
      %swap3A_259 = vector.shape_cast %add3A_254 : vector<16xf32> to vector<1x16xf32>
      tpu.vector_store %arg8[%swap3A_255, %swap3A_256], %swap3A_259 {strides = array<i32>} : memref<512x64xf32, #tpu.memory_space<vmem>>, vector<1x16xf32>,
      %get3A_260 = arith.index_cast %scan3A_220 : i32 to index
      %get3A_261 = arith.constant 48 : index
      %get3A_262 = tpu.vector_load %arg8[%get3A_260, %get3A_261] {strides = array<i32>} : memref<512x64xf32, #tpu.memory_space<vmem>>, vector<1x16xf32>,
      %get3A_263 = vector.shape_cast %get3A_262 : vector<1x16xf32> to vector<16xf32>
      %mul3A_264 = arith.constant 8.000000e+00 : f32
      %mul3A_265 = vector.broadcast %mul3A_264 : f32 to vector<16xf32>
      %mul3A_266 = arith.mulf %get3A_263, %mul3A_265 : vector<16xf32>
      %add3A_267 = arith.addf %mul3A_266, %get3A_139 : vector<16xf32>
      %swap3A_268 = arith.index_cast %scan3A_220 : i32 to index
      %swap3A_269 = arith.constant 48 : index
      %swap3A_270 = tpu.vector_load %arg8[%swap3A_268, %swap3A_269] {strides = array<i32>} : memref<512x64xf32, #tpu.memory_space<vmem>>, vector<1x16xf32>,
      %swap3A_271 = vector.shape_cast %swap3A_270 : vector<1x16xf32> to vector<16xf32>
      %swap3A_272 = vector.shape_cast %add3A_267 : vector<16xf32> to vector<1x16xf32>
      tpu.vector_store %arg8[%swap3A_268, %swap3A_269], %swap3A_272 {strides = array<i32>} : memref<512x64xf32, #tpu.memory_space<vmem>>, vector<1x16xf32>,
      %scan3A_273 = arith.constant 2 : i32
      %scan3A_274 = arith.addi %scan3A_167, %scan3A_273 : i32
      %get3A_275 = arith.index_cast %scan3A_274 : i32 to index
      %get3A_276 = arith.constant 0 : index
      %get3A_277 = tpu.vector_load %arg8[%get3A_275, %get3A_276] {strides = array<i32>} : memref<512x64xf32, #tpu.memory_space<vmem>>, vector<1x16xf32>,
      %get3A_278 = vector.shape_cast %get3A_277 : vector<1x16xf32> to vector<16xf32>
      %mul3A_279 = arith.constant 8.000000e+00 : f32
      %mul3A_280 = vector.broadcast %mul3A_279 : f32 to vector<16xf32>
      %mul3A_281 = arith.mulf %get3A_278, %mul3A_280 : vector<16xf32>
      %add3A_282 = arith.addf %mul3A_281, %get3A_127 : vector<16xf32>
      %swap3A_283 = arith.index_cast %scan3A_274 : i32 to index
      %swap3A_284 = arith.constant 0 : index
      %swap3A_285 = tpu.vector_load %arg8[%swap3A_283, %swap3A_284] {strides = array<i32>} : memref<512x64xf32, #tpu.memory_space<vmem>>, vector<1x16xf32>,
      %swap3A_286 = vector.shape_cast %swap3A_285 : vector<1x16xf32> to vector<16xf32>
      %swap3A_287 = vector.shape_cast %add3A_282 : vector<16xf32> to vector<1x16xf32>
      tpu.vector_store %arg8[%swap3A_283, %swap3A_284], %swap3A_287 {strides = array<i32>} : memref<512x64xf32, #tpu.memory_space<vmem>>, vector<1x16xf32>,
      %get3A_288 = arith.index_cast %scan3A_274 : i32 to index
      %get3A_289 = arith.constant 16 : index
      %get3A_290 = tpu.vector_load %arg8[%get3A_288, %get3A_289] {strides = array<i32>} : memref<512x64xf32, #tpu.memory_space<vmem>>, vector<1x16xf32>,
      %get3A_291 = vector.shape_cast %get3A_290 : vector<1x16xf32> to vector<16xf32>
      %mul3A_292 = arith.constant 8.000000e+00 : f32
      %mul3A_293 = vector.broadcast %mul3A_292 : f32 to vector<16xf32>
      %mul3A_294 = arith.mulf %get3A_291, %mul3A_293 : vector<16xf32>
      %add3A_295 = arith.addf %mul3A_294, %get3A_131 : vector<16xf32>
      %swap3A_296 = arith.index_cast %scan3A_274 : i32 to index
      %swap3A_297 = arith.constant 16 : index
      %swap3A_298 = tpu.vector_load %arg8[%swap3A_296, %swap3A_297] {strides = array<i32>} : memref<512x64xf32, #tpu.memory_space<vmem>>, vector<1x16xf32>,
      %swap3A_299 = vector.shape_cast %swap3A_298 : vector<1x16xf32> to vector<16xf32>
      %swap3A_300 = vector.shape_cast %add3A_295 : vector<16xf32> to vector<1x16xf32>
      tpu.vector_store %arg8[%swap3A_296, %swap3A_297], %swap3A_300 {strides = array<i32>} : memref<512x64xf32, #tpu.memory_space<vmem>>, vector<1x16xf32>,
      %get3A_301 = arith.index_cast %scan3A_274 : i32 to index
      %get3A_302 = arith.constant 32 : index
      %get3A_303 = tpu.vector_load %arg8[%get3A_301, %get3A_302] {strides = array<i32>} : memref<512x64xf32, #tpu.memory_space<vmem>>, vector<1x16xf32>,
      %get3A_304 = vector.shape_cast %get3A_303 : vector<1x16xf32> to vector<16xf32>
      %mul3A_305 = arith.constant 8.000000e+00 : f32
      %mul3A_306 = vector.broadcast %mul3A_305 : f32 to vector<16xf32>
      %mul3A_307 = arith.mulf %get3A_304, %mul3A_306 : vector<16xf32>
      %add3A_308 = arith.addf %mul3A_307, %get3A_135 : vector<16xf32>
      %swap3A_309 = arith.index_cast %scan3A_274 : i32 to index
      %swap3A_310 = arith.constant 32 : index
      %swap3A_311 = tpu.vector_load %arg8[%swap3A_309, %swap3A_310] {strides = array<i32>} : memref<512x64xf32, #tpu.memory_space<vmem>>, vector<1x16xf32>,
      %swap3A_312 = vector.shape_cast %swap3A_311 : vector<1x16xf32> to vector<16xf32>
      %swap3A_313 = vector.shape_cast %add3A_308 : vector<16xf32> to vector<1x16xf32>
      tpu.vector_store %arg8[%swap3A_309, %swap3A_310], %swap3A_313 {strides = array<i32>} : memref<512x64xf32, #tpu.memory_space<vmem>>, vector<1x16xf32>,
      %get3A_314 = arith.index_cast %scan3A_274 : i32 to index
      %get3A_315 = arith.constant 48 : index
      %get3A_316 = tpu.vector_load %arg8[%get3A_314, %get3A_315] {strides = array<i32>} : memref<512x64xf32, #tpu.memory_space<vmem>>, vector<1x16xf32>,
      %get3A_317 = vector.shape_cast %get3A_316 : vector<1x16xf32> to vector<16xf32>
      %mul3A_318 = arith.constant 8.000000e+00 : f32
      %mul3A_319 = vector.broadcast %mul3A_318 : f32 to vector<16xf32>
      %mul3A_320 = arith.mulf %get3A_317, %mul3A_319 : vector<16xf32>
      %add3A_321 = arith.addf %mul3A_320, %get3A_139 : vector<16xf32>
      %swap3A_322 = arith.index_cast %scan3A_274 : i32 to index
      %swap3A_323 = arith.constant 48 : index
      %swap3A_324 = tpu.vector_load %arg8[%swap3A_322, %swap3A_323] {strides = array<i32>} : memref<512x64xf32, #tpu.memory_space<vmem>>, vector<1x16xf32>,
      %swap3A_325 = vector.shape_cast %swap3A_324 : vector<1x16xf32> to vector<16xf32>
      %swap3A_326 = vector.shape_cast %add3A_321 : vector<16xf32> to vector<1x16xf32>
      tpu.vector_store %arg8[%swap3A_322, %swap3A_323], %swap3A_326 {strides = array<i32>} : memref<512x64xf32, #tpu.memory_space<vmem>>, vector<1x16xf32>,
      %scan3A_327 = arith.constant 3 : i32
      %scan3A_328 = arith.addi %scan3A_167, %scan3A_327 : i32
      %get3A_329 = arith.index_cast %scan3A_328 : i32 to index
      %get3A_330 = arith.constant 0 : index
      %get3A_331 = tpu.vector_load %arg8[%get3A_329, %get3A_330] {strides = array<i32>} : memref<512x64xf32, #tpu.memory_space<vmem>>, vector<1x16xf32>,
      %get3A_332 = vector.shape_cast %get3A_331 : vector<1x16xf32> to vector<16xf32>
      %mul3A_333 = arith.constant 8.000000e+00 : f32
      %mul3A_334 = vector.broadcast %mul3A_333 : f32 to vector<16xf32>
      %mul3A_335 = arith.mulf %get3A_332, %mul3A_334 : vector<16xf32>
      %add3A_336 = arith.addf %mul3A_335, %get3A_127 : vector<16xf32>
      %swap3A_337 = arith.index_cast %scan3A_328 : i32 to index
      %swap3A_338 = arith.constant 0 : index
      %swap3A_339 = tpu.vector_load %arg8[%swap3A_337, %swap3A_338] {strides = array<i32>} : memref<512x64xf32, #tpu.memory_space<vmem>>, vector<1x16xf32>,
      %swap3A_340 = vector.shape_cast %swap3A_339 : vector<1x16xf32> to vector<16xf32>
      %swap3A_341 = vector.shape_cast %add3A_336 : vector<16xf32> to vector<1x16xf32>
      tpu.vector_store %arg8[%swap3A_337, %swap3A_338], %swap3A_341 {strides = array<i32>} : memref<512x64xf32, #tpu.memory_space<vmem>>, vector<1x16xf32>,
      %get3A_342 = arith.index_cast %scan3A_328 : i32 to index
      %get3A_343 = arith.constant 16 : index
      %get3A_344 = tpu.vector_load %arg8[%get3A_342, %get3A_343] {strides = array<i32>} : memref<512x64xf32, #tpu.memory_space<vmem>>, vector<1x16xf32>,
      %get3A_345 = vector.shape_cast %get3A_344 : vector<1x16xf32> to vector<16xf32>
      %mul3A_346 = arith.constant 8.000000e+00 : f32
      %mul3A_347 = vector.broadcast %mul3A_346 : f32 to vector<16xf32>
      %mul3A_348 = arith.mulf %get3A_345, %mul3A_347 : vector<16xf32>
      %add3A_349 = arith.addf %mul3A_348, %get3A_131 : vector<16xf32>
      %swap3A_350 = arith.index_cast %scan3A_328 : i32 to index
      %swap3A_351 = arith.constant 16 : index
      %swap3A_352 = tpu.vector_load %arg8[%swap3A_350, %swap3A_351] {strides = array<i32>} : memref<512x64xf32, #tpu.memory_space<vmem>>, vector<1x16xf32>,
      %swap3A_353 = vector.shape_cast %swap3A_352 : vector<1x16xf32> to vector<16xf32>
      %swap3A_354 = vector.shape_cast %add3A_349 : vector<16xf32> to vector<1x16xf32>
      tpu.vector_store %arg8[%swap3A_350, %swap3A_351], %swap3A_354 {strides = array<i32>} : memref<512x64xf32, #tpu.memory_space<vmem>>, vector<1x16xf32>,
      %get3A_355 = arith.index_cast %scan3A_328 : i32 to index
      %get3A_356 = arith.constant 32 : index
      %get3A_357 = tpu.vector_load %arg8[%get3A_355, %get3A_356] {strides = array<i32>} : memref<512x64xf32, #tpu.memory_space<vmem>>, vector<1x16xf32>,
      %get3A_358 = vector.shape_cast %get3A_357 : vector<1x16xf32> to vector<16xf32>
      %mul3A_359 = arith.constant 8.000000e+00 : f32
      %mul3A_360 = vector.broadcast %mul3A_359 : f32 to vector<16xf32>
      %mul3A_361 = arith.mulf %get3A_358, %mul3A_360 : vector<16xf32>
      %add3A_362 = arith.addf %mul3A_361, %get3A_135 : vector<16xf32>
      %swap3A_363 = arith.index_cast %scan3A_328 : i32 to index
      %swap3A_364 = arith.constant 32 : index
      %swap3A_365 = tpu.vector_load %arg8[%swap3A_363, %swap3A_364] {strides = array<i32>} : memref<512x64xf32, #tpu.memory_space<vmem>>, vector<1x16xf32>,
      %swap3A_366 = vector.shape_cast %swap3A_365 : vector<1x16xf32> to vector<16xf32>
      %swap3A_367 = vector.shape_cast %add3A_362 : vector<16xf32> to vector<1x16xf32>
      tpu.vector_store %arg8[%swap3A_363, %swap3A_364], %swap3A_367 {strides = array<i32>} : memref<512x64xf32, #tpu.memory_space<vmem>>, vector<1x16xf32>,
      %get3A_368 = arith.index_cast %scan3A_328 : i32 to index
      %get3A_369 = arith.constant 48 : index
      %get3A_370 = tpu.vector_load %arg8[%get3A_368, %get3A_369] {strides = array<i32>} : memref<512x64xf32, #tpu.memory_space<vmem>>, vector<1x16xf32>,
      %get3A_371 = vector.shape_cast %get3A_370 : vector<1x16xf32> to vector<16xf32>
      %mul3A_372 = arith.constant 8.000000e+00 : f32
      %mul3A_373 = vector.broadcast %mul3A_372 : f32 to vector<16xf32>
      %mul3A_374 = arith.mulf %get3A_371, %mul3A_373 : vector<16xf32>
      %add3A_375 = arith.addf %mul3A_374, %get3A_139 : vector<16xf32>
      %swap3A_376 = arith.index_cast %scan3A_328 : i32 to index
      %swap3A_377 = arith.constant 48 : index
      %swap3A_378 = tpu.vector_load %arg8[%swap3A_376, %swap3A_377] {strides = array<i32>} : memref<512x64xf32, #tpu.memory_space<vmem>>, vector<1x16xf32>,
      %swap3A_379 = vector.shape_cast %swap3A_378 : vector<1x16xf32> to vector<16xf32>
      %swap3A_380 = vector.shape_cast %add3A_375 : vector<16xf32> to vector<1x16xf32>
      tpu.vector_store %arg8[%swap3A_376, %swap3A_377], %swap3A_380 {strides = array<i32>} : memref<512x64xf32, #tpu.memory_space<vmem>>, vector<1x16xf32>,
      %scan3A_381 = arith.constant 4 : i32
      %scan3A_382 = arith.addi %scan3A_167, %scan3A_381 : i32
      %get3A_383 = arith.index_cast %scan3A_382 : i32 to index
      %get3A_384 = arith.constant 0 : index
      %get3A_385 = tpu.vector_load %arg8[%get3A_383, %get3A_384] {strides = array<i32>} : memref<512x64xf32, #tpu.memory_space<vmem>>, vector<1x16xf32>,
      %get3A_386 = vector.shape_cast %get3A_385 : vector<1x16xf32> to vector<16xf32>
      %mul3A_387 = arith.constant 8.000000e+00 : f32
      %mul3A_388 = vector.broadcast %mul3A_387 : f32 to vector<16xf32>
      %mul3A_389 = arith.mulf %get3A_386, %mul3A_388 : vector<16xf32>
      %add3A_390 = arith.addf %mul3A_389, %get3A_127 : vector<16xf32>
      %swap3A_391 = arith.index_cast %scan3A_382 : i32 to index
      %swap3A_392 = arith.constant 0 : index
      %swap3A_393 = tpu.vector_load %arg8[%swap3A_391, %swap3A_392] {strides = array<i32>} : memref<512x64xf32, #tpu.memory_space<vmem>>, vector<1x16xf32>,
      %swap3A_394 = vector.shape_cast %swap3A_393 : vector<1x16xf32> to vector<16xf32>
      %swap3A_395 = vector.shape_cast %add3A_390 : vector<16xf32> to vector<1x16xf32>
      tpu.vector_store %arg8[%swap3A_391, %swap3A_392], %swap3A_395 {strides = array<i32>} : memref<512x64xf32, #tpu.memory_space<vmem>>, vector<1x16xf32>,
      %get3A_396 = arith.index_cast %scan3A_382 : i32 to index
      %get3A_397 = arith.constant 16 : index
      %get3A_398 = tpu.vector_load %arg8[%get3A_396, %get3A_397] {strides = array<i32>} : memref<512x64xf32, #tpu.memory_space<vmem>>, vector<1x16xf32>,
      %get3A_399 = vector.shape_cast %get3A_398 : vector<1x16xf32> to vector<16xf32>
      %mul3A_400 = arith.constant 8.000000e+00 : f32
      %mul3A_401 = vector.broadcast %mul3A_400 : f32 to vector<16xf32>
      %mul3A_402 = arith.mulf %get3A_399, %mul3A_401 : vector<16xf32>
      %add3A_403 = arith.addf %mul3A_402, %get3A_131 : vector<16xf32>
      %swap3A_404 = arith.index_cast %scan3A_382 : i32 to index
      %swap3A_405 = arith.constant 16 : index
      %swap3A_406 = tpu.vector_load %arg8[%swap3A_404, %swap3A_405] {strides = array<i32>} : memref<512x64xf32, #tpu.memory_space<vmem>>, vector<1x16xf32>,
      %swap3A_407 = vector.shape_cast %swap3A_406 : vector<1x16xf32> to vector<16xf32>
      %swap3A_408 = vector.shape_cast %add3A_403 : vector<16xf32> to vector<1x16xf32>
      tpu.vector_store %arg8[%swap3A_404, %swap3A_405], %swap3A_408 {strides = array<i32>} : memref<512x64xf32, #tpu.memory_space<vmem>>, vector<1x16xf32>,
      %get3A_409 = arith.index_cast %scan3A_382 : i32 to index
      %get3A_410 = arith.constant 32 : index
      %get3A_411 = tpu.vector_load %arg8[%get3A_409, %get3A_410] {strides = array<i32>} : memref<512x64xf32, #tpu.memory_space<vmem>>, vector<1x16xf32>,
      %get3A_412 = vector.shape_cast %get3A_411 : vector<1x16xf32> to vector<16xf32>
      %mul3A_413 = arith.constant 8.000000e+00 : f32
      %mul3A_414 = vector.broadcast %mul3A_413 : f32 to vector<16xf32>
      %mul3A_415 = arith.mulf %get3A_412, %mul3A_414 : vector<16xf32>
      %add3A_416 = arith.addf %mul3A_415, %get3A_135 : vector<16xf32>
      %swap3A_417 = arith.index_cast %scan3A_382 : i32 to index
      %swap3A_418 = arith.constant 32 : index
      %swap3A_419 = tpu.vector_load %arg8[%swap3A_417, %swap3A_418] {strides = array<i32>} : memref<512x64xf32, #tpu.memory_space<vmem>>, vector<1x16xf32>,
      %swap3A_420 = vector.shape_cast %swap3A_419 : vector<1x16xf32> to vector<16xf32>
      %swap3A_421 = vector.shape_cast %add3A_416 : vector<16xf32> to vector<1x16xf32>
      tpu.vector_store %arg8[%swap3A_417, %swap3A_418], %swap3A_421 {strides = array<i32>} : memref<512x64xf32, #tpu.memory_space<vmem>>, vector<1x16xf32>,
      %get3A_422 = arith.index_cast %scan3A_382 : i32 to index
      %get3A_423 = arith.constant 48 : index
      %get3A_424 = tpu.vector_load %arg8[%get3A_422, %get3A_423] {strides = array<i32>} : memref<512x64xf32, #tpu.memory_space<vmem>>, vector<1x16xf32>,
      %get3A_425 = vector.shape_cast %get3A_424 : vector<1x16xf32> to vector<16xf32>
      %mul3A_426 = arith.constant 8.000000e+00 : f32
      %mul3A_427 = vector.broadcast %mul3A_426 : f32 to vector<16xf32>
      %mul3A_428 = arith.mulf %get3A_425, %mul3A_427 : vector<16xf32>
      %add3A_429 = arith.addf %mul3A_428, %get3A_139 : vector<16xf32>
      %swap3A_430 = arith.index_cast %scan3A_382 : i32 to index
      %swap3A_431 = arith.constant 48 : index
      %swap3A_432 = tpu.vector_load %arg8[%swap3A_430, %swap3A_431] {strides = array<i32>} : memref<512x64xf32, #tpu.memory_space<vmem>>, vector<1x16xf32>,
      %swap3A_433 = vector.shape_cast %swap3A_432 : vector<1x16xf32> to vector<16xf32>
      %swap3A_434 = vector.shape_cast %add3A_429 : vector<16xf32> to vector<1x16xf32>
      tpu.vector_store %arg8[%swap3A_430, %swap3A_431], %swap3A_434 {strides = array<i32>} : memref<512x64xf32, #tpu.memory_space<vmem>>, vector<1x16xf32>,
      %scan3A_435 = arith.constant 5 : i32
      %scan3A_436 = arith.addi %scan3A_167, %scan3A_435 : i32
      %get3A_437 = arith.index_cast %scan3A_436 : i32 to index
      %get3A_438 = arith.constant 0 : index
      %get3A_439 = tpu.vector_load %arg8[%get3A_437, %get3A_438] {strides = array<i32>} : memref<512x64xf32, #tpu.memory_space<vmem>>, vector<1x16xf32>,
      %get3A_440 = vector.shape_cast %get3A_439 : vector<1x16xf32> to vector<16xf32>
      %mul3A_441 = arith.constant 8.000000e+00 : f32
      %mul3A_442 = vector.broadcast %mul3A_441 : f32 to vector<16xf32>
      %mul3A_443 = arith.mulf %get3A_440, %mul3A_442 : vector<16xf32>
      %add3A_444 = arith.addf %mul3A_443, %get3A_127 : vector<16xf32>
      %swap3A_445 = arith.index_cast %scan3A_436 : i32 to index
      %swap3A_446 = arith.constant 0 : index
      %swap3A_447 = tpu.vector_load %arg8[%swap3A_445, %swap3A_446] {strides = array<i32>} : memref<512x64xf32, #tpu.memory_space<vmem>>, vector<1x16xf32>,
      %swap3A_448 = vector.shape_cast %swap3A_447 : vector<1x16xf32> to vector<16xf32>
      %swap3A_449 = vector.shape_cast %add3A_444 : vector<16xf32> to vector<1x16xf32>
      tpu.vector_store %arg8[%swap3A_445, %swap3A_446], %swap3A_449 {strides = array<i32>} : memref<512x64xf32, #tpu.memory_space<vmem>>, vector<1x16xf32>,
      %get3A_450 = arith.index_cast %scan3A_436 : i32 to index
      %get3A_451 = arith.constant 16 : index
      %get3A_452 = tpu.vector_load %arg8[%get3A_450, %get3A_451] {strides = array<i32>} : memref<512x64xf32, #tpu.memory_space<vmem>>, vector<1x16xf32>,
      %get3A_453 = vector.shape_cast %get3A_452 : vector<1x16xf32> to vector<16xf32>
      %mul3A_454 = arith.constant 8.000000e+00 : f32
      %mul3A_455 = vector.broadcast %mul3A_454 : f32 to vector<16xf32>
      %mul3A_456 = arith.mulf %get3A_453, %mul3A_455 : vector<16xf32>
      %add3A_457 = arith.addf %mul3A_456, %get3A_131 : vector<16xf32>
      %swap3A_458 = arith.index_cast %scan3A_436 : i32 to index
      %swap3A_459 = arith.constant 16 : index
      %swap3A_460 = tpu.vector_load %arg8[%swap3A_458, %swap3A_459] {strides = array<i32>} : memref<512x64xf32, #tpu.memory_space<vmem>>, vector<1x16xf32>,
      %swap3A_461 = vector.shape_cast %swap3A_460 : vector<1x16xf32> to vector<16xf32>
      %swap3A_462 = vector.shape_cast %add3A_457 : vector<16xf32> to vector<1x16xf32>
      tpu.vector_store %arg8[%swap3A_458, %swap3A_459], %swap3A_462 {strides = array<i32>} : memref<512x64xf32, #tpu.memory_space<vmem>>, vector<1x16xf32>,
      %get3A_463 = arith.index_cast %scan3A_436 : i32 to index
      %get3A_464 = arith.constant 32 : index
      %get3A_465 = tpu.vector_load %arg8[%get3A_463, %get3A_464] {strides = array<i32>} : memref<512x64xf32, #tpu.memory_space<vmem>>, vector<1x16xf32>,
      %get3A_466 = vector.shape_cast %get3A_465 : vector<1x16xf32> to vector<16xf32>
      %mul3A_467 = arith.constant 8.000000e+00 : f32
      %mul3A_468 = vector.broadcast %mul3A_467 : f32 to vector<16xf32>
      %mul3A_469 = arith.mulf %get3A_466, %mul3A_468 : vector<16xf32>
      %add3A_470 = arith.addf %mul3A_469, %get3A_135 : vector<16xf32>
      %swap3A_471 = arith.index_cast %scan3A_436 : i32 to index
      %swap3A_472 = arith.constant 32 : index
      %swap3A_473 = tpu.vector_load %arg8[%swap3A_471, %swap3A_472] {strides = array<i32>} : memref<512x64xf32, #tpu.memory_space<vmem>>, vector<1x16xf32>,
      %swap3A_474 = vector.shape_cast %swap3A_473 : vector<1x16xf32> to vector<16xf32>
      %swap3A_475 = vector.shape_cast %add3A_470 : vector<16xf32> to vector<1x16xf32>
      tpu.vector_store %arg8[%swap3A_471, %swap3A_472], %swap3A_475 {strides = array<i32>} : memref<512x64xf32, #tpu.memory_space<vmem>>, vector<1x16xf32>,
      %get3A_476 = arith.index_cast %scan3A_436 : i32 to index
      %get3A_477 = arith.constant 48 : index
      %get3A_478 = tpu.vector_load %arg8[%get3A_476, %get3A_477] {strides = array<i32>} : memref<512x64xf32, #tpu.memory_space<vmem>>, vector<1x16xf32>,
      %get3A_479 = vector.shape_cast %get3A_478 : vector<1x16xf32> to vector<16xf32>
      %mul3A_480 = arith.constant 8.000000e+00 : f32
      %mul3A_481 = vector.broadcast %mul3A_480 : f32 to vector<16xf32>
      %mul3A_482 = arith.mulf %get3A_479, %mul3A_481 : vector<16xf32>
      %add3A_483 = arith.addf %mul3A_482, %get3A_139 : vector<16xf32>
      %swap3A_484 = arith.index_cast %scan3A_436 : i32 to index
      %swap3A_485 = arith.constant 48 : index
      %swap3A_486 = tpu.vector_load %arg8[%swap3A_484, %swap3A_485] {strides = array<i32>} : memref<512x64xf32, #tpu.memory_space<vmem>>, vector<1x16xf32>,
      %swap3A_487 = vector.shape_cast %swap3A_486 : vector<1x16xf32> to vector<16xf32>
      %swap3A_488 = vector.shape_cast %add3A_483 : vector<16xf32> to vector<1x16xf32>
      tpu.vector_store %arg8[%swap3A_484, %swap3A_485], %swap3A_488 {strides = array<i32>} : memref<512x64xf32, #tpu.memory_space<vmem>>, vector<1x16xf32>,
      %scan3A_489 = arith.constant 6 : i32
      %scan3A_490 = arith.addi %scan3A_167, %scan3A_489 : i32
      %get3A_491 = arith.index_cast %scan3A_490 : i32 to index
      %get3A_492 = arith.constant 0 : index
      %get3A_493 = tpu.vector_load %arg8[%get3A_491, %get3A_492] {strides = array<i32>} : memref<512x64xf32, #tpu.memory_space<vmem>>, vector<1x16xf32>,
      %get3A_494 = vector.shape_cast %get3A_493 : vector<1x16xf32> to vector<16xf32>
      %mul3A_495 = arith.constant 8.000000e+00 : f32
      %mul3A_496 = vector.broadcast %mul3A_495 : f32 to vector<16xf32>
      %mul3A_497 = arith.mulf %get3A_494, %mul3A_496 : vector<16xf32>
      %add3A_498 = arith.addf %mul3A_497, %get3A_127 : vector<16xf32>
      %swap3A_499 = arith.index_cast %scan3A_490 : i32 to index
      %swap3A_500 = arith.constant 0 : index
      %swap3A_501 = tpu.vector_load %arg8[%swap3A_499, %swap3A_500] {strides = array<i32>} : memref<512x64xf32, #tpu.memory_space<vmem>>, vector<1x16xf32>,
      %swap3A_502 = vector.shape_cast %swap3A_501 : vector<1x16xf32> to vector<16xf32>
      %swap3A_503 = vector.shape_cast %add3A_498 : vector<16xf32> to vector<1x16xf32>
      tpu.vector_store %arg8[%swap3A_499, %swap3A_500], %swap3A_503 {strides = array<i32>} : memref<512x64xf32, #tpu.memory_space<vmem>>, vector<1x16xf32>,
      %get3A_504 = arith.index_cast %scan3A_490 : i32 to index
      %get3A_505 = arith.constant 16 : index
      %get3A_506 = tpu.vector_load %arg8[%get3A_504, %get3A_505] {strides = array<i32>} : memref<512x64xf32, #tpu.memory_space<vmem>>, vector<1x16xf32>,
      %get3A_507 = vector.shape_cast %get3A_506 : vector<1x16xf32> to vector<16xf32>
      %mul3A_508 = arith.constant 8.000000e+00 : f32
      %mul3A_509 = vector.broadcast %mul3A_508 : f32 to vector<16xf32>
      %mul3A_510 = arith.mulf %get3A_507, %mul3A_509 : vector<16xf32>
      %add3A_511 = arith.addf %mul3A_510, %get3A_131 : vector<16xf32>
      %swap3A_512 = arith.index_cast %scan3A_490 : i32 to index
      %swap3A_513 = arith.constant 16 : index
      %swap3A_514 = tpu.vector_load %arg8[%swap3A_512, %swap3A_513] {strides = array<i32>} : memref<512x64xf32, #tpu.memory_space<vmem>>, vector<1x16xf32>,
      %swap3A_515 = vector.shape_cast %swap3A_514 : vector<1x16xf32> to vector<16xf32>
      %swap3A_516 = vector.shape_cast %add3A_511 : vector<16xf32> to vector<1x16xf32>
      tpu.vector_store %arg8[%swap3A_512, %swap3A_513], %swap3A_516 {strides = array<i32>} : memref<512x64xf32, #tpu.memory_space<vmem>>, vector<1x16xf32>,
      %get3A_517 = arith.index_cast %scan3A_490 : i32 to index
      %get3A_518 = arith.constant 32 : index
      %get3A_519 = tpu.vector_load %arg8[%get3A_517, %get3A_518] {strides = array<i32>} : memref<512x64xf32, #tpu.memory_space<vmem>>, vector<1x16xf32>,
      %get3A_520 = vector.shape_cast %get3A_519 : vector<1x16xf32> to vector<16xf32>
      %mul3A_521 = arith.constant 8.000000e+00 : f32
      %mul3A_522 = vector.broadcast %mul3A_521 : f32 to vector<16xf32>
      %mul3A_523 = arith.mulf %get3A_520, %mul3A_522 : vector<16xf32>
      %add3A_524 = arith.addf %mul3A_523, %get3A_135 : vector<16xf32>
      %swap3A_525 = arith.index_cast %scan3A_490 : i32 to index
      %swap3A_526 = arith.constant 32 : index
      %swap3A_527 = tpu.vector_load %arg8[%swap3A_525, %swap3A_526] {strides = array<i32>} : memref<512x64xf32, #tpu.memory_space<vmem>>, vector<1x16xf32>,
      %swap3A_528 = vector.shape_cast %swap3A_527 : vector<1x16xf32> to vector<16xf32>
      %swap3A_529 = vector.shape_cast %add3A_524 : vector<16xf32> to vector<1x16xf32>
      tpu.vector_store %arg8[%swap3A_525, %swap3A_526], %swap3A_529 {strides = array<i32>} : memref<512x64xf32, #tpu.memory_space<vmem>>, vector<1x16xf32>,
      %get3A_530 = arith.index_cast %scan3A_490 : i32 to index
      %get3A_531 = arith.constant 48 : index
      %get3A_532 = tpu.vector_load %arg8[%get3A_530, %get3A_531] {strides = array<i32>} : memref<512x64xf32, #tpu.memory_space<vmem>>, vector<1x16xf32>,
      %get3A_533 = vector.shape_cast %get3A_532 : vector<1x16xf32> to vector<16xf32>
      %mul3A_534 = arith.constant 8.000000e+00 : f32
      %mul3A_535 = vector.broadcast %mul3A_534 : f32 to vector<16xf32>
      %mul3A_536 = arith.mulf %get3A_533, %mul3A_535 : vector<16xf32>
      %add3A_537 = arith.addf %mul3A_536, %get3A_139 : vector<16xf32>
      %swap3A_538 = arith.index_cast %scan3A_490 : i32 to index
      %swap3A_539 = arith.constant 48 : index
      %swap3A_540 = tpu.vector_load %arg8[%swap3A_538, %swap3A_539] {strides = array<i32>} : memref<512x64xf32, #tpu.memory_space<vmem>>, vector<1x16xf32>,
      %swap3A_541 = vector.shape_cast %swap3A_540 : vector<1x16xf32> to vector<16xf32>
      %swap3A_542 = vector.shape_cast %add3A_537 : vector<16xf32> to vector<1x16xf32>
      tpu.vector_store %arg8[%swap3A_538, %swap3A_539], %swap3A_542 {strides = array<i32>} : memref<512x64xf32, #tpu.memory_space<vmem>>, vector<1x16xf32>,
      %scan3A_543 = arith.constant 7 : i32
      %scan3A_544 = arith.addi %scan3A_167, %scan3A_543 : i32
      %get3A_545 = arith.index_cast %scan3A_544 : i32 to index
      %get3A_546 = arith.constant 0 : index
      %get3A_547 = tpu.vector_load %arg8[%get3A_545, %get3A_546] {strides = array<i32>} : memref<512x64xf32, #tpu.memory_space<vmem>>, vector<1x16xf32>,
      %get3A_548 = vector.shape_cast %get3A_547 : vector<1x16xf32> to vector<16xf32>
      %mul3A_549 = arith.constant 8.000000e+00 : f32
      %mul3A_550 = vector.broadcast %mul3A_549 : f32 to vector<16xf32>
      %mul3A_551 = arith.mulf %get3A_548, %mul3A_550 : vector<16xf32>
      %add3A_552 = arith.addf %mul3A_551, %get3A_127 : vector<16xf32>
      %swap3A_553 = arith.index_cast %scan3A_544 : i32 to index
      %swap3A_554 = arith.constant 0 : index
      %swap3A_555 = tpu.vector_load %arg8[%swap3A_553, %swap3A_554] {strides = array<i32>} : memref<512x64xf32, #tpu.memory_space<vmem>>, vector<1x16xf32>,
      %swap3A_556 = vector.shape_cast %swap3A_555 : vector<1x16xf32> to vector<16xf32>
      %swap3A_557 = vector.shape_cast %add3A_552 : vector<16xf32> to vector<1x16xf32>
      tpu.vector_store %arg8[%swap3A_553, %swap3A_554], %swap3A_557 {strides = array<i32>} : memref<512x64xf32, #tpu.memory_space<vmem>>, vector<1x16xf32>,
      %get3A_558 = arith.index_cast %scan3A_544 : i32 to index
      %get3A_559 = arith.constant 16 : index
      %get3A_560 = tpu.vector_load %arg8[%get3A_558, %get3A_559] {strides = array<i32>} : memref<512x64xf32, #tpu.memory_space<vmem>>, vector<1x16xf32>,
      %get3A_561 = vector.shape_cast %get3A_560 : vector<1x16xf32> to vector<16xf32>
      %mul3A_562 = arith.constant 8.000000e+00 : f32
      %mul3A_563 = vector.broadcast %mul3A_562 : f32 to vector<16xf32>
      %mul3A_564 = arith.mulf %get3A_561, %mul3A_563 : vector<16xf32>
      %add3A_565 = arith.addf %mul3A_564, %get3A_131 : vector<16xf32>
      %swap3A_566 = arith.index_cast %scan3A_544 : i32 to index
      %swap3A_567 = arith.constant 16 : index
      %swap3A_568 = tpu.vector_load %arg8[%swap3A_566, %swap3A_567] {strides = array<i32>} : memref<512x64xf32, #tpu.memory_space<vmem>>, vector<1x16xf32>,
      %swap3A_569 = vector.shape_cast %swap3A_568 : vector<1x16xf32> to vector<16xf32>
      %swap3A_570 = vector.shape_cast %add3A_565 : vector<16xf32> to vector<1x16xf32>
      tpu.vector_store %arg8[%swap3A_566, %swap3A_567], %swap3A_570 {strides = array<i32>} : memref<512x64xf32, #tpu.memory_space<vmem>>, vector<1x16xf32>,
      %get3A_571 = arith.index_cast %scan3A_544 : i32 to index
      %get3A_572 = arith.constant 32 : index
      %get3A_573 = tpu.vector_load %arg8[%get3A_571, %get3A_572] {strides = array<i32>} : memref<512x64xf32, #tpu.memory_space<vmem>>, vector<1x16xf32>,
      %get3A_574 = vector.shape_cast %get3A_573 : vector<1x16xf32> to vector<16xf32>
      %mul3A_575 = arith.constant 8.000000e+00 : f32
      %mul3A_576 = vector.broadcast %mul3A_575 : f32 to vector<16xf32>
      %mul3A_577 = arith.mulf %get3A_574, %mul3A_576 : vector<16xf32>
      %add3A_578 = arith.addf %mul3A_577, %get3A_135 : vector<16xf32>
      %swap3A_579 = arith.index_cast %scan3A_544 : i32 to index
      %swap3A_580 = arith.constant 32 : index
      %swap3A_581 = tpu.vector_load %arg8[%swap3A_579, %swap3A_580] {strides = array<i32>} : memref<512x64xf32, #tpu.memory_space<vmem>>, vector<1x16xf32>,
      %swap3A_582 = vector.shape_cast %swap3A_581 : vector<1x16xf32> to vector<16xf32>
      %swap3A_583 = vector.shape_cast %add3A_578 : vector<16xf32> to vector<1x16xf32>
      tpu.vector_store %arg8[%swap3A_579, %swap3A_580], %swap3A_583 {strides = array<i32>} : memref<512x64xf32, #tpu.memory_space<vmem>>, vector<1x16xf32>,
      %get3A_584 = arith.index_cast %scan3A_544 : i32 to index
      %get3A_585 = arith.constant 48 : index
      %get3A_586 = tpu.vector_load %arg8[%get3A_584, %get3A_585] {strides = array<i32>} : memref<512x64xf32, #tpu.memory_space<vmem>>, vector<1x16xf32>,
      %get3A_587 = vector.shape_cast %get3A_586 : vector<1x16xf32> to vector<16xf32>
      %mul3A_588 = arith.constant 8.000000e+00 : f32
      %mul3A_589 = vector.broadcast %mul3A_588 : f32 to vector<16xf32>
      %mul3A_590 = arith.mulf %get3A_587, %mul3A_589 : vector<16xf32>
      %add3A_591 = arith.addf %mul3A_590, %get3A_139 : vector<16xf32>
      %swap3A_592 = arith.index_cast %scan3A_544 : i32 to index
      %swap3A_593 = arith.constant 48 : index
      %swap3A_594 = tpu.vector_load %arg8[%swap3A_592, %swap3A_593] {strides = array<i32>} : memref<512x64xf32, #tpu.memory_space<vmem>>, vector<1x16xf32>,
      %swap3A_595 = vector.shape_cast %swap3A_594 : vector<1x16xf32> to vector<16xf32>
      %swap3A_596 = vector.shape_cast %add3A_591 : vector<16xf32> to vector<1x16xf32>
      tpu.vector_store %arg8[%swap3A_592, %swap3A_593], %swap3A_596 {strides = array<i32>} : memref<512x64xf32, #tpu.memory_space<vmem>>, vector<1x16xf32>,
    }
    %scan3A_144 = arith.constant 512 : i32
    %dma_start3A_145 = arith.constant 0 : i32
    %dma_start3A_146 = tpu.memref_slice %arg5[%add3A_98, %dma_start3A_145] : memref<819200x128xf32, #tpu.memory_space<hbm>> -> memref<512x64xf32, #tpu.memory_space<hbm>>
    %dma_start3A_147 = arith.constant 0 : i32
    %dma_start3A_148 = tpu.memref_slice %arg5[%add3A_98, %dma_start3A_147] : memref<819200x128xf32, #tpu.memory_space<hbm>> -> memref<512x64xf32, #tpu.memory_space<hbm>>
    tpu.enqueue_dma source(%arg8 : memref<512x64xf32, #tpu.memory_space<vmem>>) target(%dma_start3A_148 : memref<512x64xf32, #tpu.memory_space<hbm>>) target_semaphore(%arg15 : memref<!tpu.dma_semaphore, #tpu.memory_space<semaphore_mem>>)
    %dma_wait3A_149 = arith.constant 0 : i32
    %dma_wait3A_150 = arith.constant 0 : i32
    %dma_wait3A_151 = tpu.memref_slice %arg5[%dma_wait3A_149, %dma_wait3A_150] : memref<819200x128xf32, #tpu.memory_space<hbm>> -> memref<512x64xf32, #tpu.memory_space<hbm>>
    %dma_wait3A_152 = arith.constant 0 : i32
    %dma_wait3A_153 = arith.constant 0 : i32
    %dma_wait3A_154 = tpu.memref_slice %arg5[%dma_wait3A_152, %dma_wait3A_153] : memref<819200x128xf32, #tpu.memory_space<hbm>> -> memref<512x64xf32, #tpu.memory_space<hbm>>
    tpu.wait_dma2 semaphore(%arg14 : memref<!tpu.dma_semaphore, #tpu.memory_space<semaphore_mem>>) src(%arg7 : memref<512x64xf32, #tpu.memory_space<vmem>>) dst(%dma_wait3A_154 : memref<512x64xf32, #tpu.memory_space<hbm>>)
    %dma_wait3A_155 = arith.constant 0 : i32
    %dma_wait3A_156 = arith.constant 0 : i32
    %dma_wait3A_157 = tpu.memref_slice %arg5[%dma_wait3A_155, %dma_wait3A_156] : memref<819200x128xf32, #tpu.memory_space<hbm>> -> memref<512x64xf32, #tpu.memory_space<hbm>>
    %dma_wait3A_158 = arith.constant 0 : i32
    %dma_wait3A_159 = arith.constant 0 : i32
    %dma_wait3A_160 = tpu.memref_slice %arg5[%dma_wait3A_158, %dma_wait3A_159] : memref<819200x128xf32, #tpu.memory_space<hbm>> -> memref<512x64xf32, #tpu.memory_space<hbm>>
    tpu.wait_dma2 semaphore(%arg15 : memref<!tpu.dma_semaphore, #tpu.memory_space<semaphore_mem>>) src(%arg8 : memref<512x64xf32, #tpu.memory_space<vmem>>) dst(%dma_wait3A_160 : memref<512x64xf32, #tpu.memory_space<hbm>>)
    %dma_wait3A_161 = arith.constant 0 : i32
    %dma_wait3A_162 = arith.constant 0 : i32
    %dma_wait3A_163 = tpu.memref_slice %arg5[%dma_wait3A_161, %dma_wait3A_162] : memref<819200x128xf32, #tpu.memory_space<hbm>> -> memref<512x64xf32, #tpu.memory_space<hbm>>
    %dma_wait3A_164 = arith.constant 0 : i32
    %dma_wait3A_165 = arith.constant 0 : i32
    %dma_wait3A_166 = tpu.memref_slice %arg5[%dma_wait3A_164, %dma_wait3A_165] : memref<819200x128xf32, #tpu.memory_space<hbm>> -> memref<512x64xf32, #tpu.memory_space<hbm>>
    tpu.wait_dma2 semaphore(%arg16 : memref<!tpu.dma_semaphore, #tpu.memory_space<semaphore_mem>>) src(%arg9 : memref<512x64xf32, #tpu.memory_space<vmem>>) dst(%dma_wait3A_166 : memref<512x64xf32, #tpu.memory_space<hbm>>)
    return
  }
}

</mosaic_0001>

<sc_bundles>
// kernel: kernel.3.cloned.1.call-start
scs
__scs_entry_jumppad:
0x0: {  	(pc) =	sbr.rel $0x88, $3  }
0x1: {  	(tag) =	ssettag $0x0;
	lr =	simm.s32 $0x1  }
0x2: {  	[smem:$0x3F9F] =	sst lr;
	_ =	strace $0xD0000000  }
0x3: {  	_ = 	snop  }
0x4: {  	_ = 	snop  }
0x5: {  	_ = 	snop  }
0x6: {  	_ = 	snop  }
0x7: {  	_ = 	snop  }
__scs_overlays_trampoline_lowered:
0x8: {  	[smem:$0x3FAE] =	sst s0  }
0x9: {  	[smem:$0x3FAF] =	sst s1  }
0xa: {  	[smem:$0x3FB0] =	sst s2  }
0xb: {  	[smem:$0x3FB1] =	sst s3  }
0xc: {  	[smem:$0x3FB2] =	sst s4  }
0xd: {  	[smem:$0x3FB3] =	sst s5  }
0xe: {  	[smem:$0x3FB4] =	sst s6  }
0xf: {  	[smem:$0x3FB5] =	sst s7  }
0x10: {  	[smem:$0x3FB6] =	sst s8  }
0x11: {  	[smem:$0x3FB7] =	sst s9;
	s0 =	simm.s32 @!p0 $0x0  }
0x12: {  	s1 =	sld [smem:$0x3F9D];
	s0 =	simm.s32 @p0 $0x1  }
0x13: {  	[smem:$0x3FB8] =	sst s0;
	s0 =	simm.s32 @!p1 $0x0  }
0x14: {  	s2 =	sld [smem:$0x3F9C];
	s0 =	simm.s32 @p1 $0x1  }
0x15: {  	[smem:$0x3FB9] =	sst s0;
	s0 =	simm.s32 @!p2 $0x0  }
0x16: {  	s3 =	sld [smem:$0x3FDB];
	s0 =	simm.s32 @p2 $0x1  }
0x17: {  	s4 =	simm.s32 $0x1BF5;
	[smem:$0x3FBB] =	sst s0  }
0x18: {  	s0 =	sld [smem:$0x3F9E];
	_ =	swait.ge [sflag:s4], $0x0  }
0x19: {  	s7 =	sld [smem:$0x3F9F]  }
0x1a: {  	s8 =	sadd.s32 $0xFFFFE003, lr  }
0x1b: {  	s9 =	sadd.s32 $0xFFFFFEF7, lr;
	s5 =	simm.s32 $0xFFFFFFFF;
	p2 =	slt.u32 s8, $0xFFFFF086  }
0x1c: {  	p1 =	slt.u32 s9, $0xF7A;
	s5 =	simm.s32 @!p2 $0x0  }
0x1d: {  	s5 =	simm.s32 @p1 $0x1;
	p0 =	seq.s32 s7, s2  }
0x1e: {  	s7 =	smul.u32 @!p0 $0xF7A, s2;
	p2 =	seq.s32 @!p0 s5, $0x0  }
0x1f: {  	s9 =	smul.u32 $0xF7A, s1;
	s8 =	simm.s32 @!p0 $0x1BF5;
	p2 =	por !p2, p0  }
0x20: {  	[sflag:s8] =	ssyncset.s32 @!p0 $0xFFFFF086;
	s6 =	sadd.s32 @!p0 s3, s7;
	s7 =	simm.s32 @!p0 $0x108  }
0x21: {  	s3 =	sadd.s32 s3, s9;
	s6 =	sadd.s32 @!p0 $0x88, s6;
	s7 =	simm.s32 @p2 $0x1082  }
0x22: {  	[simem:s7], [sflag:s8] =	dma.local @!p0 [hbm:s6], $0xF7A  }
0x23: {  	s9 =	sor.u32 $0xD0000000, s2;
	s6 =	simm.s32 $0x108;
	_ =	swait.ge @!p0 [sflag:s8], $0x0  }
0x24: {  	s3 =	sadd.s32 $0x88, s3;
	s6 =	simm.s32 @!p1 $0x1082;
	[sflag:s4] =	ssyncset.s32 $0xFFFFF086  }
0x25: {  	[simem:s6], [sflag:s4] =	dma.local [hbm:s3], $0xF7A  }
0x26: {  	[smem:$0x3F9F] =	sst s1;
	(tag) =	ssettag s2;
	_ =	strace s9  }
0x27: {  	s1 =	sld [smem:$0x3FAF]  }
0x28: {  	s2 =	sld [smem:$0x3FB0]  }
0x29: {  	s4 =	sld [smem:$0x3FB2]  }
0x2a: {  	p0 =	seq.s32 s5, $0x0;
	s5 =	sld [smem:$0x3FB3]  }
0x2b: {  	s6 =	sld [smem:$0x3FB4]  }
0x2c: {  	s7 =	sld [smem:$0x3FB5]  }
0x2d: {  	s3 =	simm.s32 $0x108;
	s8 =	sld [smem:$0x3FB6]  }
0x2e: {  	s3 =	simm.s32 @!p0 $0x1082;
	s9 =	sld [smem:$0x3FB7]  }
0x2f: {  	lr =	sadd.s32 s0, s3;
	s0 =	sld [smem:$0x3FAE]  }
0x30: {  	s3 =	sld [smem:$0x3FB1]  }
0x31: {  	[smem:$0x3FBA] =	sst s10  }
0x32: {  	s10 =	sld [smem:$0x3FB8];
	_ =	sdelay $0x3  }
0x33: {  	p0 =	seq.s32 s10, $0x1;
	s10 =	sld [smem:$0x3FBA];
	_ =	sdelay $0x3  }
0x34: {  	[smem:$0x3FBA] =	sst s10  }
0x35: {  	s10 =	sld [smem:$0x3FB9];
	_ =	sdelay $0x3  }
0x36: {  	p1 =	seq.s32 s10, $0x1;
	s10 =	sld [smem:$0x3FBA];
	_ =	sdelay $0x3  }
0x37: {  	[smem:$0x3FBA] =	sst s10  }
0x38: {  	s10 =	sld [smem:$0x3FBB]  }
0x39: {  	_ = 	snop;
	(pc) =	sbr.ind lr, $3  }
0x3a: {  	_ = 	snop  }
0x3b: {  	_ = 	snop  }
0x3c: {  	p2 =	seq.s32 s10, $0x1;
	s10 =	sld [smem:$0x3FBA]  }
0x3d: {  	_ =	shalt  }
0x3e: {  	_ =	shalt  }
0x3f: {  	_ =	shalt  }
0x40: {  	_ =	shalt  }
0x41: {  	_ =	shalt  }
0x42: {  	_ =	shalt  }
0x43: {  	_ =	shalt  }
0x44: {  	_ =	shalt  }
0x45: {  	_ =	shalt  }
0x46: {  	_ =	shalt  }
0x47: {  	_ =	shalt  }
0x48: {  	_ =	shalt  }
0x49: {  	_ =	shalt  }
0x4a: {  	_ =	shalt  }
0x4b: {  	_ =	shalt  }
0x4c: {  	_ =	shalt  }
0x4d: {  	_ =	shalt  }
0x4e: {  	_ =	shalt  }
0x4f: {  	_ =	shalt  }
0x50: {  	_ =	shalt  }
0x51: {  	_ =	shalt  }
0x52: {  	_ =	shalt  }
0x53: {  	_ =	shalt  }
0x54: {  	_ =	shalt  }
0x55: {  	_ =	shalt  }
0x56: {  	_ =	shalt  }
0x57: {  	_ =	shalt  }
0x58: {  	_ =	shalt  }
0x59: {  	_ =	shalt  }
0x5a: {  	_ =	shalt  }
0x5b: {  	_ =	shalt  }
0x5c: {  	_ =	shalt  }
0x5d: {  	_ =	shalt  }
0x5e: {  	_ =	shalt  }
0x5f: {  	_ =	shalt  }
0x60: {  	_ =	shalt  }
0x61: {  	_ =	shalt  }
0x62: {  	_ =	shalt  }
0x63: {  	_ =	shalt  }
0x64: {  	_ =	shalt  }
0x65: {  	_ =	shalt  }
0x66: {  	_ =	shalt  }
0x67: {  	_ =	shalt  }
0x68: {  	_ =	shalt  }
0x69: {  	_ =	shalt  }
0x6a: {  	_ =	shalt  }
0x6b: {  	_ =	shalt  }
0x6c: {  	_ =	shalt  }
0x6d: {  	_ =	shalt  }
0x6e: {  	_ =	shalt  }
0x6f: {  	_ =	shalt  }
0x70: {  	_ =	shalt  }
0x71: {  	_ =	shalt  }
0x72: {  	_ =	shalt  }
0x73: {  	_ =	shalt  }
0x74: {  	_ =	shalt  }
0x75: {  	_ =	shalt  }
0x76: {  	_ =	shalt  }
0x77: {  	_ =	shalt  }
0x78: {  	_ =	shalt  }
0x79: {  	_ =	shalt  }
0x7a: {  	_ =	shalt  }
0x7b: {  	_ =	shalt  }
0x7c: {  	_ =	shalt  }
0x7d: {  	_ =	shalt  }
0x7e: {  	_ =	shalt  }
0x7f: {  	_ =	shalt  }
0x80: {  	_ =	shalt  }
0x81: {  	_ =	shalt  }
0x82: {  	_ =	shalt  }
0x83: {  	_ =	shalt  }
0x84: {  	_ =	shalt  }
0x85: {  	_ =	shalt  }
0x86: {  	_ =	shalt  }
0x87: {  	_ =	shalt  }
.Lfunc_end0:
.L_simem_size_0:
called_computation.1_lowered:
.L_overlay_start_0:
0x88: {  	s2 =	sld [smem:$0x3FD9]  }
0x89: {  	s3 =	sld [smem:$0x3FFE];
	_ =	sdelay $0x1  }
0x8a: {  	s1 =	srdreg.scid  }
0x8b: {  	s0 =	sand.u32 $0x1, s1  }
0x8c: {  	s17 =	sshll.u32 s0, $0xA;
	s2 =	sadd.s32 s3, s2  }
0x8d: {  	s2 =	sadd.s32 s2, s17  }
0x8e: {  	[smem:$0x3FC6] =	sst s2  }
0x8f: {  	_ = 	snop  }
0x90: {  	s2 =	sld [smem:$0x3FD0];
	(tm) =	ssettm $0x1  }
0x91: {  	s18 =	sld [smem:$0x3FFB];
	_ =	sdelay $0x3  }
0x92: {  	_ =	strace s18  }
0x93: {  	s3 =	sld [smem:$0x3FFC];
	_ =	sdelay $0x3  }
0x94: {  	_ =	strace s3  }
0x95: {  	s3 =	sld [smem:$0x3FFD];
	_ =	sdelay $0x3  }
0x96: {  	_ =	strace s3  }
0x97: {  	_ =	strace $0x8FFFFFFF  }
0x98: {  	s19 =	sld [smem:$0x3FDB];
	_ =	sdelay $0x1  }
0x99: {  	s4 =	simm.s32 $_scs_section_size  }
0x9a: {  	s5 =	simm.s32 $_size__tile_overlayer_lowered;
	s6 =	simm.s32 $_tile_overlayer_lowered  }
0x9b: {  	s22 =	simm.s32 $0x1BFF;
	s21 =	sshll.u32 s6, $0x1;
	s3 =	sadd.s32 s4, s19  }
0x9c: {  	s7 =	simm.s32 $0x0;
	s20 =	sshll.u32 s5, $0x1;
	s5 =	sadd.s32 s21, s3  }
0x9d: {  	[timem:s7], [sflag:s22] =	dma.local [hbm:s5], s20  }
0x9e: {  	_ =	swait.ge [sflag:s22], s20  }
0x9f: {  	s4 =	ssub.s32 $0x0, s20;
	[sflag:s22] =	ssyncset.done $0x0  }
0xa0: {  	[sflag:s22] =	ssyncadd.s32 s4;
	_ =	sdelay $0x1  }
0xa1: {  	s23 =	simm.s32 $0x1B8B  }
0xa2: {  	_ =	swait.ge [sflag:s23], $0x1  }
0xa3: {  	[sflag:s23] =	ssyncset.done $0x0  }
0xa4: {  	s25 =	simm.s32 $0x1B8E;
	s24 =	sld [smem:$0x3FFE];
	[sflag:s23] =	ssyncadd.s32 $0xFFFFFFFF  }
0xa5: {  	s26 =	simm.s32 $execute0_lowered;
	[smem:$0x3FD2] =	sst s25  }
0xa6: {  	s5 =	sshll.u32 s26, $0x1;
	_ =	strace $0x80000046;
	[dreg:$0x1] =	wrdreg $0xFFFFFFFF  }
0xa7: {  	s28 =	simm.s32 $_size_execute0_lowered;
	s3 =	sadd.s32 s3, s5;
	[dreg:$0x0] =	wrdreg $0x0  }
0xa8: {  	s5 =	sshll.u32 s28, $0x1;
	[dreg:$0x2] =	wrdreg s3  }
0xa9: {  	[dreg:$0x3] =	wrdreg s5  }
0xaa: {  	[dreg:$0x4] =	wrdreg $0xC0  }
0xab: {  	_ =	task [dreg:s7], $0x5FFFF  }
0xac: {  	[dreg:$0x1] =	wrdreg $0xFFFFFFFF  }
0xad: {  	[dreg:$0x0] =	wrdreg $0x60  }
0xae: {  	[dreg:$0x2] =	wrdreg s2  }
0xaf: {  	[dreg:$0x3] =	wrdreg s24  }
0xb0: {  	[dreg:$0x4] =	wrdreg $0x9  }
0xb1: {  	_ =	task.clear_ibuf [dreg:s7], $0x5FFFF;
	_ =	strace $0x90000046  }
0xb2: {  	s29 =	simm.s32 $0x9;
	_ =	strace $0x80000048  }
0xb3: {  	_ =	swait.ge [sflag:s29], $0x1  }
0xb4: {  	[sflag:s29] =	ssyncadd.s32 $0xFFFFFFFF  }
0xb5: {  	_ =	strace $0x90000048  }
0xb6: {  	_ =	sfence  }
0xb7: {  	s30 =	sld [smem:$0x0];
	_ =	sdelay $0x2  }
0xb8: {  	s31 =	sshll.u32 s1, $0xD;
	s1 =	sshrl.u32 s1, $0x2  }
0xb9: {  	s3 =	sand.u32 $0x4000, s31;
	s1 =	sadd.s32 s1, s30  }
0xba: {  	s0 =	sor.u32 s3, s0;
	s1 =	sshll.u32 s1, $0x11  }
0xbb: {  	s0 =	sor.u32 s1, s0  }
0xbc: {  	s0 =	sadd.s32 $0x8F2B, s0  }
0xbd: {  	[sflag:s0] =	ssyncadd.remote.s32 $0x1  }
0xbe: {  	_ =	sfence.sel $0xFFFF  }
0xbf: {  	[dreg:$0x0] =	wrdreg $0xFFFFFFFF;
	(pc) =	sbr.abs _section_cstart, $3  }
0xc0: {  	[dreg:$0x1] =	wrdreg $0xFFFFFFFF  }
0xc1: {  	_ =	task.clear_ibuf [dreg:s7], $0x2FFFF;
	_ =	strace $0x9FFFFFFF  }
0xc2: {  	(tm) =	ssettm $0x7FFFFFFF  }
0xc3: {  	_ =	shalt  }
tec
execute0_lowered:
.L_overlay_start_1:
0x0: {  	(tag) =	ssettag $0x1  }
0x1: {  	s0 =	srdreg.scid  }
0x2: {  	s2 =	stileid.u32;
	s1 =	rddreg [dreg:$0x0]  }
0x3: {  	s6 =	rddreg [dreg:$0x1];
	s15 =	simm.s32 $0x7;
	s17 =	simm.s32 $0x200  }
0x4: {  	s18 =	simm.s32 $0x6400;
	s19 =	simm.s32 $0xE400;
	s28 =	simm.s32 $0x3  }
0x5: {  	s29 =	simm.s32 $0x5;
	s0 =	sand.u32 $0x1, s0;
	s2 =	sshll.u32 s2, $0x1  }
0x6: {  	s30 =	simm.s32 $0x6;
	s31 =	simm.s32 $0x0;
	s3 =	sor.u32 s0, s2  }
0x7: {  	s2 =	simm.s32 $0x0;
	s0 =	ssub.s32 $0x2, s0;
	s3 =	smul.u32 $0x6400, s3  }
0x8: {  	s5 =	sadd.s32 $0xF43000, s6;
	[smem:$0x7FF] =	sst s2;
	s8 =	sshrl.u32 s0, $0x1  }
0x9: {  	_ =	strace $0x80000047;
	s0 =	ssub.s32 s0, s8;
	s4 =	sshrl.u32 s3, $0xC  }
0xa: {  	s21 =	sshrl.u32 s3, $0x3;
	s11 =	sadd.s32 $0x6000, s3;
	s23 =	sadd.s32 $0x6200, s3  }
0xb: {  	s9 =	sor.u32 $0x200, s3;
	s14 =	smax.u32 s0, $0x1;
	s7 =	sshll.u32 s4, $0x3  }
0xc: {  	s1 =	sadd.s32 s1, s21;
	s22 =	sshrl.u32 s11, $0xC;
	s24 =	sshrl.u32 s23, $0xC  }
0xd: {  	s25 =	sshll.u32 s11, $0x4;
	s26 =	sshll.u32 s23, $0x4;
	s21 =	simm.s32 $0x16400  }
0xe: {  	s23 =	simm.s32 $0x40;
	s7 =	sadd.s32 s7, s6;
	s6 =	sadd.s32 $0x1400, s6  }
0xf: {  	[dreg:$0x3] =	wrdreg s1;
	s1 =	ssub.s32 s22, s4;
	s22 =	simm.s32 $0x1  }
0x10: {  	s7 =	sadd.s32 $0xC00, s7;
	s1 =	sshll.u32 s1, $0x8;
	s11 =	sadd.s32 s6, s25  }
0x11: {  	s13 =	sadd.s32 s6, s26;
	[dreg:$0x4] =	wrdreg s7;
	s7 =	ssub.s32 s24, s4  }
0x12: {  	s25 =	simm.s32 $0x2;
	s26 =	simm.s32 $0x4;
	s7 =	sshll.u32 s7, $0x8  }
0x13: {  	s10 =	sshra.s32 s1, $0x2;
	s24 =	simm.s32 $0x80;
	s12 =	sshra.s32 s7, $0x2  }
.LBB2_1:
0x14: {  	s0 =	rddreg [dreg:$0x3]  }
0x15: {  	[tilespmem:s2], [sflag:$0x7] =	stream.linear.gather [hbm4b:s0+s2], $0x6400, $0x38;
	[tilespmem:$0x1E5C0] =	vst v63  }
0x16: {  	_ =	swait.ge [sflag:s15], $0x6400  }
0x17: {  	[sflag:s15] =	ssyncset.done $0x0  }
0x18: {  	s1 =	simm.s32 $0x1E400;
	s16 =	rddreg [dreg:$0x4];
	[sflag:s15] =	ssyncadd.s32 $0xFFFF9C00  }
0x19: {  	[tilespmem:s1], [sflag:$0x7] =	stream.linear.gather [hbm4b:s16+s2], $0x1C0, $0x38;
	[tilespmem:$0x1E5C0] =	vst v63  }
0x1a: {  	_ =	swait.ge [sflag:s15], $0x1C0  }
0x1b: {  	[sflag:s15] =	ssyncset.done $0x0  }
0x1c: {  	[sflag:s15] =	ssyncadd.s32 $0xFFFFFE40  }
0x1d: {  	[tilespmem:s18], [sflag:$0x1] =	stream.indirect.gather [hbm4b:s5+s17], $0x40, s2, s17, $0xb8;
	[tilespmem:$0x1E5C0] =	vst v63  }
0x1e: {  	_ = 	snop  }
0x1f: {  	[tilespmem:s19], [sflag:$0x2] =	stream.indirect.gather [hbm4b:s5+s17], $0x40, s17, s17, $0xb8;
	[tilespmem:$0x1E5C0] =	vst v63  }
0x20: {  	s20 =	simm.s32 $0x400;
	s1 =	simm.s32 $0x0  }
0x21: {  	[tilespmem:s21], [sflag:$0x3] =	stream.indirect.gather [hbm4b:s5+s17], $0x40, s20, s17, $0xb8;
	[tilespmem:$0x1E5C0] =	vst v63  }
.LBB2_2:
0x22: {  	_ =	swait.ge [sflag:s22], $0x8000  }
0x23: {  	[sflag:s22] =	ssyncset.done $0x0  }
0x24: {  	s16 =	smul.u32 $0x600, s1;
	s20 =	simm.s32 $0x6500;
	[sflag:s22] =	ssyncadd.s32 $0xFFFF8000  }
0x25: {  	v4 =	vld [tilespmem:s20+$0xFFFFFF00]  }
0x26: {  	s0 =	sadd.s32 s3, s16;
	v5 =	vld [tilespmem:s20+$0xFFFFFF10]  }
0x27: {  	s7 =	sshrl.u32 s0, $0xC;
	v6 =	vld [tilespmem:s20+$0xFFFFFF20]  }
0x28: {  	v7 =	vld [tilespmem:s20+$0xFFFFFF30];
	s7 =	ssub.s32 s7, s4  }
0x29: {  	v8 =	vld [tilespmem:s20+$0xFFFFFF40];
	s7 =	sshll.u32 s7, $0x8  }
0x2a: {  	v9 =	vld [tilespmem:s20+$0xFFFFFF50];
	s7 =	sshra.s32 s7, $0x2  }
0x2b: {  	v3 =	vld [tilespmem:s7+$0x1E400]  }
0x2c: {  	v2 =	vld [tilespmem:s7+$0x1E410]  }
0x2d: {  	v1 =	vld [tilespmem:s7+$0x1E420]  }
0x2e: {  	v0 =	vld [tilespmem:s7+$0x1E430];
	v4 =	vmul.f32 $8.000000000e+00, v4  }
0x2f: {  	v10 =	vld [tilespmem:s20+$0xFFFFFF60];
	v5 =	vmul.f32 $8.000000000e+00, v5  }
0x30: {  	v11 =	vld [tilespmem:s20+$0xFFFFFF70];
	v6 =	vmul.f32 $8.000000000e+00, v6;
	v4 =	vadd.f32 v4, v3  }
0x31: {  	v12 =	vld [tilespmem:s20+$0xFFFFFF80];
	v7 =	vmul.f32 $8.000000000e+00, v7;
	v5 =	vadd.f32 v5, v2  }
0x32: {  	[tilespmem:s20+$0xFFFFFF00] =	vst v4;
	v4 =	vadd.f32 v6, v1;
	v6 =	vmul.f32 $8.000000000e+00, v8;
	v8 =	vld [tilespmem:s20+$0xFFFFFF90]  }
0x33: {  	[tilespmem:s20+$0xFFFFFF10] =	vst v5;
	v5 =	vadd.f32 v7, v0;
	v7 =	vmul.f32 $8.000000000e+00, v9;
	v9 =	vld [tilespmem:s20+$0xFFFFFFA0]  }
0x34: {  	[tilespmem:s20+$0xFFFFFF20] =	vst v4;
	v4 =	vadd.f32 v6, v3;
	v6 =	vmul.f32 $8.000000000e+00, v10;
	v10 =	vld [tilespmem:s20+$0xFFFFFFB0]  }
0x35: {  	[tilespmem:s20+$0xFFFFFF30] =	vst v5;
	v5 =	vadd.f32 v7, v2;
	v7 =	vmul.f32 $8.000000000e+00, v11;
	v11 =	vld [tilespmem:s20+$0xFFFFFFC0]  }
0x36: {  	[tilespmem:s20+$0xFFFFFF40] =	vst v4;
	v4 =	vadd.f32 v6, v1;
	v6 =	vmul.f32 $8.000000000e+00, v12;
	v12 =	vld [tilespmem:s20+$0xFFFFFFD0]  }
0x37: {  	[tilespmem:s20+$0xFFFFFF50] =	vst v5;
	v5 =	vadd.f32 v7, v0;
	v7 =	vmul.f32 $8.000000000e+00, v8;
	v8 =	vld [tilespmem:s20+$0xFFFFFFE0]  }
0x38: {  	[tilespmem:s20+$0xFFFFFF60] =	vst v4;
	v4 =	vadd.f32 v6, v3;
	v6 =	vmul.f32 $8.000000000e+00, v9;
	v9 =	vld [tilespmem:s20+$0x0]  }
0x39: {  	[tilespmem:s20+$0xFFFFFF70] =	vst v5;
	v5 =	vadd.f32 v7, v2;
	v7 =	vmul.f32 $8.000000000e+00, v10;
	v10 =	vld [tilespmem:s20+$0x10]  }
0x3a: {  	[tilespmem:s20+$0xFFFFFF80] =	vst v4;
	v4 =	vadd.f32 v6, v1;
	v6 =	vmul.f32 $8.000000000e+00, v11;
	v11 =	vld [tilespmem:s20+$0x20]  }
0x3b: {  	[tilespmem:s20+$0xFFFFFF90] =	vst v5;
	v5 =	vadd.f32 v7, v0;
	v7 =	vmul.f32 $8.000000000e+00, v12;
	v12 =	vld [tilespmem:s20+$0x30]  }
0x3c: {  	[tilespmem:s20+$0xFFFFFFA0] =	vst v4;
	v4 =	vadd.f32 v6, v3;
	v6 =	vmul.f32 $8.000000000e+00, v8;
	v8 =	vld [tilespmem:s20+$0x40]  }
0x3d: {  	[tilespmem:s20+$0xFFFFFFB0] =	vst v5;
	v5 =	vadd.f32 v7, v2;
	v7 =	vmul.f32 $8.000000000e+00, v9;
	v9 =	vld [tilespmem:s20+$0x50]  }
0x3e: {  	[tilespmem:s20+$0xFFFFFFC0] =	vst v4;
	v4 =	vadd.f32 v6, v1;
	v6 =	vmul.f32 $8.000000000e+00, v10;
	v10 =	vld [tilespmem:s20+$0x60]  }
0x3f: {  	[tilespmem:s20+$0xFFFFFFD0] =	vst v5;
	v5 =	vadd.f32 v7, v3;
	v7 =	vmul.f32 $8.000000000e+00, v11;
	v11 =	vld [tilespmem:s20+$0x70]  }
0x40: {  	[tilespmem:s20+$0xFFFFFFE0] =	vst v4;
	v4 =	vadd.f32 v6, v2;
	v6 =	vmul.f32 $8.000000000e+00, v12;
	v12 =	vld [tilespmem:s20+$0x80]  }
0x41: {  	[tilespmem:s20+$0x0] =	vst v5;
	v5 =	vadd.f32 v7, v1;
	v7 =	vmul.f32 $8.000000000e+00, v8;
	v8 =	vld [tilespmem:s20+$0x90]  }
0x42: {  	v13 =	vld [tilespmem:s20+$0xA0];
	[tilespmem:s20+$0x10] =	vst v4;
	v4 =	vadd.f32 v6, v0;
	v6 =	vmul.f32 $8.000000000e+00, v9  }
0x43: {  	v14 =	vld [tilespmem:s20+$0xB0];
	[tilespmem:s20+$0x20] =	vst v5;
	v5 =	vadd.f32 v7, v3;
	v7 =	vmul.f32 $8.000000000e+00, v10  }
0x44: {  	[tilespmem:s20+$0x30] =	vst v4;
	v6 =	vadd.f32 v6, v2;
	v9 =	vmul.f32 $8.000000000e+00, v11;
	v4 =	vld [tilespmem:s20+$0xC0]  }
0x45: {  	[tilespmem:s20+$0x40] =	vst v5;
	v7 =	vadd.f32 v7, v1;
	v10 =	vmul.f32 $8.000000000e+00, v12;
	v5 =	vld [tilespmem:s20+$0xD0]  }
0x46: {  	[tilespmem:s20+$0x50] =	vst v6;
	v11 =	vadd.f32 v9, v0;
	v12 =	vmul.f32 $8.000000000e+00, v8;
	v6 =	vld [tilespmem:s20+$0xE0]  }
0x47: {  	[tilespmem:s20+$0x60] =	vst v7;
	v9 =	vadd.f32 v10, v3;
	v7 =	vld [tilespmem:s20+$0xF0];
	v10 =	vmul.f32 $8.000000000e+00, v13  }
0x48: {  	s8 =	simm.s32 $0x6700;
	s7 =	simm.s32 $0x0;
	v8 =	vld [tilespmem:s20+$0xFFFFFFF0];
	[tilespmem:s20+$0x70] =	vst v11;
	v11 =	vadd.f32 v12, v2;
	v12 =	vmul.f32 $8.000000000e+00, v14  }
.LBB2_3:
0x49: {  	v13 =	vld [tilespmem:s8+$0xFFFFFF00];
	[tilespmem:s20+$0x80] =	vst v9;
	v9 =	vadd.f32 v10, v1;
	v4 =	vmul.f32 $8.000000000e+00, v4  }
0x4a: {  	v10 =	vld [tilespmem:s8+$0xFFFFFF10];
	[tilespmem:s20+$0x90] =	vst v11;
	v11 =	vadd.f32 v12, v0;
	v5 =	vmul.f32 $8.000000000e+00, v5  }
0x4b: {  	v12 =	vld [tilespmem:s8+$0xFFFFFF20];
	[tilespmem:s20+$0xA0] =	vst v9;
	v4 =	vadd.f32 v4, v3;
	v6 =	vmul.f32 $8.000000000e+00, v6  }
0x4c: {  	v9 =	vld [tilespmem:s8+$0xFFFFFF30];
	[tilespmem:s20+$0xB0] =	vst v11;
	v5 =	vadd.f32 v5, v2;
	v7 =	vmul.f32 $8.000000000e+00, v7  }
0x4d: {  	v11 =	vld [tilespmem:s8+$0xFFFFFF40];
	v8 =	vmul.f32 $8.000000000e+00, v8;
	[tilespmem:s20+$0xC0] =	vst v4;
	v4 =	vadd.f32 v6, v1  }
0x4e: {  	v6 =	vmul.f32 $8.000000000e+00, v13;
	v13 =	vld [tilespmem:s8+$0xFFFFFF50];
	[tilespmem:s20+$0xD0] =	vst v5;
	v5 =	vadd.f32 v7, v0  }
0x4f: {  	v7 =	vmul.f32 $8.000000000e+00, v10;
	v10 =	vld [tilespmem:s8+$0xFFFFFF60];
	v8 =	vadd.f32 v8, v0;
	[tilespmem:s20+$0xE0] =	vst v4  }
0x50: {  	v4 =	vadd.f32 v6, v3;
	v6 =	vmul.f32 $8.000000000e+00, v12;
	v12 =	vld [tilespmem:s8+$0xFFFFFF70];
	[tilespmem:s20+$0xF0] =	vst v5  }
0x51: {  	v5 =	vadd.f32 v7, v2;
	v7 =	vmul.f32 $8.000000000e+00, v9;
	v9 =	vld [tilespmem:s8+$0xFFFFFF80];
	[tilespmem:s20+$0xFFFFFFF0] =	vst v8;
	s20 =	smov.u32 s8  }
0x52: {  	[tilespmem:s8+$0xFFFFFF00] =	vst v4;
	v4 =	vadd.f32 v6, v1;
	v6 =	vmul.f32 $8.000000000e+00, v11;
	v8 =	vld [tilespmem:s8+$0xFFFFFF90]  }
0x53: {  	[tilespmem:s8+$0xFFFFFF10] =	vst v5;
	v5 =	vadd.f32 v7, v0;
	v7 =	vmul.f32 $8.000000000e+00, v13;
	v11 =	vld [tilespmem:s8+$0xFFFFFFA0]  }
0x54: {  	[tilespmem:s8+$0xFFFFFF20] =	vst v4;
	v4 =	vadd.f32 v6, v3;
	v6 =	vmul.f32 $8.000000000e+00, v10;
	v10 =	vld [tilespmem:s8+$0xFFFFFFB0]  }
0x55: {  	[tilespmem:s8+$0xFFFFFF30] =	vst v5;
	v5 =	vadd.f32 v7, v2;
	v7 =	vmul.f32 $8.000000000e+00, v12;
	v12 =	vld [tilespmem:s8+$0xFFFFFFC0]  }
0x56: {  	[tilespmem:s8+$0xFFFFFF40] =	vst v4;
	v4 =	vadd.f32 v6, v1;
	v6 =	vmul.f32 $8.000000000e+00, v9;
	v9 =	vld [tilespmem:s8+$0xFFFFFFD0]  }
0x57: {  	[tilespmem:s8+$0xFFFFFF50] =	vst v5;
	v5 =	vadd.f32 v7, v0;
	v7 =	vmul.f32 $8.000000000e+00, v8;
	v8 =	vld [tilespmem:s8+$0xFFFFFFE0]  }
0x58: {  	[tilespmem:s8+$0xFFFFFF60] =	vst v4;
	v4 =	vadd.f32 v6, v3;
	v6 =	vmul.f32 $8.000000000e+00, v11;
	v11 =	vld [tilespmem:s8+$0x0]  }
0x59: {  	[tilespmem:s8+$0xFFFFFF70] =	vst v5;
	v5 =	vadd.f32 v7, v2;
	v7 =	vmul.f32 $8.000000000e+00, v10;
	v10 =	vld [tilespmem:s8+$0x10]  }
0x5a: {  	[tilespmem:s8+$0xFFFFFF80] =	vst v4;
	v4 =	vadd.f32 v6, v1;
	v6 =	vmul.f32 $8.000000000e+00, v12;
	v12 =	vld [tilespmem:s8+$0x20]  }
0x5b: {  	[tilespmem:s8+$0xFFFFFF90] =	vst v5;
	v5 =	vadd.f32 v7, v0;
	v7 =	vmul.f32 $8.000000000e+00, v9;
	v9 =	vld [tilespmem:s8+$0x30]  }
0x5c: {  	[tilespmem:s8+$0xFFFFFFA0] =	vst v4;
	v4 =	vadd.f32 v6, v3;
	v6 =	vmul.f32 $8.000000000e+00, v8;
	v8 =	vld [tilespmem:s8+$0x40]  }
0x5d: {  	[tilespmem:s8+$0xFFFFFFB0] =	vst v5;
	v5 =	vadd.f32 v7, v2;
	v7 =	vmul.f32 $8.000000000e+00, v11;
	v11 =	vld [tilespmem:s8+$0x50]  }
0x5e: {  	[tilespmem:s8+$0xFFFFFFC0] =	vst v4;
	v4 =	vadd.f32 v6, v1;
	v6 =	vmul.f32 $8.000000000e+00, v10;
	v10 =	vld [tilespmem:s8+$0x60]  }
0x5f: {  	[tilespmem:s8+$0xFFFFFFD0] =	vst v5;
	v5 =	vadd.f32 v7, v3;
	v7 =	vmul.f32 $8.000000000e+00, v12;
	v12 =	vld [tilespmem:s8+$0x70]  }
0x60: {  	[tilespmem:s8+$0xFFFFFFE0] =	vst v4;
	v4 =	vadd.f32 v6, v2;
	v6 =	vmul.f32 $8.000000000e+00, v9;
	v9 =	vld [tilespmem:s8+$0x80]  }
0x61: {  	[tilespmem:s8+$0x0] =	vst v5;
	v5 =	vadd.f32 v7, v1;
	v7 =	vmul.f32 $8.000000000e+00, v8;
	v8 =	vld [tilespmem:s8+$0x90]  }
0x62: {  	s7 =	sadd.s32 $0x8, s7;
	[tilespmem:s8+$0x10] =	vst v4;
	v4 =	vadd.f32 v6, v0;
	v6 =	vmul.f32 $8.000000000e+00, v11;
	v11 =	vld [tilespmem:s8+$0xA0]  }
0x63: {  	p0 =	slt.u32 s7, $0x1F8;
	[tilespmem:s8+$0x20] =	vst v5;
	v5 =	vadd.f32 v7, v3;
	v7 =	vmul.f32 $8.000000000e+00, v10;
	v13 =	vld [tilespmem:s8+$0xB0]  }
.Ltmp0:
0x64: {  	[tilespmem:s8+$0x30] =	vst v4;
	v6 =	vadd.f32 v6, v2;
	v10 =	vmul.f32 $8.000000000e+00, v12;
	v4 =	vld [tilespmem:s8+$0xC0];
	(pc) =	sbr.rel @p0 .LBB2_3-.Ltmp0, $4  }
0x65: {  	[tilespmem:s8+$0x40] =	vst v5;
	v7 =	vadd.f32 v7, v1;
	v9 =	vmul.f32 $8.000000000e+00, v9;
	v5 =	vld [tilespmem:s8+$0xD0]  }
0x66: {  	[tilespmem:s8+$0x50] =	vst v6;
	v12 =	vadd.f32 v10, v0;
	v14 =	vmul.f32 $8.000000000e+00, v8;
	v6 =	vld [tilespmem:s8+$0xE0]  }
0x67: {  	[tilespmem:s8+$0x60] =	vst v7;
	v9 =	vadd.f32 v9, v3;
	v10 =	vmul.f32 $8.000000000e+00, v11;
	v7 =	vld [tilespmem:s8+$0xF0]  }
0x68: {  	s8 =	sadd.s32 $0x200, s8;
	v8 =	vld [tilespmem:s20+$0xFFFFFFF0];
	[tilespmem:s20+$0x70] =	vst v12;
	v11 =	vadd.f32 v14, v2;
	v12 =	vmul.f32 $8.000000000e+00, v13  }
0x69: {  	[tilespmem:s20+$0x80] =	vst v9;
	v9 =	vadd.f32 v10, v1;
	v4 =	vmul.f32 $8.000000000e+00, v4  }
0x6a: {  	[tilespmem:s20+$0x90] =	vst v11;
	v10 =	vadd.f32 v12, v0;
	v5 =	vmul.f32 $8.000000000e+00, v5  }
0x6b: {  	[tilespmem:s20+$0xA0] =	vst v9;
	v3 =	vadd.f32 v4, v3;
	v4 =	vmul.f32 $8.000000000e+00, v6  }
0x6c: {  	[tilespmem:s20+$0xB0] =	vst v10;
	v2 =	vadd.f32 v5, v2;
	v5 =	vmul.f32 $8.000000000e+00, v7  }
0x6d: {  	v6 =	vmul.f32 $8.000000000e+00, v8;
	[tilespmem:s20+$0xC0] =	vst v3;
	v1 =	vadd.f32 v4, v1  }
0x6e: {  	[tilespmem:s20+$0xD0] =	vst v2;
	v2 =	vadd.f32 v5, v0  }
0x6f: {  	v0 =	vadd.f32 v6, v0;
	[tilespmem:s20+$0xE0] =	vst v1  }
0x70: {  	s0 =	sshll.u32 s0, $0x4;
	p0 =	seq.s32 s1, $0x0;
	[tilespmem:s20+$0xF0] =	vst v2  }
0x71: {  	s8 =	smul.u32 $0x3, s1;
	s0 =	sadd.s32 s6, s0;
	s7 =	simm.s32 @!p0 $0x6;
	[tilespmem:s20+$0xFFFFFFF0] =	vst v0  }
0x72: {  	[hbm4b:s0+s23] =	stream.strided.scatter [tilespmem:s18], [sflag:$0x4], $0x8000, s24, s23, $0x38;
	[tilespmem:$0x1E5C0] =	vst v63  }
0x73: {  	_ =	swait.ge @!p0 [sflag:s7], $0x8000  }
0x74: {  	s0 =	sadd.s32 $0x2, s8;
	[sflag:s7] =	ssyncset.done @!p0 $0x0  }
0x75: {  	s16 =	sadd.s32 s16, s9;
	[sflag:s7] =	ssyncadd.s32 @!p0 $0xFFFF8000;
	s7 =	sshll.u32 @!p0 s0, $0x9  }
0x76: {  	s20 =	simm.s32 @!p0 $0x16400;
	s8 =	simm.s32 @!p0 $0x200;
	s7 =	sand.u32 @!p0 $0x3FFFFE00, s7  }
0x77: {  	[tilespmem:s20], [sflag:$0x3] =	stream.indirect.gather @!p0 [hbm4b:s5+s8], $0x40, s7, s8, $0xb8;
	[tilespmem:$0x1E5C0] =	vst v63  }
0x78: {  	s20 =	sshrl.u32 s16, $0xC  }
0x79: {  	_ =	swait.ge [sflag:s25], $0x8000;
	s7 =	ssub.s32 s20, s4  }
0x7a: {  	[sflag:s25] =	ssyncset.done $0x0;
	s7 =	sshll.u32 s7, $0x8  }
0x7b: {  	[sflag:s25] =	ssyncadd.s32 $0xFFFF8000;
	s7 =	sshra.s32 s7, $0x2  }
0x7c: {  	v3 =	vld [tilespmem:s7+$0x1E400]  }
0x7d: {  	v2 =	vld [tilespmem:s7+$0x1E410]  }
0x7e: {  	v1 =	vld [tilespmem:s7+$0x1E420]  }
0x7f: {  	s20 =	simm.s32 $0xE500;
	v0 =	vld [tilespmem:s7+$0x1E430]  }
0x80: {  	v4 =	vld [tilespmem:s20+$0xFFFFFF00]  }
0x81: {  	v5 =	vld [tilespmem:s20+$0xFFFFFF10]  }
0x82: {  	v6 =	vld [tilespmem:s20+$0xFFFFFF20]  }
0x83: {  	v7 =	vld [tilespmem:s20+$0xFFFFFF30]  }
0x84: {  	v8 =	vld [tilespmem:s20+$0xFFFFFF40]  }
0x85: {  	v9 =	vld [tilespmem:s20+$0xFFFFFF50];
	v4 =	vmul.f32 $8.000000000e+00, v4  }
0x86: {  	v10 =	vld [tilespmem:s20+$0xFFFFFF60];
	v5 =	vmul.f32 $8.000000000e+00, v5  }
0x87: {  	v11 =	vld [tilespmem:s20+$0xFFFFFF70];
	v6 =	vmul.f32 $8.000000000e+00, v6;
	v4 =	vadd.f32 v4, v3  }
0x88: {  	v12 =	vld [tilespmem:s20+$0xFFFFFF80];
	v7 =	vmul.f32 $8.000000000e+00, v7;
	v5 =	vadd.f32 v5, v2  }
0x89: {  	[tilespmem:s20+$0xFFFFFF00] =	vst v4;
	v4 =	vadd.f32 v6, v1;
	v6 =	vmul.f32 $8.000000000e+00, v8;
	v8 =	vld [tilespmem:s20+$0xFFFFFF90]  }
0x8a: {  	[tilespmem:s20+$0xFFFFFF10] =	vst v5;
	v5 =	vadd.f32 v7, v0;
	v7 =	vmul.f32 $8.000000000e+00, v9;
	v9 =	vld [tilespmem:s20+$0xFFFFFFA0]  }
0x8b: {  	[tilespmem:s20+$0xFFFFFF20] =	vst v4;
	v4 =	vadd.f32 v6, v3;
	v6 =	vmul.f32 $8.000000000e+00, v10;
	v10 =	vld [tilespmem:s20+$0xFFFFFFB0]  }
0x8c: {  	[tilespmem:s20+$0xFFFFFF30] =	vst v5;
	v5 =	vadd.f32 v7, v2;
	v7 =	vmul.f32 $8.000000000e+00, v11;
	v11 =	vld [tilespmem:s20+$0xFFFFFFC0]  }
0x8d: {  	[tilespmem:s20+$0xFFFFFF40] =	vst v4;
	v4 =	vadd.f32 v6, v1;
	v6 =	vmul.f32 $8.000000000e+00, v12;
	v12 =	vld [tilespmem:s20+$0xFFFFFFD0]  }
0x8e: {  	[tilespmem:s20+$0xFFFFFF50] =	vst v5;
	v5 =	vadd.f32 v7, v0;
	v7 =	vmul.f32 $8.000000000e+00, v8;
	v8 =	vld [tilespmem:s20+$0xFFFFFFE0]  }
0x8f: {  	[tilespmem:s20+$0xFFFFFF60] =	vst v4;
	v4 =	vadd.f32 v6, v3;
	v6 =	vmul.f32 $8.000000000e+00, v9;
	v9 =	vld [tilespmem:s20+$0x0]  }
0x90: {  	[tilespmem:s20+$0xFFFFFF70] =	vst v5;
	v5 =	vadd.f32 v7, v2;
	v7 =	vmul.f32 $8.000000000e+00, v10;
	v10 =	vld [tilespmem:s20+$0x10]  }
0x91: {  	[tilespmem:s20+$0xFFFFFF80] =	vst v4;
	v4 =	vadd.f32 v6, v1;
	v6 =	vmul.f32 $8.000000000e+00, v11;
	v11 =	vld [tilespmem:s20+$0x20]  }
0x92: {  	[tilespmem:s20+$0xFFFFFF90] =	vst v5;
	v5 =	vadd.f32 v7, v0;
	v7 =	vmul.f32 $8.000000000e+00, v12;
	v12 =	vld [tilespmem:s20+$0x30]  }
0x93: {  	[tilespmem:s20+$0xFFFFFFA0] =	vst v4;
	v4 =	vadd.f32 v6, v3;
	v6 =	vmul.f32 $8.000000000e+00, v8;
	v8 =	vld [tilespmem:s20+$0x40]  }
0x94: {  	[tilespmem:s20+$0xFFFFFFB0] =	vst v5;
	v5 =	vadd.f32 v7, v2;
	v7 =	vmul.f32 $8.000000000e+00, v9;
	v9 =	vld [tilespmem:s20+$0x50]  }
0x95: {  	[tilespmem:s20+$0xFFFFFFC0] =	vst v4;
	v4 =	vadd.f32 v6, v1;
	v6 =	vmul.f32 $8.000000000e+00, v10;
	v10 =	vld [tilespmem:s20+$0x60]  }
0x96: {  	[tilespmem:s20+$0xFFFFFFD0] =	vst v5;
	v5 =	vadd.f32 v7, v3;
	v7 =	vmul.f32 $8.000000000e+00, v11;
	v11 =	vld [tilespmem:s20+$0x70]  }
0x97: {  	[tilespmem:s20+$0xFFFFFFE0] =	vst v4;
	v4 =	vadd.f32 v6, v2;
	v6 =	vmul.f32 $8.000000000e+00, v12;
	v12 =	vld [tilespmem:s20+$0x80]  }
0x98: {  	[tilespmem:s20+$0x0] =	vst v5;
	v5 =	vadd.f32 v7, v1;
	v7 =	vmul.f32 $8.000000000e+00, v8;
	v8 =	vld [tilespmem:s20+$0x90]  }
0x99: {  	v13 =	vld [tilespmem:s20+$0xA0];
	[tilespmem:s20+$0x10] =	vst v4;
	v4 =	vadd.f32 v6, v0;
	v6 =	vmul.f32 $8.000000000e+00, v9  }
0x9a: {  	v14 =	vld [tilespmem:s20+$0xB0];
	[tilespmem:s20+$0x20] =	vst v5;
	v5 =	vadd.f32 v7, v3;
	v7 =	vmul.f32 $8.000000000e+00, v10  }
0x9b: {  	[tilespmem:s20+$0x30] =	vst v4;
	v6 =	vadd.f32 v6, v2;
	v9 =	vmul.f32 $8.000000000e+00, v11;
	v4 =	vld [tilespmem:s20+$0xC0]  }
0x9c: {  	[tilespmem:s20+$0x40] =	vst v5;
	v7 =	vadd.f32 v7, v1;
	v10 =	vmul.f32 $8.000000000e+00, v12;
	v5 =	vld [tilespmem:s20+$0xD0]  }
0x9d: {  	[tilespmem:s20+$0x50] =	vst v6;
	v11 =	vadd.f32 v9, v0;
	v12 =	vmul.f32 $8.000000000e+00, v8;
	v6 =	vld [tilespmem:s20+$0xE0]  }
0x9e: {  	[tilespmem:s20+$0x60] =	vst v7;
	v9 =	vadd.f32 v10, v3;
	v7 =	vld [tilespmem:s20+$0xF0];
	v10 =	vmul.f32 $8.000000000e+00, v13  }
0x9f: {  	s8 =	simm.s32 $0xE700;
	s7 =	simm.s32 $0x0;
	v8 =	vld [tilespmem:s20+$0xFFFFFFF0];
	[tilespmem:s20+$0x70] =	vst v11;
	v11 =	vadd.f32 v12, v2;
	v12 =	vmul.f32 $8.000000000e+00, v14  }
.LBB2_5:
0xa0: {  	v13 =	vld [tilespmem:s8+$0xFFFFFF00];
	[tilespmem:s20+$0x80] =	vst v9;
	v9 =	vadd.f32 v10, v1;
	v4 =	vmul.f32 $8.000000000e+00, v4  }
0xa1: {  	v10 =	vld [tilespmem:s8+$0xFFFFFF10];
	[tilespmem:s20+$0x90] =	vst v11;
	v11 =	vadd.f32 v12, v0;
	v5 =	vmul.f32 $8.000000000e+00, v5  }
0xa2: {  	v12 =	vld [tilespmem:s8+$0xFFFFFF20];
	[tilespmem:s20+$0xA0] =	vst v9;
	v4 =	vadd.f32 v4, v3;
	v6 =	vmul.f32 $8.000000000e+00, v6  }
0xa3: {  	v9 =	vld [tilespmem:s8+$0xFFFFFF30];
	[tilespmem:s20+$0xB0] =	vst v11;
	v5 =	vadd.f32 v5, v2;
	v7 =	vmul.f32 $8.000000000e+00, v7  }
0xa4: {  	v11 =	vld [tilespmem:s8+$0xFFFFFF40];
	v8 =	vmul.f32 $8.000000000e+00, v8;
	[tilespmem:s20+$0xC0] =	vst v4;
	v4 =	vadd.f32 v6, v1  }
0xa5: {  	v6 =	vmul.f32 $8.000000000e+00, v13;
	v13 =	vld [tilespmem:s8+$0xFFFFFF50];
	[tilespmem:s20+$0xD0] =	vst v5;
	v5 =	vadd.f32 v7, v0  }
0xa6: {  	v7 =	vmul.f32 $8.000000000e+00, v10;
	v10 =	vld [tilespmem:s8+$0xFFFFFF60];
	v8 =	vadd.f32 v8, v0;
	[tilespmem:s20+$0xE0] =	vst v4  }
0xa7: {  	v4 =	vadd.f32 v6, v3;
	v6 =	vmul.f32 $8.000000000e+00, v12;
	v12 =	vld [tilespmem:s8+$0xFFFFFF70];
	[tilespmem:s20+$0xF0] =	vst v5  }
0xa8: {  	v5 =	vadd.f32 v7, v2;
	v7 =	vmul.f32 $8.000000000e+00, v9;
	v9 =	vld [tilespmem:s8+$0xFFFFFF80];
	[tilespmem:s20+$0xFFFFFFF0] =	vst v8;
	s20 =	smov.u32 s8  }
0xa9: {  	[tilespmem:s8+$0xFFFFFF00] =	vst v4;
	v4 =	vadd.f32 v6, v1;
	v6 =	vmul.f32 $8.000000000e+00, v11;
	v8 =	vld [tilespmem:s8+$0xFFFFFF90]  }
0xaa: {  	[tilespmem:s8+$0xFFFFFF10] =	vst v5;
	v5 =	vadd.f32 v7, v0;
	v7 =	vmul.f32 $8.000000000e+00, v13;
	v11 =	vld [tilespmem:s8+$0xFFFFFFA0]  }
0xab: {  	[tilespmem:s8+$0xFFFFFF20] =	vst v4;
	v4 =	vadd.f32 v6, v3;
	v6 =	vmul.f32 $8.000000000e+00, v10;
	v10 =	vld [tilespmem:s8+$0xFFFFFFB0]  }
0xac: {  	[tilespmem:s8+$0xFFFFFF30] =	vst v5;
	v5 =	vadd.f32 v7, v2;
	v7 =	vmul.f32 $8.000000000e+00, v12;
	v12 =	vld [tilespmem:s8+$0xFFFFFFC0]  }
0xad: {  	[tilespmem:s8+$0xFFFFFF40] =	vst v4;
	v4 =	vadd.f32 v6, v1;
	v6 =	vmul.f32 $8.000000000e+00, v9;
	v9 =	vld [tilespmem:s8+$0xFFFFFFD0]  }
0xae: {  	[tilespmem:s8+$0xFFFFFF50] =	vst v5;
	v5 =	vadd.f32 v7, v0;
	v7 =	vmul.f32 $8.000000000e+00, v8;
	v8 =	vld [tilespmem:s8+$0xFFFFFFE0]  }
0xaf: {  	[tilespmem:s8+$0xFFFFFF60] =	vst v4;
	v4 =	vadd.f32 v6, v3;
	v6 =	vmul.f32 $8.000000000e+00, v11;
	v11 =	vld [tilespmem:s8+$0x0]  }
0xb0: {  	[tilespmem:s8+$0xFFFFFF70] =	vst v5;
	v5 =	vadd.f32 v7, v2;
	v7 =	vmul.f32 $8.000000000e+00, v10;
	v10 =	vld [tilespmem:s8+$0x10]  }
0xb1: {  	[tilespmem:s8+$0xFFFFFF80] =	vst v4;
	v4 =	vadd.f32 v6, v1;
	v6 =	vmul.f32 $8.000000000e+00, v12;
	v12 =	vld [tilespmem:s8+$0x20]  }
0xb2: {  	[tilespmem:s8+$0xFFFFFF90] =	vst v5;
	v5 =	vadd.f32 v7, v0;
	v7 =	vmul.f32 $8.000000000e+00, v9;
	v9 =	vld [tilespmem:s8+$0x30]  }
0xb3: {  	[tilespmem:s8+$0xFFFFFFA0] =	vst v4;
	v4 =	vadd.f32 v6, v3;
	v6 =	vmul.f32 $8.000000000e+00, v8;
	v8 =	vld [tilespmem:s8+$0x40]  }
0xb4: {  	[tilespmem:s8+$0xFFFFFFB0] =	vst v5;
	v5 =	vadd.f32 v7, v2;
	v7 =	vmul.f32 $8.000000000e+00, v11;
	v11 =	vld [tilespmem:s8+$0x50]  }
0xb5: {  	[tilespmem:s8+$0xFFFFFFC0] =	vst v4;
	v4 =	vadd.f32 v6, v1;
	v6 =	vmul.f32 $8.000000000e+00, v10;
	v10 =	vld [tilespmem:s8+$0x60]  }
0xb6: {  	[tilespmem:s8+$0xFFFFFFD0] =	vst v5;
	v5 =	vadd.f32 v7, v3;
	v7 =	vmul.f32 $8.000000000e+00, v12;
	v12 =	vld [tilespmem:s8+$0x70]  }
0xb7: {  	[tilespmem:s8+$0xFFFFFFE0] =	vst v4;
	v4 =	vadd.f32 v6, v2;
	v6 =	vmul.f32 $8.000000000e+00, v9;
	v9 =	vld [tilespmem:s8+$0x80]  }
0xb8: {  	[tilespmem:s8+$0x0] =	vst v5;
	v5 =	vadd.f32 v7, v1;
	v7 =	vmul.f32 $8.000000000e+00, v8;
	v8 =	vld [tilespmem:s8+$0x90]  }
0xb9: {  	s7 =	sadd.s32 $0x8, s7;
	[tilespmem:s8+$0x10] =	vst v4;
	v4 =	vadd.f32 v6, v0;
	v6 =	vmul.f32 $8.000000000e+00, v11;
	v11 =	vld [tilespmem:s8+$0xA0]  }
0xba: {  	p0 =	slt.u32 s7, $0x1F8;
	[tilespmem:s8+$0x20] =	vst v5;
	v5 =	vadd.f32 v7, v3;
	v7 =	vmul.f32 $8.000000000e+00, v10;
	v13 =	vld [tilespmem:s8+$0xB0]  }
.Ltmp1:
0xbb: {  	[tilespmem:s8+$0x30] =	vst v4;
	v6 =	vadd.f32 v6, v2;
	v10 =	vmul.f32 $8.000000000e+00, v12;
	v4 =	vld [tilespmem:s8+$0xC0];
	(pc) =	sbr.rel @p0 .LBB2_5-.Ltmp1, $4  }
0xbc: {  	[tilespmem:s8+$0x40] =	vst v5;
	v7 =	vadd.f32 v7, v1;
	v9 =	vmul.f32 $8.000000000e+00, v9;
	v5 =	vld [tilespmem:s8+$0xD0]  }
0xbd: {  	[tilespmem:s8+$0x50] =	vst v6;
	v12 =	vadd.f32 v10, v0;
	v14 =	vmul.f32 $8.000000000e+00, v8;
	v6 =	vld [tilespmem:s8+$0xE0]  }
0xbe: {  	[tilespmem:s8+$0x60] =	vst v7;
	v9 =	vadd.f32 v9, v3;
	v10 =	vmul.f32 $8.000000000e+00, v11;
	v7 =	vld [tilespmem:s8+$0xF0]  }
0xbf: {  	s8 =	sadd.s32 $0x200, s8;
	v8 =	vld [tilespmem:s20+$0xFFFFFFF0];
	[tilespmem:s20+$0x70] =	vst v12;
	v11 =	vadd.f32 v14, v2;
	v12 =	vmul.f32 $8.000000000e+00, v13  }
0xc0: {  	[tilespmem:s20+$0x80] =	vst v9;
	v9 =	vadd.f32 v10, v1;
	v4 =	vmul.f32 $8.000000000e+00, v4  }
0xc1: {  	[tilespmem:s20+$0x90] =	vst v11;
	v10 =	vadd.f32 v12, v0;
	v5 =	vmul.f32 $8.000000000e+00, v5  }
0xc2: {  	[tilespmem:s20+$0xA0] =	vst v9;
	v3 =	vadd.f32 v4, v3;
	v4 =	vmul.f32 $8.000000000e+00, v6  }
0xc3: {  	[tilespmem:s20+$0xB0] =	vst v10;
	v2 =	vadd.f32 v5, v2;
	v5 =	vmul.f32 $8.000000000e+00, v7  }
0xc4: {  	v6 =	vmul.f32 $8.000000000e+00, v8;
	[tilespmem:s20+$0xC0] =	vst v3;
	v1 =	vadd.f32 v4, v1  }
0xc5: {  	[tilespmem:s20+$0xD0] =	vst v2;
	v2 =	vadd.f32 v5, v0  }
0xc6: {  	s7 =	sshll.u32 s16, $0x4;
	v0 =	vadd.f32 v6, v0;
	[tilespmem:s20+$0xE0] =	vst v1  }
0xc7: {  	s7 =	sand.u32 $0x1FFFE000, s7;
	[tilespmem:s20+$0xF0] =	vst v2  }
0xc8: {  	s16 =	smul.u32 $0x1800, s1;
	s7 =	sadd.s32 s6, s7;
	[tilespmem:s20+$0xFFFFFFF0] =	vst v0  }
0xc9: {  	[hbm4b:s7+s23] =	stream.strided.scatter [tilespmem:s19], [sflag:$0x5], $0x8000, s24, s23, $0x38;
	[tilespmem:$0x1E5C0] =	vst v63  }
0xca: {  	s0 =	sshll.u32 s0, $0x9;
	_ =	swait.ge [sflag:s26], $0x8000  }
0xcb: {  	s0 =	sadd.s32 s3, s0;
	s16 =	sshra.s32 s16, $0x2;
	[sflag:s26] =	ssyncset.done $0x0  }
0xcc: {  	s20 =	sshrl.u32 s0, $0xC;
	s7 =	sadd.s32 $0x600, s16;
	[sflag:s26] =	ssyncadd.s32 $0xFFFF8000  }
0xcd: {  	[tilespmem:s18], [sflag:$0x1] =	stream.indirect.gather [hbm4b:s5+s17], $0x40, s7, s17, $0xb8;
	[tilespmem:$0x1E5C0] =	vst v63  }
0xce: {  	s7 =	ssub.s32 s20, s4;
	_ =	swait.ge [sflag:s28], $0x8000  }
0xcf: {  	s7 =	sshll.u32 s7, $0x8;
	[sflag:s28] =	ssyncset.done $0x0  }
0xd0: {  	s7 =	sshra.s32 s7, $0x2;
	[sflag:s28] =	ssyncadd.s32 $0xFFFF8000  }
0xd1: {  	v3 =	vld [tilespmem:s7+$0x1E400]  }
0xd2: {  	v2 =	vld [tilespmem:s7+$0x1E410]  }
0xd3: {  	v1 =	vld [tilespmem:s7+$0x1E420]  }
0xd4: {  	s20 =	simm.s32 $0x16500;
	v0 =	vld [tilespmem:s7+$0x1E430]  }
0xd5: {  	v4 =	vld [tilespmem:s20+$0xFFFFFF00]  }
0xd6: {  	v5 =	vld [tilespmem:s20+$0xFFFFFF10]  }
0xd7: {  	v6 =	vld [tilespmem:s20+$0xFFFFFF20]  }
0xd8: {  	v7 =	vld [tilespmem:s20+$0xFFFFFF30]  }
0xd9: {  	v8 =	vld [tilespmem:s20+$0xFFFFFF40]  }
0xda: {  	v9 =	vld [tilespmem:s20+$0xFFFFFF50];
	v4 =	vmul.f32 $8.000000000e+00, v4  }
0xdb: {  	v10 =	vld [tilespmem:s20+$0xFFFFFF60];
	v5 =	vmul.f32 $8.000000000e+00, v5  }
0xdc: {  	v11 =	vld [tilespmem:s20+$0xFFFFFF70];
	v6 =	vmul.f32 $8.000000000e+00, v6;
	v4 =	vadd.f32 v4, v3  }
0xdd: {  	v12 =	vld [tilespmem:s20+$0xFFFFFF80];
	v7 =	vmul.f32 $8.000000000e+00, v7;
	v5 =	vadd.f32 v5, v2  }
0xde: {  	[tilespmem:s20+$0xFFFFFF00] =	vst v4;
	v4 =	vadd.f32 v6, v1;
	v6 =	vmul.f32 $8.000000000e+00, v8;
	v8 =	vld [tilespmem:s20+$0xFFFFFF90]  }
0xdf: {  	[tilespmem:s20+$0xFFFFFF10] =	vst v5;
	v5 =	vadd.f32 v7, v0;
	v7 =	vmul.f32 $8.000000000e+00, v9;
	v9 =	vld [tilespmem:s20+$0xFFFFFFA0]  }
0xe0: {  	[tilespmem:s20+$0xFFFFFF20] =	vst v4;
	v4 =	vadd.f32 v6, v3;
	v6 =	vmul.f32 $8.000000000e+00, v10;
	v10 =	vld [tilespmem:s20+$0xFFFFFFB0]  }
0xe1: {  	[tilespmem:s20+$0xFFFFFF30] =	vst v5;
	v5 =	vadd.f32 v7, v2;
	v7 =	vmul.f32 $8.000000000e+00, v11;
	v11 =	vld [tilespmem:s20+$0xFFFFFFC0]  }
0xe2: {  	[tilespmem:s20+$0xFFFFFF40] =	vst v4;
	v4 =	vadd.f32 v6, v1;
	v6 =	vmul.f32 $8.000000000e+00, v12;
	v12 =	vld [tilespmem:s20+$0xFFFFFFD0]  }
0xe3: {  	[tilespmem:s20+$0xFFFFFF50] =	vst v5;
	v5 =	vadd.f32 v7, v0;
	v7 =	vmul.f32 $8.000000000e+00, v8;
	v8 =	vld [tilespmem:s20+$0xFFFFFFE0]  }
0xe4: {  	[tilespmem:s20+$0xFFFFFF60] =	vst v4;
	v4 =	vadd.f32 v6, v3;
	v6 =	vmul.f32 $8.000000000e+00, v9;
	v9 =	vld [tilespmem:s20+$0x0]  }
0xe5: {  	[tilespmem:s20+$0xFFFFFF70] =	vst v5;
	v5 =	vadd.f32 v7, v2;
	v7 =	vmul.f32 $8.000000000e+00, v10;
	v10 =	vld [tilespmem:s20+$0x10]  }
0xe6: {  	[tilespmem:s20+$0xFFFFFF80] =	vst v4;
	v4 =	vadd.f32 v6, v1;
	v6 =	vmul.f32 $8.000000000e+00, v11;
	v11 =	vld [tilespmem:s20+$0x20]  }
0xe7: {  	[tilespmem:s20+$0xFFFFFF90] =	vst v5;
	v5 =	vadd.f32 v7, v0;
	v7 =	vmul.f32 $8.000000000e+00, v12;
	v12 =	vld [tilespmem:s20+$0x30]  }
0xe8: {  	[tilespmem:s20+$0xFFFFFFA0] =	vst v4;
	v4 =	vadd.f32 v6, v3;
	v6 =	vmul.f32 $8.000000000e+00, v8;
	v8 =	vld [tilespmem:s20+$0x40]  }
0xe9: {  	[tilespmem:s20+$0xFFFFFFB0] =	vst v5;
	v5 =	vadd.f32 v7, v2;
	v7 =	vmul.f32 $8.000000000e+00, v9;
	v9 =	vld [tilespmem:s20+$0x50]  }
0xea: {  	[tilespmem:s20+$0xFFFFFFC0] =	vst v4;
	v4 =	vadd.f32 v6, v1;
	v6 =	vmul.f32 $8.000000000e+00, v10;
	v10 =	vld [tilespmem:s20+$0x60]  }
0xeb: {  	[tilespmem:s20+$0xFFFFFFD0] =	vst v5;
	v5 =	vadd.f32 v7, v3;
	v7 =	vmul.f32 $8.000000000e+00, v11;
	v11 =	vld [tilespmem:s20+$0x70]  }
0xec: {  	[tilespmem:s20+$0xFFFFFFE0] =	vst v4;
	v4 =	vadd.f32 v6, v2;
	v6 =	vmul.f32 $8.000000000e+00, v12;
	v12 =	vld [tilespmem:s20+$0x80]  }
0xed: {  	[tilespmem:s20+$0x0] =	vst v5;
	v5 =	vadd.f32 v7, v1;
	v7 =	vmul.f32 $8.000000000e+00, v8;
	v8 =	vld [tilespmem:s20+$0x90]  }
0xee: {  	v13 =	vld [tilespmem:s20+$0xA0];
	[tilespmem:s20+$0x10] =	vst v4;
	v4 =	vadd.f32 v6, v0;
	v6 =	vmul.f32 $8.000000000e+00, v9  }
0xef: {  	v14 =	vld [tilespmem:s20+$0xB0];
	[tilespmem:s20+$0x20] =	vst v5;
	v5 =	vadd.f32 v7, v3;
	v7 =	vmul.f32 $8.000000000e+00, v10  }
0xf0: {  	[tilespmem:s20+$0x30] =	vst v4;
	v6 =	vadd.f32 v6, v2;
	v9 =	vmul.f32 $8.000000000e+00, v11;
	v4 =	vld [tilespmem:s20+$0xC0]  }
0xf1: {  	[tilespmem:s20+$0x40] =	vst v5;
	v7 =	vadd.f32 v7, v1;
	v10 =	vmul.f32 $8.000000000e+00, v12;
	v5 =	vld [tilespmem:s20+$0xD0]  }
0xf2: {  	[tilespmem:s20+$0x50] =	vst v6;
	v11 =	vadd.f32 v9, v0;
	v12 =	vmul.f32 $8.000000000e+00, v8;
	v6 =	vld [tilespmem:s20+$0xE0]  }
0xf3: {  	[tilespmem:s20+$0x60] =	vst v7;
	v9 =	vadd.f32 v10, v3;
	v7 =	vld [tilespmem:s20+$0xF0];
	v10 =	vmul.f32 $8.000000000e+00, v13  }
0xf4: {  	s8 =	simm.s32 $0x16700;
	s7 =	simm.s32 $0x0;
	v8 =	vld [tilespmem:s20+$0xFFFFFFF0];
	[tilespmem:s20+$0x70] =	vst v11;
	v11 =	vadd.f32 v12, v2;
	v12 =	vmul.f32 $8.000000000e+00, v14  }
.LBB2_7:
0xf5: {  	v13 =	vld [tilespmem:s8+$0xFFFFFF00];
	[tilespmem:s20+$0x80] =	vst v9;
	v9 =	vadd.f32 v10, v1;
	v4 =	vmul.f32 $8.000000000e+00, v4  }
0xf6: {  	v10 =	vld [tilespmem:s8+$0xFFFFFF10];
	[tilespmem:s20+$0x90] =	vst v11;
	v11 =	vadd.f32 v12, v0;
	v5 =	vmul.f32 $8.000000000e+00, v5  }
0xf7: {  	v12 =	vld [tilespmem:s8+$0xFFFFFF20];
	[tilespmem:s20+$0xA0] =	vst v9;
	v4 =	vadd.f32 v4, v3;
	v6 =	vmul.f32 $8.000000000e+00, v6  }
0xf8: {  	v9 =	vld [tilespmem:s8+$0xFFFFFF30];
	[tilespmem:s20+$0xB0] =	vst v11;
	v5 =	vadd.f32 v5, v2;
	v7 =	vmul.f32 $8.000000000e+00, v7  }
0xf9: {  	v11 =	vld [tilespmem:s8+$0xFFFFFF40];
	v8 =	vmul.f32 $8.000000000e+00, v8;
	[tilespmem:s20+$0xC0] =	vst v4;
	v4 =	vadd.f32 v6, v1  }
0xfa: {  	v6 =	vmul.f32 $8.000000000e+00, v13;
	v13 =	vld [tilespmem:s8+$0xFFFFFF50];
	[tilespmem:s20+$0xD0] =	vst v5;
	v5 =	vadd.f32 v7, v0  }
0xfb: {  	v7 =	vmul.f32 $8.000000000e+00, v10;
	v10 =	vld [tilespmem:s8+$0xFFFFFF60];
	v8 =	vadd.f32 v8, v0;
	[tilespmem:s20+$0xE0] =	vst v4  }
0xfc: {  	v4 =	vadd.f32 v6, v3;
	v6 =	vmul.f32 $8.000000000e+00, v12;
	v12 =	vld [tilespmem:s8+$0xFFFFFF70];
	[tilespmem:s20+$0xF0] =	vst v5  }
0xfd: {  	v5 =	vadd.f32 v7, v2;
	v7 =	vmul.f32 $8.000000000e+00, v9;
	v9 =	vld [tilespmem:s8+$0xFFFFFF80];
	[tilespmem:s20+$0xFFFFFFF0] =	vst v8;
	s20 =	smov.u32 s8  }
0xfe: {  	[tilespmem:s8+$0xFFFFFF00] =	vst v4;
	v4 =	vadd.f32 v6, v1;
	v6 =	vmul.f32 $8.000000000e+00, v11;
	v8 =	vld [tilespmem:s8+$0xFFFFFF90]  }
0xff: {  	[tilespmem:s8+$0xFFFFFF10] =	vst v5;
	v5 =	vadd.f32 v7, v0;
	v7 =	vmul.f32 $8.000000000e+00, v13;
	v11 =	vld [tilespmem:s8+$0xFFFFFFA0]  }
0x100: {  	[tilespmem:s8+$0xFFFFFF20] =	vst v4;
	v4 =	vadd.f32 v6, v3;
	v6 =	vmul.f32 $8.000000000e+00, v10;
	v10 =	vld [tilespmem:s8+$0xFFFFFFB0]  }
0x101: {  	[tilespmem:s8+$0xFFFFFF30] =	vst v5;
	v5 =	vadd.f32 v7, v2;
	v7 =	vmul.f32 $8.000000000e+00, v12;
	v12 =	vld [tilespmem:s8+$0xFFFFFFC0]  }
0x102: {  	[tilespmem:s8+$0xFFFFFF40] =	vst v4;
	v4 =	vadd.f32 v6, v1;
	v6 =	vmul.f32 $8.000000000e+00, v9;
	v9 =	vld [tilespmem:s8+$0xFFFFFFD0]  }
0x103: {  	[tilespmem:s8+$0xFFFFFF50] =	vst v5;
	v5 =	vadd.f32 v7, v0;
	v7 =	vmul.f32 $8.000000000e+00, v8;
	v8 =	vld [tilespmem:s8+$0xFFFFFFE0]  }
0x104: {  	[tilespmem:s8+$0xFFFFFF60] =	vst v4;
	v4 =	vadd.f32 v6, v3;
	v6 =	vmul.f32 $8.000000000e+00, v11;
	v11 =	vld [tilespmem:s8+$0x0]  }
0x105: {  	[tilespmem:s8+$0xFFFFFF70] =	vst v5;
	v5 =	vadd.f32 v7, v2;
	v7 =	vmul.f32 $8.000000000e+00, v10;
	v10 =	vld [tilespmem:s8+$0x10]  }
0x106: {  	[tilespmem:s8+$0xFFFFFF80] =	vst v4;
	v4 =	vadd.f32 v6, v1;
	v6 =	vmul.f32 $8.000000000e+00, v12;
	v12 =	vld [tilespmem:s8+$0x20]  }
0x107: {  	[tilespmem:s8+$0xFFFFFF90] =	vst v5;
	v5 =	vadd.f32 v7, v0;
	v7 =	vmul.f32 $8.000000000e+00, v9;
	v9 =	vld [tilespmem:s8+$0x30]  }
0x108: {  	[tilespmem:s8+$0xFFFFFFA0] =	vst v4;
	v4 =	vadd.f32 v6, v3;
	v6 =	vmul.f32 $8.000000000e+00, v8;
	v8 =	vld [tilespmem:s8+$0x40]  }
0x109: {  	[tilespmem:s8+$0xFFFFFFB0] =	vst v5;
	v5 =	vadd.f32 v7, v2;
	v7 =	vmul.f32 $8.000000000e+00, v11;
	v11 =	vld [tilespmem:s8+$0x50]  }
0x10a: {  	[tilespmem:s8+$0xFFFFFFC0] =	vst v4;
	v4 =	vadd.f32 v6, v1;
	v6 =	vmul.f32 $8.000000000e+00, v10;
	v10 =	vld [tilespmem:s8+$0x60]  }
0x10b: {  	[tilespmem:s8+$0xFFFFFFD0] =	vst v5;
	v5 =	vadd.f32 v7, v3;
	v7 =	vmul.f32 $8.000000000e+00, v12;
	v12 =	vld [tilespmem:s8+$0x70]  }
0x10c: {  	[tilespmem:s8+$0xFFFFFFE0] =	vst v4;
	v4 =	vadd.f32 v6, v2;
	v6 =	vmul.f32 $8.000000000e+00, v9;
	v9 =	vld [tilespmem:s8+$0x80]  }
0x10d: {  	[tilespmem:s8+$0x0] =	vst v5;
	v5 =	vadd.f32 v7, v1;
	v7 =	vmul.f32 $8.000000000e+00, v8;
	v8 =	vld [tilespmem:s8+$0x90]  }
0x10e: {  	s7 =	sadd.s32 $0x8, s7;
	[tilespmem:s8+$0x10] =	vst v4;
	v4 =	vadd.f32 v6, v0;
	v6 =	vmul.f32 $8.000000000e+00, v11;
	v11 =	vld [tilespmem:s8+$0xA0]  }
0x10f: {  	p0 =	slt.u32 s7, $0x1F8;
	[tilespmem:s8+$0x20] =	vst v5;
	v5 =	vadd.f32 v7, v3;
	v7 =	vmul.f32 $8.000000000e+00, v10;
	v13 =	vld [tilespmem:s8+$0xB0]  }
.Ltmp2:
0x110: {  	[tilespmem:s8+$0x30] =	vst v4;
	v6 =	vadd.f32 v6, v2;
	v10 =	vmul.f32 $8.000000000e+00, v12;
	v4 =	vld [tilespmem:s8+$0xC0];
	(pc) =	sbr.rel @p0 .LBB2_7-.Ltmp2, $4  }
0x111: {  	[tilespmem:s8+$0x40] =	vst v5;
	v7 =	vadd.f32 v7, v1;
	v9 =	vmul.f32 $8.000000000e+00, v9;
	v5 =	vld [tilespmem:s8+$0xD0]  }
0x112: {  	[tilespmem:s8+$0x50] =	vst v6;
	v12 =	vadd.f32 v10, v0;
	v14 =	vmul.f32 $8.000000000e+00, v8;
	v6 =	vld [tilespmem:s8+$0xE0]  }
0x113: {  	[tilespmem:s8+$0x60] =	vst v7;
	v9 =	vadd.f32 v9, v3;
	v10 =	vmul.f32 $8.000000000e+00, v11;
	v7 =	vld [tilespmem:s8+$0xF0]  }
0x114: {  	s8 =	sadd.s32 $0x200, s8;
	v8 =	vld [tilespmem:s20+$0xFFFFFFF0];
	[tilespmem:s20+$0x70] =	vst v12;
	v11 =	vadd.f32 v14, v2;
	v12 =	vmul.f32 $8.000000000e+00, v13  }
0x115: {  	[tilespmem:s20+$0x80] =	vst v9;
	v56 =	vadd.f32 v10, v1;
	v4 =	vmul.f32 $8.000000000e+00, v4  }
0x116: {  	[tilespmem:s20+$0x90] =	vst v11;
	v57 =	vadd.f32 v12, v0;
	v5 =	vmul.f32 $8.000000000e+00, v5  }
0x117: {  	[tilespmem:s20+$0xA0] =	vst v56;
	v3 =	vadd.f32 v4, v3;
	v58 =	vmul.f32 $8.000000000e+00, v6  }
0x118: {  	[tilespmem:s20+$0xB0] =	vst v57;
	v2 =	vadd.f32 v5, v2;
	v59 =	vmul.f32 $8.000000000e+00, v7  }
0x119: {  	v60 =	vmul.f32 $8.000000000e+00, v8;
	[tilespmem:s20+$0xC0] =	vst v3;
	v61 =	vadd.f32 v58, v1  }
0x11a: {  	[tilespmem:s20+$0xD0] =	vst v2;
	v62 =	vadd.f32 v59, v0  }
0x11b: {  	s0 =	sshll.u32 s0, $0x4;
	v63 =	vadd.f32 v60, v0;
	[tilespmem:s20+$0xE0] =	vst v61  }
0x11c: {  	s1 =	sadd.s32 $0x1, s1;
	s0 =	sand.u32 $0x1FFFE000, s0;
	[tilespmem:s20+$0xF0] =	vst v62  }
0x11d: {  	p0 =	sne.s32 s1, $0x10;
	s0 =	sadd.s32 s6, s0;
	[tilespmem:s20+$0xFFFFFFF0] =	vst v63  }
0x11e: {  	[hbm4b:s0+s23] =	stream.strided.scatter [tilespmem:s21], [sflag:$0x6], $0x8000, s24, s23, $0x38;
	[tilespmem:$0x1E5C0] =	vst v63  }
.Ltmp3:
0x11f: {  	_ = 	snop;
	(pc) =	sbr.rel @p0 .LBB2_2-.Ltmp3, $4  }
0x120: {  	_ =	swait.ge [sflag:s29], $0x8000  }
0x121: {  	[sflag:s29] =	ssyncset.done $0x0  }
0x122: {  	s20 =	sadd.s32 $0x800, s16;
	[sflag:s29] =	ssyncadd.s32 $0xFFFF8000  }
0x123: {  	[tilespmem:s19], [sflag:$0x2] =	stream.indirect.gather [hbm4b:s5+s17], $0x40, s20, s17, $0xb8;
	[tilespmem:$0x1E5C0] =	vst v63  }
0x124: {  	_ =	swait.ge [sflag:s22], $0x8000  }
0x125: {  	[sflag:s22] =	ssyncset.done $0x0  }
0x126: {  	[sflag:s22] =	ssyncadd.s32 $0xFFFF8000  }
0x127: {  	v3 =	vld [tilespmem:s10+$0x1E400]  }
0x128: {  	v2 =	vld [tilespmem:s10+$0x1E410]  }
0x129: {  	v1 =	vld [tilespmem:s10+$0x1E420]  }
0x12a: {  	s0 =	simm.s32 $0x6500;
	v0 =	vld [tilespmem:s10+$0x1E430]  }
0x12b: {  	v4 =	vld [tilespmem:s0+$0xFFFFFF00]  }
0x12c: {  	v5 =	vld [tilespmem:s0+$0xFFFFFF10]  }
0x12d: {  	v6 =	vld [tilespmem:s0+$0xFFFFFF20]  }
0x12e: {  	v7 =	vld [tilespmem:s0+$0xFFFFFF30]  }
0x12f: {  	v8 =	vld [tilespmem:s0+$0xFFFFFF40]  }
0x130: {  	v9 =	vld [tilespmem:s0+$0xFFFFFF50];
	v4 =	vmul.f32 $8.000000000e+00, v4  }
0x131: {  	v10 =	vld [tilespmem:s0+$0xFFFFFF60];
	v5 =	vmul.f32 $8.000000000e+00, v5  }
0x132: {  	v11 =	vld [tilespmem:s0+$0xFFFFFF70];
	v6 =	vmul.f32 $8.000000000e+00, v6;
	v4 =	vadd.f32 v4, v3  }
0x133: {  	v12 =	vld [tilespmem:s0+$0xFFFFFF80];
	v7 =	vmul.f32 $8.000000000e+00, v7;
	v5 =	vadd.f32 v5, v2  }
0x134: {  	[tilespmem:s0+$0xFFFFFF00] =	vst v4;
	v4 =	vadd.f32 v6, v1;
	v6 =	vmul.f32 $8.000000000e+00, v8;
	v8 =	vld [tilespmem:s0+$0xFFFFFF90]  }
0x135: {  	[tilespmem:s0+$0xFFFFFF10] =	vst v5;
	v5 =	vadd.f32 v7, v0;
	v7 =	vmul.f32 $8.000000000e+00, v9;
	v9 =	vld [tilespmem:s0+$0xFFFFFFA0]  }
0x136: {  	[tilespmem:s0+$0xFFFFFF20] =	vst v4;
	v4 =	vadd.f32 v6, v3;
	v6 =	vmul.f32 $8.000000000e+00, v10;
	v10 =	vld [tilespmem:s0+$0xFFFFFFB0]  }
0x137: {  	[tilespmem:s0+$0xFFFFFF30] =	vst v5;
	v5 =	vadd.f32 v7, v2;
	v7 =	vmul.f32 $8.000000000e+00, v11;
	v11 =	vld [tilespmem:s0+$0xFFFFFFC0]  }
0x138: {  	[tilespmem:s0+$0xFFFFFF40] =	vst v4;
	v4 =	vadd.f32 v6, v1;
	v6 =	vmul.f32 $8.000000000e+00, v12;
	v12 =	vld [tilespmem:s0+$0xFFFFFFD0]  }
0x139: {  	[tilespmem:s0+$0xFFFFFF50] =	vst v5;
	v5 =	vadd.f32 v7, v0;
	v7 =	vmul.f32 $8.000000000e+00, v8;
	v8 =	vld [tilespmem:s0+$0xFFFFFFE0]  }
0x13a: {  	[tilespmem:s0+$0xFFFFFF60] =	vst v4;
	v4 =	vadd.f32 v6, v3;
	v6 =	vmul.f32 $8.000000000e+00, v9;
	v9 =	vld [tilespmem:s0+$0x0]  }
0x13b: {  	[tilespmem:s0+$0xFFFFFF70] =	vst v5;
	v5 =	vadd.f32 v7, v2;
	v7 =	vmul.f32 $8.000000000e+00, v10;
	v10 =	vld [tilespmem:s0+$0x10]  }
0x13c: {  	[tilespmem:s0+$0xFFFFFF80] =	vst v4;
	v4 =	vadd.f32 v6, v1;
	v6 =	vmul.f32 $8.000000000e+00, v11;
	v11 =	vld [tilespmem:s0+$0x20]  }
0x13d: {  	[tilespmem:s0+$0xFFFFFF90] =	vst v5;
	v5 =	vadd.f32 v7, v0;
	v7 =	vmul.f32 $8.000000000e+00, v12;
	v12 =	vld [tilespmem:s0+$0x30]  }
0x13e: {  	[tilespmem:s0+$0xFFFFFFA0] =	vst v4;
	v4 =	vadd.f32 v6, v3;
	v6 =	vmul.f32 $8.000000000e+00, v8;
	v8 =	vld [tilespmem:s0+$0x40]  }
0x13f: {  	[tilespmem:s0+$0xFFFFFFB0] =	vst v5;
	v5 =	vadd.f32 v7, v2;
	v7 =	vmul.f32 $8.000000000e+00, v9;
	v9 =	vld [tilespmem:s0+$0x50]  }
0x140: {  	[tilespmem:s0+$0xFFFFFFC0] =	vst v4;
	v4 =	vadd.f32 v6, v1;
	v6 =	vmul.f32 $8.000000000e+00, v10;
	v10 =	vld [tilespmem:s0+$0x60]  }
0x141: {  	[tilespmem:s0+$0xFFFFFFD0] =	vst v5;
	v5 =	vadd.f32 v7, v3;
	v7 =	vmul.f32 $8.000000000e+00, v11;
	v11 =	vld [tilespmem:s0+$0x70]  }
0x142: {  	[tilespmem:s0+$0xFFFFFFE0] =	vst v4;
	v4 =	vadd.f32 v6, v2;
	v6 =	vmul.f32 $8.000000000e+00, v12;
	v12 =	vld [tilespmem:s0+$0x80]  }
0x143: {  	[tilespmem:s0+$0x0] =	vst v5;
	v5 =	vadd.f32 v7, v1;
	v7 =	vmul.f32 $8.000000000e+00, v8;
	v8 =	vld [tilespmem:s0+$0x90]  }
0x144: {  	v13 =	vld [tilespmem:s0+$0xA0];
	[tilespmem:s0+$0x10] =	vst v4;
	v4 =	vadd.f32 v6, v0;
	v6 =	vmul.f32 $8.000000000e+00, v9  }
0x145: {  	v14 =	vld [tilespmem:s0+$0xB0];
	[tilespmem:s0+$0x20] =	vst v5;
	v5 =	vadd.f32 v7, v3;
	v7 =	vmul.f32 $8.000000000e+00, v10  }
0x146: {  	[tilespmem:s0+$0x30] =	vst v4;
	v6 =	vadd.f32 v6, v2;
	v9 =	vmul.f32 $8.000000000e+00, v11;
	v4 =	vld [tilespmem:s0+$0xC0]  }
0x147: {  	[tilespmem:s0+$0x40] =	vst v5;
	v7 =	vadd.f32 v7, v1;
	v10 =	vmul.f32 $8.000000000e+00, v12;
	v5 =	vld [tilespmem:s0+$0xD0]  }
0x148: {  	[tilespmem:s0+$0x50] =	vst v6;
	v11 =	vadd.f32 v9, v0;
	v12 =	vmul.f32 $8.000000000e+00, v8;
	v6 =	vld [tilespmem:s0+$0xE0]  }
0x149: {  	[tilespmem:s0+$0x60] =	vst v7;
	v9 =	vadd.f32 v10, v3;
	v7 =	vld [tilespmem:s0+$0xF0];
	v10 =	vmul.f32 $8.000000000e+00, v13  }
0x14a: {  	s1 =	simm.s32 $0x0;
	s7 =	simm.s32 $0x6700;
	v8 =	vld [tilespmem:s0+$0xFFFFFFF0];
	[tilespmem:s0+$0x70] =	vst v11;
	v11 =	vadd.f32 v12, v2;
	v12 =	vmul.f32 $8.000000000e+00, v14  }
.LBB2_10:
0x14b: {  	v13 =	vld [tilespmem:s7+$0xFFFFFF00];
	[tilespmem:s0+$0x80] =	vst v9;
	v9 =	vadd.f32 v10, v1;
	v4 =	vmul.f32 $8.000000000e+00, v4  }
0x14c: {  	v10 =	vld [tilespmem:s7+$0xFFFFFF10];
	[tilespmem:s0+$0x90] =	vst v11;
	v11 =	vadd.f32 v12, v0;
	v5 =	vmul.f32 $8.000000000e+00, v5  }
0x14d: {  	v12 =	vld [tilespmem:s7+$0xFFFFFF20];
	[tilespmem:s0+$0xA0] =	vst v9;
	v4 =	vadd.f32 v4, v3;
	v6 =	vmul.f32 $8.000000000e+00, v6  }
0x14e: {  	v9 =	vld [tilespmem:s7+$0xFFFFFF30];
	[tilespmem:s0+$0xB0] =	vst v11;
	v5 =	vadd.f32 v5, v2;
	v7 =	vmul.f32 $8.000000000e+00, v7  }
0x14f: {  	v11 =	vld [tilespmem:s7+$0xFFFFFF40];
	v8 =	vmul.f32 $8.000000000e+00, v8;
	[tilespmem:s0+$0xC0] =	vst v4;
	v4 =	vadd.f32 v6, v1  }
0x150: {  	v6 =	vmul.f32 $8.000000000e+00, v13;
	v13 =	vld [tilespmem:s7+$0xFFFFFF50];
	[tilespmem:s0+$0xD0] =	vst v5;
	v5 =	vadd.f32 v7, v0  }
0x151: {  	v7 =	vmul.f32 $8.000000000e+00, v10;
	v10 =	vld [tilespmem:s7+$0xFFFFFF60];
	v8 =	vadd.f32 v8, v0;
	[tilespmem:s0+$0xE0] =	vst v4  }
0x152: {  	v4 =	vadd.f32 v6, v3;
	v6 =	vmul.f32 $8.000000000e+00, v12;
	v12 =	vld [tilespmem:s7+$0xFFFFFF70];
	[tilespmem:s0+$0xF0] =	vst v5  }
0x153: {  	v5 =	vadd.f32 v7, v2;
	v7 =	vmul.f32 $8.000000000e+00, v9;
	v9 =	vld [tilespmem:s7+$0xFFFFFF80];
	[tilespmem:s0+$0xFFFFFFF0] =	vst v8;
	s0 =	smov.u32 s7  }
0x154: {  	[tilespmem:s7+$0xFFFFFF00] =	vst v4;
	v4 =	vadd.f32 v6, v1;
	v6 =	vmul.f32 $8.000000000e+00, v11;
	v8 =	vld [tilespmem:s7+$0xFFFFFF90]  }
0x155: {  	[tilespmem:s7+$0xFFFFFF10] =	vst v5;
	v5 =	vadd.f32 v7, v0;
	v7 =	vmul.f32 $8.000000000e+00, v13;
	v11 =	vld [tilespmem:s7+$0xFFFFFFA0]  }
0x156: {  	[tilespmem:s7+$0xFFFFFF20] =	vst v4;
	v4 =	vadd.f32 v6, v3;
	v6 =	vmul.f32 $8.000000000e+00, v10;
	v10 =	vld [tilespmem:s7+$0xFFFFFFB0]  }
0x157: {  	[tilespmem:s7+$0xFFFFFF30] =	vst v5;
	v5 =	vadd.f32 v7, v2;
	v7 =	vmul.f32 $8.000000000e+00, v12;
	v12 =	vld [tilespmem:s7+$0xFFFFFFC0]  }
0x158: {  	[tilespmem:s7+$0xFFFFFF40] =	vst v4;
	v4 =	vadd.f32 v6, v1;
	v6 =	vmul.f32 $8.000000000e+00, v9;
	v9 =	vld [tilespmem:s7+$0xFFFFFFD0]  }
0x159: {  	[tilespmem:s7+$0xFFFFFF50] =	vst v5;
	v5 =	vadd.f32 v7, v0;
	v7 =	vmul.f32 $8.000000000e+00, v8;
	v8 =	vld [tilespmem:s7+$0xFFFFFFE0]  }
0x15a: {  	[tilespmem:s7+$0xFFFFFF60] =	vst v4;
	v4 =	vadd.f32 v6, v3;
	v6 =	vmul.f32 $8.000000000e+00, v11;
	v11 =	vld [tilespmem:s7+$0x0]  }
0x15b: {  	[tilespmem:s7+$0xFFFFFF70] =	vst v5;
	v5 =	vadd.f32 v7, v2;
	v7 =	vmul.f32 $8.000000000e+00, v10;
	v10 =	vld [tilespmem:s7+$0x10]  }
0x15c: {  	[tilespmem:s7+$0xFFFFFF80] =	vst v4;
	v4 =	vadd.f32 v6, v1;
	v6 =	vmul.f32 $8.000000000e+00, v12;
	v12 =	vld [tilespmem:s7+$0x20]  }
0x15d: {  	[tilespmem:s7+$0xFFFFFF90] =	vst v5;
	v5 =	vadd.f32 v7, v0;
	v7 =	vmul.f32 $8.000000000e+00, v9;
	v9 =	vld [tilespmem:s7+$0x30]  }
0x15e: {  	[tilespmem:s7+$0xFFFFFFA0] =	vst v4;
	v4 =	vadd.f32 v6, v3;
	v6 =	vmul.f32 $8.000000000e+00, v8;
	v8 =	vld [tilespmem:s7+$0x40]  }
0x15f: {  	[tilespmem:s7+$0xFFFFFFB0] =	vst v5;
	v5 =	vadd.f32 v7, v2;
	v7 =	vmul.f32 $8.000000000e+00, v11;
	v11 =	vld [tilespmem:s7+$0x50]  }
0x160: {  	[tilespmem:s7+$0xFFFFFFC0] =	vst v4;
	v4 =	vadd.f32 v6, v1;
	v6 =	vmul.f32 $8.000000000e+00, v10;
	v10 =	vld [tilespmem:s7+$0x60]  }
0x161: {  	[tilespmem:s7+$0xFFFFFFD0] =	vst v5;
	v5 =	vadd.f32 v7, v3;
	v7 =	vmul.f32 $8.000000000e+00, v12;
	v12 =	vld [tilespmem:s7+$0x70]  }
0x162: {  	[tilespmem:s7+$0xFFFFFFE0] =	vst v4;
	v4 =	vadd.f32 v6, v2;
	v6 =	vmul.f32 $8.000000000e+00, v9;
	v9 =	vld [tilespmem:s7+$0x80]  }
0x163: {  	[tilespmem:s7+$0x0] =	vst v5;
	v5 =	vadd.f32 v7, v1;
	v7 =	vmul.f32 $8.000000000e+00, v8;
	v8 =	vld [tilespmem:s7+$0x90]  }
0x164: {  	s1 =	sadd.s32 $0x8, s1;
	[tilespmem:s7+$0x10] =	vst v4;
	v4 =	vadd.f32 v6, v0;
	v6 =	vmul.f32 $8.000000000e+00, v11;
	v11 =	vld [tilespmem:s7+$0xA0]  }
0x165: {  	p0 =	slt.u32 s1, $0x1F8;
	[tilespmem:s7+$0x20] =	vst v5;
	v5 =	vadd.f32 v7, v3;
	v7 =	vmul.f32 $8.000000000e+00, v10;
	v13 =	vld [tilespmem:s7+$0xB0]  }
.Ltmp4:
0x166: {  	[tilespmem:s7+$0x30] =	vst v4;
	v6 =	vadd.f32 v6, v2;
	v10 =	vmul.f32 $8.000000000e+00, v12;
	v4 =	vld [tilespmem:s7+$0xC0];
	(pc) =	sbr.rel @p0 .LBB2_10-.Ltmp4, $4  }
0x167: {  	[tilespmem:s7+$0x40] =	vst v5;
	v7 =	vadd.f32 v7, v1;
	v9 =	vmul.f32 $8.000000000e+00, v9;
	v5 =	vld [tilespmem:s7+$0xD0]  }
0x168: {  	[tilespmem:s7+$0x50] =	vst v6;
	v12 =	vadd.f32 v10, v0;
	v14 =	vmul.f32 $8.000000000e+00, v8;
	v6 =	vld [tilespmem:s7+$0xE0]  }
0x169: {  	[tilespmem:s7+$0x60] =	vst v7;
	v9 =	vadd.f32 v9, v3;
	v10 =	vmul.f32 $8.000000000e+00, v11;
	v7 =	vld [tilespmem:s7+$0xF0]  }
0x16a: {  	s7 =	sadd.s32 $0x200, s7;
	v8 =	vld [tilespmem:s0+$0xFFFFFFF0];
	[tilespmem:s0+$0x70] =	vst v12;
	v11 =	vadd.f32 v14, v2;
	v12 =	vmul.f32 $8.000000000e+00, v13  }
0x16b: {  	[tilespmem:s0+$0x80] =	vst v9;
	v9 =	vadd.f32 v10, v1;
	v4 =	vmul.f32 $8.000000000e+00, v4  }
0x16c: {  	[tilespmem:s0+$0x90] =	vst v11;
	v10 =	vadd.f32 v12, v0;
	v5 =	vmul.f32 $8.000000000e+00, v5  }
0x16d: {  	[tilespmem:s0+$0xA0] =	vst v9;
	v3 =	vadd.f32 v4, v3;
	v4 =	vmul.f32 $8.000000000e+00, v6  }
0x16e: {  	[tilespmem:s0+$0xB0] =	vst v10;
	v2 =	vadd.f32 v5, v2;
	v5 =	vmul.f32 $8.000000000e+00, v7  }
0x16f: {  	v6 =	vmul.f32 $8.000000000e+00, v8;
	[tilespmem:s0+$0xC0] =	vst v3;
	v1 =	vadd.f32 v4, v1  }
0x170: {  	[tilespmem:s0+$0xD0] =	vst v2;
	v2 =	vadd.f32 v5, v0  }
0x171: {  	v0 =	vadd.f32 v6, v0;
	[tilespmem:s0+$0xE0] =	vst v1  }
0x172: {  	[tilespmem:s0+$0xF0] =	vst v2  }
0x173: {  	[tilespmem:s0+$0xFFFFFFF0] =	vst v0  }
0x174: {  	[hbm4b:s11+s23] =	stream.strided.scatter [tilespmem:s18], [sflag:$0x4], $0x8000, s24, s23, $0x38;
	[tilespmem:$0x1E5C0] =	vst v63  }
0x175: {  	_ =	swait.ge [sflag:s25], $0x8000  }
0x176: {  	[sflag:s25] =	ssyncset.done $0x0  }
0x177: {  	[sflag:s25] =	ssyncadd.s32 $0xFFFF8000  }
0x178: {  	v3 =	vld [tilespmem:s12+$0x1E400]  }
0x179: {  	v2 =	vld [tilespmem:s12+$0x1E410]  }
0x17a: {  	v1 =	vld [tilespmem:s12+$0x1E420]  }
0x17b: {  	s0 =	simm.s32 $0xE500;
	v0 =	vld [tilespmem:s12+$0x1E430]  }
0x17c: {  	v4 =	vld [tilespmem:s0+$0xFFFFFF00]  }
0x17d: {  	v5 =	vld [tilespmem:s0+$0xFFFFFF10]  }
0x17e: {  	v6 =	vld [tilespmem:s0+$0xFFFFFF20]  }
0x17f: {  	v7 =	vld [tilespmem:s0+$0xFFFFFF30]  }
0x180: {  	v8 =	vld [tilespmem:s0+$0xFFFFFF40]  }
0x181: {  	v9 =	vld [tilespmem:s0+$0xFFFFFF50];
	v4 =	vmul.f32 $8.000000000e+00, v4  }
0x182: {  	v10 =	vld [tilespmem:s0+$0xFFFFFF60];
	v5 =	vmul.f32 $8.000000000e+00, v5  }
0x183: {  	v11 =	vld [tilespmem:s0+$0xFFFFFF70];
	v6 =	vmul.f32 $8.000000000e+00, v6;
	v4 =	vadd.f32 v4, v3  }
0x184: {  	v12 =	vld [tilespmem:s0+$0xFFFFFF80];
	v7 =	vmul.f32 $8.000000000e+00, v7;
	v5 =	vadd.f32 v5, v2  }
0x185: {  	[tilespmem:s0+$0xFFFFFF00] =	vst v4;
	v4 =	vadd.f32 v6, v1;
	v6 =	vmul.f32 $8.000000000e+00, v8;
	v8 =	vld [tilespmem:s0+$0xFFFFFF90]  }
0x186: {  	[tilespmem:s0+$0xFFFFFF10] =	vst v5;
	v5 =	vadd.f32 v7, v0;
	v7 =	vmul.f32 $8.000000000e+00, v9;
	v9 =	vld [tilespmem:s0+$0xFFFFFFA0]  }
0x187: {  	[tilespmem:s0+$0xFFFFFF20] =	vst v4;
	v4 =	vadd.f32 v6, v3;
	v6 =	vmul.f32 $8.000000000e+00, v10;
	v10 =	vld [tilespmem:s0+$0xFFFFFFB0]  }
0x188: {  	[tilespmem:s0+$0xFFFFFF30] =	vst v5;
	v5 =	vadd.f32 v7, v2;
	v7 =	vmul.f32 $8.000000000e+00, v11;
	v11 =	vld [tilespmem:s0+$0xFFFFFFC0]  }
0x189: {  	[tilespmem:s0+$0xFFFFFF40] =	vst v4;
	v4 =	vadd.f32 v6, v1;
	v6 =	vmul.f32 $8.000000000e+00, v12;
	v12 =	vld [tilespmem:s0+$0xFFFFFFD0]  }
0x18a: {  	[tilespmem:s0+$0xFFFFFF50] =	vst v5;
	v5 =	vadd.f32 v7, v0;
	v7 =	vmul.f32 $8.000000000e+00, v8;
	v8 =	vld [tilespmem:s0+$0xFFFFFFE0]  }
0x18b: {  	[tilespmem:s0+$0xFFFFFF60] =	vst v4;
	v4 =	vadd.f32 v6, v3;
	v6 =	vmul.f32 $8.000000000e+00, v9;
	v9 =	vld [tilespmem:s0+$0x0]  }
0x18c: {  	[tilespmem:s0+$0xFFFFFF70] =	vst v5;
	v5 =	vadd.f32 v7, v2;
	v7 =	vmul.f32 $8.000000000e+00, v10;
	v10 =	vld [tilespmem:s0+$0x10]  }
0x18d: {  	[tilespmem:s0+$0xFFFFFF80] =	vst v4;
	v4 =	vadd.f32 v6, v1;
	v6 =	vmul.f32 $8.000000000e+00, v11;
	v11 =	vld [tilespmem:s0+$0x20]  }
0x18e: {  	[tilespmem:s0+$0xFFFFFF90] =	vst v5;
	v5 =	vadd.f32 v7, v0;
	v7 =	vmul.f32 $8.000000000e+00, v12;
	v12 =	vld [tilespmem:s0+$0x30]  }
0x18f: {  	[tilespmem:s0+$0xFFFFFFA0] =	vst v4;
	v4 =	vadd.f32 v6, v3;
	v6 =	vmul.f32 $8.000000000e+00, v8;
	v8 =	vld [tilespmem:s0+$0x40]  }
0x190: {  	[tilespmem:s0+$0xFFFFFFB0] =	vst v5;
	v5 =	vadd.f32 v7, v2;
	v7 =	vmul.f32 $8.000000000e+00, v9;
	v9 =	vld [tilespmem:s0+$0x50]  }
0x191: {  	[tilespmem:s0+$0xFFFFFFC0] =	vst v4;
	v4 =	vadd.f32 v6, v1;
	v6 =	vmul.f32 $8.000000000e+00, v10;
	v10 =	vld [tilespmem:s0+$0x60]  }
0x192: {  	[tilespmem:s0+$0xFFFFFFD0] =	vst v5;
	v5 =	vadd.f32 v7, v3;
	v7 =	vmul.f32 $8.000000000e+00, v11;
	v11 =	vld [tilespmem:s0+$0x70]  }
0x193: {  	[tilespmem:s0+$0xFFFFFFE0] =	vst v4;
	v4 =	vadd.f32 v6, v2;
	v6 =	vmul.f32 $8.000000000e+00, v12;
	v12 =	vld [tilespmem:s0+$0x80]  }
0x194: {  	[tilespmem:s0+$0x0] =	vst v5;
	v5 =	vadd.f32 v7, v1;
	v7 =	vmul.f32 $8.000000000e+00, v8;
	v8 =	vld [tilespmem:s0+$0x90]  }
0x195: {  	v13 =	vld [tilespmem:s0+$0xA0];
	[tilespmem:s0+$0x10] =	vst v4;
	v4 =	vadd.f32 v6, v0;
	v6 =	vmul.f32 $8.000000000e+00, v9  }
0x196: {  	v14 =	vld [tilespmem:s0+$0xB0];
	[tilespmem:s0+$0x20] =	vst v5;
	v5 =	vadd.f32 v7, v3;
	v7 =	vmul.f32 $8.000000000e+00, v10  }
0x197: {  	[tilespmem:s0+$0x30] =	vst v4;
	v6 =	vadd.f32 v6, v2;
	v9 =	vmul.f32 $8.000000000e+00, v11;
	v4 =	vld [tilespmem:s0+$0xC0]  }
0x198: {  	[tilespmem:s0+$0x40] =	vst v5;
	v7 =	vadd.f32 v7, v1;
	v10 =	vmul.f32 $8.000000000e+00, v12;
	v5 =	vld [tilespmem:s0+$0xD0]  }
0x199: {  	[tilespmem:s0+$0x50] =	vst v6;
	v11 =	vadd.f32 v9, v0;
	v12 =	vmul.f32 $8.000000000e+00, v8;
	v6 =	vld [tilespmem:s0+$0xE0]  }
0x19a: {  	[tilespmem:s0+$0x60] =	vst v7;
	v9 =	vadd.f32 v10, v3;
	v7 =	vld [tilespmem:s0+$0xF0];
	v10 =	vmul.f32 $8.000000000e+00, v13  }
0x19b: {  	s1 =	simm.s32 $0x0;
	s7 =	simm.s32 $0xE700;
	v8 =	vld [tilespmem:s0+$0xFFFFFFF0];
	[tilespmem:s0+$0x70] =	vst v11;
	v11 =	vadd.f32 v12, v2;
	v12 =	vmul.f32 $8.000000000e+00, v14  }
.LBB2_12:
0x19c: {  	v13 =	vld [tilespmem:s7+$0xFFFFFF00];
	[tilespmem:s0+$0x80] =	vst v9;
	v9 =	vadd.f32 v10, v1;
	v4 =	vmul.f32 $8.000000000e+00, v4  }
0x19d: {  	v10 =	vld [tilespmem:s7+$0xFFFFFF10];
	[tilespmem:s0+$0x90] =	vst v11;
	v11 =	vadd.f32 v12, v0;
	v5 =	vmul.f32 $8.000000000e+00, v5  }
0x19e: {  	v12 =	vld [tilespmem:s7+$0xFFFFFF20];
	[tilespmem:s0+$0xA0] =	vst v9;
	v4 =	vadd.f32 v4, v3;
	v6 =	vmul.f32 $8.000000000e+00, v6  }
0x19f: {  	v9 =	vld [tilespmem:s7+$0xFFFFFF30];
	[tilespmem:s0+$0xB0] =	vst v11;
	v5 =	vadd.f32 v5, v2;
	v7 =	vmul.f32 $8.000000000e+00, v7  }
0x1a0: {  	v11 =	vld [tilespmem:s7+$0xFFFFFF40];
	v8 =	vmul.f32 $8.000000000e+00, v8;
	[tilespmem:s0+$0xC0] =	vst v4;
	v4 =	vadd.f32 v6, v1  }
0x1a1: {  	v6 =	vmul.f32 $8.000000000e+00, v13;
	v13 =	vld [tilespmem:s7+$0xFFFFFF50];
	[tilespmem:s0+$0xD0] =	vst v5;
	v5 =	vadd.f32 v7, v0  }
0x1a2: {  	v7 =	vmul.f32 $8.000000000e+00, v10;
	v10 =	vld [tilespmem:s7+$0xFFFFFF60];
	v8 =	vadd.f32 v8, v0;
	[tilespmem:s0+$0xE0] =	vst v4  }
0x1a3: {  	v4 =	vadd.f32 v6, v3;
	v6 =	vmul.f32 $8.000000000e+00, v12;
	v12 =	vld [tilespmem:s7+$0xFFFFFF70];
	[tilespmem:s0+$0xF0] =	vst v5  }
0x1a4: {  	v5 =	vadd.f32 v7, v2;
	v7 =	vmul.f32 $8.000000000e+00, v9;
	v9 =	vld [tilespmem:s7+$0xFFFFFF80];
	[tilespmem:s0+$0xFFFFFFF0] =	vst v8;
	s0 =	smov.u32 s7  }
0x1a5: {  	[tilespmem:s7+$0xFFFFFF00] =	vst v4;
	v4 =	vadd.f32 v6, v1;
	v6 =	vmul.f32 $8.000000000e+00, v11;
	v8 =	vld [tilespmem:s7+$0xFFFFFF90]  }
0x1a6: {  	[tilespmem:s7+$0xFFFFFF10] =	vst v5;
	v5 =	vadd.f32 v7, v0;
	v7 =	vmul.f32 $8.000000000e+00, v13;
	v11 =	vld [tilespmem:s7+$0xFFFFFFA0]  }
0x1a7: {  	[tilespmem:s7+$0xFFFFFF20] =	vst v4;
	v4 =	vadd.f32 v6, v3;
	v6 =	vmul.f32 $8.000000000e+00, v10;
	v10 =	vld [tilespmem:s7+$0xFFFFFFB0]  }
0x1a8: {  	[tilespmem:s7+$0xFFFFFF30] =	vst v5;
	v5 =	vadd.f32 v7, v2;
	v7 =	vmul.f32 $8.000000000e+00, v12;
	v12 =	vld [tilespmem:s7+$0xFFFFFFC0]  }
0x1a9: {  	[tilespmem:s7+$0xFFFFFF40] =	vst v4;
	v4 =	vadd.f32 v6, v1;
	v6 =	vmul.f32 $8.000000000e+00, v9;
	v9 =	vld [tilespmem:s7+$0xFFFFFFD0]  }
0x1aa: {  	[tilespmem:s7+$0xFFFFFF50] =	vst v5;
	v5 =	vadd.f32 v7, v0;
	v7 =	vmul.f32 $8.000000000e+00, v8;
	v8 =	vld [tilespmem:s7+$0xFFFFFFE0]  }
0x1ab: {  	[tilespmem:s7+$0xFFFFFF60] =	vst v4;
	v4 =	vadd.f32 v6, v3;
	v6 =	vmul.f32 $8.000000000e+00, v11;
	v11 =	vld [tilespmem:s7+$0x0]  }
0x1ac: {  	[tilespmem:s7+$0xFFFFFF70] =	vst v5;
	v5 =	vadd.f32 v7, v2;
	v7 =	vmul.f32 $8.000000000e+00, v10;
	v10 =	vld [tilespmem:s7+$0x10]  }
0x1ad: {  	[tilespmem:s7+$0xFFFFFF80] =	vst v4;
	v4 =	vadd.f32 v6, v1;
	v6 =	vmul.f32 $8.000000000e+00, v12;
	v12 =	vld [tilespmem:s7+$0x20]  }
0x1ae: {  	[tilespmem:s7+$0xFFFFFF90] =	vst v5;
	v5 =	vadd.f32 v7, v0;
	v7 =	vmul.f32 $8.000000000e+00, v9;
	v9 =	vld [tilespmem:s7+$0x30]  }
0x1af: {  	[tilespmem:s7+$0xFFFFFFA0] =	vst v4;
	v4 =	vadd.f32 v6, v3;
	v6 =	vmul.f32 $8.000000000e+00, v8;
	v8 =	vld [tilespmem:s7+$0x40]  }
0x1b0: {  	[tilespmem:s7+$0xFFFFFFB0] =	vst v5;
	v5 =	vadd.f32 v7, v2;
	v7 =	vmul.f32 $8.000000000e+00, v11;
	v11 =	vld [tilespmem:s7+$0x50]  }
0x1b1: {  	[tilespmem:s7+$0xFFFFFFC0] =	vst v4;
	v4 =	vadd.f32 v6, v1;
	v6 =	vmul.f32 $8.000000000e+00, v10;
	v10 =	vld [tilespmem:s7+$0x60]  }
0x1b2: {  	[tilespmem:s7+$0xFFFFFFD0] =	vst v5;
	v5 =	vadd.f32 v7, v3;
	v7 =	vmul.f32 $8.000000000e+00, v12;
	v12 =	vld [tilespmem:s7+$0x70]  }
0x1b3: {  	[tilespmem:s7+$0xFFFFFFE0] =	vst v4;
	v4 =	vadd.f32 v6, v2;
	v6 =	vmul.f32 $8.000000000e+00, v9;
	v9 =	vld [tilespmem:s7+$0x80]  }
0x1b4: {  	[tilespmem:s7+$0x0] =	vst v5;
	v5 =	vadd.f32 v7, v1;
	v7 =	vmul.f32 $8.000000000e+00, v8;
	v8 =	vld [tilespmem:s7+$0x90]  }
0x1b5: {  	s1 =	sadd.s32 $0x8, s1;
	[tilespmem:s7+$0x10] =	vst v4;
	v4 =	vadd.f32 v6, v0;
	v6 =	vmul.f32 $8.000000000e+00, v11;
	v11 =	vld [tilespmem:s7+$0xA0]  }
0x1b6: {  	p0 =	slt.u32 s1, $0x1F8;
	[tilespmem:s7+$0x20] =	vst v5;
	v5 =	vadd.f32 v7, v3;
	v7 =	vmul.f32 $8.000000000e+00, v10;
	v13 =	vld [tilespmem:s7+$0xB0]  }
.Ltmp5:
0x1b7: {  	[tilespmem:s7+$0x30] =	vst v4;
	v6 =	vadd.f32 v6, v2;
	v10 =	vmul.f32 $8.000000000e+00, v12;
	v4 =	vld [tilespmem:s7+$0xC0];
	(pc) =	sbr.rel @p0 .LBB2_12-.Ltmp5, $4  }
0x1b8: {  	[tilespmem:s7+$0x40] =	vst v5;
	v7 =	vadd.f32 v7, v1;
	v9 =	vmul.f32 $8.000000000e+00, v9;
	v5 =	vld [tilespmem:s7+$0xD0]  }
0x1b9: {  	[tilespmem:s7+$0x50] =	vst v6;
	v12 =	vadd.f32 v10, v0;
	v14 =	vmul.f32 $8.000000000e+00, v8;
	v6 =	vld [tilespmem:s7+$0xE0]  }
0x1ba: {  	[tilespmem:s7+$0x60] =	vst v7;
	v9 =	vadd.f32 v9, v3;
	v10 =	vmul.f32 $8.000000000e+00, v11;
	v7 =	vld [tilespmem:s7+$0xF0]  }
0x1bb: {  	s7 =	sadd.s32 $0x200, s7;
	v8 =	vld [tilespmem:s0+$0xFFFFFFF0];
	[tilespmem:s0+$0x70] =	vst v12;
	v11 =	vadd.f32 v14, v2;
	v12 =	vmul.f32 $8.000000000e+00, v13  }
0x1bc: {  	[tilespmem:s0+$0x80] =	vst v9;
	v56 =	vadd.f32 v10, v1;
	v4 =	vmul.f32 $8.000000000e+00, v4  }
0x1bd: {  	[tilespmem:s0+$0x90] =	vst v11;
	v57 =	vadd.f32 v12, v0;
	v5 =	vmul.f32 $8.000000000e+00, v5  }
0x1be: {  	[tilespmem:s0+$0xA0] =	vst v56;
	v3 =	vadd.f32 v4, v3;
	v58 =	vmul.f32 $8.000000000e+00, v6  }
0x1bf: {  	[tilespmem:s0+$0xB0] =	vst v57;
	v2 =	vadd.f32 v5, v2;
	v59 =	vmul.f32 $8.000000000e+00, v7  }
0x1c0: {  	v60 =	vmul.f32 $8.000000000e+00, v8;
	[tilespmem:s0+$0xC0] =	vst v3;
	v61 =	vadd.f32 v58, v1  }
0x1c1: {  	[tilespmem:s0+$0xD0] =	vst v2;
	v62 =	vadd.f32 v59, v0  }
0x1c2: {  	v63 =	vadd.f32 v60, v0;
	[tilespmem:s0+$0xE0] =	vst v61  }
0x1c3: {  	[tilespmem:s0+$0xF0] =	vst v62  }
0x1c4: {  	[tilespmem:s0+$0xFFFFFFF0] =	vst v63  }
0x1c5: {  	[hbm4b:s13+s23] =	stream.strided.scatter [tilespmem:s19], [sflag:$0x5], $0x8000, s24, s23, $0x38;
	[tilespmem:$0x1E5C0] =	vst v63  }
0x1c6: {  	_ =	swait.ge [sflag:s26], $0x8000  }
0x1c7: {  	[sflag:s26] =	ssyncset.done $0x0  }
0x1c8: {  	s31 =	sadd.s32 $0x1, s31;
	[sflag:s26] =	ssyncadd.s32 $0xFFFF8000  }
0x1c9: {  	p0 =	sne.s32 s31, s14;
	_ =	swait.ge [sflag:s29], $0x8000  }
.Ltmp6:
0x1ca: {  	[sflag:s29] =	ssyncset.done $0x0;
	(pc) =	sbr.rel @p0 .LBB2_1-.Ltmp6, $4  }
0x1cb: {  	[sflag:s29] =	ssyncadd.s32 $0xFFFF8000  }
0x1cc: {  	_ =	swait.ge [sflag:s30], $0x8000  }
0x1cd: {  	[sflag:s30] =	ssyncset.done $0x0  }
0x1ce: {  	[sflag:s30] =	ssyncadd.s32 $0xFFFF8000  }
0x1cf: {  	_ =	sfence.sel $0x180000  }
0x1d0: {  	[bflag:$0x0] =	sbarrier.arrive $0xFFFF  }
0x1d1: {  	_ =	strace $0x90000047  }
0x1d2: {  	s0 =	stileid.u32;
	[bflag:$0x2] =	sbarrier.arrive $0xFFFF  }
0x1d3: {  	p0 =	sne.s32 s0, $0x0;
	s0 =	rddreg [dreg:$0x2]  }
0x1d4: {  	s0 =	sadd.s32 @!p0 $0x100000, s0  }
0x1d5: {  	[sflag:s0] =	ssyncadd.tile.s32 @!p0 $0x1;
	_ =	shalt  }
.Lfunc_end2:
_tile_overlayer_lowered:
.L_overlay_start_2:
0x1d6: {  	(tag) =	ssettag $0x2  }
0x1d7: {  	s0 =	rddreg [dreg:$0x0];
	s2 =	stileid.u32  }
0x1d8: {  	s1 =	rddreg [dreg:$0x1];
	p0 =	sne.s32 s2, $0x0  }
0x1d9: {  	s3 =	rddreg [dreg:$0x2];
	[bflag:$0x3] =	sbarrier.arrive $0xFFFF;
	s2 =	simm.s32 @!p0 $0x1C07  }
0x1da: {  	[timem:s3], [sflag:s2] =	dma.local @!p0 [hbm:s0], s1  }
0x1db: {  	s0 =	simm.s32 @!p0 $0x7  }
0x1dc: {  	_ =	swait.ge @!p0 [sflag:s0], s1  }
0x1dd: {  	s1 =	ssub.s32 @!p0 $0x0, s1;
	[sflag:s0] =	ssyncset.done @!p0 $0x0  }
0x1de: {  	[sflag:s0] =	ssyncadd.s32 @!p0 s1  }
0x1df: {  	[bflag:$0x3] =	sbarrier.arrive $0xFFFF  }
0x1e0: {  	_ =	shalt  }

// kernel: sparse-core-data-format-call.cloned.1.call-start
scs
called_computation_lowered:
.L_overlay_start_0:
0x0: {  	s2 =	sld [smem:$0x3FD9]  }
0x1: {  	s3 =	sld [smem:$0x3FFE];
	_ =	sdelay $0x1  }
0x2: {  	s1 =	srdreg.scid  }
0x3: {  	s0 =	sand.u32 $0x1, s1  }
0x4: {  	s18 =	sshll.u32 s0, $0xA;
	s2 =	sadd.s32 s3, s2  }
0x5: {  	s2 =	sadd.s32 s2, s18  }
0x6: {  	[smem:$0x3FC6] =	sst s2  }
0x7: {  	_ = 	snop  }
0x8: {  	s2 =	sld [smem:$0x3FD0];
	(tm) =	ssettm $0x1  }
0x9: {  	s19 =	sld [smem:$0x3FFB];
	_ =	sdelay $0x3  }
0xa: {  	_ =	strace s19  }
0xb: {  	s3 =	sld [smem:$0x3FFC];
	_ =	sdelay $0x3  }
0xc: {  	_ =	strace s3  }
0xd: {  	s3 =	sld [smem:$0x3FFD];
	_ =	sdelay $0x3  }
0xe: {  	_ =	strace s3  }
0xf: {  	_ =	strace $0x8FFFFFFF  }
0x10: {  	s20 =	sld [smem:$0x3FDB];
	_ =	sdelay $0x1  }
0x11: {  	s4 =	simm.s32 $_scs_section_size  }
0x12: {  	s5 =	simm.s32 $_size__tile_overlayer_lowered;
	s6 =	simm.s32 $_tile_overlayer_lowered  }
0x13: {  	s23 =	simm.s32 $0x1BFF;
	s22 =	sshll.u32 s6, $0x1;
	s3 =	sadd.s32 s4, s20  }
0x14: {  	s7 =	simm.s32 $0x0;
	s21 =	sshll.u32 s5, $0x1;
	s5 =	sadd.s32 s22, s3  }
0x15: {  	[timem:s7], [sflag:s23] =	dma.local [hbm:s5], s21  }
0x16: {  	_ =	swait.ge [sflag:s23], s21  }
0x17: {  	s4 =	ssub.s32 $0x0, s21;
	[sflag:s23] =	ssyncset.done $0x0  }
0x18: {  	[sflag:s23] =	ssyncadd.s32 s4;
	_ =	sdelay $0x1  }
0x19: {  	s24 =	simm.s32 $0x1B8B  }
0x1a: {  	_ =	swait.ge [sflag:s24], $0x1  }
0x1b: {  	[sflag:s24] =	ssyncset.done $0x0  }
0x1c: {  	s26 =	simm.s32 $0x1B8E;
	s25 =	sld [smem:$0x3FFE];
	[sflag:s24] =	ssyncadd.s32 $0xFFFFFFFF  }
0x1d: {  	s27 =	simm.s32 $execute0_lowered;
	[smem:$0x3FD2] =	sst s26  }
0x1e: {  	s5 =	sshll.u32 s27, $0x1;
	_ =	strace $0x80000049;
	[dreg:$0x1] =	wrdreg $0xFFFFFFFF  }
0x1f: {  	s28 =	simm.s32 $_size_execute0_lowered;
	s3 =	sadd.s32 s3, s5;
	[dreg:$0x0] =	wrdreg $0x0  }
0x20: {  	s5 =	sshll.u32 s28, $0x1;
	[dreg:$0x2] =	wrdreg s3  }
0x21: {  	[dreg:$0x3] =	wrdreg s5  }
0x22: {  	[dreg:$0x4] =	wrdreg $0xC0  }
0x23: {  	_ =	task [dreg:s7], $0x5FFFF  }
0x24: {  	[dreg:$0x1] =	wrdreg $0xFFFFFFFF  }
0x25: {  	[dreg:$0x0] =	wrdreg $0x60  }
0x26: {  	[dreg:$0x2] =	wrdreg s25  }
0x27: {  	[dreg:$0x3] =	wrdreg s2  }
0x28: {  	[dreg:$0x4] =	wrdreg $0x9  }
0x29: {  	_ =	task.clear_ibuf [dreg:s7], $0x5FFFF;
	_ =	strace $0x90000049  }
0x2a: {  	s29 =	simm.s32 $0x9;
	_ =	strace $0x8000004B  }
0x2b: {  	_ =	swait.ge [sflag:s29], $0x1  }
0x2c: {  	[sflag:s29] =	ssyncadd.s32 $0xFFFFFFFF  }
0x2d: {  	_ =	strace $0x9000004B  }
0x2e: {  	_ =	sfence  }
0x2f: {  	s30 =	sld [smem:$0x0];
	_ =	sdelay $0x2  }
0x30: {  	s31 =	sshll.u32 s1, $0xD;
	s1 =	sshrl.u32 s1, $0x2  }
0x31: {  	s3 =	sand.u32 $0x4000, s31;
	s1 =	sadd.s32 s1, s30  }
0x32: {  	s0 =	sor.u32 s3, s0;
	s1 =	sshll.u32 s1, $0x11  }
0x33: {  	s0 =	sor.u32 s1, s0  }
0x34: {  	s0 =	sadd.s32 $0x8F2B, s0  }
0x35: {  	[sflag:s0] =	ssyncadd.remote.s32 $0x1  }
0x36: {  	_ =	sfence.sel $0xFFFF  }
0x37: {  	[dreg:$0x0] =	wrdreg $0xFFFFFFFF;
	(pc) =	sbr.abs _section_cstart, $3  }
0x38: {  	[dreg:$0x1] =	wrdreg $0xFFFFFFFF  }
0x39: {  	_ =	task.clear_ibuf [dreg:s7], $0x2FFFF;
	_ =	strace $0x9FFFFFFF  }
0x3a: {  	(tm) =	ssettm $0x7FFFFFFF  }
0x3b: {  	_ =	shalt  }
tec
execute0_lowered:
.L_overlay_start_1:
0x0: {  	(tag) =	ssettag $0x1  }
0x1: {  	s0 =	srdreg.scid  }
0x2: {  	s1 =	sshll.u32 s0, $0x4  }
0x3: {  	s5 =	rddreg [dreg:$0x0];
	s0 =	stileid.u32;
	s1 =	sand.u32 $0x10, s1  }
0x4: {  	s3 =	rddreg [dreg:$0x1];
	s31 =	simm.s32 $0x2;
	s4 =	sor.u32 s0, s1  }
0x5: {  	s13 =	simm.s32 $0x0;
	s9 =	simm.s32 $0x400;
	s2 =	sshll.u32 s4, $0x7  }
0x6: {  	s10 =	simm.s32 $0x8000;
	s14 =	simm.s32 $0x0;
	s6 =	ssub.s32 $0x1000, s2  }
0x7: {  	s1 =	rddreg [dreg:$0x2];
	_ =	strace $0x8000004A;
	s7 =	sand.u32 $0xF80, s6  }
0x8: {  	s4 =	sshll.u32 s4, $0xB;
	p0 =	sne.s32 s7, $0x0;
	s7 =	simm.s32 $0x1  }
.Ltmp0:
0x9: {  	s6 =	sshrl.u32 s6, $0xC;
	s7 =	simm.s32 @!p0 $0x0;
	(pc) =	sbr.rel .LBB1_1-.Ltmp0, $4  }
0xa: {  	s8 =	sadd.s32 s4, s5;
	s4 =	simm.s32 $0x1;
	s30 =	sadd.s32 s7, s6  }
0xb: {  	s11 =	simm.s32 $0x0;
	[sflag:s4] =	ssyncpa.u1 $0x0;
	s5 =	smul.u32 $0x64, s30  }
0xc: {  	s12 =	simm.s32 $0x0;
	[sflag:s31] =	ssyncpa.u1 $0x0;
	p0 =	por $0x0, $0x0  }
0xd: {  	s6 =	sadd.s32 $0x1400, s8;
	s7 =	sadd.s32 $0x11400, s8;
	s8 =	sor.u32 $0x1, s5  }
.LBB1_7:
0xe: {  	s15 =	sadd.s32 $0x2, s11  }
0xf: {  	p2 =	sgt.s32 s15, $0xC7  }
0x10: {  	s15 =	simm.s32 @p2 $0x0;
	p2 =	sne.s32 s12, s8  }
.Ltmp1:
0x11: {  	p1 =	slt.u32 s12, $0x2;
	(pc) =	sbr.rel @!p2 .LBB1_8-.Ltmp1, $4  }
0x12: {  	s13 =	simm.s32 @!p1 $0x2  }
0x13: {  	s16 =	sadd.s32 $0x1, s12;
	s14 =	smov.u32 s11;
	_ =	swait.ge @!p1 [sflag:s13], $0x4000  }
0x14: {  	p0 =	por !p0, !p0;
	s12 =	smov.u32 s16;
	[sflag:s13] =	ssyncset.done @!p1 $0x0  }
0x15: {  	s11 =	smov.u32 s15;
	[sflag:s13] =	ssyncadd.s32 @!p1 $0xFFFFC000;
	s13 =	smov.u32 s2  }
.LBB1_1:
0x16: {  	p1 =	sge.u32 s12, s5  }
0x17: {  	s15 =	sxor.u32 @!p1 $0xFFFFFFFF, s12  }
0x18: {  	s16 =	sshll.u32 @!p1 s11, $0x10;
	s18 =	simm.s32 @!p1 $0x40;
	s15 =	sshll.u32 @!p1 s15, $0xE  }
0x19: {  	s19 =	simm.s32 @!p1 $0x80;
	s17 =	sadd.s32 @!p1 s16, s6;
	s15 =	sand.u32 @!p1 $0x4000, s15  }
0x1a: {  	[tilespmem:s15], [sflag:$0x1] =	stream.strided.gather @!p1 [hbm4b:s17+s18], $0x2000, s19, s18, $0x38;
	[tilespmem:$0x10100] =	vst v63  }
0x1b: {  	s31 =	sadd.s32 $0xFFFFFFFF, s12;
	s16 =	sadd.s32 @!p1 s16, s7;
	s15 =	sor.u32 @!p1 $0x2000, s15  }
0x1c: {  	[tilespmem:s15], [sflag:$0x1] =	stream.strided.gather @!p1 [hbm4b:s16+s18], $0x2000, s19, s18, $0x38;
	[tilespmem:$0x10100] =	vst v63  }
0x1d: {  	p1 =	sge.u32 s31, s5  }
.Ltmp2:
0x1e: {  	_ = 	snop;
	(pc) =	sbr.rel @p1 .LBB1_7-.Ltmp2, $1  }
0x1f: {  	_ =	sdelay $0x3  }
0x20: {  	s15 =	simm.s32 $0x1;
	s17 =	sand.u32 $0x1, s12  }
0x21: {  	_ =	swait.ge [sflag:s4], $0x4000;
	s15 =	simm.s32 @!p0 $0x0;
	s17 =	smul.u32 $0x10200, s17  }
0x22: {  	p2 =	por $0x1, $0x1;
	[sflag:s4] =	ssyncset.done $0x0;
	s16 =	smul.u32 $0x10200, s15  }
0x23: {  	s18 =	sshll.u32 s15, $0x10;
	[sflag:s4] =	ssyncadd.s32 $0xFFFFC000;
	s30 =	sshrl.u32 s17, $0x2  }
0x24: {  	s31 =	sshrl.u32 s18, $0x2;
	s18 =	simm.s32 $0x0;
	s16 =	sshrl.u32 s16, $0x2  }
0x25: {  	s15 =	sor.u32 $0x8000, s30;
	s17 =	sadd.s32 $0x20, s31;
	s16 =	sor.u32 $0x8000, s16  }
.LBB1_3:
0x26: {  	s19 =	sshll.u32 s18, $0xD  }
0x27: {  	s19 =	sand.u32 $0x3FFFE000, s19  }
0x28: {  	s21 =	sadd.s32 s19, s17  }
0x29: {  	s31 =	smul.u32 $0x8100, s18;
	v3 =	vld [tilespmem:s21+$0x10]  }
0x2a: {  	v1 =	vld [tilespmem:s21+$0xFFFFFFF0]  }
0x2b: {  	s18 =	sshra.s32 s31, $0x2;
	v0 =	vld [tilespmem:s21+$0x0]  }
0x2c: {  	s18 =	sadd.s32 s18, s16;
	v2 =	vld [tilespmem:s21+$0xFFFFFFE0]  }
0x2d: {  	s19 =	sadd.s32 $0x0, s18  }
0x2e: {  	p1 =	por p2, p2;
	s20 =	simm.s32 $0x4;
	s21 =	sadd.s32 $0x40, s21;
	[tilespmem:s19+$0x1830 ss:$0x81] =	vst.msk $0xffff, v3  }
.LBB1_4:
0x2f: {  	v3 =	vld [tilespmem:s21+$0x10];
	p2 =	sne.s32 s20, $0x1FC;
	[tilespmem:s19+$0x810 ss:$0x81] =	vst.msk $0xffff, v1;
	s22 =	smov.u32 s20;
	s20 =	sadd.s32 $0x4, s20  }
.Ltmp3:
0x30: {  	v1 =	vld [tilespmem:s21+$0xFFFFFFF0];
	[tilespmem:s19+$0x1020 ss:$0x81] =	vst.msk $0xffff, v0;
	(pc) =	sbr.rel @p2 .LBB1_4-.Ltmp3, $4  }
0x31: {  	v0 =	vld [tilespmem:s21+$0x0];
	[tilespmem:s19+$0x0 ss:$0x81] =	vst.msk $0xffff, v2  }
0x32: {  	s19 =	sshra.s32 s22, $0x2;
	v2 =	vld [tilespmem:s21+$0xFFFFFFE0]  }
0x33: {  	s19 =	sadd.s32 s19, s18  }
0x34: {  	s21 =	sadd.s32 $0x40, s21;
	[tilespmem:s19+$0x1830 ss:$0x81] =	vst.msk $0xffff, v3  }
.Ltmp4:
0x35: {  	(pc) =	sbr.rel @p1 .LBB1_3-.Ltmp4, $4  }
0x36: {  	_ = 	snop  }
0x37: {  	[tilespmem:s19+$0x810 ss:$0x81] =	vst.msk $0xffff, v1  }
0x38: {  	[tilespmem:s19+$0x1020 ss:$0x81] =	vst.msk $0xffff, v0  }
0x39: {  	s18 =	simm.s32 $0x1;
	p2 =	por $0x0, $0x0;
	[tilespmem:s19+$0x0 ss:$0x81] =	vst.msk $0xffff, v2  }
.Ltmp5:
0x3a: {  	(pc) =	sbr.rel .LBB1_7-.Ltmp5, $4  }
0x3b: {  	s14 =	sshll.u32 s14, $0xF  }
0x3c: {  	s14 =	sadd.s32 s3, s14  }
0x3d: {  	s13 =	sadd.s32 s13, s14  }
0x3e: {  	[hbm4b:s13+s9] =	stream.strided.scatter [tilespmem:s15], [sflag:$0x2], $0x4000, s10, s9, $0x20;
	[tilespmem:$0x10100] =	vst v63  }
.LBB1_8:
0x3f: {  	_ =	sfence.sel $0x180000  }
0x40: {  	s2 =	simm.s32 $0x1;
	[bflag:$0x0] =	sbarrier.arrive $0xFFFF  }
0x41: {  	s31 =	simm.s32 $0x2;
	[sflag:s2] =	ssyncpa.u1 $0x1  }
0x42: {  	[sflag:s31] =	ssyncpa.u1 $0x1  }
0x43: {  	p0 =	sne.s32 s0, $0x0;
	_ =	strace $0x9000004A  }
0x44: {  	s0 =	sadd.s32 @!p0 $0x100000, s1;
	[bflag:$0x2] =	sbarrier.arrive $0xFFFF  }
0x45: {  	[sflag:s0] =	ssyncadd.tile.s32 @!p0 $0x1;
	_ =	shalt  }
.Lfunc_end1:
_tile_overlayer_lowered:
.L_overlay_start_2:
0x46: {  	(tag) =	ssettag $0x2  }
0x47: {  	s0 =	rddreg [dreg:$0x0];
	s2 =	stileid.u32  }
0x48: {  	s1 =	rddreg [dreg:$0x1];
	p0 =	sne.s32 s2, $0x0  }
0x49: {  	s3 =	rddreg [dreg:$0x2];
	[bflag:$0x3] =	sbarrier.arrive $0xFFFF;
	s2 =	simm.s32 @!p0 $0x1C01  }
0x4a: {  	[timem:s3], [sflag:s2] =	dma.local @!p0 [hbm:s0], s1  }
0x4b: {  	s0 =	simm.s32 @!p0 $0x1  }
0x4c: {  	_ =	swait.ge @!p0 [sflag:s0], s1  }
0x4d: {  	s1 =	ssub.s32 @!p0 $0x0, s1;
	[sflag:s0] =	ssyncset.done @!p0 $0x0  }
0x4e: {  	[sflag:s0] =	ssyncadd.s32 @!p0 s1  }
0x4f: {  	[bflag:$0x3] =	sbarrier.arrive $0xFFFF  }
0x50: {  	_ =	shalt  }

</sc_bundles>
